<compile_context>
chip_gen: v7x
topology: tpu7x:2x2x1
jax: 0.10.2.dev20260603
libtpu: 0.0.44.dev20260713+nightly
codegen_flags: <defaults>
</compile_context>

<pallas_src>
import functools

import jax
import jax.numpy as jnp
from jax import lax
from jax.experimental import pallas as pl
from jax.experimental.pallas import tpu as pltpu
from jax.experimental.pallas import tpu_sc as plsc

GRID_N = 16
NV = GRID_N * GRID_N
D = 768
B = 65536
NC, NS = 2, 16
NW = NC * NS
PER_W = B // NW
NBUF = 3
CH3 = 32
NCH3 = PER_W // CH3
BCH = 48
DCH = NCH3 - BCH
DLAG = 4

_MESH = plsc.VectorSubcoreMesh(core_axis_name="c", subcore_axis_name="s")


@functools.partial(
    pl.kernel,
    mesh=_MESH,
    out_type=jax.ShapeDtypeStruct((B, D), jnp.float32),
    scratch_types=[
        pltpu.VMEM_SHARED((NV * D,), jnp.float32),
        pltpu.VMEM((PER_W,), jnp.int32),
        pltpu.VMEM((NBUF, CH3, D), jnp.float32),
        pltpu.VMEM((GRID_N,), jnp.int32),
        pltpu.VMEM((GRID_N,), jnp.int32),
        pltpu.SemaphoreType.DMA,
        pltpu.SemaphoreType.DMA,
        pltpu.SemaphoreType.DMA,
        pltpu.SemaphoreType.DMA,
        pltpu.SemaphoreType.DMA,
        pltpu.SemaphoreType.DMA,
        pltpu.SemaphoreType.DMA,
    ],
)
def _embed(pos_hbm, crd0_hbm, crd1_hbm, emb0_hbm, emb1_hbm, out_hbm,
           table_sh, idx_v, bufs, crd0_v, crd1_v,
           sw0, sw1, sw2, sf0, sf1, sf2, sdr):
    cid = lax.axis_index("c")
    sid = lax.axis_index("s")
    wid = sid * NC + cid
    row0 = wid * PER_W
    sw = (sw0, sw1, sw2)
    sf = (sf0, sf1, sf2)

    t0 = sid * GRID_N
    pltpu.sync_copy(crd0_hbm.at[pl.ds(t0, GRID_N)], crd0_v)
    pltpu.sync_copy(crd1_hbm.at[pl.ds(t0, GRID_N)], crd1_v)
    c0 = crd0_v[...]
    c1 = crd1_v[...]
    cp0 = pltpu.async_copy(emb0_hbm.at[c0], bufs.at[0, pl.ds(0, GRID_N)], sf0)
    cp1 = pltpu.async_copy(emb1_hbm.at[c1], bufs.at[1, pl.ds(0, GRID_N)], sf1)
    pltpu.sync_copy(pos_hbm.at[pl.ds(row0, PER_W)], idx_v)
    cp0.wait()
    cp1.wait()

    def addrow(r, carry):
        for f in range(D // 16):
            sl = pl.ds(f * 16, 16)
            bufs[0, r, sl] = bufs[0, r, sl] + bufs[1, r, sl]
        return carry

    lax.fori_loop(0, GRID_N, addrow, 0)
    def stage(r, carry):
        pltpu.sync_copy(bufs.at[0, r], table_sh.at[pl.ds((t0 + r) * D, D)])
        return carry

    lax.fori_loop(0, GRID_N, stage, 0)
    plsc.subcore_barrier()

    def wstart(g, b):
        pltpu.async_copy(bufs.at[b],
                         out_hbm.at[pl.ds(row0 + g * CH3, CH3)], sw[b])

    def wwait(b):
        pltpu.make_async_copy(bufs.at[b],
                              out_hbm.at[pl.ds(row0, CH3)], sw[b]).wait()

    def fill_issue(cbase, b):
        def qbody(q, carry):
            pvec = idx_v[pl.ds(cbase + q * 16, 16)]
            for j in range(16):
                p = pvec[j] * D
                pltpu.async_copy(table_sh.at[pl.ds(p, D)],
                                 bufs.at[b, q * 16 + j], sf[b])
            return carry
        lax.fori_loop(0, CH3 // 16, qbody, 0)

    def fill_drain(b):
        pltpu.make_async_copy(out_hbm.at[pl.ds(row0, CH3)],
                              bufs.at[b], sf[b]).wait()

    def dissue(d, carry):
        cbase = (BCH + d) * CH3
        def qbody(q, carry2):
            pvec = idx_v[pl.ds(cbase + q * 16, 16)]
            for j in range(16):
                p = pvec[j] * D
                pltpu.async_copy(table_sh.at[pl.ds(p, D)],
                                 out_hbm.at[row0 + cbase + q * 16 + j], sdr)
            return carry2
        lax.fori_loop(0, CH3 // 16, qbody, 0)
        return carry

    def ddrain(carry):
        pltpu.make_async_copy(pos_hbm.at[pl.ds(0, CH3 * D)],
                              table_sh.at[pl.ds(0, CH3 * D)], sdr).wait()
        return carry

    fill_issue(0, 0)

    def body(k, carry):
        for par in range(NBUF):
            g = NBUF * k + par

            @pl.when(g + 1 < BCH)
            def _():
                nb = (par + 1) % NBUF

                @pl.when(g + 1 >= NBUF)
                def _():
                    wwait(nb)

                fill_issue((g + 1) * CH3, nb)

            fill_drain(par)
            wstart(g, par)

        dissue(k, 0)

        @pl.when(k >= DLAG)
        def _():
            ddrain(0)
        return carry

    lax.fori_loop(0, BCH // NBUF, body, 0)
    lax.fori_loop(0, DLAG, lambda k, c: ddrain(c), 0)

    for b in range(NBUF):
        wwait(b)


def kernel(positions, coords, emb0, emb1):
    pos = positions.astype(jnp.int32)
    crd = coords.astype(jnp.int32)
    return _embed(pos, crd[:, 0].reshape(-1), crd[:, 1].reshape(-1),
                  emb0.astype(jnp.float32), emb1.astype(jnp.float32))

# --- scband reference (transcript-rebuilt; emitter-appended) ---
"""Pipeline reference for scband-learned-nd-embedding-78984448573986 (READ-ONLY COPY).

The authoritative reference and input builder live on the scoring server;
editing this copy changes nothing except your own understanding.
"""

import jax, jax.numpy as jnp
import numpy as np

GRID = 16
D_MODEL = 768
NUM_POS = 65536

def setup_inputs(seed: int = 0) -> dict:
    key = jax.random.key(seed)
    k1, k2, k3 = jax.random.split(key, 3)
    positions = jax.random.randint(k1, (NUM_POS,), 0, GRID * GRID, dtype=jnp.int64 if jax.config.jax_enable_x64 else jnp.int32)
    # coords table: flattened (row, col) grid, matching the registered buffer
    ii, jj = jnp.meshgrid(jnp.arange(GRID), jnp.arange(GRID), indexing='ij')
    coords = jnp.stack([ii, jj], axis=-1).reshape(-1, 2).astype(jnp.int32)
    # learned per-axis embedding tables (nn.Embedding default init ~ N(0,1))
    emb0 = jax.random.normal(k2, (GRID, D_MODEL), dtype=jnp.float32)
    emb1 = jax.random.normal(k3, (GRID, D_MODEL), dtype=jnp.float32)
    return {"positions": positions, "coords": coords, "emb0": emb0, "emb1": emb1}

def reference(positions, coords, emb0, emb1):
    # c = self.coords[positions]  -> gather rows of the coord table
    c = jnp.take(coords, positions, axis=0)
    # sum of per-axis embedding lookups
    out = jnp.take(emb0, c[:, 0], axis=0) + jnp.take(emb1, c[:, 1], axis=0)
    return out

if __name__ == "__main__":
    import jax
    _d = setup_inputs()
    print(jax.jit(kernel)(*tuple(_d.values())))

</pallas_src>

<mosaic_0001>
#map = affine_map<(d0, d1) -> (0)>
#map1 = affine_map<(d0, d1) -> (0, 0)>
module attributes {stable_mosaic.version = 14 : i64} {
  func.func @_embed(%arg0: i32, %arg1: i32, %arg2: memref<65536xi32, #tpu.memory_space<hbm>>, %arg3: memref<256xi32, #tpu.memory_space<hbm>>, %arg4: memref<256xi32, #tpu.memory_space<hbm>>, %arg5: memref<16x768xf32, #tpu.memory_space<hbm>>, %arg6: memref<16x768xf32, #tpu.memory_space<hbm>>, %arg7: memref<65536x768xf32, #tpu.memory_space<hbm>>, %arg8: memref<196608xf32, #tpu.memory_space<vmem_shared>>, %arg9: memref<2048xi32, #tpu.memory_space<vmem>>, %arg10: memref<3x32x768xf32, #tpu.memory_space<vmem>>, %arg11: memref<16xi32, #tpu.memory_space<vmem>>, %arg12: memref<16xi32, #tpu.memory_space<vmem>>, %arg13: memref<!tpu.dma_semaphore, #tpu.memory_space<semaphore_mem>>, %arg14: memref<!tpu.dma_semaphore, #tpu.memory_space<semaphore_mem>>, %arg15: memref<!tpu.dma_semaphore, #tpu.memory_space<semaphore_mem>>, %arg16: memref<!tpu.dma_semaphore, #tpu.memory_space<semaphore_mem>>, %arg17: memref<!tpu.dma_semaphore, #tpu.memory_space<semaphore_mem>>, %arg18: memref<!tpu.dma_semaphore, #tpu.memory_space<semaphore_mem>>, %arg19: memref<!tpu.dma_semaphore, #tpu.memory_space<semaphore_mem>>) attributes {dimension_semantics = [#tpu.dimension_semantics<core_parallel>, #tpu.dimension_semantics<subcore_parallel>], iteration_bounds = array<i64: 2, 16>, scalar_prefetch = 0 : i64, scratch_operands = 12 : i64, tpu.core_type = #tpu.core_type<sc_vector_subcore>, window_params = [{transform_indices = #map}, {transform_indices = #map}, {transform_indices = #map}, {transform_indices = #map1}, {transform_indices = #map1}, {transform_indices = #map1}]} {
    %mul3A = arith.constant 2 : i32
    %mul3A_0 = arith.muli %arg1, %mul3A : i32
    %add3A = arith.addi %mul3A_0, %arg0 : i32
    %mul3A_1 = arith.constant 2048 : i32
    %mul3A_2 = arith.muli %add3A, %mul3A_1 : i32
    %mul3A_3 = arith.constant 16 : i32
    %mul3A_4 = arith.muli %arg1, %mul3A_3 : i32
    "tpu.region"() ({
      %run_scoped3A = tpu.sem_alloc : memref<!tpu.dma_semaphore, #tpu.memory_space<semaphore_mem>>
      %dma_start3A_108 = tpu.memref_slice %arg3[%mul3A_4] : memref<256xi32, #tpu.memory_space<hbm>> -> memref<16xi32, #tpu.memory_space<hbm>>
      %dma_start3A_109 = tpu.memref_slice %arg3[%mul3A_4] : memref<256xi32, #tpu.memory_space<hbm>> -> memref<16xi32, #tpu.memory_space<hbm>>
      tpu.enqueue_dma source(%dma_start3A_109 : memref<16xi32, #tpu.memory_space<hbm>>) target(%arg11 : memref<16xi32, #tpu.memory_space<vmem>>) target_semaphore(%run_scoped3A : memref<!tpu.dma_semaphore, #tpu.memory_space<semaphore_mem>>)
      %dma_wait3A_110 = tpu.memref_slice %arg3[%mul3A_4] : memref<256xi32, #tpu.memory_space<hbm>> -> memref<16xi32, #tpu.memory_space<hbm>>
      %dma_wait3A_111 = tpu.memref_slice %arg3[%mul3A_4] : memref<256xi32, #tpu.memory_space<hbm>> -> memref<16xi32, #tpu.memory_space<hbm>>
      tpu.wait_dma2 semaphore(%run_scoped3A : memref<!tpu.dma_semaphore, #tpu.memory_space<semaphore_mem>>) src(%dma_wait3A_111 : memref<16xi32, #tpu.memory_space<hbm>>) dst(%arg11 : memref<16xi32, #tpu.memory_space<vmem>>)
      tpu.yield
    }) : () -> ()
    "tpu.region"() ({
      %run_scoped3A = tpu.sem_alloc : memref<!tpu.dma_semaphore, #tpu.memory_space<semaphore_mem>>
      %dma_start3A_108 = tpu.memref_slice %arg4[%mul3A_4] : memref<256xi32, #tpu.memory_space<hbm>> -> memref<16xi32, #tpu.memory_space<hbm>>
      %dma_start3A_109 = tpu.memref_slice %arg4[%mul3A_4] : memref<256xi32, #tpu.memory_space<hbm>> -> memref<16xi32, #tpu.memory_space<hbm>>
      tpu.enqueue_dma source(%dma_start3A_109 : memref<16xi32, #tpu.memory_space<hbm>>) target(%arg12 : memref<16xi32, #tpu.memory_space<vmem>>) target_semaphore(%run_scoped3A : memref<!tpu.dma_semaphore, #tpu.memory_space<semaphore_mem>>)
      %dma_wait3A_110 = tpu.memref_slice %arg4[%mul3A_4] : memref<256xi32, #tpu.memory_space<hbm>> -> memref<16xi32, #tpu.memory_space<hbm>>
      %dma_wait3A_111 = tpu.memref_slice %arg4[%mul3A_4] : memref<256xi32, #tpu.memory_space<hbm>> -> memref<16xi32, #tpu.memory_space<hbm>>
      tpu.wait_dma2 semaphore(%run_scoped3A : memref<!tpu.dma_semaphore, #tpu.memory_space<semaphore_mem>>) src(%dma_wait3A_111 : memref<16xi32, #tpu.memory_space<hbm>>) dst(%arg12 : memref<16xi32, #tpu.memory_space<vmem>>)
      tpu.yield
    }) : () -> ()
    %get3A = arith.constant 0 : index
    %get3A_5 = tpu.vector_load %arg11[%get3A] {strides = array<i32>} : memref<16xi32, #tpu.memory_space<vmem>>, vector<16xi32>,
    %get3A_6 = vector.shape_cast %get3A_5 : vector<16xi32> to vector<16xi32>
    %get3A_7 = arith.constant 0 : index
    %get3A_8 = tpu.vector_load %arg12[%get3A_7] {strides = array<i32>} : memref<16xi32, #tpu.memory_space<vmem>>, vector<16xi32>,
    %get3A_9 = vector.shape_cast %get3A_8 : vector<16xi32> to vector<16xi32>
    %dma_start3A = arith.constant 0 : i32
    %dma_start3A_10 = arith.constant 0 : i32
    %dma_start3A_11 = arith.constant 0 : i32
    %dma_start3A_12 = tpu.memref_slice %arg10[%dma_start3A, %dma_start3A_10, %dma_start3A_11] : memref<3x32x768xf32, #tpu.memory_space<vmem>> -> memref<1x16x768xf32, #tpu.memory_space<vmem>>
    %dma_start3A_13 = tpu.memref_squeeze %dma_start3A_12 : memref<1x16x768xf32, #tpu.memory_space<vmem>> -> memref<16x768xf32, #tpu.memory_space<vmem>>
    %dma_start3A_14 = arith.constant 0 : i32
    %dma_start3A_15 = arith.constant 0 : i32
    %dma_start3A_16 = tpu.memref_slice %arg5[%dma_start3A_14, %dma_start3A_15] : memref<16x768xf32, #tpu.memory_space<hbm>> -> memref<16x768xf32, #tpu.memory_space<hbm>>
    tpu.enqueue_indirect_dma source(%dma_start3A_16 : memref<16x768xf32, #tpu.memory_space<hbm>>) target(%dma_start3A_13 : memref<16x768xf32, #tpu.memory_space<vmem>>) offsets(%get3A_6 : vector<16xi32>) semaphore(%arg16 : memref<!tpu.dma_semaphore, #tpu.memory_space<semaphore_mem>>)
    %dma_start3A_17 = arith.constant 1 : i32
    %dma_start3A_18 = arith.constant 0 : i32
    %dma_start3A_19 = arith.constant 0 : i32
    %dma_start3A_20 = tpu.memref_slice %arg10[%dma_start3A_17, %dma_start3A_18, %dma_start3A_19] : memref<3x32x768xf32, #tpu.memory_space<vmem>> -> memref<1x16x768xf32, #tpu.memory_space<vmem>>
    %dma_start3A_21 = tpu.memref_squeeze %dma_start3A_20 : memref<1x16x768xf32, #tpu.memory_space<vmem>> -> memref<16x768xf32, #tpu.memory_space<vmem>>
    %dma_start3A_22 = arith.constant 0 : i32
    %dma_start3A_23 = arith.constant 0 : i32
    %dma_start3A_24 = tpu.memref_slice %arg6[%dma_start3A_22, %dma_start3A_23] : memref<16x768xf32, #tpu.memory_space<hbm>> -> memref<16x768xf32, #tpu.memory_space<hbm>>
    tpu.enqueue_indirect_dma source(%dma_start3A_24 : memref<16x768xf32, #tpu.memory_space<hbm>>) target(%dma_start3A_21 : memref<16x768xf32, #tpu.memory_space<vmem>>) offsets(%get3A_9 : vector<16xi32>) semaphore(%arg17 : memref<!tpu.dma_semaphore, #tpu.memory_space<semaphore_mem>>)
    "tpu.region"() ({
      %run_scoped3A = tpu.sem_alloc : memref<!tpu.dma_semaphore, #tpu.memory_space<semaphore_mem>>
      %dma_start3A_108 = tpu.memref_slice %arg2[%mul3A_2] : memref<65536xi32, #tpu.memory_space<hbm>> -> memref<2048xi32, #tpu.memory_space<hbm>>
      %dma_start3A_109 = tpu.memref_slice %arg2[%mul3A_2] : memref<65536xi32, #tpu.memory_space<hbm>> -> memref<2048xi32, #tpu.memory_space<hbm>>
      tpu.enqueue_dma source(%dma_start3A_109 : memref<2048xi32, #tpu.memory_space<hbm>>) target(%arg9 : memref<2048xi32, #tpu.memory_space<vmem>>) target_semaphore(%run_scoped3A : memref<!tpu.dma_semaphore, #tpu.memory_space<semaphore_mem>>)
      %dma_wait3A_110 = tpu.memref_slice %arg2[%mul3A_2] : memref<65536xi32, #tpu.memory_space<hbm>> -> memref<2048xi32, #tpu.memory_space<hbm>>
      %dma_wait3A_111 = tpu.memref_slice %arg2[%mul3A_2] : memref<65536xi32, #tpu.memory_space<hbm>> -> memref<2048xi32, #tpu.memory_space<hbm>>
      tpu.wait_dma2 semaphore(%run_scoped3A : memref<!tpu.dma_semaphore, #tpu.memory_space<semaphore_mem>>) src(%dma_wait3A_111 : memref<2048xi32, #tpu.memory_space<hbm>>) dst(%arg9 : memref<2048xi32, #tpu.memory_space<vmem>>)
      tpu.yield
    }) : () -> ()
    %dma_wait3A = arith.constant 0 : i32
    %dma_wait3A_25 = arith.constant 0 : i32
    %dma_wait3A_26 = arith.constant 0 : i32
    %dma_wait3A_27 = tpu.memref_slice %arg10[%dma_wait3A, %dma_wait3A_25, %dma_wait3A_26] : memref<3x32x768xf32, #tpu.memory_space<vmem>> -> memref<1x16x768xf32, #tpu.memory_space<vmem>>
    %dma_wait3A_28 = tpu.memref_squeeze %dma_wait3A_27 : memref<1x16x768xf32, #tpu.memory_space<vmem>> -> memref<16x768xf32, #tpu.memory_space<vmem>>
    %dma_wait3A_29 = arith.constant 0 : i32
    %dma_wait3A_30 = arith.constant 0 : i32
    %dma_wait3A_31 = tpu.memref_slice %arg5[%dma_wait3A_29, %dma_wait3A_30] : memref<16x768xf32, #tpu.memory_space<hbm>> -> memref<16x768xf32, #tpu.memory_space<hbm>>
    tpu.wait_indirect_dma semaphore(%arg16 : memref<!tpu.dma_semaphore, #tpu.memory_space<semaphore_mem>>) src(%dma_wait3A_31 : memref<16x768xf32, #tpu.memory_space<hbm>>) dst(%dma_wait3A_28 : memref<16x768xf32, #tpu.memory_space<vmem>>)
    %dma_wait3A_32 = arith.constant 1 : i32
    %dma_wait3A_33 = arith.constant 0 : i32
    %dma_wait3A_34 = arith.constant 0 : i32
    %dma_wait3A_35 = tpu.memref_slice %arg10[%dma_wait3A_32, %dma_wait3A_33, %dma_wait3A_34] : memref<3x32x768xf32, #tpu.memory_space<vmem>> -> memref<1x16x768xf32, #tpu.memory_space<vmem>>
    %dma_wait3A_36 = tpu.memref_squeeze %dma_wait3A_35 : memref<1x16x768xf32, #tpu.memory_space<vmem>> -> memref<16x768xf32, #tpu.memory_space<vmem>>
    %dma_wait3A_37 = arith.constant 0 : i32
    %dma_wait3A_38 = arith.constant 0 : i32
    %dma_wait3A_39 = tpu.memref_slice %arg6[%dma_wait3A_37, %dma_wait3A_38] : memref<16x768xf32, #tpu.memory_space<hbm>> -> memref<16x768xf32, #tpu.memory_space<hbm>>
    tpu.wait_indirect_dma semaphore(%arg17 : memref<!tpu.dma_semaphore, #tpu.memory_space<semaphore_mem>>) src(%dma_wait3A_39 : memref<16x768xf32, #tpu.memory_space<hbm>>) dst(%dma_wait3A_36 : memref<16x768xf32, #tpu.memory_space<vmem>>)
    %scan3A = arith.constant 0 : i32
    %scan3A_40 = arith.constant 0 : i32
    %scan3A_41 = arith.constant 16 : i32
    %scan3A_42 = arith.addi %scan3A_40, %scan3A_41 : i32
    %scan3A_43 = arith.constant 1 : i32
    scf.for %scan3A_108 = %scan3A_40 to %scan3A_42 step %scan3A_43  : i32 {
      %get3A_109 = arith.constant 0 : i32
      %get3A_110 = arith.index_cast %get3A_109 : i32 to index
      %get3A_111 = arith.index_cast %scan3A_108 : i32 to index
      %get3A_112 = arith.constant 0 : index
      %get3A_113 = tpu.vector_load %arg10[%get3A_110, %get3A_111, %get3A_112] {strides = array<i32>} : memref<3x32x768xf32, #tpu.memory_space<vmem>>, vector<1x1x16xf32>,
      %get3A_114 = vector.shape_cast %get3A_113 : vector<1x1x16xf32> to vector<16xf32>
      %get3A_115 = arith.constant 1 : i32
      %get3A_116 = arith.index_cast %get3A_115 : i32 to index
      %get3A_117 = arith.index_cast %scan3A_108 : i32 to index
      %get3A_118 = arith.constant 0 : index
      %get3A_119 = tpu.vector_load %arg10[%get3A_116, %get3A_117, %get3A_118] {strides = array<i32>} : memref<3x32x768xf32, #tpu.memory_space<vmem>>, vector<1x1x16xf32>,
      %get3A_120 = vector.shape_cast %get3A_119 : vector<1x1x16xf32> to vector<16xf32>
      %add3A_121 = arith.addf %get3A_114, %get3A_120 : vector<16xf32>
      %swap3A = arith.constant 0 : i32
      %swap3A_122 = arith.index_cast %swap3A : i32 to index
      %swap3A_123 = arith.index_cast %scan3A_108 : i32 to index
      %swap3A_124 = arith.constant 0 : index
      %swap3A_125 = tpu.vector_load %arg10[%swap3A_122, %swap3A_123, %swap3A_124] {strides = array<i32>} : memref<3x32x768xf32, #tpu.memory_space<vmem>>, vector<1x1x16xf32>,
      %swap3A_126 = vector.shape_cast %swap3A_125 : vector<1x1x16xf32> to vector<16xf32>
      %swap3A_127 = vector.shape_cast %add3A_121 : vector<16xf32> to vector<1x1x16xf32>
      tpu.vector_store %arg10[%swap3A_122, %swap3A_123, %swap3A_124], %swap3A_127 {strides = array<i32>} : memref<3x32x768xf32, #tpu.memory_space<vmem>>, vector<1x1x16xf32>,
      %get3A_128 = arith.constant 0 : i32
      %get3A_129 = arith.index_cast %get3A_128 : i32 to index
      %get3A_130 = arith.index_cast %scan3A_108 : i32 to index
      %get3A_131 = arith.constant 16 : index
      %get3A_132 = tpu.vector_load %arg10[%get3A_129, %get3A_130, %get3A_131] {strides = array<i32>} : memref<3x32x768xf32, #tpu.memory_space<vmem>>, vector<1x1x16xf32>,
      %get3A_133 = vector.shape_cast %get3A_132 : vector<1x1x16xf32> to vector<16xf32>
      %get3A_134 = arith.constant 1 : i32
      %get3A_135 = arith.index_cast %get3A_134 : i32 to index
      %get3A_136 = arith.index_cast %scan3A_108 : i32 to index
      %get3A_137 = arith.constant 16 : index
      %get3A_138 = tpu.vector_load %arg10[%get3A_135, %get3A_136, %get3A_137] {strides = array<i32>} : memref<3x32x768xf32, #tpu.memory_space<vmem>>, vector<1x1x16xf32>,
      %get3A_139 = vector.shape_cast %get3A_138 : vector<1x1x16xf32> to vector<16xf32>
      %add3A_140 = arith.addf %get3A_133, %get3A_139 : vector<16xf32>
      %swap3A_141 = arith.constant 0 : i32
      %swap3A_142 = arith.index_cast %swap3A_141 : i32 to index
      %swap3A_143 = arith.index_cast %scan3A_108 : i32 to index
      %swap3A_144 = arith.constant 16 : index
      %swap3A_145 = tpu.vector_load %arg10[%swap3A_142, %swap3A_143, %swap3A_144] {strides = array<i32>} : memref<3x32x768xf32, #tpu.memory_space<vmem>>, vector<1x1x16xf32>,
      %swap3A_146 = vector.shape_cast %swap3A_145 : vector<1x1x16xf32> to vector<16xf32>
      %swap3A_147 = vector.shape_cast %add3A_140 : vector<16xf32> to vector<1x1x16xf32>
      tpu.vector_store %arg10[%swap3A_142, %swap3A_143, %swap3A_144], %swap3A_147 {strides = array<i32>} : memref<3x32x768xf32, #tpu.memory_space<vmem>>, vector<1x1x16xf32>,
      %get3A_148 = arith.constant 0 : i32
      %get3A_149 = arith.index_cast %get3A_148 : i32 to index
      %get3A_150 = arith.index_cast %scan3A_108 : i32 to index
      %get3A_151 = arith.constant 32 : index
      %get3A_152 = tpu.vector_load %arg10[%get3A_149, %get3A_150, %get3A_151] {strides = array<i32>} : memref<3x32x768xf32, #tpu.memory_space<vmem>>, vector<1x1x16xf32>,
      %get3A_153 = vector.shape_cast %get3A_152 : vector<1x1x16xf32> to vector<16xf32>
      %get3A_154 = arith.constant 1 : i32
      %get3A_155 = arith.index_cast %get3A_154 : i32 to index
      %get3A_156 = arith.index_cast %scan3A_108 : i32 to index
      %get3A_157 = arith.constant 32 : index
      %get3A_158 = tpu.vector_load %arg10[%get3A_155, %get3A_156, %get3A_157] {strides = array<i32>} : memref<3x32x768xf32, #tpu.memory_space<vmem>>, vector<1x1x16xf32>,
      %get3A_159 = vector.shape_cast %get3A_158 : vector<1x1x16xf32> to vector<16xf32>
      %add3A_160 = arith.addf %get3A_153, %get3A_159 : vector<16xf32>
      %swap3A_161 = arith.constant 0 : i32
      %swap3A_162 = arith.index_cast %swap3A_161 : i32 to index
      %swap3A_163 = arith.index_cast %scan3A_108 : i32 to index
      %swap3A_164 = arith.constant 32 : index
      %swap3A_165 = tpu.vector_load %arg10[%swap3A_162, %swap3A_163, %swap3A_164] {strides = array<i32>} : memref<3x32x768xf32, #tpu.memory_space<vmem>>, vector<1x1x16xf32>,
      %swap3A_166 = vector.shape_cast %swap3A_165 : vector<1x1x16xf32> to vector<16xf32>
      %swap3A_167 = vector.shape_cast %add3A_160 : vector<16xf32> to vector<1x1x16xf32>
      tpu.vector_store %arg10[%swap3A_162, %swap3A_163, %swap3A_164], %swap3A_167 {strides = array<i32>} : memref<3x32x768xf32, #tpu.memory_space<vmem>>, vector<1x1x16xf32>,
      %get3A_168 = arith.constant 0 : i32
      %get3A_169 = arith.index_cast %get3A_168 : i32 to index
      %get3A_170 = arith.index_cast %scan3A_108 : i32 to index
      %get3A_171 = arith.constant 48 : index
      %get3A_172 = tpu.vector_load %arg10[%get3A_169, %get3A_170, %get3A_171] {strides = array<i32>} : memref<3x32x768xf32, #tpu.memory_space<vmem>>, vector<1x1x16xf32>,
      %get3A_173 = vector.shape_cast %get3A_172 : vector<1x1x16xf32> to vector<16xf32>
      %get3A_174 = arith.constant 1 : i32
      %get3A_175 = arith.index_cast %get3A_174 : i32 to index
      %get3A_176 = arith.index_cast %scan3A_108 : i32 to index
      %get3A_177 = arith.constant 48 : index
      %get3A_178 = tpu.vector_load %arg10[%get3A_175, %get3A_176, %get3A_177] {strides = array<i32>} : memref<3x32x768xf32, #tpu.memory_space<vmem>>, vector<1x1x16xf32>,
      %get3A_179 = vector.shape_cast %get3A_178 : vector<1x1x16xf32> to vector<16xf32>
      %add3A_180 = arith.addf %get3A_173, %get3A_179 : vector<16xf32>
      %swap3A_181 = arith.constant 0 : i32
      %swap3A_182 = arith.index_cast %swap3A_181 : i32 to index
      %swap3A_183 = arith.index_cast %scan3A_108 : i32 to index
      %swap3A_184 = arith.constant 48 : index
      %swap3A_185 = tpu.vector_load %arg10[%swap3A_182, %swap3A_183, %swap3A_184] {strides = array<i32>} : memref<3x32x768xf32, #tpu.memory_space<vmem>>, vector<1x1x16xf32>,
      %swap3A_186 = vector.shape_cast %swap3A_185 : vector<1x1x16xf32> to vector<16xf32>
      %swap3A_187 = vector.shape_cast %add3A_180 : vector<16xf32> to vector<1x1x16xf32>
      tpu.vector_store %arg10[%swap3A_182, %swap3A_183, %swap3A_184], %swap3A_187 {strides = array<i32>} : memref<3x32x768xf32, #tpu.memory_space<vmem>>, vector<1x1x16xf32>,
      %get3A_188 = arith.constant 0 : i32
      %get3A_189 = arith.index_cast %get3A_188 : i32 to index
      %get3A_190 = arith.index_cast %scan3A_108 : i32 to index
      %get3A_191 = arith.constant 64 : index
      %get3A_192 = tpu.vector_load %arg10[%get3A_189, %get3A_190, %get3A_191] {strides = array<i32>} : memref<3x32x768xf32, #tpu.memory_space<vmem>>, vector<1x1x16xf32>,
      %get3A_193 = vector.shape_cast %get3A_192 : vector<1x1x16xf32> to vector<16xf32>
      %get3A_194 = arith.constant 1 : i32
      %get3A_195 = arith.index_cast %get3A_194 : i32 to index
      %get3A_196 = arith.index_cast %scan3A_108 : i32 to index
      %get3A_197 = arith.constant 64 : index
      %get3A_198 = tpu.vector_load %arg10[%get3A_195, %get3A_196, %get3A_197] {strides = array<i32>} : memref<3x32x768xf32, #tpu.memory_space<vmem>>, vector<1x1x16xf32>,
      %get3A_199 = vector.shape_cast %get3A_198 : vector<1x1x16xf32> to vector<16xf32>
      %add3A_200 = arith.addf %get3A_193, %get3A_199 : vector<16xf32>
      %swap3A_201 = arith.constant 0 : i32
      %swap3A_202 = arith.index_cast %swap3A_201 : i32 to index
      %swap3A_203 = arith.index_cast %scan3A_108 : i32 to index
      %swap3A_204 = arith.constant 64 : index
      %swap3A_205 = tpu.vector_load %arg10[%swap3A_202, %swap3A_203, %swap3A_204] {strides = array<i32>} : memref<3x32x768xf32, #tpu.memory_space<vmem>>, vector<1x1x16xf32>,
      %swap3A_206 = vector.shape_cast %swap3A_205 : vector<1x1x16xf32> to vector<16xf32>
      %swap3A_207 = vector.shape_cast %add3A_200 : vector<16xf32> to vector<1x1x16xf32>
      tpu.vector_store %arg10[%swap3A_202, %swap3A_203, %swap3A_204], %swap3A_207 {strides = array<i32>} : memref<3x32x768xf32, #tpu.memory_space<vmem>>, vector<1x1x16xf32>,
      %get3A_208 = arith.constant 0 : i32
      %get3A_209 = arith.index_cast %get3A_208 : i32 to index
      %get3A_210 = arith.index_cast %scan3A_108 : i32 to index
      %get3A_211 = arith.constant 80 : index
      %get3A_212 = tpu.vector_load %arg10[%get3A_209, %get3A_210, %get3A_211] {strides = array<i32>} : memref<3x32x768xf32, #tpu.memory_space<vmem>>, vector<1x1x16xf32>,
      %get3A_213 = vector.shape_cast %get3A_212 : vector<1x1x16xf32> to vector<16xf32>
      %get3A_214 = arith.constant 1 : i32
      %get3A_215 = arith.index_cast %get3A_214 : i32 to index
      %get3A_216 = arith.index_cast %scan3A_108 : i32 to index
      %get3A_217 = arith.constant 80 : index
      %get3A_218 = tpu.vector_load %arg10[%get3A_215, %get3A_216, %get3A_217] {strides = array<i32>} : memref<3x32x768xf32, #tpu.memory_space<vmem>>, vector<1x1x16xf32>,
      %get3A_219 = vector.shape_cast %get3A_218 : vector<1x1x16xf32> to vector<16xf32>
      %add3A_220 = arith.addf %get3A_213, %get3A_219 : vector<16xf32>
      %swap3A_221 = arith.constant 0 : i32
      %swap3A_222 = arith.index_cast %swap3A_221 : i32 to index
      %swap3A_223 = arith.index_cast %scan3A_108 : i32 to index
      %swap3A_224 = arith.constant 80 : index
      %swap3A_225 = tpu.vector_load %arg10[%swap3A_222, %swap3A_223, %swap3A_224] {strides = array<i32>} : memref<3x32x768xf32, #tpu.memory_space<vmem>>, vector<1x1x16xf32>,
      %swap3A_226 = vector.shape_cast %swap3A_225 : vector<1x1x16xf32> to vector<16xf32>
      %swap3A_227 = vector.shape_cast %add3A_220 : vector<16xf32> to vector<1x1x16xf32>
      tpu.vector_store %arg10[%swap3A_222, %swap3A_223, %swap3A_224], %swap3A_227 {strides = array<i32>} : memref<3x32x768xf32, #tpu.memory_space<vmem>>, vector<1x1x16xf32>,
      %get3A_228 = arith.constant 0 : i32
      %get3A_229 = arith.index_cast %get3A_228 : i32 to index
      %get3A_230 = arith.index_cast %scan3A_108 : i32 to index
      %get3A_231 = arith.constant 96 : index
      %get3A_232 = tpu.vector_load %arg10[%get3A_229, %get3A_230, %get3A_231] {strides = array<i32>} : memref<3x32x768xf32, #tpu.memory_space<vmem>>, vector<1x1x16xf32>,
      %get3A_233 = vector.shape_cast %get3A_232 : vector<1x1x16xf32> to vector<16xf32>
      %get3A_234 = arith.constant 1 : i32
      %get3A_235 = arith.index_cast %get3A_234 : i32 to index
      %get3A_236 = arith.index_cast %scan3A_108 : i32 to index
      %get3A_237 = arith.constant 96 : index
      %get3A_238 = tpu.vector_load %arg10[%get3A_235, %get3A_236, %get3A_237] {strides = array<i32>} : memref<3x32x768xf32, #tpu.memory_space<vmem>>, vector<1x1x16xf32>,
      %get3A_239 = vector.shape_cast %get3A_238 : vector<1x1x16xf32> to vector<16xf32>
      %add3A_240 = arith.addf %get3A_233, %get3A_239 : vector<16xf32>
      %swap3A_241 = arith.constant 0 : i32
      %swap3A_242 = arith.index_cast %swap3A_241 : i32 to index
      %swap3A_243 = arith.index_cast %scan3A_108 : i32 to index
      %swap3A_244 = arith.constant 96 : index
      %swap3A_245 = tpu.vector_load %arg10[%swap3A_242, %swap3A_243, %swap3A_244] {strides = array<i32>} : memref<3x32x768xf32, #tpu.memory_space<vmem>>, vector<1x1x16xf32>,
      %swap3A_246 = vector.shape_cast %swap3A_245 : vector<1x1x16xf32> to vector<16xf32>
      %swap3A_247 = vector.shape_cast %add3A_240 : vector<16xf32> to vector<1x1x16xf32>
      tpu.vector_store %arg10[%swap3A_242, %swap3A_243, %swap3A_244], %swap3A_247 {strides = array<i32>} : memref<3x32x768xf32, #tpu.memory_space<vmem>>, vector<1x1x16xf32>,
      %get3A_248 = arith.constant 0 : i32
      %get3A_249 = arith.index_cast %get3A_248 : i32 to index
      %get3A_250 = arith.index_cast %scan3A_108 : i32 to index
      %get3A_251 = arith.constant 112 : index
      %get3A_252 = tpu.vector_load %arg10[%get3A_249, %get3A_250, %get3A_251] {strides = array<i32>} : memref<3x32x768xf32, #tpu.memory_space<vmem>>, vector<1x1x16xf32>,
      %get3A_253 = vector.shape_cast %get3A_252 : vector<1x1x16xf32> to vector<16xf32>
      %get3A_254 = arith.constant 1 : i32
      %get3A_255 = arith.index_cast %get3A_254 : i32 to index
      %get3A_256 = arith.index_cast %scan3A_108 : i32 to index
      %get3A_257 = arith.constant 112 : index
      %get3A_258 = tpu.vector_load %arg10[%get3A_255, %get3A_256, %get3A_257] {strides = array<i32>} : memref<3x32x768xf32, #tpu.memory_space<vmem>>, vector<1x1x16xf32>,
      %get3A_259 = vector.shape_cast %get3A_258 : vector<1x1x16xf32> to vector<16xf32>
      %add3A_260 = arith.addf %get3A_253, %get3A_259 : vector<16xf32>
      %swap3A_261 = arith.constant 0 : i32
      %swap3A_262 = arith.index_cast %swap3A_261 : i32 to index
      %swap3A_263 = arith.index_cast %scan3A_108 : i32 to index
      %swap3A_264 = arith.constant 112 : index
      %swap3A_265 = tpu.vector_load %arg10[%swap3A_262, %swap3A_263, %swap3A_264] {strides = array<i32>} : memref<3x32x768xf32, #tpu.memory_space<vmem>>, vector<1x1x16xf32>,
      %swap3A_266 = vector.shape_cast %swap3A_265 : vector<1x1x16xf32> to vector<16xf32>
      %swap3A_267 = vector.shape_cast %add3A_260 : vector<16xf32> to vector<1x1x16xf32>
      tpu.vector_store %arg10[%swap3A_262, %swap3A_263, %swap3A_264], %swap3A_267 {strides = array<i32>} : memref<3x32x768xf32, #tpu.memory_space<vmem>>, vector<1x1x16xf32>,
      %get3A_268 = arith.constant 0 : i32
      %get3A_269 = arith.index_cast %get3A_268 : i32 to index
      %get3A_270 = arith.index_cast %scan3A_108 : i32 to index
      %get3A_271 = arith.constant 128 : index
      %get3A_272 = tpu.vector_load %arg10[%get3A_269, %get3A_270, %get3A_271] {strides = array<i32>} : memref<3x32x768xf32, #tpu.memory_space<vmem>>, vector<1x1x16xf32>,
      %get3A_273 = vector.shape_cast %get3A_272 : vector<1x1x16xf32> to vector<16xf32>
      %get3A_274 = arith.constant 1 : i32
      %get3A_275 = arith.index_cast %get3A_274 : i32 to index
      %get3A_276 = arith.index_cast %scan3A_108 : i32 to index
      %get3A_277 = arith.constant 128 : index
      %get3A_278 = tpu.vector_load %arg10[%get3A_275, %get3A_276, %get3A_277] {strides = array<i32>} : memref<3x32x768xf32, #tpu.memory_space<vmem>>, vector<1x1x16xf32>,
      %get3A_279 = vector.shape_cast %get3A_278 : vector<1x1x16xf32> to vector<16xf32>
      %add3A_280 = arith.addf %get3A_273, %get3A_279 : vector<16xf32>
      %swap3A_281 = arith.constant 0 : i32
      %swap3A_282 = arith.index_cast %swap3A_281 : i32 to index
      %swap3A_283 = arith.index_cast %scan3A_108 : i32 to index
      %swap3A_284 = arith.constant 128 : index
      %swap3A_285 = tpu.vector_load %arg10[%swap3A_282, %swap3A_283, %swap3A_284] {strides = array<i32>} : memref<3x32x768xf32, #tpu.memory_space<vmem>>, vector<1x1x16xf32>,
      %swap3A_286 = vector.shape_cast %swap3A_285 : vector<1x1x16xf32> to vector<16xf32>
      %swap3A_287 = vector.shape_cast %add3A_280 : vector<16xf32> to vector<1x1x16xf32>
      tpu.vector_store %arg10[%swap3A_282, %swap3A_283, %swap3A_284], %swap3A_287 {strides = array<i32>} : memref<3x32x768xf32, #tpu.memory_space<vmem>>, vector<1x1x16xf32>,
      %get3A_288 = arith.constant 0 : i32
      %get3A_289 = arith.index_cast %get3A_288 : i32 to index
      %get3A_290 = arith.index_cast %scan3A_108 : i32 to index
      %get3A_291 = arith.constant 144 : index
      %get3A_292 = tpu.vector_load %arg10[%get3A_289, %get3A_290, %get3A_291] {strides = array<i32>} : memref<3x32x768xf32, #tpu.memory_space<vmem>>, vector<1x1x16xf32>,
      %get3A_293 = vector.shape_cast %get3A_292 : vector<1x1x16xf32> to vector<16xf32>
      %get3A_294 = arith.constant 1 : i32
      %get3A_295 = arith.index_cast %get3A_294 : i32 to index
      %get3A_296 = arith.index_cast %scan3A_108 : i32 to index
      %get3A_297 = arith.constant 144 : index
      %get3A_298 = tpu.vector_load %arg10[%get3A_295, %get3A_296, %get3A_297] {strides = array<i32>} : memref<3x32x768xf32, #tpu.memory_space<vmem>>, vector<1x1x16xf32>,
      %get3A_299 = vector.shape_cast %get3A_298 : vector<1x1x16xf32> to vector<16xf32>
      %add3A_300 = arith.addf %get3A_293, %get3A_299 : vector<16xf32>
      %swap3A_301 = arith.constant 0 : i32
      %swap3A_302 = arith.index_cast %swap3A_301 : i32 to index
      %swap3A_303 = arith.index_cast %scan3A_108 : i32 to index
      %swap3A_304 = arith.constant 144 : index
      %swap3A_305 = tpu.vector_load %arg10[%swap3A_302, %swap3A_303, %swap3A_304] {strides = array<i32>} : memref<3x32x768xf32, #tpu.memory_space<vmem>>, vector<1x1x16xf32>,
      %swap3A_306 = vector.shape_cast %swap3A_305 : vector<1x1x16xf32> to vector<16xf32>
      %swap3A_307 = vector.shape_cast %add3A_300 : vector<16xf32> to vector<1x1x16xf32>
      tpu.vector_store %arg10[%swap3A_302, %swap3A_303, %swap3A_304], %swap3A_307 {strides = array<i32>} : memref<3x32x768xf32, #tpu.memory_space<vmem>>, vector<1x1x16xf32>,
      %get3A_308 = arith.constant 0 : i32
      %get3A_309 = arith.index_cast %get3A_308 : i32 to index
      %get3A_310 = arith.index_cast %scan3A_108 : i32 to index
      %get3A_311 = arith.constant 160 : index
      %get3A_312 = tpu.vector_load %arg10[%get3A_309, %get3A_310, %get3A_311] {strides = array<i32>} : memref<3x32x768xf32, #tpu.memory_space<vmem>>, vector<1x1x16xf32>,
      %get3A_313 = vector.shape_cast %get3A_312 : vector<1x1x16xf32> to vector<16xf32>
      %get3A_314 = arith.constant 1 : i32
      %get3A_315 = arith.index_cast %get3A_314 : i32 to index
      %get3A_316 = arith.index_cast %scan3A_108 : i32 to index
      %get3A_317 = arith.constant 160 : index
      %get3A_318 = tpu.vector_load %arg10[%get3A_315, %get3A_316, %get3A_317] {strides = array<i32>} : memref<3x32x768xf32, #tpu.memory_space<vmem>>, vector<1x1x16xf32>,
      %get3A_319 = vector.shape_cast %get3A_318 : vector<1x1x16xf32> to vector<16xf32>
      %add3A_320 = arith.addf %get3A_313, %get3A_319 : vector<16xf32>
      %swap3A_321 = arith.constant 0 : i32
      %swap3A_322 = arith.index_cast %swap3A_321 : i32 to index
      %swap3A_323 = arith.index_cast %scan3A_108 : i32 to index
      %swap3A_324 = arith.constant 160 : index
      %swap3A_325 = tpu.vector_load %arg10[%swap3A_322, %swap3A_323, %swap3A_324] {strides = array<i32>} : memref<3x32x768xf32, #tpu.memory_space<vmem>>, vector<1x1x16xf32>,
      %swap3A_326 = vector.shape_cast %swap3A_325 : vector<1x1x16xf32> to vector<16xf32>
      %swap3A_327 = vector.shape_cast %add3A_320 : vector<16xf32> to vector<1x1x16xf32>
      tpu.vector_store %arg10[%swap3A_322, %swap3A_323, %swap3A_324], %swap3A_327 {strides = array<i32>} : memref<3x32x768xf32, #tpu.memory_space<vmem>>, vector<1x1x16xf32>,
      %get3A_328 = arith.constant 0 : i32
      %get3A_329 = arith.index_cast %get3A_328 : i32 to index
      %get3A_330 = arith.index_cast %scan3A_108 : i32 to index
      %get3A_331 = arith.constant 176 : index
      %get3A_332 = tpu.vector_load %arg10[%get3A_329, %get3A_330, %get3A_331] {strides = array<i32>} : memref<3x32x768xf32, #tpu.memory_space<vmem>>, vector<1x1x16xf32>,
      %get3A_333 = vector.shape_cast %get3A_332 : vector<1x1x16xf32> to vector<16xf32>
      %get3A_334 = arith.constant 1 : i32
      %get3A_335 = arith.index_cast %get3A_334 : i32 to index
      %get3A_336 = arith.index_cast %scan3A_108 : i32 to index
      %get3A_337 = arith.constant 176 : index
      %get3A_338 = tpu.vector_load %arg10[%get3A_335, %get3A_336, %get3A_337] {strides = array<i32>} : memref<3x32x768xf32, #tpu.memory_space<vmem>>, vector<1x1x16xf32>,
      %get3A_339 = vector.shape_cast %get3A_338 : vector<1x1x16xf32> to vector<16xf32>
      %add3A_340 = arith.addf %get3A_333, %get3A_339 : vector<16xf32>
      %swap3A_341 = arith.constant 0 : i32
      %swap3A_342 = arith.index_cast %swap3A_341 : i32 to index
      %swap3A_343 = arith.index_cast %scan3A_108 : i32 to index
      %swap3A_344 = arith.constant 176 : index
      %swap3A_345 = tpu.vector_load %arg10[%swap3A_342, %swap3A_343, %swap3A_344] {strides = array<i32>} : memref<3x32x768xf32, #tpu.memory_space<vmem>>, vector<1x1x16xf32>,
      %swap3A_346 = vector.shape_cast %swap3A_345 : vector<1x1x16xf32> to vector<16xf32>
      %swap3A_347 = vector.shape_cast %add3A_340 : vector<16xf32> to vector<1x1x16xf32>
      tpu.vector_store %arg10[%swap3A_342, %swap3A_343, %swap3A_344], %swap3A_347 {strides = array<i32>} : memref<3x32x768xf32, #tpu.memory_space<vmem>>, vector<1x1x16xf32>,
      %get3A_348 = arith.constant 0 : i32
      %get3A_349 = arith.index_cast %get3A_348 : i32 to index
      %get3A_350 = arith.index_cast %scan3A_108 : i32 to index
      %get3A_351 = arith.constant 192 : index
      %get3A_352 = tpu.vector_load %arg10[%get3A_349, %get3A_350, %get3A_351] {strides = array<i32>} : memref<3x32x768xf32, #tpu.memory_space<vmem>>, vector<1x1x16xf32>,
      %get3A_353 = vector.shape_cast %get3A_352 : vector<1x1x16xf32> to vector<16xf32>
      %get3A_354 = arith.constant 1 : i32
      %get3A_355 = arith.index_cast %get3A_354 : i32 to index
      %get3A_356 = arith.index_cast %scan3A_108 : i32 to index
      %get3A_357 = arith.constant 192 : index
      %get3A_358 = tpu.vector_load %arg10[%get3A_355, %get3A_356, %get3A_357] {strides = array<i32>} : memref<3x32x768xf32, #tpu.memory_space<vmem>>, vector<1x1x16xf32>,
      %get3A_359 = vector.shape_cast %get3A_358 : vector<1x1x16xf32> to vector<16xf32>
      %add3A_360 = arith.addf %get3A_353, %get3A_359 : vector<16xf32>
      %swap3A_361 = arith.constant 0 : i32
      %swap3A_362 = arith.index_cast %swap3A_361 : i32 to index
      %swap3A_363 = arith.index_cast %scan3A_108 : i32 to index
      %swap3A_364 = arith.constant 192 : index
      %swap3A_365 = tpu.vector_load %arg10[%swap3A_362, %swap3A_363, %swap3A_364] {strides = array<i32>} : memref<3x32x768xf32, #tpu.memory_space<vmem>>, vector<1x1x16xf32>,
      %swap3A_366 = vector.shape_cast %swap3A_365 : vector<1x1x16xf32> to vector<16xf32>
      %swap3A_367 = vector.shape_cast %add3A_360 : vector<16xf32> to vector<1x1x16xf32>
      tpu.vector_store %arg10[%swap3A_362, %swap3A_363, %swap3A_364], %swap3A_367 {strides = array<i32>} : memref<3x32x768xf32, #tpu.memory_space<vmem>>, vector<1x1x16xf32>,
      %get3A_368 = arith.constant 0 : i32
      %get3A_369 = arith.index_cast %get3A_368 : i32 to index
      %get3A_370 = arith.index_cast %scan3A_108 : i32 to index
      %get3A_371 = arith.constant 208 : index
      %get3A_372 = tpu.vector_load %arg10[%get3A_369, %get3A_370, %get3A_371] {strides = array<i32>} : memref<3x32x768xf32, #tpu.memory_space<vmem>>, vector<1x1x16xf32>,
      %get3A_373 = vector.shape_cast %get3A_372 : vector<1x1x16xf32> to vector<16xf32>
      %get3A_374 = arith.constant 1 : i32
      %get3A_375 = arith.index_cast %get3A_374 : i32 to index
      %get3A_376 = arith.index_cast %scan3A_108 : i32 to index
      %get3A_377 = arith.constant 208 : index
      %get3A_378 = tpu.vector_load %arg10[%get3A_375, %get3A_376, %get3A_377] {strides = array<i32>} : memref<3x32x768xf32, #tpu.memory_space<vmem>>, vector<1x1x16xf32>,
      %get3A_379 = vector.shape_cast %get3A_378 : vector<1x1x16xf32> to vector<16xf32>
      %add3A_380 = arith.addf %get3A_373, %get3A_379 : vector<16xf32>
      %swap3A_381 = arith.constant 0 : i32
      %swap3A_382 = arith.index_cast %swap3A_381 : i32 to index
      %swap3A_383 = arith.index_cast %scan3A_108 : i32 to index
      %swap3A_384 = arith.constant 208 : index
      %swap3A_385 = tpu.vector_load %arg10[%swap3A_382, %swap3A_383, %swap3A_384] {strides = array<i32>} : memref<3x32x768xf32, #tpu.memory_space<vmem>>, vector<1x1x16xf32>,
      %swap3A_386 = vector.shape_cast %swap3A_385 : vector<1x1x16xf32> to vector<16xf32>
      %swap3A_387 = vector.shape_cast %add3A_380 : vector<16xf32> to vector<1x1x16xf32>
      tpu.vector_store %arg10[%swap3A_382, %swap3A_383, %swap3A_384], %swap3A_387 {strides = array<i32>} : memref<3x32x768xf32, #tpu.memory_space<vmem>>, vector<1x1x16xf32>,
      %get3A_388 = arith.constant 0 : i32
      %get3A_389 = arith.index_cast %get3A_388 : i32 to index
      %get3A_390 = arith.index_cast %scan3A_108 : i32 to index
      %get3A_391 = arith.constant 224 : index
      %get3A_392 = tpu.vector_load %arg10[%get3A_389, %get3A_390, %get3A_391] {strides = array<i32>} : memref<3x32x768xf32, #tpu.memory_space<vmem>>, vector<1x1x16xf32>,
      %get3A_393 = vector.shape_cast %get3A_392 : vector<1x1x16xf32> to vector<16xf32>
      %get3A_394 = arith.constant 1 : i32
      %get3A_395 = arith.index_cast %get3A_394 : i32 to index
      %get3A_396 = arith.index_cast %scan3A_108 : i32 to index
      %get3A_397 = arith.constant 224 : index
      %get3A_398 = tpu.vector_load %arg10[%get3A_395, %get3A_396, %get3A_397] {strides = array<i32>} : memref<3x32x768xf32, #tpu.memory_space<vmem>>, vector<1x1x16xf32>,
      %get3A_399 = vector.shape_cast %get3A_398 : vector<1x1x16xf32> to vector<16xf32>
      %add3A_400 = arith.addf %get3A_393, %get3A_399 : vector<16xf32>
      %swap3A_401 = arith.constant 0 : i32
      %swap3A_402 = arith.index_cast %swap3A_401 : i32 to index
      %swap3A_403 = arith.index_cast %scan3A_108 : i32 to index
      %swap3A_404 = arith.constant 224 : index
      %swap3A_405 = tpu.vector_load %arg10[%swap3A_402, %swap3A_403, %swap3A_404] {strides = array<i32>} : memref<3x32x768xf32, #tpu.memory_space<vmem>>, vector<1x1x16xf32>,
      %swap3A_406 = vector.shape_cast %swap3A_405 : vector<1x1x16xf32> to vector<16xf32>
      %swap3A_407 = vector.shape_cast %add3A_400 : vector<16xf32> to vector<1x1x16xf32>
      tpu.vector_store %arg10[%swap3A_402, %swap3A_403, %swap3A_404], %swap3A_407 {strides = array<i32>} : memref<3x32x768xf32, #tpu.memory_space<vmem>>, vector<1x1x16xf32>,
      %get3A_408 = arith.constant 0 : i32
      %get3A_409 = arith.index_cast %get3A_408 : i32 to index
      %get3A_410 = arith.index_cast %scan3A_108 : i32 to index
      %get3A_411 = arith.constant 240 : index
      %get3A_412 = tpu.vector_load %arg10[%get3A_409, %get3A_410, %get3A_411] {strides = array<i32>} : memref<3x32x768xf32, #tpu.memory_space<vmem>>, vector<1x1x16xf32>,
      %get3A_413 = vector.shape_cast %get3A_412 : vector<1x1x16xf32> to vector<16xf32>
      %get3A_414 = arith.constant 1 : i32
      %get3A_415 = arith.index_cast %get3A_414 : i32 to index
      %get3A_416 = arith.index_cast %scan3A_108 : i32 to index
      %get3A_417 = arith.constant 240 : index
      %get3A_418 = tpu.vector_load %arg10[%get3A_415, %get3A_416, %get3A_417] {strides = array<i32>} : memref<3x32x768xf32, #tpu.memory_space<vmem>>, vector<1x1x16xf32>,
      %get3A_419 = vector.shape_cast %get3A_418 : vector<1x1x16xf32> to vector<16xf32>
      %add3A_420 = arith.addf %get3A_413, %get3A_419 : vector<16xf32>
      %swap3A_421 = arith.constant 0 : i32
      %swap3A_422 = arith.index_cast %swap3A_421 : i32 to index
      %swap3A_423 = arith.index_cast %scan3A_108 : i32 to index
      %swap3A_424 = arith.constant 240 : index
      %swap3A_425 = tpu.vector_load %arg10[%swap3A_422, %swap3A_423, %swap3A_424] {strides = array<i32>} : memref<3x32x768xf32, #tpu.memory_space<vmem>>, vector<1x1x16xf32>,
      %swap3A_426 = vector.shape_cast %swap3A_425 : vector<1x1x16xf32> to vector<16xf32>
      %swap3A_427 = vector.shape_cast %add3A_420 : vector<16xf32> to vector<1x1x16xf32>
      tpu.vector_store %arg10[%swap3A_422, %swap3A_423, %swap3A_424], %swap3A_427 {strides = array<i32>} : memref<3x32x768xf32, #tpu.memory_space<vmem>>, vector<1x1x16xf32>,
      %get3A_428 = arith.constant 0 : i32
      %get3A_429 = arith.index_cast %get3A_428 : i32 to index
      %get3A_430 = arith.index_cast %scan3A_108 : i32 to index
      %get3A_431 = arith.constant 256 : index
      %get3A_432 = tpu.vector_load %arg10[%get3A_429, %get3A_430, %get3A_431] {strides = array<i32>} : memref<3x32x768xf32, #tpu.memory_space<vmem>>, vector<1x1x16xf32>,
      %get3A_433 = vector.shape_cast %get3A_432 : vector<1x1x16xf32> to vector<16xf32>
      %get3A_434 = arith.constant 1 : i32
      %get3A_435 = arith.index_cast %get3A_434 : i32 to index
      %get3A_436 = arith.index_cast %scan3A_108 : i32 to index
      %get3A_437 = arith.constant 256 : index
      %get3A_438 = tpu.vector_load %arg10[%get3A_435, %get3A_436, %get3A_437] {strides = array<i32>} : memref<3x32x768xf32, #tpu.memory_space<vmem>>, vector<1x1x16xf32>,
      %get3A_439 = vector.shape_cast %get3A_438 : vector<1x1x16xf32> to vector<16xf32>
      %add3A_440 = arith.addf %get3A_433, %get3A_439 : vector<16xf32>
      %swap3A_441 = arith.constant 0 : i32
      %swap3A_442 = arith.index_cast %swap3A_441 : i32 to index
      %swap3A_443 = arith.index_cast %scan3A_108 : i32 to index
      %swap3A_444 = arith.constant 256 : index
      %swap3A_445 = tpu.vector_load %arg10[%swap3A_442, %swap3A_443, %swap3A_444] {strides = array<i32>} : memref<3x32x768xf32, #tpu.memory_space<vmem>>, vector<1x1x16xf32>,
      %swap3A_446 = vector.shape_cast %swap3A_445 : vector<1x1x16xf32> to vector<16xf32>
      %swap3A_447 = vector.shape_cast %add3A_440 : vector<16xf32> to vector<1x1x16xf32>
      tpu.vector_store %arg10[%swap3A_442, %swap3A_443, %swap3A_444], %swap3A_447 {strides = array<i32>} : memref<3x32x768xf32, #tpu.memory_space<vmem>>, vector<1x1x16xf32>,
      %get3A_448 = arith.constant 0 : i32
      %get3A_449 = arith.index_cast %get3A_448 : i32 to index
      %get3A_450 = arith.index_cast %scan3A_108 : i32 to index
      %get3A_451 = arith.constant 272 : index
      %get3A_452 = tpu.vector_load %arg10[%get3A_449, %get3A_450, %get3A_451] {strides = array<i32>} : memref<3x32x768xf32, #tpu.memory_space<vmem>>, vector<1x1x16xf32>,
      %get3A_453 = vector.shape_cast %get3A_452 : vector<1x1x16xf32> to vector<16xf32>
      %get3A_454 = arith.constant 1 : i32
      %get3A_455 = arith.index_cast %get3A_454 : i32 to index
      %get3A_456 = arith.index_cast %scan3A_108 : i32 to index
      %get3A_457 = arith.constant 272 : index
      %get3A_458 = tpu.vector_load %arg10[%get3A_455, %get3A_456, %get3A_457] {strides = array<i32>} : memref<3x32x768xf32, #tpu.memory_space<vmem>>, vector<1x1x16xf32>,
      %get3A_459 = vector.shape_cast %get3A_458 : vector<1x1x16xf32> to vector<16xf32>
      %add3A_460 = arith.addf %get3A_453, %get3A_459 : vector<16xf32>
      %swap3A_461 = arith.constant 0 : i32
      %swap3A_462 = arith.index_cast %swap3A_461 : i32 to index
      %swap3A_463 = arith.index_cast %scan3A_108 : i32 to index
      %swap3A_464 = arith.constant 272 : index
      %swap3A_465 = tpu.vector_load %arg10[%swap3A_462, %swap3A_463, %swap3A_464] {strides = array<i32>} : memref<3x32x768xf32, #tpu.memory_space<vmem>>, vector<1x1x16xf32>,
      %swap3A_466 = vector.shape_cast %swap3A_465 : vector<1x1x16xf32> to vector<16xf32>
      %swap3A_467 = vector.shape_cast %add3A_460 : vector<16xf32> to vector<1x1x16xf32>
      tpu.vector_store %arg10[%swap3A_462, %swap3A_463, %swap3A_464], %swap3A_467 {strides = array<i32>} : memref<3x32x768xf32, #tpu.memory_space<vmem>>, vector<1x1x16xf32>,
      %get3A_468 = arith.constant 0 : i32
      %get3A_469 = arith.index_cast %get3A_468 : i32 to index
      %get3A_470 = arith.index_cast %scan3A_108 : i32 to index
      %get3A_471 = arith.constant 288 : index
      %get3A_472 = tpu.vector_load %arg10[%get3A_469, %get3A_470, %get3A_471] {strides = array<i32>} : memref<3x32x768xf32, #tpu.memory_space<vmem>>, vector<1x1x16xf32>,
      %get3A_473 = vector.shape_cast %get3A_472 : vector<1x1x16xf32> to vector<16xf32>
      %get3A_474 = arith.constant 1 : i32
      %get3A_475 = arith.index_cast %get3A_474 : i32 to index
      %get3A_476 = arith.index_cast %scan3A_108 : i32 to index
      %get3A_477 = arith.constant 288 : index
      %get3A_478 = tpu.vector_load %arg10[%get3A_475, %get3A_476, %get3A_477] {strides = array<i32>} : memref<3x32x768xf32, #tpu.memory_space<vmem>>, vector<1x1x16xf32>,
      %get3A_479 = vector.shape_cast %get3A_478 : vector<1x1x16xf32> to vector<16xf32>
      %add3A_480 = arith.addf %get3A_473, %get3A_479 : vector<16xf32>
      %swap3A_481 = arith.constant 0 : i32
      %swap3A_482 = arith.index_cast %swap3A_481 : i32 to index
      %swap3A_483 = arith.index_cast %scan3A_108 : i32 to index
      %swap3A_484 = arith.constant 288 : index
      %swap3A_485 = tpu.vector_load %arg10[%swap3A_482, %swap3A_483, %swap3A_484] {strides = array<i32>} : memref<3x32x768xf32, #tpu.memory_space<vmem>>, vector<1x1x16xf32>,
      %swap3A_486 = vector.shape_cast %swap3A_485 : vector<1x1x16xf32> to vector<16xf32>
      %swap3A_487 = vector.shape_cast %add3A_480 : vector<16xf32> to vector<1x1x16xf32>
      tpu.vector_store %arg10[%swap3A_482, %swap3A_483, %swap3A_484], %swap3A_487 {strides = array<i32>} : memref<3x32x768xf32, #tpu.memory_space<vmem>>, vector<1x1x16xf32>,
      %get3A_488 = arith.constant 0 : i32
      %get3A_489 = arith.index_cast %get3A_488 : i32 to index
      %get3A_490 = arith.index_cast %scan3A_108 : i32 to index
      %get3A_491 = arith.constant 304 : index
      %get3A_492 = tpu.vector_load %arg10[%get3A_489, %get3A_490, %get3A_491] {strides = array<i32>} : memref<3x32x768xf32, #tpu.memory_space<vmem>>, vector<1x1x16xf32>,
      %get3A_493 = vector.shape_cast %get3A_492 : vector<1x1x16xf32> to vector<16xf32>
      %get3A_494 = arith.constant 1 : i32
      %get3A_495 = arith.index_cast %get3A_494 : i32 to index
      %get3A_496 = arith.index_cast %scan3A_108 : i32 to index
      %get3A_497 = arith.constant 304 : index
      %get3A_498 = tpu.vector_load %arg10[%get3A_495, %get3A_496, %get3A_497] {strides = array<i32>} : memref<3x32x768xf32, #tpu.memory_space<vmem>>, vector<1x1x16xf32>,
      %get3A_499 = vector.shape_cast %get3A_498 : vector<1x1x16xf32> to vector<16xf32>
      %add3A_500 = arith.addf %get3A_493, %get3A_499 : vector<16xf32>
      %swap3A_501 = arith.constant 0 : i32
      %swap3A_502 = arith.index_cast %swap3A_501 : i32 to index
      %swap3A_503 = arith.index_cast %scan3A_108 : i32 to index
      %swap3A_504 = arith.constant 304 : index
      %swap3A_505 = tpu.vector_load %arg10[%swap3A_502, %swap3A_503, %swap3A_504] {strides = array<i32>} : memref<3x32x768xf32, #tpu.memory_space<vmem>>, vector<1x1x16xf32>,
      %swap3A_506 = vector.shape_cast %swap3A_505 : vector<1x1x16xf32> to vector<16xf32>
      %swap3A_507 = vector.shape_cast %add3A_500 : vector<16xf32> to vector<1x1x16xf32>
      tpu.vector_store %arg10[%swap3A_502, %swap3A_503, %swap3A_504], %swap3A_507 {strides = array<i32>} : memref<3x32x768xf32, #tpu.memory_space<vmem>>, vector<1x1x16xf32>,
      %get3A_508 = arith.constant 0 : i32
      %get3A_509 = arith.index_cast %get3A_508 : i32 to index
      %get3A_510 = arith.index_cast %scan3A_108 : i32 to index
      %get3A_511 = arith.constant 320 : index
      %get3A_512 = tpu.vector_load %arg10[%get3A_509, %get3A_510, %get3A_511] {strides = array<i32>} : memref<3x32x768xf32, #tpu.memory_space<vmem>>, vector<1x1x16xf32>,
      %get3A_513 = vector.shape_cast %get3A_512 : vector<1x1x16xf32> to vector<16xf32>
      %get3A_514 = arith.constant 1 : i32
      %get3A_515 = arith.index_cast %get3A_514 : i32 to index
      %get3A_516 = arith.index_cast %scan3A_108 : i32 to index
      %get3A_517 = arith.constant 320 : index
      %get3A_518 = tpu.vector_load %arg10[%get3A_515, %get3A_516, %get3A_517] {strides = array<i32>} : memref<3x32x768xf32, #tpu.memory_space<vmem>>, vector<1x1x16xf32>,
      %get3A_519 = vector.shape_cast %get3A_518 : vector<1x1x16xf32> to vector<16xf32>
      %add3A_520 = arith.addf %get3A_513, %get3A_519 : vector<16xf32>
      %swap3A_521 = arith.constant 0 : i32
      %swap3A_522 = arith.index_cast %swap3A_521 : i32 to index
      %swap3A_523 = arith.index_cast %scan3A_108 : i32 to index
      %swap3A_524 = arith.constant 320 : index
      %swap3A_525 = tpu.vector_load %arg10[%swap3A_522, %swap3A_523, %swap3A_524] {strides = array<i32>} : memref<3x32x768xf32, #tpu.memory_space<vmem>>, vector<1x1x16xf32>,
      %swap3A_526 = vector.shape_cast %swap3A_525 : vector<1x1x16xf32> to vector<16xf32>
      %swap3A_527 = vector.shape_cast %add3A_520 : vector<16xf32> to vector<1x1x16xf32>
      tpu.vector_store %arg10[%swap3A_522, %swap3A_523, %swap3A_524], %swap3A_527 {strides = array<i32>} : memref<3x32x768xf32, #tpu.memory_space<vmem>>, vector<1x1x16xf32>,
      %get3A_528 = arith.constant 0 : i32
      %get3A_529 = arith.index_cast %get3A_528 : i32 to index
      %get3A_530 = arith.index_cast %scan3A_108 : i32 to index
      %get3A_531 = arith.constant 336 : index
      %get3A_532 = tpu.vector_load %arg10[%get3A_529, %get3A_530, %get3A_531] {strides = array<i32>} : memref<3x32x768xf32, #tpu.memory_space<vmem>>, vector<1x1x16xf32>,
      %get3A_533 = vector.shape_cast %get3A_532 : vector<1x1x16xf32> to vector<16xf32>
      %get3A_534 = arith.constant 1 : i32
      %get3A_535 = arith.index_cast %get3A_534 : i32 to index
      %get3A_536 = arith.index_cast %scan3A_108 : i32 to index
      %get3A_537 = arith.constant 336 : index
      %get3A_538 = tpu.vector_load %arg10[%get3A_535, %get3A_536, %get3A_537] {strides = array<i32>} : memref<3x32x768xf32, #tpu.memory_space<vmem>>, vector<1x1x16xf32>,
      %get3A_539 = vector.shape_cast %get3A_538 : vector<1x1x16xf32> to vector<16xf32>
      %add3A_540 = arith.addf %get3A_533, %get3A_539 : vector<16xf32>
      %swap3A_541 = arith.constant 0 : i32
      %swap3A_542 = arith.index_cast %swap3A_541 : i32 to index
      %swap3A_543 = arith.index_cast %scan3A_108 : i32 to index
      %swap3A_544 = arith.constant 336 : index
      %swap3A_545 = tpu.vector_load %arg10[%swap3A_542, %swap3A_543, %swap3A_544] {strides = array<i32>} : memref<3x32x768xf32, #tpu.memory_space<vmem>>, vector<1x1x16xf32>,
      %swap3A_546 = vector.shape_cast %swap3A_545 : vector<1x1x16xf32> to vector<16xf32>
      %swap3A_547 = vector.shape_cast %add3A_540 : vector<16xf32> to vector<1x1x16xf32>
      tpu.vector_store %arg10[%swap3A_542, %swap3A_543, %swap3A_544], %swap3A_547 {strides = array<i32>} : memref<3x32x768xf32, #tpu.memory_space<vmem>>, vector<1x1x16xf32>,
      %get3A_548 = arith.constant 0 : i32
      %get3A_549 = arith.index_cast %get3A_548 : i32 to index
      %get3A_550 = arith.index_cast %scan3A_108 : i32 to index
      %get3A_551 = arith.constant 352 : index
      %get3A_552 = tpu.vector_load %arg10[%get3A_549, %get3A_550, %get3A_551] {strides = array<i32>} : memref<3x32x768xf32, #tpu.memory_space<vmem>>, vector<1x1x16xf32>,
      %get3A_553 = vector.shape_cast %get3A_552 : vector<1x1x16xf32> to vector<16xf32>
      %get3A_554 = arith.constant 1 : i32
      %get3A_555 = arith.index_cast %get3A_554 : i32 to index
      %get3A_556 = arith.index_cast %scan3A_108 : i32 to index
      %get3A_557 = arith.constant 352 : index
      %get3A_558 = tpu.vector_load %arg10[%get3A_555, %get3A_556, %get3A_557] {strides = array<i32>} : memref<3x32x768xf32, #tpu.memory_space<vmem>>, vector<1x1x16xf32>,
      %get3A_559 = vector.shape_cast %get3A_558 : vector<1x1x16xf32> to vector<16xf32>
      %add3A_560 = arith.addf %get3A_553, %get3A_559 : vector<16xf32>
      %swap3A_561 = arith.constant 0 : i32
      %swap3A_562 = arith.index_cast %swap3A_561 : i32 to index
      %swap3A_563 = arith.index_cast %scan3A_108 : i32 to index
      %swap3A_564 = arith.constant 352 : index
      %swap3A_565 = tpu.vector_load %arg10[%swap3A_562, %swap3A_563, %swap3A_564] {strides = array<i32>} : memref<3x32x768xf32, #tpu.memory_space<vmem>>, vector<1x1x16xf32>,
      %swap3A_566 = vector.shape_cast %swap3A_565 : vector<1x1x16xf32> to vector<16xf32>
      %swap3A_567 = vector.shape_cast %add3A_560 : vector<16xf32> to vector<1x1x16xf32>
      tpu.vector_store %arg10[%swap3A_562, %swap3A_563, %swap3A_564], %swap3A_567 {strides = array<i32>} : memref<3x32x768xf32, #tpu.memory_space<vmem>>, vector<1x1x16xf32>,
      %get3A_568 = arith.constant 0 : i32
      %get3A_569 = arith.index_cast %get3A_568 : i32 to index
      %get3A_570 = arith.index_cast %scan3A_108 : i32 to index
      %get3A_571 = arith.constant 368 : index
      %get3A_572 = tpu.vector_load %arg10[%get3A_569, %get3A_570, %get3A_571] {strides = array<i32>} : memref<3x32x768xf32, #tpu.memory_space<vmem>>, vector<1x1x16xf32>,
      %get3A_573 = vector.shape_cast %get3A_572 : vector<1x1x16xf32> to vector<16xf32>
      %get3A_574 = arith.constant 1 : i32
      %get3A_575 = arith.index_cast %get3A_574 : i32 to index
      %get3A_576 = arith.index_cast %scan3A_108 : i32 to index
      %get3A_577 = arith.constant 368 : index
      %get3A_578 = tpu.vector_load %arg10[%get3A_575, %get3A_576, %get3A_577] {strides = array<i32>} : memref<3x32x768xf32, #tpu.memory_space<vmem>>, vector<1x1x16xf32>,
      %get3A_579 = vector.shape_cast %get3A_578 : vector<1x1x16xf32> to vector<16xf32>
      %add3A_580 = arith.addf %get3A_573, %get3A_579 : vector<16xf32>
      %swap3A_581 = arith.constant 0 : i32
      %swap3A_582 = arith.index_cast %swap3A_581 : i32 to index
      %swap3A_583 = arith.index_cast %scan3A_108 : i32 to index
      %swap3A_584 = arith.constant 368 : index
      %swap3A_585 = tpu.vector_load %arg10[%swap3A_582, %swap3A_583, %swap3A_584] {strides = array<i32>} : memref<3x32x768xf32, #tpu.memory_space<vmem>>, vector<1x1x16xf32>,
      %swap3A_586 = vector.shape_cast %swap3A_585 : vector<1x1x16xf32> to vector<16xf32>
      %swap3A_587 = vector.shape_cast %add3A_580 : vector<16xf32> to vector<1x1x16xf32>
      tpu.vector_store %arg10[%swap3A_582, %swap3A_583, %swap3A_584], %swap3A_587 {strides = array<i32>} : memref<3x32x768xf32, #tpu.memory_space<vmem>>, vector<1x1x16xf32>,
      %get3A_588 = arith.constant 0 : i32
      %get3A_589 = arith.index_cast %get3A_588 : i32 to index
      %get3A_590 = arith.index_cast %scan3A_108 : i32 to index
      %get3A_591 = arith.constant 384 : index
      %get3A_592 = tpu.vector_load %arg10[%get3A_589, %get3A_590, %get3A_591] {strides = array<i32>} : memref<3x32x768xf32, #tpu.memory_space<vmem>>, vector<1x1x16xf32>,
      %get3A_593 = vector.shape_cast %get3A_592 : vector<1x1x16xf32> to vector<16xf32>
      %get3A_594 = arith.constant 1 : i32
      %get3A_595 = arith.index_cast %get3A_594 : i32 to index
      %get3A_596 = arith.index_cast %scan3A_108 : i32 to index
      %get3A_597 = arith.constant 384 : index
      %get3A_598 = tpu.vector_load %arg10[%get3A_595, %get3A_596, %get3A_597] {strides = array<i32>} : memref<3x32x768xf32, #tpu.memory_space<vmem>>, vector<1x1x16xf32>,
      %get3A_599 = vector.shape_cast %get3A_598 : vector<1x1x16xf32> to vector<16xf32>
      %add3A_600 = arith.addf %get3A_593, %get3A_599 : vector<16xf32>
      %swap3A_601 = arith.constant 0 : i32
      %swap3A_602 = arith.index_cast %swap3A_601 : i32 to index
      %swap3A_603 = arith.index_cast %scan3A_108 : i32 to index
      %swap3A_604 = arith.constant 384 : index
      %swap3A_605 = tpu.vector_load %arg10[%swap3A_602, %swap3A_603, %swap3A_604] {strides = array<i32>} : memref<3x32x768xf32, #tpu.memory_space<vmem>>, vector<1x1x16xf32>,
      %swap3A_606 = vector.shape_cast %swap3A_605 : vector<1x1x16xf32> to vector<16xf32>
      %swap3A_607 = vector.shape_cast %add3A_600 : vector<16xf32> to vector<1x1x16xf32>
      tpu.vector_store %arg10[%swap3A_602, %swap3A_603, %swap3A_604], %swap3A_607 {strides = array<i32>} : memref<3x32x768xf32, #tpu.memory_space<vmem>>, vector<1x1x16xf32>,
      %get3A_608 = arith.constant 0 : i32
      %get3A_609 = arith.index_cast %get3A_608 : i32 to index
      %get3A_610 = arith.index_cast %scan3A_108 : i32 to index
      %get3A_611 = arith.constant 400 : index
      %get3A_612 = tpu.vector_load %arg10[%get3A_609, %get3A_610, %get3A_611] {strides = array<i32>} : memref<3x32x768xf32, #tpu.memory_space<vmem>>, vector<1x1x16xf32>,
      %get3A_613 = vector.shape_cast %get3A_612 : vector<1x1x16xf32> to vector<16xf32>
      %get3A_614 = arith.constant 1 : i32
      %get3A_615 = arith.index_cast %get3A_614 : i32 to index
      %get3A_616 = arith.index_cast %scan3A_108 : i32 to index
      %get3A_617 = arith.constant 400 : index
      %get3A_618 = tpu.vector_load %arg10[%get3A_615, %get3A_616, %get3A_617] {strides = array<i32>} : memref<3x32x768xf32, #tpu.memory_space<vmem>>, vector<1x1x16xf32>,
      %get3A_619 = vector.shape_cast %get3A_618 : vector<1x1x16xf32> to vector<16xf32>
      %add3A_620 = arith.addf %get3A_613, %get3A_619 : vector<16xf32>
      %swap3A_621 = arith.constant 0 : i32
      %swap3A_622 = arith.index_cast %swap3A_621 : i32 to index
      %swap3A_623 = arith.index_cast %scan3A_108 : i32 to index
      %swap3A_624 = arith.constant 400 : index
      %swap3A_625 = tpu.vector_load %arg10[%swap3A_622, %swap3A_623, %swap3A_624] {strides = array<i32>} : memref<3x32x768xf32, #tpu.memory_space<vmem>>, vector<1x1x16xf32>,
      %swap3A_626 = vector.shape_cast %swap3A_625 : vector<1x1x16xf32> to vector<16xf32>
      %swap3A_627 = vector.shape_cast %add3A_620 : vector<16xf32> to vector<1x1x16xf32>
      tpu.vector_store %arg10[%swap3A_622, %swap3A_623, %swap3A_624], %swap3A_627 {strides = array<i32>} : memref<3x32x768xf32, #tpu.memory_space<vmem>>, vector<1x1x16xf32>,
      %get3A_628 = arith.constant 0 : i32
      %get3A_629 = arith.index_cast %get3A_628 : i32 to index
      %get3A_630 = arith.index_cast %scan3A_108 : i32 to index
      %get3A_631 = arith.constant 416 : index
      %get3A_632 = tpu.vector_load %arg10[%get3A_629, %get3A_630, %get3A_631] {strides = array<i32>} : memref<3x32x768xf32, #tpu.memory_space<vmem>>, vector<1x1x16xf32>,
      %get3A_633 = vector.shape_cast %get3A_632 : vector<1x1x16xf32> to vector<16xf32>
      %get3A_634 = arith.constant 1 : i32
      %get3A_635 = arith.index_cast %get3A_634 : i32 to index
      %get3A_636 = arith.index_cast %scan3A_108 : i32 to index
      %get3A_637 = arith.constant 416 : index
      %get3A_638 = tpu.vector_load %arg10[%get3A_635, %get3A_636, %get3A_637] {strides = array<i32>} : memref<3x32x768xf32, #tpu.memory_space<vmem>>, vector<1x1x16xf32>,
      %get3A_639 = vector.shape_cast %get3A_638 : vector<1x1x16xf32> to vector<16xf32>
      %add3A_640 = arith.addf %get3A_633, %get3A_639 : vector<16xf32>
      %swap3A_641 = arith.constant 0 : i32
      %swap3A_642 = arith.index_cast %swap3A_641 : i32 to index
      %swap3A_643 = arith.index_cast %scan3A_108 : i32 to index
      %swap3A_644 = arith.constant 416 : index
      %swap3A_645 = tpu.vector_load %arg10[%swap3A_642, %swap3A_643, %swap3A_644] {strides = array<i32>} : memref<3x32x768xf32, #tpu.memory_space<vmem>>, vector<1x1x16xf32>,
      %swap3A_646 = vector.shape_cast %swap3A_645 : vector<1x1x16xf32> to vector<16xf32>
      %swap3A_647 = vector.shape_cast %add3A_640 : vector<16xf32> to vector<1x1x16xf32>
      tpu.vector_store %arg10[%swap3A_642, %swap3A_643, %swap3A_644], %swap3A_647 {strides = array<i32>} : memref<3x32x768xf32, #tpu.memory_space<vmem>>, vector<1x1x16xf32>,
      %get3A_648 = arith.constant 0 : i32
      %get3A_649 = arith.index_cast %get3A_648 : i32 to index
      %get3A_650 = arith.index_cast %scan3A_108 : i32 to index
      %get3A_651 = arith.constant 432 : index
      %get3A_652 = tpu.vector_load %arg10[%get3A_649, %get3A_650, %get3A_651] {strides = array<i32>} : memref<3x32x768xf32, #tpu.memory_space<vmem>>, vector<1x1x16xf32>,
      %get3A_653 = vector.shape_cast %get3A_652 : vector<1x1x16xf32> to vector<16xf32>
      %get3A_654 = arith.constant 1 : i32
      %get3A_655 = arith.index_cast %get3A_654 : i32 to index
      %get3A_656 = arith.index_cast %scan3A_108 : i32 to index
      %get3A_657 = arith.constant 432 : index
      %get3A_658 = tpu.vector_load %arg10[%get3A_655, %get3A_656, %get3A_657] {strides = array<i32>} : memref<3x32x768xf32, #tpu.memory_space<vmem>>, vector<1x1x16xf32>,
      %get3A_659 = vector.shape_cast %get3A_658 : vector<1x1x16xf32> to vector<16xf32>
      %add3A_660 = arith.addf %get3A_653, %get3A_659 : vector<16xf32>
      %swap3A_661 = arith.constant 0 : i32
      %swap3A_662 = arith.index_cast %swap3A_661 : i32 to index
      %swap3A_663 = arith.index_cast %scan3A_108 : i32 to index
      %swap3A_664 = arith.constant 432 : index
      %swap3A_665 = tpu.vector_load %arg10[%swap3A_662, %swap3A_663, %swap3A_664] {strides = array<i32>} : memref<3x32x768xf32, #tpu.memory_space<vmem>>, vector<1x1x16xf32>,
      %swap3A_666 = vector.shape_cast %swap3A_665 : vector<1x1x16xf32> to vector<16xf32>
      %swap3A_667 = vector.shape_cast %add3A_660 : vector<16xf32> to vector<1x1x16xf32>
      tpu.vector_store %arg10[%swap3A_662, %swap3A_663, %swap3A_664], %swap3A_667 {strides = array<i32>} : memref<3x32x768xf32, #tpu.memory_space<vmem>>, vector<1x1x16xf32>,
      %get3A_668 = arith.constant 0 : i32
      %get3A_669 = arith.index_cast %get3A_668 : i32 to index
      %get3A_670 = arith.index_cast %scan3A_108 : i32 to index
      %get3A_671 = arith.constant 448 : index
      %get3A_672 = tpu.vector_load %arg10[%get3A_669, %get3A_670, %get3A_671] {strides = array<i32>} : memref<3x32x768xf32, #tpu.memory_space<vmem>>, vector<1x1x16xf32>,
      %get3A_673 = vector.shape_cast %get3A_672 : vector<1x1x16xf32> to vector<16xf32>
      %get3A_674 = arith.constant 1 : i32
      %get3A_675 = arith.index_cast %get3A_674 : i32 to index
      %get3A_676 = arith.index_cast %scan3A_108 : i32 to index
      %get3A_677 = arith.constant 448 : index
      %get3A_678 = tpu.vector_load %arg10[%get3A_675, %get3A_676, %get3A_677] {strides = array<i32>} : memref<3x32x768xf32, #tpu.memory_space<vmem>>, vector<1x1x16xf32>,
      %get3A_679 = vector.shape_cast %get3A_678 : vector<1x1x16xf32> to vector<16xf32>
      %add3A_680 = arith.addf %get3A_673, %get3A_679 : vector<16xf32>
      %swap3A_681 = arith.constant 0 : i32
      %swap3A_682 = arith.index_cast %swap3A_681 : i32 to index
      %swap3A_683 = arith.index_cast %scan3A_108 : i32 to index
      %swap3A_684 = arith.constant 448 : index
      %swap3A_685 = tpu.vector_load %arg10[%swap3A_682, %swap3A_683, %swap3A_684] {strides = array<i32>} : memref<3x32x768xf32, #tpu.memory_space<vmem>>, vector<1x1x16xf32>,
      %swap3A_686 = vector.shape_cast %swap3A_685 : vector<1x1x16xf32> to vector<16xf32>
      %swap3A_687 = vector.shape_cast %add3A_680 : vector<16xf32> to vector<1x1x16xf32>
      tpu.vector_store %arg10[%swap3A_682, %swap3A_683, %swap3A_684], %swap3A_687 {strides = array<i32>} : memref<3x32x768xf32, #tpu.memory_space<vmem>>, vector<1x1x16xf32>,
      %get3A_688 = arith.constant 0 : i32
      %get3A_689 = arith.index_cast %get3A_688 : i32 to index
      %get3A_690 = arith.index_cast %scan3A_108 : i32 to index
      %get3A_691 = arith.constant 464 : index
      %get3A_692 = tpu.vector_load %arg10[%get3A_689, %get3A_690, %get3A_691] {strides = array<i32>} : memref<3x32x768xf32, #tpu.memory_space<vmem>>, vector<1x1x16xf32>,
      %get3A_693 = vector.shape_cast %get3A_692 : vector<1x1x16xf32> to vector<16xf32>
      %get3A_694 = arith.constant 1 : i32
      %get3A_695 = arith.index_cast %get3A_694 : i32 to index
      %get3A_696 = arith.index_cast %scan3A_108 : i32 to index
      %get3A_697 = arith.constant 464 : index
      %get3A_698 = tpu.vector_load %arg10[%get3A_695, %get3A_696, %get3A_697] {strides = array<i32>} : memref<3x32x768xf32, #tpu.memory_space<vmem>>, vector<1x1x16xf32>,
      %get3A_699 = vector.shape_cast %get3A_698 : vector<1x1x16xf32> to vector<16xf32>
      %add3A_700 = arith.addf %get3A_693, %get3A_699 : vector<16xf32>
      %swap3A_701 = arith.constant 0 : i32
      %swap3A_702 = arith.index_cast %swap3A_701 : i32 to index
      %swap3A_703 = arith.index_cast %scan3A_108 : i32 to index
      %swap3A_704 = arith.constant 464 : index
      %swap3A_705 = tpu.vector_load %arg10[%swap3A_702, %swap3A_703, %swap3A_704] {strides = array<i32>} : memref<3x32x768xf32, #tpu.memory_space<vmem>>, vector<1x1x16xf32>,
      %swap3A_706 = vector.shape_cast %swap3A_705 : vector<1x1x16xf32> to vector<16xf32>
      %swap3A_707 = vector.shape_cast %add3A_700 : vector<16xf32> to vector<1x1x16xf32>
      tpu.vector_store %arg10[%swap3A_702, %swap3A_703, %swap3A_704], %swap3A_707 {strides = array<i32>} : memref<3x32x768xf32, #tpu.memory_space<vmem>>, vector<1x1x16xf32>,
      %get3A_708 = arith.constant 0 : i32
      %get3A_709 = arith.index_cast %get3A_708 : i32 to index
      %get3A_710 = arith.index_cast %scan3A_108 : i32 to index
      %get3A_711 = arith.constant 480 : index
      %get3A_712 = tpu.vector_load %arg10[%get3A_709, %get3A_710, %get3A_711] {strides = array<i32>} : memref<3x32x768xf32, #tpu.memory_space<vmem>>, vector<1x1x16xf32>,
      %get3A_713 = vector.shape_cast %get3A_712 : vector<1x1x16xf32> to vector<16xf32>
      %get3A_714 = arith.constant 1 : i32
      %get3A_715 = arith.index_cast %get3A_714 : i32 to index
      %get3A_716 = arith.index_cast %scan3A_108 : i32 to index
      %get3A_717 = arith.constant 480 : index
      %get3A_718 = tpu.vector_load %arg10[%get3A_715, %get3A_716, %get3A_717] {strides = array<i32>} : memref<3x32x768xf32, #tpu.memory_space<vmem>>, vector<1x1x16xf32>,
      %get3A_719 = vector.shape_cast %get3A_718 : vector<1x1x16xf32> to vector<16xf32>
      %add3A_720 = arith.addf %get3A_713, %get3A_719 : vector<16xf32>
      %swap3A_721 = arith.constant 0 : i32
      %swap3A_722 = arith.index_cast %swap3A_721 : i32 to index
      %swap3A_723 = arith.index_cast %scan3A_108 : i32 to index
      %swap3A_724 = arith.constant 480 : index
      %swap3A_725 = tpu.vector_load %arg10[%swap3A_722, %swap3A_723, %swap3A_724] {strides = array<i32>} : memref<3x32x768xf32, #tpu.memory_space<vmem>>, vector<1x1x16xf32>,
      %swap3A_726 = vector.shape_cast %swap3A_725 : vector<1x1x16xf32> to vector<16xf32>
      %swap3A_727 = vector.shape_cast %add3A_720 : vector<16xf32> to vector<1x1x16xf32>
      tpu.vector_store %arg10[%swap3A_722, %swap3A_723, %swap3A_724], %swap3A_727 {strides = array<i32>} : memref<3x32x768xf32, #tpu.memory_space<vmem>>, vector<1x1x16xf32>,
      %get3A_728 = arith.constant 0 : i32
      %get3A_729 = arith.index_cast %get3A_728 : i32 to index
      %get3A_730 = arith.index_cast %scan3A_108 : i32 to index
      %get3A_731 = arith.constant 496 : index
      %get3A_732 = tpu.vector_load %arg10[%get3A_729, %get3A_730, %get3A_731] {strides = array<i32>} : memref<3x32x768xf32, #tpu.memory_space<vmem>>, vector<1x1x16xf32>,
      %get3A_733 = vector.shape_cast %get3A_732 : vector<1x1x16xf32> to vector<16xf32>
      %get3A_734 = arith.constant 1 : i32
      %get3A_735 = arith.index_cast %get3A_734 : i32 to index
      %get3A_736 = arith.index_cast %scan3A_108 : i32 to index
      %get3A_737 = arith.constant 496 : index
      %get3A_738 = tpu.vector_load %arg10[%get3A_735, %get3A_736, %get3A_737] {strides = array<i32>} : memref<3x32x768xf32, #tpu.memory_space<vmem>>, vector<1x1x16xf32>,
      %get3A_739 = vector.shape_cast %get3A_738 : vector<1x1x16xf32> to vector<16xf32>
      %add3A_740 = arith.addf %get3A_733, %get3A_739 : vector<16xf32>
      %swap3A_741 = arith.constant 0 : i32
      %swap3A_742 = arith.index_cast %swap3A_741 : i32 to index
      %swap3A_743 = arith.index_cast %scan3A_108 : i32 to index
      %swap3A_744 = arith.constant 496 : index
      %swap3A_745 = tpu.vector_load %arg10[%swap3A_742, %swap3A_743, %swap3A_744] {strides = array<i32>} : memref<3x32x768xf32, #tpu.memory_space<vmem>>, vector<1x1x16xf32>,
      %swap3A_746 = vector.shape_cast %swap3A_745 : vector<1x1x16xf32> to vector<16xf32>
      %swap3A_747 = vector.shape_cast %add3A_740 : vector<16xf32> to vector<1x1x16xf32>
      tpu.vector_store %arg10[%swap3A_742, %swap3A_743, %swap3A_744], %swap3A_747 {strides = array<i32>} : memref<3x32x768xf32, #tpu.memory_space<vmem>>, vector<1x1x16xf32>,
      %get3A_748 = arith.constant 0 : i32
      %get3A_749 = arith.index_cast %get3A_748 : i32 to index
      %get3A_750 = arith.index_cast %scan3A_108 : i32 to index
      %get3A_751 = arith.constant 512 : index
      %get3A_752 = tpu.vector_load %arg10[%get3A_749, %get3A_750, %get3A_751] {strides = array<i32>} : memref<3x32x768xf32, #tpu.memory_space<vmem>>, vector<1x1x16xf32>,
      %get3A_753 = vector.shape_cast %get3A_752 : vector<1x1x16xf32> to vector<16xf32>
      %get3A_754 = arith.constant 1 : i32
      %get3A_755 = arith.index_cast %get3A_754 : i32 to index
      %get3A_756 = arith.index_cast %scan3A_108 : i32 to index
      %get3A_757 = arith.constant 512 : index
      %get3A_758 = tpu.vector_load %arg10[%get3A_755, %get3A_756, %get3A_757] {strides = array<i32>} : memref<3x32x768xf32, #tpu.memory_space<vmem>>, vector<1x1x16xf32>,
      %get3A_759 = vector.shape_cast %get3A_758 : vector<1x1x16xf32> to vector<16xf32>
      %add3A_760 = arith.addf %get3A_753, %get3A_759 : vector<16xf32>
      %swap3A_761 = arith.constant 0 : i32
      %swap3A_762 = arith.index_cast %swap3A_761 : i32 to index
      %swap3A_763 = arith.index_cast %scan3A_108 : i32 to index
      %swap3A_764 = arith.constant 512 : index
      %swap3A_765 = tpu.vector_load %arg10[%swap3A_762, %swap3A_763, %swap3A_764] {strides = array<i32>} : memref<3x32x768xf32, #tpu.memory_space<vmem>>, vector<1x1x16xf32>,
      %swap3A_766 = vector.shape_cast %swap3A_765 : vector<1x1x16xf32> to vector<16xf32>
      %swap3A_767 = vector.shape_cast %add3A_760 : vector<16xf32> to vector<1x1x16xf32>
      tpu.vector_store %arg10[%swap3A_762, %swap3A_763, %swap3A_764], %swap3A_767 {strides = array<i32>} : memref<3x32x768xf32, #tpu.memory_space<vmem>>, vector<1x1x16xf32>,
      %get3A_768 = arith.constant 0 : i32
      %get3A_769 = arith.index_cast %get3A_768 : i32 to index
      %get3A_770 = arith.index_cast %scan3A_108 : i32 to index
      %get3A_771 = arith.constant 528 : index
      %get3A_772 = tpu.vector_load %arg10[%get3A_769, %get3A_770, %get3A_771] {strides = array<i32>} : memref<3x32x768xf32, #tpu.memory_space<vmem>>, vector<1x1x16xf32>,
      %get3A_773 = vector.shape_cast %get3A_772 : vector<1x1x16xf32> to vector<16xf32>
      %get3A_774 = arith.constant 1 : i32
      %get3A_775 = arith.index_cast %get3A_774 : i32 to index
      %get3A_776 = arith.index_cast %scan3A_108 : i32 to index
      %get3A_777 = arith.constant 528 : index
      %get3A_778 = tpu.vector_load %arg10[%get3A_775, %get3A_776, %get3A_777] {strides = array<i32>} : memref<3x32x768xf32, #tpu.memory_space<vmem>>, vector<1x1x16xf32>,
      %get3A_779 = vector.shape_cast %get3A_778 : vector<1x1x16xf32> to vector<16xf32>
      %add3A_780 = arith.addf %get3A_773, %get3A_779 : vector<16xf32>
      %swap3A_781 = arith.constant 0 : i32
      %swap3A_782 = arith.index_cast %swap3A_781 : i32 to index
      %swap3A_783 = arith.index_cast %scan3A_108 : i32 to index
      %swap3A_784 = arith.constant 528 : index
      %swap3A_785 = tpu.vector_load %arg10[%swap3A_782, %swap3A_783, %swap3A_784] {strides = array<i32>} : memref<3x32x768xf32, #tpu.memory_space<vmem>>, vector<1x1x16xf32>,
      %swap3A_786 = vector.shape_cast %swap3A_785 : vector<1x1x16xf32> to vector<16xf32>
      %swap3A_787 = vector.shape_cast %add3A_780 : vector<16xf32> to vector<1x1x16xf32>
      tpu.vector_store %arg10[%swap3A_782, %swap3A_783, %swap3A_784], %swap3A_787 {strides = array<i32>} : memref<3x32x768xf32, #tpu.memory_space<vmem>>, vector<1x1x16xf32>,
      %get3A_788 = arith.constant 0 : i32
      %get3A_789 = arith.index_cast %get3A_788 : i32 to index
      %get3A_790 = arith.index_cast %scan3A_108 : i32 to index
      %get3A_791 = arith.constant 544 : index
      %get3A_792 = tpu.vector_load %arg10[%get3A_789, %get3A_790, %get3A_791] {strides = array<i32>} : memref<3x32x768xf32, #tpu.memory_space<vmem>>, vector<1x1x16xf32>,
      %get3A_793 = vector.shape_cast %get3A_792 : vector<1x1x16xf32> to vector<16xf32>
      %get3A_794 = arith.constant 1 : i32
      %get3A_795 = arith.index_cast %get3A_794 : i32 to index
      %get3A_796 = arith.index_cast %scan3A_108 : i32 to index
      %get3A_797 = arith.constant 544 : index
      %get3A_798 = tpu.vector_load %arg10[%get3A_795, %get3A_796, %get3A_797] {strides = array<i32>} : memref<3x32x768xf32, #tpu.memory_space<vmem>>, vector<1x1x16xf32>,
      %get3A_799 = vector.shape_cast %get3A_798 : vector<1x1x16xf32> to vector<16xf32>
      %add3A_800 = arith.addf %get3A_793, %get3A_799 : vector<16xf32>
      %swap3A_801 = arith.constant 0 : i32
      %swap3A_802 = arith.index_cast %swap3A_801 : i32 to index
      %swap3A_803 = arith.index_cast %scan3A_108 : i32 to index
      %swap3A_804 = arith.constant 544 : index
      %swap3A_805 = tpu.vector_load %arg10[%swap3A_802, %swap3A_803, %swap3A_804] {strides = array<i32>} : memref<3x32x768xf32, #tpu.memory_space<vmem>>, vector<1x1x16xf32>,
      %swap3A_806 = vector.shape_cast %swap3A_805 : vector<1x1x16xf32> to vector<16xf32>
      %swap3A_807 = vector.shape_cast %add3A_800 : vector<16xf32> to vector<1x1x16xf32>
      tpu.vector_store %arg10[%swap3A_802, %swap3A_803, %swap3A_804], %swap3A_807 {strides = array<i32>} : memref<3x32x768xf32, #tpu.memory_space<vmem>>, vector<1x1x16xf32>,
      %get3A_808 = arith.constant 0 : i32
      %get3A_809 = arith.index_cast %get3A_808 : i32 to index
      %get3A_810 = arith.index_cast %scan3A_108 : i32 to index
      %get3A_811 = arith.constant 560 : index
      %get3A_812 = tpu.vector_load %arg10[%get3A_809, %get3A_810, %get3A_811] {strides = array<i32>} : memref<3x32x768xf32, #tpu.memory_space<vmem>>, vector<1x1x16xf32>,
      %get3A_813 = vector.shape_cast %get3A_812 : vector<1x1x16xf32> to vector<16xf32>
      %get3A_814 = arith.constant 1 : i32
      %get3A_815 = arith.index_cast %get3A_814 : i32 to index
      %get3A_816 = arith.index_cast %scan3A_108 : i32 to index
      %get3A_817 = arith.constant 560 : index
      %get3A_818 = tpu.vector_load %arg10[%get3A_815, %get3A_816, %get3A_817] {strides = array<i32>} : memref<3x32x768xf32, #tpu.memory_space<vmem>>, vector<1x1x16xf32>,
      %get3A_819 = vector.shape_cast %get3A_818 : vector<1x1x16xf32> to vector<16xf32>
      %add3A_820 = arith.addf %get3A_813, %get3A_819 : vector<16xf32>
      %swap3A_821 = arith.constant 0 : i32
      %swap3A_822 = arith.index_cast %swap3A_821 : i32 to index
      %swap3A_823 = arith.index_cast %scan3A_108 : i32 to index
      %swap3A_824 = arith.constant 560 : index
      %swap3A_825 = tpu.vector_load %arg10[%swap3A_822, %swap3A_823, %swap3A_824] {strides = array<i32>} : memref<3x32x768xf32, #tpu.memory_space<vmem>>, vector<1x1x16xf32>,
      %swap3A_826 = vector.shape_cast %swap3A_825 : vector<1x1x16xf32> to vector<16xf32>
      %swap3A_827 = vector.shape_cast %add3A_820 : vector<16xf32> to vector<1x1x16xf32>
      tpu.vector_store %arg10[%swap3A_822, %swap3A_823, %swap3A_824], %swap3A_827 {strides = array<i32>} : memref<3x32x768xf32, #tpu.memory_space<vmem>>, vector<1x1x16xf32>,
      %get3A_828 = arith.constant 0 : i32
      %get3A_829 = arith.index_cast %get3A_828 : i32 to index
      %get3A_830 = arith.index_cast %scan3A_108 : i32 to index
      %get3A_831 = arith.constant 576 : index
      %get3A_832 = tpu.vector_load %arg10[%get3A_829, %get3A_830, %get3A_831] {strides = array<i32>} : memref<3x32x768xf32, #tpu.memory_space<vmem>>, vector<1x1x16xf32>,
      %get3A_833 = vector.shape_cast %get3A_832 : vector<1x1x16xf32> to vector<16xf32>
      %get3A_834 = arith.constant 1 : i32
      %get3A_835 = arith.index_cast %get3A_834 : i32 to index
      %get3A_836 = arith.index_cast %scan3A_108 : i32 to index
      %get3A_837 = arith.constant 576 : index
      %get3A_838 = tpu.vector_load %arg10[%get3A_835, %get3A_836, %get3A_837] {strides = array<i32>} : memref<3x32x768xf32, #tpu.memory_space<vmem>>, vector<1x1x16xf32>,
      %get3A_839 = vector.shape_cast %get3A_838 : vector<1x1x16xf32> to vector<16xf32>
      %add3A_840 = arith.addf %get3A_833, %get3A_839 : vector<16xf32>
      %swap3A_841 = arith.constant 0 : i32
      %swap3A_842 = arith.index_cast %swap3A_841 : i32 to index
      %swap3A_843 = arith.index_cast %scan3A_108 : i32 to index
      %swap3A_844 = arith.constant 576 : index
      %swap3A_845 = tpu.vector_load %arg10[%swap3A_842, %swap3A_843, %swap3A_844] {strides = array<i32>} : memref<3x32x768xf32, #tpu.memory_space<vmem>>, vector<1x1x16xf32>,
      %swap3A_846 = vector.shape_cast %swap3A_845 : vector<1x1x16xf32> to vector<16xf32>
      %swap3A_847 = vector.shape_cast %add3A_840 : vector<16xf32> to vector<1x1x16xf32>
      tpu.vector_store %arg10[%swap3A_842, %swap3A_843, %swap3A_844], %swap3A_847 {strides = array<i32>} : memref<3x32x768xf32, #tpu.memory_space<vmem>>, vector<1x1x16xf32>,
      %get3A_848 = arith.constant 0 : i32
      %get3A_849 = arith.index_cast %get3A_848 : i32 to index
      %get3A_850 = arith.index_cast %scan3A_108 : i32 to index
      %get3A_851 = arith.constant 592 : index
      %get3A_852 = tpu.vector_load %arg10[%get3A_849, %get3A_850, %get3A_851] {strides = array<i32>} : memref<3x32x768xf32, #tpu.memory_space<vmem>>, vector<1x1x16xf32>,
      %get3A_853 = vector.shape_cast %get3A_852 : vector<1x1x16xf32> to vector<16xf32>
      %get3A_854 = arith.constant 1 : i32
      %get3A_855 = arith.index_cast %get3A_854 : i32 to index
      %get3A_856 = arith.index_cast %scan3A_108 : i32 to index
      %get3A_857 = arith.constant 592 : index
      %get3A_858 = tpu.vector_load %arg10[%get3A_855, %get3A_856, %get3A_857] {strides = array<i32>} : memref<3x32x768xf32, #tpu.memory_space<vmem>>, vector<1x1x16xf32>,
      %get3A_859 = vector.shape_cast %get3A_858 : vector<1x1x16xf32> to vector<16xf32>
      %add3A_860 = arith.addf %get3A_853, %get3A_859 : vector<16xf32>
      %swap3A_861 = arith.constant 0 : i32
      %swap3A_862 = arith.index_cast %swap3A_861 : i32 to index
      %swap3A_863 = arith.index_cast %scan3A_108 : i32 to index
      %swap3A_864 = arith.constant 592 : index
      %swap3A_865 = tpu.vector_load %arg10[%swap3A_862, %swap3A_863, %swap3A_864] {strides = array<i32>} : memref<3x32x768xf32, #tpu.memory_space<vmem>>, vector<1x1x16xf32>,
      %swap3A_866 = vector.shape_cast %swap3A_865 : vector<1x1x16xf32> to vector<16xf32>
      %swap3A_867 = vector.shape_cast %add3A_860 : vector<16xf32> to vector<1x1x16xf32>
      tpu.vector_store %arg10[%swap3A_862, %swap3A_863, %swap3A_864], %swap3A_867 {strides = array<i32>} : memref<3x32x768xf32, #tpu.memory_space<vmem>>, vector<1x1x16xf32>,
      %get3A_868 = arith.constant 0 : i32
      %get3A_869 = arith.index_cast %get3A_868 : i32 to index
      %get3A_870 = arith.index_cast %scan3A_108 : i32 to index
      %get3A_871 = arith.constant 608 : index
      %get3A_872 = tpu.vector_load %arg10[%get3A_869, %get3A_870, %get3A_871] {strides = array<i32>} : memref<3x32x768xf32, #tpu.memory_space<vmem>>, vector<1x1x16xf32>,
      %get3A_873 = vector.shape_cast %get3A_872 : vector<1x1x16xf32> to vector<16xf32>
      %get3A_874 = arith.constant 1 : i32
      %get3A_875 = arith.index_cast %get3A_874 : i32 to index
      %get3A_876 = arith.index_cast %scan3A_108 : i32 to index
      %get3A_877 = arith.constant 608 : index
      %get3A_878 = tpu.vector_load %arg10[%get3A_875, %get3A_876, %get3A_877] {strides = array<i32>} : memref<3x32x768xf32, #tpu.memory_space<vmem>>, vector<1x1x16xf32>,
      %get3A_879 = vector.shape_cast %get3A_878 : vector<1x1x16xf32> to vector<16xf32>
      %add3A_880 = arith.addf %get3A_873, %get3A_879 : vector<16xf32>
      %swap3A_881 = arith.constant 0 : i32
      %swap3A_882 = arith.index_cast %swap3A_881 : i32 to index
      %swap3A_883 = arith.index_cast %scan3A_108 : i32 to index
      %swap3A_884 = arith.constant 608 : index
      %swap3A_885 = tpu.vector_load %arg10[%swap3A_882, %swap3A_883, %swap3A_884] {strides = array<i32>} : memref<3x32x768xf32, #tpu.memory_space<vmem>>, vector<1x1x16xf32>,
      %swap3A_886 = vector.shape_cast %swap3A_885 : vector<1x1x16xf32> to vector<16xf32>
      %swap3A_887 = vector.shape_cast %add3A_880 : vector<16xf32> to vector<1x1x16xf32>
      tpu.vector_store %arg10[%swap3A_882, %swap3A_883, %swap3A_884], %swap3A_887 {strides = array<i32>} : memref<3x32x768xf32, #tpu.memory_space<vmem>>, vector<1x1x16xf32>,
      %get3A_888 = arith.constant 0 : i32
      %get3A_889 = arith.index_cast %get3A_888 : i32 to index
      %get3A_890 = arith.index_cast %scan3A_108 : i32 to index
      %get3A_891 = arith.constant 624 : index
      %get3A_892 = tpu.vector_load %arg10[%get3A_889, %get3A_890, %get3A_891] {strides = array<i32>} : memref<3x32x768xf32, #tpu.memory_space<vmem>>, vector<1x1x16xf32>,
      %get3A_893 = vector.shape_cast %get3A_892 : vector<1x1x16xf32> to vector<16xf32>
      %get3A_894 = arith.constant 1 : i32
      %get3A_895 = arith.index_cast %get3A_894 : i32 to index
      %get3A_896 = arith.index_cast %scan3A_108 : i32 to index
      %get3A_897 = arith.constant 624 : index
      %get3A_898 = tpu.vector_load %arg10[%get3A_895, %get3A_896, %get3A_897] {strides = array<i32>} : memref<3x32x768xf32, #tpu.memory_space<vmem>>, vector<1x1x16xf32>,
      %get3A_899 = vector.shape_cast %get3A_898 : vector<1x1x16xf32> to vector<16xf32>
      %add3A_900 = arith.addf %get3A_893, %get3A_899 : vector<16xf32>
      %swap3A_901 = arith.constant 0 : i32
      %swap3A_902 = arith.index_cast %swap3A_901 : i32 to index
      %swap3A_903 = arith.index_cast %scan3A_108 : i32 to index
      %swap3A_904 = arith.constant 624 : index
      %swap3A_905 = tpu.vector_load %arg10[%swap3A_902, %swap3A_903, %swap3A_904] {strides = array<i32>} : memref<3x32x768xf32, #tpu.memory_space<vmem>>, vector<1x1x16xf32>,
      %swap3A_906 = vector.shape_cast %swap3A_905 : vector<1x1x16xf32> to vector<16xf32>
      %swap3A_907 = vector.shape_cast %add3A_900 : vector<16xf32> to vector<1x1x16xf32>
      tpu.vector_store %arg10[%swap3A_902, %swap3A_903, %swap3A_904], %swap3A_907 {strides = array<i32>} : memref<3x32x768xf32, #tpu.memory_space<vmem>>, vector<1x1x16xf32>,
      %get3A_908 = arith.constant 0 : i32
      %get3A_909 = arith.index_cast %get3A_908 : i32 to index
      %get3A_910 = arith.index_cast %scan3A_108 : i32 to index
      %get3A_911 = arith.constant 640 : index
      %get3A_912 = tpu.vector_load %arg10[%get3A_909, %get3A_910, %get3A_911] {strides = array<i32>} : memref<3x32x768xf32, #tpu.memory_space<vmem>>, vector<1x1x16xf32>,
      %get3A_913 = vector.shape_cast %get3A_912 : vector<1x1x16xf32> to vector<16xf32>
      %get3A_914 = arith.constant 1 : i32
      %get3A_915 = arith.index_cast %get3A_914 : i32 to index
      %get3A_916 = arith.index_cast %scan3A_108 : i32 to index
      %get3A_917 = arith.constant 640 : index
      %get3A_918 = tpu.vector_load %arg10[%get3A_915, %get3A_916, %get3A_917] {strides = array<i32>} : memref<3x32x768xf32, #tpu.memory_space<vmem>>, vector<1x1x16xf32>,
      %get3A_919 = vector.shape_cast %get3A_918 : vector<1x1x16xf32> to vector<16xf32>
      %add3A_920 = arith.addf %get3A_913, %get3A_919 : vector<16xf32>
      %swap3A_921 = arith.constant 0 : i32
      %swap3A_922 = arith.index_cast %swap3A_921 : i32 to index
      %swap3A_923 = arith.index_cast %scan3A_108 : i32 to index
      %swap3A_924 = arith.constant 640 : index
      %swap3A_925 = tpu.vector_load %arg10[%swap3A_922, %swap3A_923, %swap3A_924] {strides = array<i32>} : memref<3x32x768xf32, #tpu.memory_space<vmem>>, vector<1x1x16xf32>,
      %swap3A_926 = vector.shape_cast %swap3A_925 : vector<1x1x16xf32> to vector<16xf32>
      %swap3A_927 = vector.shape_cast %add3A_920 : vector<16xf32> to vector<1x1x16xf32>
      tpu.vector_store %arg10[%swap3A_922, %swap3A_923, %swap3A_924], %swap3A_927 {strides = array<i32>} : memref<3x32x768xf32, #tpu.memory_space<vmem>>, vector<1x1x16xf32>,
      %get3A_928 = arith.constant 0 : i32
      %get3A_929 = arith.index_cast %get3A_928 : i32 to index
      %get3A_930 = arith.index_cast %scan3A_108 : i32 to index
      %get3A_931 = arith.constant 656 : index
      %get3A_932 = tpu.vector_load %arg10[%get3A_929, %get3A_930, %get3A_931] {strides = array<i32>} : memref<3x32x768xf32, #tpu.memory_space<vmem>>, vector<1x1x16xf32>,
      %get3A_933 = vector.shape_cast %get3A_932 : vector<1x1x16xf32> to vector<16xf32>
      %get3A_934 = arith.constant 1 : i32
      %get3A_935 = arith.index_cast %get3A_934 : i32 to index
      %get3A_936 = arith.index_cast %scan3A_108 : i32 to index
      %get3A_937 = arith.constant 656 : index
      %get3A_938 = tpu.vector_load %arg10[%get3A_935, %get3A_936, %get3A_937] {strides = array<i32>} : memref<3x32x768xf32, #tpu.memory_space<vmem>>, vector<1x1x16xf32>,
      %get3A_939 = vector.shape_cast %get3A_938 : vector<1x1x16xf32> to vector<16xf32>
      %add3A_940 = arith.addf %get3A_933, %get3A_939 : vector<16xf32>
      %swap3A_941 = arith.constant 0 : i32
      %swap3A_942 = arith.index_cast %swap3A_941 : i32 to index
      %swap3A_943 = arith.index_cast %scan3A_108 : i32 to index
      %swap3A_944 = arith.constant 656 : index
      %swap3A_945 = tpu.vector_load %arg10[%swap3A_942, %swap3A_943, %swap3A_944] {strides = array<i32>} : memref<3x32x768xf32, #tpu.memory_space<vmem>>, vector<1x1x16xf32>,
      %swap3A_946 = vector.shape_cast %swap3A_945 : vector<1x1x16xf32> to vector<16xf32>
      %swap3A_947 = vector.shape_cast %add3A_940 : vector<16xf32> to vector<1x1x16xf32>
      tpu.vector_store %arg10[%swap3A_942, %swap3A_943, %swap3A_944], %swap3A_947 {strides = array<i32>} : memref<3x32x768xf32, #tpu.memory_space<vmem>>, vector<1x1x16xf32>,
      %get3A_948 = arith.constant 0 : i32
      %get3A_949 = arith.index_cast %get3A_948 : i32 to index
      %get3A_950 = arith.index_cast %scan3A_108 : i32 to index
      %get3A_951 = arith.constant 672 : index
      %get3A_952 = tpu.vector_load %arg10[%get3A_949, %get3A_950, %get3A_951] {strides = array<i32>} : memref<3x32x768xf32, #tpu.memory_space<vmem>>, vector<1x1x16xf32>,
      %get3A_953 = vector.shape_cast %get3A_952 : vector<1x1x16xf32> to vector<16xf32>
      %get3A_954 = arith.constant 1 : i32
      %get3A_955 = arith.index_cast %get3A_954 : i32 to index
      %get3A_956 = arith.index_cast %scan3A_108 : i32 to index
      %get3A_957 = arith.constant 672 : index
      %get3A_958 = tpu.vector_load %arg10[%get3A_955, %get3A_956, %get3A_957] {strides = array<i32>} : memref<3x32x768xf32, #tpu.memory_space<vmem>>, vector<1x1x16xf32>,
      %get3A_959 = vector.shape_cast %get3A_958 : vector<1x1x16xf32> to vector<16xf32>
      %add3A_960 = arith.addf %get3A_953, %get3A_959 : vector<16xf32>
      %swap3A_961 = arith.constant 0 : i32
      %swap3A_962 = arith.index_cast %swap3A_961 : i32 to index
      %swap3A_963 = arith.index_cast %scan3A_108 : i32 to index
      %swap3A_964 = arith.constant 672 : index
      %swap3A_965 = tpu.vector_load %arg10[%swap3A_962, %swap3A_963, %swap3A_964] {strides = array<i32>} : memref<3x32x768xf32, #tpu.memory_space<vmem>>, vector<1x1x16xf32>,
      %swap3A_966 = vector.shape_cast %swap3A_965 : vector<1x1x16xf32> to vector<16xf32>
      %swap3A_967 = vector.shape_cast %add3A_960 : vector<16xf32> to vector<1x1x16xf32>
      tpu.vector_store %arg10[%swap3A_962, %swap3A_963, %swap3A_964], %swap3A_967 {strides = array<i32>} : memref<3x32x768xf32, #tpu.memory_space<vmem>>, vector<1x1x16xf32>,
      %get3A_968 = arith.constant 0 : i32
      %get3A_969 = arith.index_cast %get3A_968 : i32 to index
      %get3A_970 = arith.index_cast %scan3A_108 : i32 to index
      %get3A_971 = arith.constant 688 : index
      %get3A_972 = tpu.vector_load %arg10[%get3A_969, %get3A_970, %get3A_971] {strides = array<i32>} : memref<3x32x768xf32, #tpu.memory_space<vmem>>, vector<1x1x16xf32>,
      %get3A_973 = vector.shape_cast %get3A_972 : vector<1x1x16xf32> to vector<16xf32>
      %get3A_974 = arith.constant 1 : i32
      %get3A_975 = arith.index_cast %get3A_974 : i32 to index
      %get3A_976 = arith.index_cast %scan3A_108 : i32 to index
      %get3A_977 = arith.constant 688 : index
      %get3A_978 = tpu.vector_load %arg10[%get3A_975, %get3A_976, %get3A_977] {strides = array<i32>} : memref<3x32x768xf32, #tpu.memory_space<vmem>>, vector<1x1x16xf32>,
      %get3A_979 = vector.shape_cast %get3A_978 : vector<1x1x16xf32> to vector<16xf32>
      %add3A_980 = arith.addf %get3A_973, %get3A_979 : vector<16xf32>
      %swap3A_981 = arith.constant 0 : i32
      %swap3A_982 = arith.index_cast %swap3A_981 : i32 to index
      %swap3A_983 = arith.index_cast %scan3A_108 : i32 to index
      %swap3A_984 = arith.constant 688 : index
      %swap3A_985 = tpu.vector_load %arg10[%swap3A_982, %swap3A_983, %swap3A_984] {strides = array<i32>} : memref<3x32x768xf32, #tpu.memory_space<vmem>>, vector<1x1x16xf32>,
      %swap3A_986 = vector.shape_cast %swap3A_985 : vector<1x1x16xf32> to vector<16xf32>
      %swap3A_987 = vector.shape_cast %add3A_980 : vector<16xf32> to vector<1x1x16xf32>
      tpu.vector_store %arg10[%swap3A_982, %swap3A_983, %swap3A_984], %swap3A_987 {strides = array<i32>} : memref<3x32x768xf32, #tpu.memory_space<vmem>>, vector<1x1x16xf32>,
      %get3A_988 = arith.constant 0 : i32
      %get3A_989 = arith.index_cast %get3A_988 : i32 to index
      %get3A_990 = arith.index_cast %scan3A_108 : i32 to index
      %get3A_991 = arith.constant 704 : index
      %get3A_992 = tpu.vector_load %arg10[%get3A_989, %get3A_990, %get3A_991] {strides = array<i32>} : memref<3x32x768xf32, #tpu.memory_space<vmem>>, vector<1x1x16xf32>,
      %get3A_993 = vector.shape_cast %get3A_992 : vector<1x1x16xf32> to vector<16xf32>
      %get3A_994 = arith.constant 1 : i32
      %get3A_995 = arith.index_cast %get3A_994 : i32 to index
      %get3A_996 = arith.index_cast %scan3A_108 : i32 to index
      %get3A_997 = arith.constant 704 : index
      %get3A_998 = tpu.vector_load %arg10[%get3A_995, %get3A_996, %get3A_997] {strides = array<i32>} : memref<3x32x768xf32, #tpu.memory_space<vmem>>, vector<1x1x16xf32>,
      %get3A_999 = vector.shape_cast %get3A_998 : vector<1x1x16xf32> to vector<16xf32>
      %add3A_1000 = arith.addf %get3A_993, %get3A_999 : vector<16xf32>
      %swap3A_1001 = arith.constant 0 : i32
      %swap3A_1002 = arith.index_cast %swap3A_1001 : i32 to index
      %swap3A_1003 = arith.index_cast %scan3A_108 : i32 to index
      %swap3A_1004 = arith.constant 704 : index
      %swap3A_1005 = tpu.vector_load %arg10[%swap3A_1002, %swap3A_1003, %swap3A_1004] {strides = array<i32>} : memref<3x32x768xf32, #tpu.memory_space<vmem>>, vector<1x1x16xf32>,
      %swap3A_1006 = vector.shape_cast %swap3A_1005 : vector<1x1x16xf32> to vector<16xf32>
      %swap3A_1007 = vector.shape_cast %add3A_1000 : vector<16xf32> to vector<1x1x16xf32>
      tpu.vector_store %arg10[%swap3A_1002, %swap3A_1003, %swap3A_1004], %swap3A_1007 {strides = array<i32>} : memref<3x32x768xf32, #tpu.memory_space<vmem>>, vector<1x1x16xf32>,
      %get3A_1008 = arith.constant 0 : i32
      %get3A_1009 = arith.index_cast %get3A_1008 : i32 to index
      %get3A_1010 = arith.index_cast %scan3A_108 : i32 to index
      %get3A_1011 = arith.constant 720 : index
      %get3A_1012 = tpu.vector_load %arg10[%get3A_1009, %get3A_1010, %get3A_1011] {strides = array<i32>} : memref<3x32x768xf32, #tpu.memory_space<vmem>>, vector<1x1x16xf32>,
      %get3A_1013 = vector.shape_cast %get3A_1012 : vector<1x1x16xf32> to vector<16xf32>
      %get3A_1014 = arith.constant 1 : i32
      %get3A_1015 = arith.index_cast %get3A_1014 : i32 to index
      %get3A_1016 = arith.index_cast %scan3A_108 : i32 to index
      %get3A_1017 = arith.constant 720 : index
      %get3A_1018 = tpu.vector_load %arg10[%get3A_1015, %get3A_1016, %get3A_1017] {strides = array<i32>} : memref<3x32x768xf32, #tpu.memory_space<vmem>>, vector<1x1x16xf32>,
      %get3A_1019 = vector.shape_cast %get3A_1018 : vector<1x1x16xf32> to vector<16xf32>
      %add3A_1020 = arith.addf %get3A_1013, %get3A_1019 : vector<16xf32>
      %swap3A_1021 = arith.constant 0 : i32
      %swap3A_1022 = arith.index_cast %swap3A_1021 : i32 to index
      %swap3A_1023 = arith.index_cast %scan3A_108 : i32 to index
      %swap3A_1024 = arith.constant 720 : index
      %swap3A_1025 = tpu.vector_load %arg10[%swap3A_1022, %swap3A_1023, %swap3A_1024] {strides = array<i32>} : memref<3x32x768xf32, #tpu.memory_space<vmem>>, vector<1x1x16xf32>,
      %swap3A_1026 = vector.shape_cast %swap3A_1025 : vector<1x1x16xf32> to vector<16xf32>
      %swap3A_1027 = vector.shape_cast %add3A_1020 : vector<16xf32> to vector<1x1x16xf32>
      tpu.vector_store %arg10[%swap3A_1022, %swap3A_1023, %swap3A_1024], %swap3A_1027 {strides = array<i32>} : memref<3x32x768xf32, #tpu.memory_space<vmem>>, vector<1x1x16xf32>,
      %get3A_1028 = arith.constant 0 : i32
      %get3A_1029 = arith.index_cast %get3A_1028 : i32 to index
      %get3A_1030 = arith.index_cast %scan3A_108 : i32 to index
      %get3A_1031 = arith.constant 736 : index
      %get3A_1032 = tpu.vector_load %arg10[%get3A_1029, %get3A_1030, %get3A_1031] {strides = array<i32>} : memref<3x32x768xf32, #tpu.memory_space<vmem>>, vector<1x1x16xf32>,
      %get3A_1033 = vector.shape_cast %get3A_1032 : vector<1x1x16xf32> to vector<16xf32>
      %get3A_1034 = arith.constant 1 : i32
      %get3A_1035 = arith.index_cast %get3A_1034 : i32 to index
      %get3A_1036 = arith.index_cast %scan3A_108 : i32 to index
      %get3A_1037 = arith.constant 736 : index
      %get3A_1038 = tpu.vector_load %arg10[%get3A_1035, %get3A_1036, %get3A_1037] {strides = array<i32>} : memref<3x32x768xf32, #tpu.memory_space<vmem>>, vector<1x1x16xf32>,
      %get3A_1039 = vector.shape_cast %get3A_1038 : vector<1x1x16xf32> to vector<16xf32>
      %add3A_1040 = arith.addf %get3A_1033, %get3A_1039 : vector<16xf32>
      %swap3A_1041 = arith.constant 0 : i32
      %swap3A_1042 = arith.index_cast %swap3A_1041 : i32 to index
      %swap3A_1043 = arith.index_cast %scan3A_108 : i32 to index
      %swap3A_1044 = arith.constant 736 : index
      %swap3A_1045 = tpu.vector_load %arg10[%swap3A_1042, %swap3A_1043, %swap3A_1044] {strides = array<i32>} : memref<3x32x768xf32, #tpu.memory_space<vmem>>, vector<1x1x16xf32>,
      %swap3A_1046 = vector.shape_cast %swap3A_1045 : vector<1x1x16xf32> to vector<16xf32>
      %swap3A_1047 = vector.shape_cast %add3A_1040 : vector<16xf32> to vector<1x1x16xf32>
      tpu.vector_store %arg10[%swap3A_1042, %swap3A_1043, %swap3A_1044], %swap3A_1047 {strides = array<i32>} : memref<3x32x768xf32, #tpu.memory_space<vmem>>, vector<1x1x16xf32>,
      %get3A_1048 = arith.constant 0 : i32
      %get3A_1049 = arith.index_cast %get3A_1048 : i32 to index
      %get3A_1050 = arith.index_cast %scan3A_108 : i32 to index
      %get3A_1051 = arith.constant 752 : index
      %get3A_1052 = tpu.vector_load %arg10[%get3A_1049, %get3A_1050, %get3A_1051] {strides = array<i32>} : memref<3x32x768xf32, #tpu.memory_space<vmem>>, vector<1x1x16xf32>,
      %get3A_1053 = vector.shape_cast %get3A_1052 : vector<1x1x16xf32> to vector<16xf32>
      %get3A_1054 = arith.constant 1 : i32
      %get3A_1055 = arith.index_cast %get3A_1054 : i32 to index
      %get3A_1056 = arith.index_cast %scan3A_108 : i32 to index
      %get3A_1057 = arith.constant 752 : index
      %get3A_1058 = tpu.vector_load %arg10[%get3A_1055, %get3A_1056, %get3A_1057] {strides = array<i32>} : memref<3x32x768xf32, #tpu.memory_space<vmem>>, vector<1x1x16xf32>,
      %get3A_1059 = vector.shape_cast %get3A_1058 : vector<1x1x16xf32> to vector<16xf32>
      %add3A_1060 = arith.addf %get3A_1053, %get3A_1059 : vector<16xf32>
      %swap3A_1061 = arith.constant 0 : i32
      %swap3A_1062 = arith.index_cast %swap3A_1061 : i32 to index
      %swap3A_1063 = arith.index_cast %scan3A_108 : i32 to index
      %swap3A_1064 = arith.constant 752 : index
      %swap3A_1065 = tpu.vector_load %arg10[%swap3A_1062, %swap3A_1063, %swap3A_1064] {strides = array<i32>} : memref<3x32x768xf32, #tpu.memory_space<vmem>>, vector<1x1x16xf32>,
      %swap3A_1066 = vector.shape_cast %swap3A_1065 : vector<1x1x16xf32> to vector<16xf32>
      %swap3A_1067 = vector.shape_cast %add3A_1060 : vector<16xf32> to vector<1x1x16xf32>
      tpu.vector_store %arg10[%swap3A_1062, %swap3A_1063, %swap3A_1064], %swap3A_1067 {strides = array<i32>} : memref<3x32x768xf32, #tpu.memory_space<vmem>>, vector<1x1x16xf32>,
    }
    %scan3A_44 = arith.constant 16 : i32
    %scan3A_45 = arith.constant 0 : i32
    %scan3A_46 = arith.constant 0 : i32
    %scan3A_47 = arith.constant 16 : i32
    %scan3A_48 = arith.addi %scan3A_46, %scan3A_47 : i32
    %scan3A_49 = arith.constant 1 : i32
    scf.for %scan3A_108 = %scan3A_46 to %scan3A_48 step %scan3A_49  : i32 {
      %add3A_109 = arith.addi %mul3A_4, %scan3A_108 : i32
      %mul3A_110 = arith.constant 768 : i32
      %mul3A_111 = arith.muli %add3A_109, %mul3A_110 : i32
      %run_scoped3A = arith.constant 0 : i32
      "tpu.region"() ({
        %run_scoped3A_112 = tpu.sem_alloc : memref<!tpu.dma_semaphore, #tpu.memory_space<semaphore_mem>>
        %dma_start3A_113 = arith.constant 0 : i32
        %dma_start3A_114 = tpu.memref_slice %arg10[%run_scoped3A, %scan3A_108, %dma_start3A_113] : memref<3x32x768xf32, #tpu.memory_space<vmem>> -> memref<1x1x768xf32, #tpu.memory_space<vmem>>
        %dma_start3A_115 = tpu.memref_squeeze %dma_start3A_114 : memref<1x1x768xf32, #tpu.memory_space<vmem>> -> memref<768xf32, #tpu.memory_space<vmem>>
        %dma_start3A_116 = tpu.memref_slice %arg8[%mul3A_111] : memref<196608xf32, #tpu.memory_space<vmem_shared>> -> memref<768xf32, #tpu.memory_space<vmem_shared>>
        %dma_start3A_117 = tpu.memref_slice %arg8[%mul3A_111] : memref<196608xf32, #tpu.memory_space<vmem_shared>> -> memref<768xf32, #tpu.memory_space<vmem_shared>>
        %dma_start3A_118 = arith.constant 0 : i32
        %dma_start3A_119 = tpu.memref_slice %arg10[%run_scoped3A, %scan3A_108, %dma_start3A_118] : memref<3x32x768xf32, #tpu.memory_space<vmem>> -> memref<1x1x768xf32, #tpu.memory_space<vmem>>
        %dma_start3A_120 = tpu.memref_squeeze %dma_start3A_119 : memref<1x1x768xf32, #tpu.memory_space<vmem>> -> memref<768xf32, #tpu.memory_space<vmem>>
        tpu.enqueue_dma source(%dma_start3A_120 : memref<768xf32, #tpu.memory_space<vmem>>) target(%dma_start3A_117 : memref<768xf32, #tpu.memory_space<vmem_shared>>) target_semaphore(%run_scoped3A_112 : memref<!tpu.dma_semaphore, #tpu.memory_space<semaphore_mem>>)
        %dma_wait3A_121 = arith.constant 0 : i32
        %dma_wait3A_122 = tpu.memref_slice %arg10[%run_scoped3A, %scan3A_108, %dma_wait3A_121] : memref<3x32x768xf32, #tpu.memory_space<vmem>> -> memref<1x1x768xf32, #tpu.memory_space<vmem>>
        %dma_wait3A_123 = tpu.memref_squeeze %dma_wait3A_122 : memref<1x1x768xf32, #tpu.memory_space<vmem>> -> memref<768xf32, #tpu.memory_space<vmem>>
        %dma_wait3A_124 = tpu.memref_slice %arg8[%mul3A_111] : memref<196608xf32, #tpu.memory_space<vmem_shared>> -> memref<768xf32, #tpu.memory_space<vmem_shared>>
        %dma_wait3A_125 = tpu.memref_slice %arg8[%mul3A_111] : memref<196608xf32, #tpu.memory_space<vmem_shared>> -> memref<768xf32, #tpu.memory_space<vmem_shared>>
        %dma_wait3A_126 = arith.constant 0 : i32
        %dma_wait3A_127 = tpu.memref_slice %arg10[%run_scoped3A, %scan3A_108, %dma_wait3A_126] : memref<3x32x768xf32, #tpu.memory_space<vmem>> -> memref<1x1x768xf32, #tpu.memory_space<vmem>>
        %dma_wait3A_128 = tpu.memref_squeeze %dma_wait3A_127 : memref<1x1x768xf32, #tpu.memory_space<vmem>> -> memref<768xf32, #tpu.memory_space<vmem>>
        tpu.wait_dma2 semaphore(%run_scoped3A_112 : memref<!tpu.dma_semaphore, #tpu.memory_space<semaphore_mem>>) src(%dma_wait3A_128 : memref<768xf32, #tpu.memory_space<vmem>>) dst(%dma_wait3A_125 : memref<768xf32, #tpu.memory_space<vmem_shared>>)
        tpu.yield
      }) : () -> ()
    }
    %scan3A_50 = arith.constant 16 : i32
    %barrier3A = arith.constant 0 : index
    tpu.barrier barrier_id(%barrier3A)
    %scan3A_51 = arith.constant 0 : i32
    %scan3A_52 = arith.constant 0 : i32
    %scan3A_53 = arith.constant 2 : i32
    %scan3A_54 = arith.addi %scan3A_52, %scan3A_53 : i32
    %scan3A_55 = arith.constant 1 : i32
    scf.for %scan3A_108 = %scan3A_52 to %scan3A_54 step %scan3A_55  : i32 {
      %mul3A_109 = arith.constant 16 : i32
      %mul3A_110 = arith.muli %scan3A_108, %mul3A_109 : i32
      %add3A_111 = arith.constant 0 : i32
      %add3A_112 = arith.addi %add3A_111, %mul3A_110 : i32
      %get3A_113 = arith.index_cast %add3A_112 : i32 to index
      %get3A_114 = tpu.vector_load %arg9[%get3A_113] {strides = array<i32>} : memref<2048xi32, #tpu.memory_space<vmem>>, vector<16xi32>,
      %get3A_115 = vector.shape_cast %get3A_114 : vector<16xi32> to vector<16xi32>
      %slice3A = vector.extract_strided_slice %get3A_115 {offsets = [0], sizes = [1], strides = [1]} : vector<16xi32> to vector<1xi32>
      %squeeze3A = vector.extract %slice3A[0] : i32 from vector<1xi32>
      %mul3A_116 = arith.constant 768 : i32
      %mul3A_117 = arith.muli %squeeze3A, %mul3A_116 : i32
      %mul3A_118 = arith.constant 16 : i32
      %mul3A_119 = arith.muli %scan3A_108, %mul3A_118 : i32
      %add3A_120 = arith.constant 0 : i32
      %add3A_121 = arith.addi %mul3A_119, %add3A_120 : i32
      %dma_start3A_122 = arith.constant 0 : i32
      %dma_start3A_123 = arith.constant 0 : i32
      %dma_start3A_124 = tpu.memref_slice %arg10[%dma_start3A_122, %add3A_121, %dma_start3A_123] : memref<3x32x768xf32, #tpu.memory_space<vmem>> -> memref<1x1x768xf32, #tpu.memory_space<vmem>>
      %dma_start3A_125 = tpu.memref_squeeze %dma_start3A_124 : memref<1x1x768xf32, #tpu.memory_space<vmem>> -> memref<768xf32, #tpu.memory_space<vmem>>
      %dma_start3A_126 = tpu.memref_slice %arg8[%mul3A_117] : memref<196608xf32, #tpu.memory_space<vmem_shared>> -> memref<768xf32, #tpu.memory_space<vmem_shared>>
      %dma_start3A_127 = arith.constant 0 : i32
      %dma_start3A_128 = tpu.memref_slice %arg10[%dma_start3A_122, %add3A_121, %dma_start3A_127] : memref<3x32x768xf32, #tpu.memory_space<vmem>> -> memref<1x1x768xf32, #tpu.memory_space<vmem>>
      %dma_start3A_129 = tpu.memref_squeeze %dma_start3A_128 : memref<1x1x768xf32, #tpu.memory_space<vmem>> -> memref<768xf32, #tpu.memory_space<vmem>>
      %dma_start3A_130 = tpu.memref_slice %arg8[%mul3A_117] : memref<196608xf32, #tpu.memory_space<vmem_shared>> -> memref<768xf32, #tpu.memory_space<vmem_shared>>
      tpu.enqueue_dma source(%dma_start3A_130 : memref<768xf32, #tpu.memory_space<vmem_shared>>) target(%dma_start3A_129 : memref<768xf32, #tpu.memory_space<vmem>>) target_semaphore(%arg16 : memref<!tpu.dma_semaphore, #tpu.memory_space<semaphore_mem>>)
      %slice3A_131 = vector.extract_strided_slice %get3A_115 {offsets = [1], sizes = [1], strides = [1]} : vector<16xi32> to vector<1xi32>
      %squeeze3A_132 = vector.extract %slice3A_131[0] : i32 from vector<1xi32>
      %mul3A_133 = arith.constant 768 : i32
      %mul3A_134 = arith.muli %squeeze3A_132, %mul3A_133 : i32
      %mul3A_135 = arith.constant 16 : i32
      %mul3A_136 = arith.muli %scan3A_108, %mul3A_135 : i32
      %add3A_137 = arith.constant 1 : i32
      %add3A_138 = arith.addi %mul3A_136, %add3A_137 : i32
      %dma_start3A_139 = arith.constant 0 : i32
      %dma_start3A_140 = arith.constant 0 : i32
      %dma_start3A_141 = tpu.memref_slice %arg10[%dma_start3A_139, %add3A_138, %dma_start3A_140] : memref<3x32x768xf32, #tpu.memory_space<vmem>> -> memref<1x1x768xf32, #tpu.memory_space<vmem>>
      %dma_start3A_142 = tpu.memref_squeeze %dma_start3A_141 : memref<1x1x768xf32, #tpu.memory_space<vmem>> -> memref<768xf32, #tpu.memory_space<vmem>>
      %dma_start3A_143 = tpu.memref_slice %arg8[%mul3A_134] : memref<196608xf32, #tpu.memory_space<vmem_shared>> -> memref<768xf32, #tpu.memory_space<vmem_shared>>
      %dma_start3A_144 = arith.constant 0 : i32
      %dma_start3A_145 = tpu.memref_slice %arg10[%dma_start3A_139, %add3A_138, %dma_start3A_144] : memref<3x32x768xf32, #tpu.memory_space<vmem>> -> memref<1x1x768xf32, #tpu.memory_space<vmem>>
      %dma_start3A_146 = tpu.memref_squeeze %dma_start3A_145 : memref<1x1x768xf32, #tpu.memory_space<vmem>> -> memref<768xf32, #tpu.memory_space<vmem>>
      %dma_start3A_147 = tpu.memref_slice %arg8[%mul3A_134] : memref<196608xf32, #tpu.memory_space<vmem_shared>> -> memref<768xf32, #tpu.memory_space<vmem_shared>>
      tpu.enqueue_dma source(%dma_start3A_147 : memref<768xf32, #tpu.memory_space<vmem_shared>>) target(%dma_start3A_146 : memref<768xf32, #tpu.memory_space<vmem>>) target_semaphore(%arg16 : memref<!tpu.dma_semaphore, #tpu.memory_space<semaphore_mem>>)
      %slice3A_148 = vector.extract_strided_slice %get3A_115 {offsets = [2], sizes = [1], strides = [1]} : vector<16xi32> to vector<1xi32>
      %squeeze3A_149 = vector.extract %slice3A_148[0] : i32 from vector<1xi32>
      %mul3A_150 = arith.constant 768 : i32
      %mul3A_151 = arith.muli %squeeze3A_149, %mul3A_150 : i32
      %mul3A_152 = arith.constant 16 : i32
      %mul3A_153 = arith.muli %scan3A_108, %mul3A_152 : i32
      %add3A_154 = arith.constant 2 : i32
      %add3A_155 = arith.addi %mul3A_153, %add3A_154 : i32
      %dma_start3A_156 = arith.constant 0 : i32
      %dma_start3A_157 = arith.constant 0 : i32
      %dma_start3A_158 = tpu.memref_slice %arg10[%dma_start3A_156, %add3A_155, %dma_start3A_157] : memref<3x32x768xf32, #tpu.memory_space<vmem>> -> memref<1x1x768xf32, #tpu.memory_space<vmem>>
      %dma_start3A_159 = tpu.memref_squeeze %dma_start3A_158 : memref<1x1x768xf32, #tpu.memory_space<vmem>> -> memref<768xf32, #tpu.memory_space<vmem>>
      %dma_start3A_160 = tpu.memref_slice %arg8[%mul3A_151] : memref<196608xf32, #tpu.memory_space<vmem_shared>> -> memref<768xf32, #tpu.memory_space<vmem_shared>>
      %dma_start3A_161 = arith.constant 0 : i32
      %dma_start3A_162 = tpu.memref_slice %arg10[%dma_start3A_156, %add3A_155, %dma_start3A_161] : memref<3x32x768xf32, #tpu.memory_space<vmem>> -> memref<1x1x768xf32, #tpu.memory_space<vmem>>
      %dma_start3A_163 = tpu.memref_squeeze %dma_start3A_162 : memref<1x1x768xf32, #tpu.memory_space<vmem>> -> memref<768xf32, #tpu.memory_space<vmem>>
      %dma_start3A_164 = tpu.memref_slice %arg8[%mul3A_151] : memref<196608xf32, #tpu.memory_space<vmem_shared>> -> memref<768xf32, #tpu.memory_space<vmem_shared>>
      tpu.enqueue_dma source(%dma_start3A_164 : memref<768xf32, #tpu.memory_space<vmem_shared>>) target(%dma_start3A_163 : memref<768xf32, #tpu.memory_space<vmem>>) target_semaphore(%arg16 : memref<!tpu.dma_semaphore, #tpu.memory_space<semaphore_mem>>)
      %slice3A_165 = vector.extract_strided_slice %get3A_115 {offsets = [3], sizes = [1], strides = [1]} : vector<16xi32> to vector<1xi32>
      %squeeze3A_166 = vector.extract %slice3A_165[0] : i32 from vector<1xi32>
      %mul3A_167 = arith.constant 768 : i32
      %mul3A_168 = arith.muli %squeeze3A_166, %mul3A_167 : i32
      %mul3A_169 = arith.constant 16 : i32
      %mul3A_170 = arith.muli %scan3A_108, %mul3A_169 : i32
      %add3A_171 = arith.constant 3 : i32
      %add3A_172 = arith.addi %mul3A_170, %add3A_171 : i32
      %dma_start3A_173 = arith.constant 0 : i32
      %dma_start3A_174 = arith.constant 0 : i32
      %dma_start3A_175 = tpu.memref_slice %arg10[%dma_start3A_173, %add3A_172, %dma_start3A_174] : memref<3x32x768xf32, #tpu.memory_space<vmem>> -> memref<1x1x768xf32, #tpu.memory_space<vmem>>
      %dma_start3A_176 = tpu.memref_squeeze %dma_start3A_175 : memref<1x1x768xf32, #tpu.memory_space<vmem>> -> memref<768xf32, #tpu.memory_space<vmem>>
      %dma_start3A_177 = tpu.memref_slice %arg8[%mul3A_168] : memref<196608xf32, #tpu.memory_space<vmem_shared>> -> memref<768xf32, #tpu.memory_space<vmem_shared>>
      %dma_start3A_178 = arith.constant 0 : i32
      %dma_start3A_179 = tpu.memref_slice %arg10[%dma_start3A_173, %add3A_172, %dma_start3A_178] : memref<3x32x768xf32, #tpu.memory_space<vmem>> -> memref<1x1x768xf32, #tpu.memory_space<vmem>>
      %dma_start3A_180 = tpu.memref_squeeze %dma_start3A_179 : memref<1x1x768xf32, #tpu.memory_space<vmem>> -> memref<768xf32, #tpu.memory_space<vmem>>
      %dma_start3A_181 = tpu.memref_slice %arg8[%mul3A_168] : memref<196608xf32, #tpu.memory_space<vmem_shared>> -> memref<768xf32, #tpu.memory_space<vmem_shared>>
      tpu.enqueue_dma source(%dma_start3A_181 : memref<768xf32, #tpu.memory_space<vmem_shared>>) target(%dma_start3A_180 : memref<768xf32, #tpu.memory_space<vmem>>) target_semaphore(%arg16 : memref<!tpu.dma_semaphore, #tpu.memory_space<semaphore_mem>>)
      %slice3A_182 = vector.extract_strided_slice %get3A_115 {offsets = [4], sizes = [1], strides = [1]} : vector<16xi32> to vector<1xi32>
      %squeeze3A_183 = vector.extract %slice3A_182[0] : i32 from vector<1xi32>
      %mul3A_184 = arith.constant 768 : i32
      %mul3A_185 = arith.muli %squeeze3A_183, %mul3A_184 : i32
      %mul3A_186 = arith.constant 16 : i32
      %mul3A_187 = arith.muli %scan3A_108, %mul3A_186 : i32
      %add3A_188 = arith.constant 4 : i32
      %add3A_189 = arith.addi %mul3A_187, %add3A_188 : i32
      %dma_start3A_190 = arith.constant 0 : i32
      %dma_start3A_191 = arith.constant 0 : i32
      %dma_start3A_192 = tpu.memref_slice %arg10[%dma_start3A_190, %add3A_189, %dma_start3A_191] : memref<3x32x768xf32, #tpu.memory_space<vmem>> -> memref<1x1x768xf32, #tpu.memory_space<vmem>>
      %dma_start3A_193 = tpu.memref_squeeze %dma_start3A_192 : memref<1x1x768xf32, #tpu.memory_space<vmem>> -> memref<768xf32, #tpu.memory_space<vmem>>
      %dma_start3A_194 = tpu.memref_slice %arg8[%mul3A_185] : memref<196608xf32, #tpu.memory_space<vmem_shared>> -> memref<768xf32, #tpu.memory_space<vmem_shared>>
      %dma_start3A_195 = arith.constant 0 : i32
      %dma_start3A_196 = tpu.memref_slice %arg10[%dma_start3A_190, %add3A_189, %dma_start3A_195] : memref<3x32x768xf32, #tpu.memory_space<vmem>> -> memref<1x1x768xf32, #tpu.memory_space<vmem>>
      %dma_start3A_197 = tpu.memref_squeeze %dma_start3A_196 : memref<1x1x768xf32, #tpu.memory_space<vmem>> -> memref<768xf32, #tpu.memory_space<vmem>>
      %dma_start3A_198 = tpu.memref_slice %arg8[%mul3A_185] : memref<196608xf32, #tpu.memory_space<vmem_shared>> -> memref<768xf32, #tpu.memory_space<vmem_shared>>
      tpu.enqueue_dma source(%dma_start3A_198 : memref<768xf32, #tpu.memory_space<vmem_shared>>) target(%dma_start3A_197 : memref<768xf32, #tpu.memory_space<vmem>>) target_semaphore(%arg16 : memref<!tpu.dma_semaphore, #tpu.memory_space<semaphore_mem>>)
      %slice3A_199 = vector.extract_strided_slice %get3A_115 {offsets = [5], sizes = [1], strides = [1]} : vector<16xi32> to vector<1xi32>
      %squeeze3A_200 = vector.extract %slice3A_199[0] : i32 from vector<1xi32>
      %mul3A_201 = arith.constant 768 : i32
      %mul3A_202 = arith.muli %squeeze3A_200, %mul3A_201 : i32
      %mul3A_203 = arith.constant 16 : i32
      %mul3A_204 = arith.muli %scan3A_108, %mul3A_203 : i32
      %add3A_205 = arith.constant 5 : i32
      %add3A_206 = arith.addi %mul3A_204, %add3A_205 : i32
      %dma_start3A_207 = arith.constant 0 : i32
      %dma_start3A_208 = arith.constant 0 : i32
      %dma_start3A_209 = tpu.memref_slice %arg10[%dma_start3A_207, %add3A_206, %dma_start3A_208] : memref<3x32x768xf32, #tpu.memory_space<vmem>> -> memref<1x1x768xf32, #tpu.memory_space<vmem>>
      %dma_start3A_210 = tpu.memref_squeeze %dma_start3A_209 : memref<1x1x768xf32, #tpu.memory_space<vmem>> -> memref<768xf32, #tpu.memory_space<vmem>>
      %dma_start3A_211 = tpu.memref_slice %arg8[%mul3A_202] : memref<196608xf32, #tpu.memory_space<vmem_shared>> -> memref<768xf32, #tpu.memory_space<vmem_shared>>
      %dma_start3A_212 = arith.constant 0 : i32
      %dma_start3A_213 = tpu.memref_slice %arg10[%dma_start3A_207, %add3A_206, %dma_start3A_212] : memref<3x32x768xf32, #tpu.memory_space<vmem>> -> memref<1x1x768xf32, #tpu.memory_space<vmem>>
      %dma_start3A_214 = tpu.memref_squeeze %dma_start3A_213 : memref<1x1x768xf32, #tpu.memory_space<vmem>> -> memref<768xf32, #tpu.memory_space<vmem>>
      %dma_start3A_215 = tpu.memref_slice %arg8[%mul3A_202] : memref<196608xf32, #tpu.memory_space<vmem_shared>> -> memref<768xf32, #tpu.memory_space<vmem_shared>>
      tpu.enqueue_dma source(%dma_start3A_215 : memref<768xf32, #tpu.memory_space<vmem_shared>>) target(%dma_start3A_214 : memref<768xf32, #tpu.memory_space<vmem>>) target_semaphore(%arg16 : memref<!tpu.dma_semaphore, #tpu.memory_space<semaphore_mem>>)
      %slice3A_216 = vector.extract_strided_slice %get3A_115 {offsets = [6], sizes = [1], strides = [1]} : vector<16xi32> to vector<1xi32>
      %squeeze3A_217 = vector.extract %slice3A_216[0] : i32 from vector<1xi32>
      %mul3A_218 = arith.constant 768 : i32
      %mul3A_219 = arith.muli %squeeze3A_217, %mul3A_218 : i32
      %mul3A_220 = arith.constant 16 : i32
      %mul3A_221 = arith.muli %scan3A_108, %mul3A_220 : i32
      %add3A_222 = arith.constant 6 : i32
      %add3A_223 = arith.addi %mul3A_221, %add3A_222 : i32
      %dma_start3A_224 = arith.constant 0 : i32
      %dma_start3A_225 = arith.constant 0 : i32
      %dma_start3A_226 = tpu.memref_slice %arg10[%dma_start3A_224, %add3A_223, %dma_start3A_225] : memref<3x32x768xf32, #tpu.memory_space<vmem>> -> memref<1x1x768xf32, #tpu.memory_space<vmem>>
      %dma_start3A_227 = tpu.memref_squeeze %dma_start3A_226 : memref<1x1x768xf32, #tpu.memory_space<vmem>> -> memref<768xf32, #tpu.memory_space<vmem>>
      %dma_start3A_228 = tpu.memref_slice %arg8[%mul3A_219] : memref<196608xf32, #tpu.memory_space<vmem_shared>> -> memref<768xf32, #tpu.memory_space<vmem_shared>>
      %dma_start3A_229 = arith.constant 0 : i32
      %dma_start3A_230 = tpu.memref_slice %arg10[%dma_start3A_224, %add3A_223, %dma_start3A_229] : memref<3x32x768xf32, #tpu.memory_space<vmem>> -> memref<1x1x768xf32, #tpu.memory_space<vmem>>
      %dma_start3A_231 = tpu.memref_squeeze %dma_start3A_230 : memref<1x1x768xf32, #tpu.memory_space<vmem>> -> memref<768xf32, #tpu.memory_space<vmem>>
      %dma_start3A_232 = tpu.memref_slice %arg8[%mul3A_219] : memref<196608xf32, #tpu.memory_space<vmem_shared>> -> memref<768xf32, #tpu.memory_space<vmem_shared>>
      tpu.enqueue_dma source(%dma_start3A_232 : memref<768xf32, #tpu.memory_space<vmem_shared>>) target(%dma_start3A_231 : memref<768xf32, #tpu.memory_space<vmem>>) target_semaphore(%arg16 : memref<!tpu.dma_semaphore, #tpu.memory_space<semaphore_mem>>)
      %slice3A_233 = vector.extract_strided_slice %get3A_115 {offsets = [7], sizes = [1], strides = [1]} : vector<16xi32> to vector<1xi32>
      %squeeze3A_234 = vector.extract %slice3A_233[0] : i32 from vector<1xi32>
      %mul3A_235 = arith.constant 768 : i32
      %mul3A_236 = arith.muli %squeeze3A_234, %mul3A_235 : i32
      %mul3A_237 = arith.constant 16 : i32
      %mul3A_238 = arith.muli %scan3A_108, %mul3A_237 : i32
      %add3A_239 = arith.constant 7 : i32
      %add3A_240 = arith.addi %mul3A_238, %add3A_239 : i32
      %dma_start3A_241 = arith.constant 0 : i32
      %dma_start3A_242 = arith.constant 0 : i32
      %dma_start3A_243 = tpu.memref_slice %arg10[%dma_start3A_241, %add3A_240, %dma_start3A_242] : memref<3x32x768xf32, #tpu.memory_space<vmem>> -> memref<1x1x768xf32, #tpu.memory_space<vmem>>
      %dma_start3A_244 = tpu.memref_squeeze %dma_start3A_243 : memref<1x1x768xf32, #tpu.memory_space<vmem>> -> memref<768xf32, #tpu.memory_space<vmem>>
      %dma_start3A_245 = tpu.memref_slice %arg8[%mul3A_236] : memref<196608xf32, #tpu.memory_space<vmem_shared>> -> memref<768xf32, #tpu.memory_space<vmem_shared>>
      %dma_start3A_246 = arith.constant 0 : i32
      %dma_start3A_247 = tpu.memref_slice %arg10[%dma_start3A_241, %add3A_240, %dma_start3A_246] : memref<3x32x768xf32, #tpu.memory_space<vmem>> -> memref<1x1x768xf32, #tpu.memory_space<vmem>>
      %dma_start3A_248 = tpu.memref_squeeze %dma_start3A_247 : memref<1x1x768xf32, #tpu.memory_space<vmem>> -> memref<768xf32, #tpu.memory_space<vmem>>
      %dma_start3A_249 = tpu.memref_slice %arg8[%mul3A_236] : memref<196608xf32, #tpu.memory_space<vmem_shared>> -> memref<768xf32, #tpu.memory_space<vmem_shared>>
      tpu.enqueue_dma source(%dma_start3A_249 : memref<768xf32, #tpu.memory_space<vmem_shared>>) target(%dma_start3A_248 : memref<768xf32, #tpu.memory_space<vmem>>) target_semaphore(%arg16 : memref<!tpu.dma_semaphore, #tpu.memory_space<semaphore_mem>>)
      %slice3A_250 = vector.extract_strided_slice %get3A_115 {offsets = [8], sizes = [1], strides = [1]} : vector<16xi32> to vector<1xi32>
      %squeeze3A_251 = vector.extract %slice3A_250[0] : i32 from vector<1xi32>
      %mul3A_252 = arith.constant 768 : i32
      %mul3A_253 = arith.muli %squeeze3A_251, %mul3A_252 : i32
      %mul3A_254 = arith.constant 16 : i32
      %mul3A_255 = arith.muli %scan3A_108, %mul3A_254 : i32
      %add3A_256 = arith.constant 8 : i32
      %add3A_257 = arith.addi %mul3A_255, %add3A_256 : i32
      %dma_start3A_258 = arith.constant 0 : i32
      %dma_start3A_259 = arith.constant 0 : i32
      %dma_start3A_260 = tpu.memref_slice %arg10[%dma_start3A_258, %add3A_257, %dma_start3A_259] : memref<3x32x768xf32, #tpu.memory_space<vmem>> -> memref<1x1x768xf32, #tpu.memory_space<vmem>>
      %dma_start3A_261 = tpu.memref_squeeze %dma_start3A_260 : memref<1x1x768xf32, #tpu.memory_space<vmem>> -> memref<768xf32, #tpu.memory_space<vmem>>
      %dma_start3A_262 = tpu.memref_slice %arg8[%mul3A_253] : memref<196608xf32, #tpu.memory_space<vmem_shared>> -> memref<768xf32, #tpu.memory_space<vmem_shared>>
      %dma_start3A_263 = arith.constant 0 : i32
      %dma_start3A_264 = tpu.memref_slice %arg10[%dma_start3A_258, %add3A_257, %dma_start3A_263] : memref<3x32x768xf32, #tpu.memory_space<vmem>> -> memref<1x1x768xf32, #tpu.memory_space<vmem>>
      %dma_start3A_265 = tpu.memref_squeeze %dma_start3A_264 : memref<1x1x768xf32, #tpu.memory_space<vmem>> -> memref<768xf32, #tpu.memory_space<vmem>>
      %dma_start3A_266 = tpu.memref_slice %arg8[%mul3A_253] : memref<196608xf32, #tpu.memory_space<vmem_shared>> -> memref<768xf32, #tpu.memory_space<vmem_shared>>
      tpu.enqueue_dma source(%dma_start3A_266 : memref<768xf32, #tpu.memory_space<vmem_shared>>) target(%dma_start3A_265 : memref<768xf32, #tpu.memory_space<vmem>>) target_semaphore(%arg16 : memref<!tpu.dma_semaphore, #tpu.memory_space<semaphore_mem>>)
      %slice3A_267 = vector.extract_strided_slice %get3A_115 {offsets = [9], sizes = [1], strides = [1]} : vector<16xi32> to vector<1xi32>
      %squeeze3A_268 = vector.extract %slice3A_267[0] : i32 from vector<1xi32>
      %mul3A_269 = arith.constant 768 : i32
      %mul3A_270 = arith.muli %squeeze3A_268, %mul3A_269 : i32
      %mul3A_271 = arith.constant 16 : i32
      %mul3A_272 = arith.muli %scan3A_108, %mul3A_271 : i32
      %add3A_273 = arith.constant 9 : i32
      %add3A_274 = arith.addi %mul3A_272, %add3A_273 : i32
      %dma_start3A_275 = arith.constant 0 : i32
      %dma_start3A_276 = arith.constant 0 : i32
      %dma_start3A_277 = tpu.memref_slice %arg10[%dma_start3A_275, %add3A_274, %dma_start3A_276] : memref<3x32x768xf32, #tpu.memory_space<vmem>> -> memref<1x1x768xf32, #tpu.memory_space<vmem>>
      %dma_start3A_278 = tpu.memref_squeeze %dma_start3A_277 : memref<1x1x768xf32, #tpu.memory_space<vmem>> -> memref<768xf32, #tpu.memory_space<vmem>>
      %dma_start3A_279 = tpu.memref_slice %arg8[%mul3A_270] : memref<196608xf32, #tpu.memory_space<vmem_shared>> -> memref<768xf32, #tpu.memory_space<vmem_shared>>
      %dma_start3A_280 = arith.constant 0 : i32
      %dma_start3A_281 = tpu.memref_slice %arg10[%dma_start3A_275, %add3A_274, %dma_start3A_280] : memref<3x32x768xf32, #tpu.memory_space<vmem>> -> memref<1x1x768xf32, #tpu.memory_space<vmem>>
      %dma_start3A_282 = tpu.memref_squeeze %dma_start3A_281 : memref<1x1x768xf32, #tpu.memory_space<vmem>> -> memref<768xf32, #tpu.memory_space<vmem>>
      %dma_start3A_283 = tpu.memref_slice %arg8[%mul3A_270] : memref<196608xf32, #tpu.memory_space<vmem_shared>> -> memref<768xf32, #tpu.memory_space<vmem_shared>>
      tpu.enqueue_dma source(%dma_start3A_283 : memref<768xf32, #tpu.memory_space<vmem_shared>>) target(%dma_start3A_282 : memref<768xf32, #tpu.memory_space<vmem>>) target_semaphore(%arg16 : memref<!tpu.dma_semaphore, #tpu.memory_space<semaphore_mem>>)
      %slice3A_284 = vector.extract_strided_slice %get3A_115 {offsets = [10], sizes = [1], strides = [1]} : vector<16xi32> to vector<1xi32>
      %squeeze3A_285 = vector.extract %slice3A_284[0] : i32 from vector<1xi32>
      %mul3A_286 = arith.constant 768 : i32
      %mul3A_287 = arith.muli %squeeze3A_285, %mul3A_286 : i32
      %mul3A_288 = arith.constant 16 : i32
      %mul3A_289 = arith.muli %scan3A_108, %mul3A_288 : i32
      %add3A_290 = arith.constant 10 : i32
      %add3A_291 = arith.addi %mul3A_289, %add3A_290 : i32
      %dma_start3A_292 = arith.constant 0 : i32
      %dma_start3A_293 = arith.constant 0 : i32
      %dma_start3A_294 = tpu.memref_slice %arg10[%dma_start3A_292, %add3A_291, %dma_start3A_293] : memref<3x32x768xf32, #tpu.memory_space<vmem>> -> memref<1x1x768xf32, #tpu.memory_space<vmem>>
      %dma_start3A_295 = tpu.memref_squeeze %dma_start3A_294 : memref<1x1x768xf32, #tpu.memory_space<vmem>> -> memref<768xf32, #tpu.memory_space<vmem>>
      %dma_start3A_296 = tpu.memref_slice %arg8[%mul3A_287] : memref<196608xf32, #tpu.memory_space<vmem_shared>> -> memref<768xf32, #tpu.memory_space<vmem_shared>>
      %dma_start3A_297 = arith.constant 0 : i32
      %dma_start3A_298 = tpu.memref_slice %arg10[%dma_start3A_292, %add3A_291, %dma_start3A_297] : memref<3x32x768xf32, #tpu.memory_space<vmem>> -> memref<1x1x768xf32, #tpu.memory_space<vmem>>
      %dma_start3A_299 = tpu.memref_squeeze %dma_start3A_298 : memref<1x1x768xf32, #tpu.memory_space<vmem>> -> memref<768xf32, #tpu.memory_space<vmem>>
      %dma_start3A_300 = tpu.memref_slice %arg8[%mul3A_287] : memref<196608xf32, #tpu.memory_space<vmem_shared>> -> memref<768xf32, #tpu.memory_space<vmem_shared>>
      tpu.enqueue_dma source(%dma_start3A_300 : memref<768xf32, #tpu.memory_space<vmem_shared>>) target(%dma_start3A_299 : memref<768xf32, #tpu.memory_space<vmem>>) target_semaphore(%arg16 : memref<!tpu.dma_semaphore, #tpu.memory_space<semaphore_mem>>)
      %slice3A_301 = vector.extract_strided_slice %get3A_115 {offsets = [11], sizes = [1], strides = [1]} : vector<16xi32> to vector<1xi32>
      %squeeze3A_302 = vector.extract %slice3A_301[0] : i32 from vector<1xi32>
      %mul3A_303 = arith.constant 768 : i32
      %mul3A_304 = arith.muli %squeeze3A_302, %mul3A_303 : i32
      %mul3A_305 = arith.constant 16 : i32
      %mul3A_306 = arith.muli %scan3A_108, %mul3A_305 : i32
      %add3A_307 = arith.constant 11 : i32
      %add3A_308 = arith.addi %mul3A_306, %add3A_307 : i32
      %dma_start3A_309 = arith.constant 0 : i32
      %dma_start3A_310 = arith.constant 0 : i32
      %dma_start3A_311 = tpu.memref_slice %arg10[%dma_start3A_309, %add3A_308, %dma_start3A_310] : memref<3x32x768xf32, #tpu.memory_space<vmem>> -> memref<1x1x768xf32, #tpu.memory_space<vmem>>
      %dma_start3A_312 = tpu.memref_squeeze %dma_start3A_311 : memref<1x1x768xf32, #tpu.memory_space<vmem>> -> memref<768xf32, #tpu.memory_space<vmem>>
      %dma_start3A_313 = tpu.memref_slice %arg8[%mul3A_304] : memref<196608xf32, #tpu.memory_space<vmem_shared>> -> memref<768xf32, #tpu.memory_space<vmem_shared>>
      %dma_start3A_314 = arith.constant 0 : i32
      %dma_start3A_315 = tpu.memref_slice %arg10[%dma_start3A_309, %add3A_308, %dma_start3A_314] : memref<3x32x768xf32, #tpu.memory_space<vmem>> -> memref<1x1x768xf32, #tpu.memory_space<vmem>>
      %dma_start3A_316 = tpu.memref_squeeze %dma_start3A_315 : memref<1x1x768xf32, #tpu.memory_space<vmem>> -> memref<768xf32, #tpu.memory_space<vmem>>
      %dma_start3A_317 = tpu.memref_slice %arg8[%mul3A_304] : memref<196608xf32, #tpu.memory_space<vmem_shared>> -> memref<768xf32, #tpu.memory_space<vmem_shared>>
      tpu.enqueue_dma source(%dma_start3A_317 : memref<768xf32, #tpu.memory_space<vmem_shared>>) target(%dma_start3A_316 : memref<768xf32, #tpu.memory_space<vmem>>) target_semaphore(%arg16 : memref<!tpu.dma_semaphore, #tpu.memory_space<semaphore_mem>>)
      %slice3A_318 = vector.extract_strided_slice %get3A_115 {offsets = [12], sizes = [1], strides = [1]} : vector<16xi32> to vector<1xi32>
      %squeeze3A_319 = vector.extract %slice3A_318[0] : i32 from vector<1xi32>
      %mul3A_320 = arith.constant 768 : i32
      %mul3A_321 = arith.muli %squeeze3A_319, %mul3A_320 : i32
      %mul3A_322 = arith.constant 16 : i32
      %mul3A_323 = arith.muli %scan3A_108, %mul3A_322 : i32
      %add3A_324 = arith.constant 12 : i32
      %add3A_325 = arith.addi %mul3A_323, %add3A_324 : i32
      %dma_start3A_326 = arith.constant 0 : i32
      %dma_start3A_327 = arith.constant 0 : i32
      %dma_start3A_328 = tpu.memref_slice %arg10[%dma_start3A_326, %add3A_325, %dma_start3A_327] : memref<3x32x768xf32, #tpu.memory_space<vmem>> -> memref<1x1x768xf32, #tpu.memory_space<vmem>>
      %dma_start3A_329 = tpu.memref_squeeze %dma_start3A_328 : memref<1x1x768xf32, #tpu.memory_space<vmem>> -> memref<768xf32, #tpu.memory_space<vmem>>
      %dma_start3A_330 = tpu.memref_slice %arg8[%mul3A_321] : memref<196608xf32, #tpu.memory_space<vmem_shared>> -> memref<768xf32, #tpu.memory_space<vmem_shared>>
      %dma_start3A_331 = arith.constant 0 : i32
      %dma_start3A_332 = tpu.memref_slice %arg10[%dma_start3A_326, %add3A_325, %dma_start3A_331] : memref<3x32x768xf32, #tpu.memory_space<vmem>> -> memref<1x1x768xf32, #tpu.memory_space<vmem>>
      %dma_start3A_333 = tpu.memref_squeeze %dma_start3A_332 : memref<1x1x768xf32, #tpu.memory_space<vmem>> -> memref<768xf32, #tpu.memory_space<vmem>>
      %dma_start3A_334 = tpu.memref_slice %arg8[%mul3A_321] : memref<196608xf32, #tpu.memory_space<vmem_shared>> -> memref<768xf32, #tpu.memory_space<vmem_shared>>
      tpu.enqueue_dma source(%dma_start3A_334 : memref<768xf32, #tpu.memory_space<vmem_shared>>) target(%dma_start3A_333 : memref<768xf32, #tpu.memory_space<vmem>>) target_semaphore(%arg16 : memref<!tpu.dma_semaphore, #tpu.memory_space<semaphore_mem>>)
      %slice3A_335 = vector.extract_strided_slice %get3A_115 {offsets = [13], sizes = [1], strides = [1]} : vector<16xi32> to vector<1xi32>
      %squeeze3A_336 = vector.extract %slice3A_335[0] : i32 from vector<1xi32>
      %mul3A_337 = arith.constant 768 : i32
      %mul3A_338 = arith.muli %squeeze3A_336, %mul3A_337 : i32
      %mul3A_339 = arith.constant 16 : i32
      %mul3A_340 = arith.muli %scan3A_108, %mul3A_339 : i32
      %add3A_341 = arith.constant 13 : i32
      %add3A_342 = arith.addi %mul3A_340, %add3A_341 : i32
      %dma_start3A_343 = arith.constant 0 : i32
      %dma_start3A_344 = arith.constant 0 : i32
      %dma_start3A_345 = tpu.memref_slice %arg10[%dma_start3A_343, %add3A_342, %dma_start3A_344] : memref<3x32x768xf32, #tpu.memory_space<vmem>> -> memref<1x1x768xf32, #tpu.memory_space<vmem>>
      %dma_start3A_346 = tpu.memref_squeeze %dma_start3A_345 : memref<1x1x768xf32, #tpu.memory_space<vmem>> -> memref<768xf32, #tpu.memory_space<vmem>>
      %dma_start3A_347 = tpu.memref_slice %arg8[%mul3A_338] : memref<196608xf32, #tpu.memory_space<vmem_shared>> -> memref<768xf32, #tpu.memory_space<vmem_shared>>
      %dma_start3A_348 = arith.constant 0 : i32
      %dma_start3A_349 = tpu.memref_slice %arg10[%dma_start3A_343, %add3A_342, %dma_start3A_348] : memref<3x32x768xf32, #tpu.memory_space<vmem>> -> memref<1x1x768xf32, #tpu.memory_space<vmem>>
      %dma_start3A_350 = tpu.memref_squeeze %dma_start3A_349 : memref<1x1x768xf32, #tpu.memory_space<vmem>> -> memref<768xf32, #tpu.memory_space<vmem>>
      %dma_start3A_351 = tpu.memref_slice %arg8[%mul3A_338] : memref<196608xf32, #tpu.memory_space<vmem_shared>> -> memref<768xf32, #tpu.memory_space<vmem_shared>>
      tpu.enqueue_dma source(%dma_start3A_351 : memref<768xf32, #tpu.memory_space<vmem_shared>>) target(%dma_start3A_350 : memref<768xf32, #tpu.memory_space<vmem>>) target_semaphore(%arg16 : memref<!tpu.dma_semaphore, #tpu.memory_space<semaphore_mem>>)
      %slice3A_352 = vector.extract_strided_slice %get3A_115 {offsets = [14], sizes = [1], strides = [1]} : vector<16xi32> to vector<1xi32>
      %squeeze3A_353 = vector.extract %slice3A_352[0] : i32 from vector<1xi32>
      %mul3A_354 = arith.constant 768 : i32
      %mul3A_355 = arith.muli %squeeze3A_353, %mul3A_354 : i32
      %mul3A_356 = arith.constant 16 : i32
      %mul3A_357 = arith.muli %scan3A_108, %mul3A_356 : i32
      %add3A_358 = arith.constant 14 : i32
      %add3A_359 = arith.addi %mul3A_357, %add3A_358 : i32
      %dma_start3A_360 = arith.constant 0 : i32
      %dma_start3A_361 = arith.constant 0 : i32
      %dma_start3A_362 = tpu.memref_slice %arg10[%dma_start3A_360, %add3A_359, %dma_start3A_361] : memref<3x32x768xf32, #tpu.memory_space<vmem>> -> memref<1x1x768xf32, #tpu.memory_space<vmem>>
      %dma_start3A_363 = tpu.memref_squeeze %dma_start3A_362 : memref<1x1x768xf32, #tpu.memory_space<vmem>> -> memref<768xf32, #tpu.memory_space<vmem>>
      %dma_start3A_364 = tpu.memref_slice %arg8[%mul3A_355] : memref<196608xf32, #tpu.memory_space<vmem_shared>> -> memref<768xf32, #tpu.memory_space<vmem_shared>>
      %dma_start3A_365 = arith.constant 0 : i32
      %dma_start3A_366 = tpu.memref_slice %arg10[%dma_start3A_360, %add3A_359, %dma_start3A_365] : memref<3x32x768xf32, #tpu.memory_space<vmem>> -> memref<1x1x768xf32, #tpu.memory_space<vmem>>
      %dma_start3A_367 = tpu.memref_squeeze %dma_start3A_366 : memref<1x1x768xf32, #tpu.memory_space<vmem>> -> memref<768xf32, #tpu.memory_space<vmem>>
      %dma_start3A_368 = tpu.memref_slice %arg8[%mul3A_355] : memref<196608xf32, #tpu.memory_space<vmem_shared>> -> memref<768xf32, #tpu.memory_space<vmem_shared>>
      tpu.enqueue_dma source(%dma_start3A_368 : memref<768xf32, #tpu.memory_space<vmem_shared>>) target(%dma_start3A_367 : memref<768xf32, #tpu.memory_space<vmem>>) target_semaphore(%arg16 : memref<!tpu.dma_semaphore, #tpu.memory_space<semaphore_mem>>)
      %slice3A_369 = vector.extract_strided_slice %get3A_115 {offsets = [15], sizes = [1], strides = [1]} : vector<16xi32> to vector<1xi32>
      %squeeze3A_370 = vector.extract %slice3A_369[0] : i32 from vector<1xi32>
      %mul3A_371 = arith.constant 768 : i32
      %mul3A_372 = arith.muli %squeeze3A_370, %mul3A_371 : i32
      %mul3A_373 = arith.constant 16 : i32
      %mul3A_374 = arith.muli %scan3A_108, %mul3A_373 : i32
      %add3A_375 = arith.constant 15 : i32
      %add3A_376 = arith.addi %mul3A_374, %add3A_375 : i32
      %dma_start3A_377 = arith.constant 0 : i32
      %dma_start3A_378 = arith.constant 0 : i32
      %dma_start3A_379 = tpu.memref_slice %arg10[%dma_start3A_377, %add3A_376, %dma_start3A_378] : memref<3x32x768xf32, #tpu.memory_space<vmem>> -> memref<1x1x768xf32, #tpu.memory_space<vmem>>
      %dma_start3A_380 = tpu.memref_squeeze %dma_start3A_379 : memref<1x1x768xf32, #tpu.memory_space<vmem>> -> memref<768xf32, #tpu.memory_space<vmem>>
      %dma_start3A_381 = tpu.memref_slice %arg8[%mul3A_372] : memref<196608xf32, #tpu.memory_space<vmem_shared>> -> memref<768xf32, #tpu.memory_space<vmem_shared>>
      %dma_start3A_382 = arith.constant 0 : i32
      %dma_start3A_383 = tpu.memref_slice %arg10[%dma_start3A_377, %add3A_376, %dma_start3A_382] : memref<3x32x768xf32, #tpu.memory_space<vmem>> -> memref<1x1x768xf32, #tpu.memory_space<vmem>>
      %dma_start3A_384 = tpu.memref_squeeze %dma_start3A_383 : memref<1x1x768xf32, #tpu.memory_space<vmem>> -> memref<768xf32, #tpu.memory_space<vmem>>
      %dma_start3A_385 = tpu.memref_slice %arg8[%mul3A_372] : memref<196608xf32, #tpu.memory_space<vmem_shared>> -> memref<768xf32, #tpu.memory_space<vmem_shared>>
      tpu.enqueue_dma source(%dma_start3A_385 : memref<768xf32, #tpu.memory_space<vmem_shared>>) target(%dma_start3A_384 : memref<768xf32, #tpu.memory_space<vmem>>) target_semaphore(%arg16 : memref<!tpu.dma_semaphore, #tpu.memory_space<semaphore_mem>>)
    }
    %scan3A_56 = arith.constant 2 : i32
    %scan3A_57 = arith.constant 0 : i32
    %scan3A_58 = arith.constant 0 : i32
    %scan3A_59 = arith.constant 16 : i32
    %scan3A_60 = arith.addi %scan3A_58, %scan3A_59 : i32
    %scan3A_61 = arith.constant 1 : i32
    scf.for %scan3A_108 = %scan3A_58 to %scan3A_60 step %scan3A_61  : i32 {
      %mul3A_109 = arith.constant 3 : i32
      %mul3A_110 = arith.muli %mul3A_109, %scan3A_108 : i32
      %add3A_111 = arith.constant 0 : i32
      %add3A_112 = arith.addi %mul3A_110, %add3A_111 : i32
      %add3A_113 = arith.constant 1 : i32
      %add3A_114 = arith.addi %add3A_112, %add3A_113 : i32
      %lt3A = arith.constant 48 : i32
      %lt3A_115 = arith.cmpi slt, %add3A_114, %lt3A : i32
      %convert_element_type3A = arith.extui %lt3A_115 : i1 to i32
      %cond3A = arith.constant 0 : i32
      %cond3A_116 = arith.cmpi ne, %convert_element_type3A, %cond3A : i32
      scf.if %cond3A_116 {
        %add3A_240 = arith.constant 1 : i32
        %add3A_241 = arith.addi %add3A_112, %add3A_240 : i32
        %ge3A_242 = arith.constant 3 : i32
        %ge3A_243 = arith.cmpi sge, %add3A_241, %ge3A_242 : i32
        %convert_element_type3A_244 = arith.extui %ge3A_243 : i1 to i32
        %cond3A_245 = arith.constant 0 : i32
        %cond3A_246 = arith.cmpi ne, %convert_element_type3A_244, %cond3A_245 : i32
        scf.if %cond3A_246 {
          %dma_wait3A_257 = arith.constant 1 : i32
          %dma_wait3A_258 = arith.constant 0 : i32
          %dma_wait3A_259 = arith.constant 0 : i32
          %dma_wait3A_260 = tpu.memref_slice %arg10[%dma_wait3A_257, %dma_wait3A_258, %dma_wait3A_259] : memref<3x32x768xf32, #tpu.memory_space<vmem>> -> memref<1x32x768xf32, #tpu.memory_space<vmem>>
          %dma_wait3A_261 = tpu.memref_squeeze %dma_wait3A_260 : memref<1x32x768xf32, #tpu.memory_space<vmem>> -> memref<32x768xf32, #tpu.memory_space<vmem>>
          %dma_wait3A_262 = arith.constant 0 : i32
          %dma_wait3A_263 = tpu.memref_slice %arg7[%mul3A_2, %dma_wait3A_262] : memref<65536x768xf32, #tpu.memory_space<hbm>> -> memref<32x768xf32, #tpu.memory_space<hbm>>
          %dma_wait3A_264 = arith.constant 0 : i32
          %dma_wait3A_265 = tpu.memref_slice %arg7[%mul3A_2, %dma_wait3A_264] : memref<65536x768xf32, #tpu.memory_space<hbm>> -> memref<32x768xf32, #tpu.memory_space<hbm>>
          %dma_wait3A_266 = arith.constant 0 : i32
          %dma_wait3A_267 = arith.constant 0 : i32
          %dma_wait3A_268 = tpu.memref_slice %arg10[%dma_wait3A_257, %dma_wait3A_266, %dma_wait3A_267] : memref<3x32x768xf32, #tpu.memory_space<vmem>> -> memref<1x32x768xf32, #tpu.memory_space<vmem>>
          %dma_wait3A_269 = tpu.memref_squeeze %dma_wait3A_268 : memref<1x32x768xf32, #tpu.memory_space<vmem>> -> memref<32x768xf32, #tpu.memory_space<vmem>>
          tpu.wait_dma2 semaphore(%arg14 : memref<!tpu.dma_semaphore, #tpu.memory_space<semaphore_mem>>) src(%dma_wait3A_269 : memref<32x768xf32, #tpu.memory_space<vmem>>) dst(%dma_wait3A_265 : memref<32x768xf32, #tpu.memory_space<hbm>>)
        } else {
        }
        %add3A_247 = arith.constant 1 : i32
        %add3A_248 = arith.addi %add3A_112, %add3A_247 : i32
        %mul3A_249 = arith.constant 32 : i32
        %mul3A_250 = arith.muli %add3A_248, %mul3A_249 : i32
        %scan3A_251 = arith.constant 0 : i32
        %scan3A_252 = arith.constant 0 : i32
        %scan3A_253 = arith.constant 2 : i32
        %scan3A_254 = arith.addi %scan3A_252, %scan3A_253 : i32
        %scan3A_255 = arith.constant 1 : i32
        scf.for %scan3A_257 = %scan3A_252 to %scan3A_254 step %scan3A_255  : i32 {
          %mul3A_258 = arith.constant 16 : i32
          %mul3A_259 = arith.muli %scan3A_257, %mul3A_258 : i32
          %add3A_260 = arith.addi %mul3A_250, %mul3A_259 : i32
          %get3A_261 = arith.index_cast %add3A_260 : i32 to index
          %get3A_262 = tpu.vector_load %arg9[%get3A_261] {strides = array<i32>} : memref<2048xi32, #tpu.memory_space<vmem>>, vector<16xi32>,
          %get3A_263 = vector.shape_cast %get3A_262 : vector<16xi32> to vector<16xi32>
          %slice3A = vector.extract_strided_slice %get3A_263 {offsets = [0], sizes = [1], strides = [1]} : vector<16xi32> to vector<1xi32>
          %squeeze3A = vector.extract %slice3A[0] : i32 from vector<1xi32>
          %mul3A_264 = arith.constant 768 : i32
          %mul3A_265 = arith.muli %squeeze3A, %mul3A_264 : i32
          %mul3A_266 = arith.constant 16 : i32
          %mul3A_267 = arith.muli %scan3A_257, %mul3A_266 : i32
          %add3A_268 = arith.constant 0 : i32
          %add3A_269 = arith.addi %mul3A_267, %add3A_268 : i32
          %dma_start3A_270 = arith.constant 1 : i32
          %dma_start3A_271 = arith.constant 0 : i32
          %dma_start3A_272 = tpu.memref_slice %arg10[%dma_start3A_270, %add3A_269, %dma_start3A_271] : memref<3x32x768xf32, #tpu.memory_space<vmem>> -> memref<1x1x768xf32, #tpu.memory_space<vmem>>
          %dma_start3A_273 = tpu.memref_squeeze %dma_start3A_272 : memref<1x1x768xf32, #tpu.memory_space<vmem>> -> memref<768xf32, #tpu.memory_space<vmem>>
          %dma_start3A_274 = tpu.memref_slice %arg8[%mul3A_265] : memref<196608xf32, #tpu.memory_space<vmem_shared>> -> memref<768xf32, #tpu.memory_space<vmem_shared>>
          %dma_start3A_275 = arith.constant 0 : i32
          %dma_start3A_276 = tpu.memref_slice %arg10[%dma_start3A_270, %add3A_269, %dma_start3A_275] : memref<3x32x768xf32, #tpu.memory_space<vmem>> -> memref<1x1x768xf32, #tpu.memory_space<vmem>>
          %dma_start3A_277 = tpu.memref_squeeze %dma_start3A_276 : memref<1x1x768xf32, #tpu.memory_space<vmem>> -> memref<768xf32, #tpu.memory_space<vmem>>
          %dma_start3A_278 = tpu.memref_slice %arg8[%mul3A_265] : memref<196608xf32, #tpu.memory_space<vmem_shared>> -> memref<768xf32, #tpu.memory_space<vmem_shared>>
          tpu.enqueue_dma source(%dma_start3A_278 : memref<768xf32, #tpu.memory_space<vmem_shared>>) target(%dma_start3A_277 : memref<768xf32, #tpu.memory_space<vmem>>) target_semaphore(%arg17 : memref<!tpu.dma_semaphore, #tpu.memory_space<semaphore_mem>>)
          %slice3A_279 = vector.extract_strided_slice %get3A_263 {offsets = [1], sizes = [1], strides = [1]} : vector<16xi32> to vector<1xi32>
          %squeeze3A_280 = vector.extract %slice3A_279[0] : i32 from vector<1xi32>
          %mul3A_281 = arith.constant 768 : i32
          %mul3A_282 = arith.muli %squeeze3A_280, %mul3A_281 : i32
          %mul3A_283 = arith.constant 16 : i32
          %mul3A_284 = arith.muli %scan3A_257, %mul3A_283 : i32
          %add3A_285 = arith.constant 1 : i32
          %add3A_286 = arith.addi %mul3A_284, %add3A_285 : i32
          %dma_start3A_287 = arith.constant 1 : i32
          %dma_start3A_288 = arith.constant 0 : i32
          %dma_start3A_289 = tpu.memref_slice %arg10[%dma_start3A_287, %add3A_286, %dma_start3A_288] : memref<3x32x768xf32, #tpu.memory_space<vmem>> -> memref<1x1x768xf32, #tpu.memory_space<vmem>>
          %dma_start3A_290 = tpu.memref_squeeze %dma_start3A_289 : memref<1x1x768xf32, #tpu.memory_space<vmem>> -> memref<768xf32, #tpu.memory_space<vmem>>
          %dma_start3A_291 = tpu.memref_slice %arg8[%mul3A_282] : memref<196608xf32, #tpu.memory_space<vmem_shared>> -> memref<768xf32, #tpu.memory_space<vmem_shared>>
          %dma_start3A_292 = arith.constant 0 : i32
          %dma_start3A_293 = tpu.memref_slice %arg10[%dma_start3A_287, %add3A_286, %dma_start3A_292] : memref<3x32x768xf32, #tpu.memory_space<vmem>> -> memref<1x1x768xf32, #tpu.memory_space<vmem>>
          %dma_start3A_294 = tpu.memref_squeeze %dma_start3A_293 : memref<1x1x768xf32, #tpu.memory_space<vmem>> -> memref<768xf32, #tpu.memory_space<vmem>>
          %dma_start3A_295 = tpu.memref_slice %arg8[%mul3A_282] : memref<196608xf32, #tpu.memory_space<vmem_shared>> -> memref<768xf32, #tpu.memory_space<vmem_shared>>
          tpu.enqueue_dma source(%dma_start3A_295 : memref<768xf32, #tpu.memory_space<vmem_shared>>) target(%dma_start3A_294 : memref<768xf32, #tpu.memory_space<vmem>>) target_semaphore(%arg17 : memref<!tpu.dma_semaphore, #tpu.memory_space<semaphore_mem>>)
          %slice3A_296 = vector.extract_strided_slice %get3A_263 {offsets = [2], sizes = [1], strides = [1]} : vector<16xi32> to vector<1xi32>
          %squeeze3A_297 = vector.extract %slice3A_296[0] : i32 from vector<1xi32>
          %mul3A_298 = arith.constant 768 : i32
          %mul3A_299 = arith.muli %squeeze3A_297, %mul3A_298 : i32
          %mul3A_300 = arith.constant 16 : i32
          %mul3A_301 = arith.muli %scan3A_257, %mul3A_300 : i32
          %add3A_302 = arith.constant 2 : i32
          %add3A_303 = arith.addi %mul3A_301, %add3A_302 : i32
          %dma_start3A_304 = arith.constant 1 : i32
          %dma_start3A_305 = arith.constant 0 : i32
          %dma_start3A_306 = tpu.memref_slice %arg10[%dma_start3A_304, %add3A_303, %dma_start3A_305] : memref<3x32x768xf32, #tpu.memory_space<vmem>> -> memref<1x1x768xf32, #tpu.memory_space<vmem>>
          %dma_start3A_307 = tpu.memref_squeeze %dma_start3A_306 : memref<1x1x768xf32, #tpu.memory_space<vmem>> -> memref<768xf32, #tpu.memory_space<vmem>>
          %dma_start3A_308 = tpu.memref_slice %arg8[%mul3A_299] : memref<196608xf32, #tpu.memory_space<vmem_shared>> -> memref<768xf32, #tpu.memory_space<vmem_shared>>
          %dma_start3A_309 = arith.constant 0 : i32
          %dma_start3A_310 = tpu.memref_slice %arg10[%dma_start3A_304, %add3A_303, %dma_start3A_309] : memref<3x32x768xf32, #tpu.memory_space<vmem>> -> memref<1x1x768xf32, #tpu.memory_space<vmem>>
          %dma_start3A_311 = tpu.memref_squeeze %dma_start3A_310 : memref<1x1x768xf32, #tpu.memory_space<vmem>> -> memref<768xf32, #tpu.memory_space<vmem>>
          %dma_start3A_312 = tpu.memref_slice %arg8[%mul3A_299] : memref<196608xf32, #tpu.memory_space<vmem_shared>> -> memref<768xf32, #tpu.memory_space<vmem_shared>>
          tpu.enqueue_dma source(%dma_start3A_312 : memref<768xf32, #tpu.memory_space<vmem_shared>>) target(%dma_start3A_311 : memref<768xf32, #tpu.memory_space<vmem>>) target_semaphore(%arg17 : memref<!tpu.dma_semaphore, #tpu.memory_space<semaphore_mem>>)
          %slice3A_313 = vector.extract_strided_slice %get3A_263 {offsets = [3], sizes = [1], strides = [1]} : vector<16xi32> to vector<1xi32>
          %squeeze3A_314 = vector.extract %slice3A_313[0] : i32 from vector<1xi32>
          %mul3A_315 = arith.constant 768 : i32
          %mul3A_316 = arith.muli %squeeze3A_314, %mul3A_315 : i32
          %mul3A_317 = arith.constant 16 : i32
          %mul3A_318 = arith.muli %scan3A_257, %mul3A_317 : i32
          %add3A_319 = arith.constant 3 : i32
          %add3A_320 = arith.addi %mul3A_318, %add3A_319 : i32
          %dma_start3A_321 = arith.constant 1 : i32
          %dma_start3A_322 = arith.constant 0 : i32
          %dma_start3A_323 = tpu.memref_slice %arg10[%dma_start3A_321, %add3A_320, %dma_start3A_322] : memref<3x32x768xf32, #tpu.memory_space<vmem>> -> memref<1x1x768xf32, #tpu.memory_space<vmem>>
          %dma_start3A_324 = tpu.memref_squeeze %dma_start3A_323 : memref<1x1x768xf32, #tpu.memory_space<vmem>> -> memref<768xf32, #tpu.memory_space<vmem>>
          %dma_start3A_325 = tpu.memref_slice %arg8[%mul3A_316] : memref<196608xf32, #tpu.memory_space<vmem_shared>> -> memref<768xf32, #tpu.memory_space<vmem_shared>>
          %dma_start3A_326 = arith.constant 0 : i32
          %dma_start3A_327 = tpu.memref_slice %arg10[%dma_start3A_321, %add3A_320, %dma_start3A_326] : memref<3x32x768xf32, #tpu.memory_space<vmem>> -> memref<1x1x768xf32, #tpu.memory_space<vmem>>
          %dma_start3A_328 = tpu.memref_squeeze %dma_start3A_327 : memref<1x1x768xf32, #tpu.memory_space<vmem>> -> memref<768xf32, #tpu.memory_space<vmem>>
          %dma_start3A_329 = tpu.memref_slice %arg8[%mul3A_316] : memref<196608xf32, #tpu.memory_space<vmem_shared>> -> memref<768xf32, #tpu.memory_space<vmem_shared>>
          tpu.enqueue_dma source(%dma_start3A_329 : memref<768xf32, #tpu.memory_space<vmem_shared>>) target(%dma_start3A_328 : memref<768xf32, #tpu.memory_space<vmem>>) target_semaphore(%arg17 : memref<!tpu.dma_semaphore, #tpu.memory_space<semaphore_mem>>)
          %slice3A_330 = vector.extract_strided_slice %get3A_263 {offsets = [4], sizes = [1], strides = [1]} : vector<16xi32> to vector<1xi32>
          %squeeze3A_331 = vector.extract %slice3A_330[0] : i32 from vector<1xi32>
          %mul3A_332 = arith.constant 768 : i32
          %mul3A_333 = arith.muli %squeeze3A_331, %mul3A_332 : i32
          %mul3A_334 = arith.constant 16 : i32
          %mul3A_335 = arith.muli %scan3A_257, %mul3A_334 : i32
          %add3A_336 = arith.constant 4 : i32
          %add3A_337 = arith.addi %mul3A_335, %add3A_336 : i32
          %dma_start3A_338 = arith.constant 1 : i32
          %dma_start3A_339 = arith.constant 0 : i32
          %dma_start3A_340 = tpu.memref_slice %arg10[%dma_start3A_338, %add3A_337, %dma_start3A_339] : memref<3x32x768xf32, #tpu.memory_space<vmem>> -> memref<1x1x768xf32, #tpu.memory_space<vmem>>
          %dma_start3A_341 = tpu.memref_squeeze %dma_start3A_340 : memref<1x1x768xf32, #tpu.memory_space<vmem>> -> memref<768xf32, #tpu.memory_space<vmem>>
          %dma_start3A_342 = tpu.memref_slice %arg8[%mul3A_333] : memref<196608xf32, #tpu.memory_space<vmem_shared>> -> memref<768xf32, #tpu.memory_space<vmem_shared>>
          %dma_start3A_343 = arith.constant 0 : i32
          %dma_start3A_344 = tpu.memref_slice %arg10[%dma_start3A_338, %add3A_337, %dma_start3A_343] : memref<3x32x768xf32, #tpu.memory_space<vmem>> -> memref<1x1x768xf32, #tpu.memory_space<vmem>>
          %dma_start3A_345 = tpu.memref_squeeze %dma_start3A_344 : memref<1x1x768xf32, #tpu.memory_space<vmem>> -> memref<768xf32, #tpu.memory_space<vmem>>
          %dma_start3A_346 = tpu.memref_slice %arg8[%mul3A_333] : memref<196608xf32, #tpu.memory_space<vmem_shared>> -> memref<768xf32, #tpu.memory_space<vmem_shared>>
          tpu.enqueue_dma source(%dma_start3A_346 : memref<768xf32, #tpu.memory_space<vmem_shared>>) target(%dma_start3A_345 : memref<768xf32, #tpu.memory_space<vmem>>) target_semaphore(%arg17 : memref<!tpu.dma_semaphore, #tpu.memory_space<semaphore_mem>>)
          %slice3A_347 = vector.extract_strided_slice %get3A_263 {offsets = [5], sizes = [1], strides = [1]} : vector<16xi32> to vector<1xi32>
          %squeeze3A_348 = vector.extract %slice3A_347[0] : i32 from vector<1xi32>
          %mul3A_349 = arith.constant 768 : i32
          %mul3A_350 = arith.muli %squeeze3A_348, %mul3A_349 : i32
          %mul3A_351 = arith.constant 16 : i32
          %mul3A_352 = arith.muli %scan3A_257, %mul3A_351 : i32
          %add3A_353 = arith.constant 5 : i32
          %add3A_354 = arith.addi %mul3A_352, %add3A_353 : i32
          %dma_start3A_355 = arith.constant 1 : i32
          %dma_start3A_356 = arith.constant 0 : i32
          %dma_start3A_357 = tpu.memref_slice %arg10[%dma_start3A_355, %add3A_354, %dma_start3A_356] : memref<3x32x768xf32, #tpu.memory_space<vmem>> -> memref<1x1x768xf32, #tpu.memory_space<vmem>>
          %dma_start3A_358 = tpu.memref_squeeze %dma_start3A_357 : memref<1x1x768xf32, #tpu.memory_space<vmem>> -> memref<768xf32, #tpu.memory_space<vmem>>
          %dma_start3A_359 = tpu.memref_slice %arg8[%mul3A_350] : memref<196608xf32, #tpu.memory_space<vmem_shared>> -> memref<768xf32, #tpu.memory_space<vmem_shared>>
          %dma_start3A_360 = arith.constant 0 : i32
          %dma_start3A_361 = tpu.memref_slice %arg10[%dma_start3A_355, %add3A_354, %dma_start3A_360] : memref<3x32x768xf32, #tpu.memory_space<vmem>> -> memref<1x1x768xf32, #tpu.memory_space<vmem>>
          %dma_start3A_362 = tpu.memref_squeeze %dma_start3A_361 : memref<1x1x768xf32, #tpu.memory_space<vmem>> -> memref<768xf32, #tpu.memory_space<vmem>>
          %dma_start3A_363 = tpu.memref_slice %arg8[%mul3A_350] : memref<196608xf32, #tpu.memory_space<vmem_shared>> -> memref<768xf32, #tpu.memory_space<vmem_shared>>
          tpu.enqueue_dma source(%dma_start3A_363 : memref<768xf32, #tpu.memory_space<vmem_shared>>) target(%dma_start3A_362 : memref<768xf32, #tpu.memory_space<vmem>>) target_semaphore(%arg17 : memref<!tpu.dma_semaphore, #tpu.memory_space<semaphore_mem>>)
          %slice3A_364 = vector.extract_strided_slice %get3A_263 {offsets = [6], sizes = [1], strides = [1]} : vector<16xi32> to vector<1xi32>
          %squeeze3A_365 = vector.extract %slice3A_364[0] : i32 from vector<1xi32>
          %mul3A_366 = arith.constant 768 : i32
          %mul3A_367 = arith.muli %squeeze3A_365, %mul3A_366 : i32
          %mul3A_368 = arith.constant 16 : i32
          %mul3A_369 = arith.muli %scan3A_257, %mul3A_368 : i32
          %add3A_370 = arith.constant 6 : i32
          %add3A_371 = arith.addi %mul3A_369, %add3A_370 : i32
          %dma_start3A_372 = arith.constant 1 : i32
          %dma_start3A_373 = arith.constant 0 : i32
          %dma_start3A_374 = tpu.memref_slice %arg10[%dma_start3A_372, %add3A_371, %dma_start3A_373] : memref<3x32x768xf32, #tpu.memory_space<vmem>> -> memref<1x1x768xf32, #tpu.memory_space<vmem>>
          %dma_start3A_375 = tpu.memref_squeeze %dma_start3A_374 : memref<1x1x768xf32, #tpu.memory_space<vmem>> -> memref<768xf32, #tpu.memory_space<vmem>>
          %dma_start3A_376 = tpu.memref_slice %arg8[%mul3A_367] : memref<196608xf32, #tpu.memory_space<vmem_shared>> -> memref<768xf32, #tpu.memory_space<vmem_shared>>
          %dma_start3A_377 = arith.constant 0 : i32
          %dma_start3A_378 = tpu.memref_slice %arg10[%dma_start3A_372, %add3A_371, %dma_start3A_377] : memref<3x32x768xf32, #tpu.memory_space<vmem>> -> memref<1x1x768xf32, #tpu.memory_space<vmem>>
          %dma_start3A_379 = tpu.memref_squeeze %dma_start3A_378 : memref<1x1x768xf32, #tpu.memory_space<vmem>> -> memref<768xf32, #tpu.memory_space<vmem>>
          %dma_start3A_380 = tpu.memref_slice %arg8[%mul3A_367] : memref<196608xf32, #tpu.memory_space<vmem_shared>> -> memref<768xf32, #tpu.memory_space<vmem_shared>>
          tpu.enqueue_dma source(%dma_start3A_380 : memref<768xf32, #tpu.memory_space<vmem_shared>>) target(%dma_start3A_379 : memref<768xf32, #tpu.memory_space<vmem>>) target_semaphore(%arg17 : memref<!tpu.dma_semaphore, #tpu.memory_space<semaphore_mem>>)
          %slice3A_381 = vector.extract_strided_slice %get3A_263 {offsets = [7], sizes = [1], strides = [1]} : vector<16xi32> to vector<1xi32>
          %squeeze3A_382 = vector.extract %slice3A_381[0] : i32 from vector<1xi32>
          %mul3A_383 = arith.constant 768 : i32
          %mul3A_384 = arith.muli %squeeze3A_382, %mul3A_383 : i32
          %mul3A_385 = arith.constant 16 : i32
          %mul3A_386 = arith.muli %scan3A_257, %mul3A_385 : i32
          %add3A_387 = arith.constant 7 : i32
          %add3A_388 = arith.addi %mul3A_386, %add3A_387 : i32
          %dma_start3A_389 = arith.constant 1 : i32
          %dma_start3A_390 = arith.constant 0 : i32
          %dma_start3A_391 = tpu.memref_slice %arg10[%dma_start3A_389, %add3A_388, %dma_start3A_390] : memref<3x32x768xf32, #tpu.memory_space<vmem>> -> memref<1x1x768xf32, #tpu.memory_space<vmem>>
          %dma_start3A_392 = tpu.memref_squeeze %dma_start3A_391 : memref<1x1x768xf32, #tpu.memory_space<vmem>> -> memref<768xf32, #tpu.memory_space<vmem>>
          %dma_start3A_393 = tpu.memref_slice %arg8[%mul3A_384] : memref<196608xf32, #tpu.memory_space<vmem_shared>> -> memref<768xf32, #tpu.memory_space<vmem_shared>>
          %dma_start3A_394 = arith.constant 0 : i32
          %dma_start3A_395 = tpu.memref_slice %arg10[%dma_start3A_389, %add3A_388, %dma_start3A_394] : memref<3x32x768xf32, #tpu.memory_space<vmem>> -> memref<1x1x768xf32, #tpu.memory_space<vmem>>
          %dma_start3A_396 = tpu.memref_squeeze %dma_start3A_395 : memref<1x1x768xf32, #tpu.memory_space<vmem>> -> memref<768xf32, #tpu.memory_space<vmem>>
          %dma_start3A_397 = tpu.memref_slice %arg8[%mul3A_384] : memref<196608xf32, #tpu.memory_space<vmem_shared>> -> memref<768xf32, #tpu.memory_space<vmem_shared>>
          tpu.enqueue_dma source(%dma_start3A_397 : memref<768xf32, #tpu.memory_space<vmem_shared>>) target(%dma_start3A_396 : memref<768xf32, #tpu.memory_space<vmem>>) target_semaphore(%arg17 : memref<!tpu.dma_semaphore, #tpu.memory_space<semaphore_mem>>)
          %slice3A_398 = vector.extract_strided_slice %get3A_263 {offsets = [8], sizes = [1], strides = [1]} : vector<16xi32> to vector<1xi32>
          %squeeze3A_399 = vector.extract %slice3A_398[0] : i32 from vector<1xi32>
          %mul3A_400 = arith.constant 768 : i32
          %mul3A_401 = arith.muli %squeeze3A_399, %mul3A_400 : i32
          %mul3A_402 = arith.constant 16 : i32
          %mul3A_403 = arith.muli %scan3A_257, %mul3A_402 : i32
          %add3A_404 = arith.constant 8 : i32
          %add3A_405 = arith.addi %mul3A_403, %add3A_404 : i32
          %dma_start3A_406 = arith.constant 1 : i32
          %dma_start3A_407 = arith.constant 0 : i32
          %dma_start3A_408 = tpu.memref_slice %arg10[%dma_start3A_406, %add3A_405, %dma_start3A_407] : memref<3x32x768xf32, #tpu.memory_space<vmem>> -> memref<1x1x768xf32, #tpu.memory_space<vmem>>
          %dma_start3A_409 = tpu.memref_squeeze %dma_start3A_408 : memref<1x1x768xf32, #tpu.memory_space<vmem>> -> memref<768xf32, #tpu.memory_space<vmem>>
          %dma_start3A_410 = tpu.memref_slice %arg8[%mul3A_401] : memref<196608xf32, #tpu.memory_space<vmem_shared>> -> memref<768xf32, #tpu.memory_space<vmem_shared>>
          %dma_start3A_411 = arith.constant 0 : i32
          %dma_start3A_412 = tpu.memref_slice %arg10[%dma_start3A_406, %add3A_405, %dma_start3A_411] : memref<3x32x768xf32, #tpu.memory_space<vmem>> -> memref<1x1x768xf32, #tpu.memory_space<vmem>>
          %dma_start3A_413 = tpu.memref_squeeze %dma_start3A_412 : memref<1x1x768xf32, #tpu.memory_space<vmem>> -> memref<768xf32, #tpu.memory_space<vmem>>
          %dma_start3A_414 = tpu.memref_slice %arg8[%mul3A_401] : memref<196608xf32, #tpu.memory_space<vmem_shared>> -> memref<768xf32, #tpu.memory_space<vmem_shared>>
          tpu.enqueue_dma source(%dma_start3A_414 : memref<768xf32, #tpu.memory_space<vmem_shared>>) target(%dma_start3A_413 : memref<768xf32, #tpu.memory_space<vmem>>) target_semaphore(%arg17 : memref<!tpu.dma_semaphore, #tpu.memory_space<semaphore_mem>>)
          %slice3A_415 = vector.extract_strided_slice %get3A_263 {offsets = [9], sizes = [1], strides = [1]} : vector<16xi32> to vector<1xi32>
          %squeeze3A_416 = vector.extract %slice3A_415[0] : i32 from vector<1xi32>
          %mul3A_417 = arith.constant 768 : i32
          %mul3A_418 = arith.muli %squeeze3A_416, %mul3A_417 : i32
          %mul3A_419 = arith.constant 16 : i32
          %mul3A_420 = arith.muli %scan3A_257, %mul3A_419 : i32
          %add3A_421 = arith.constant 9 : i32
          %add3A_422 = arith.addi %mul3A_420, %add3A_421 : i32
          %dma_start3A_423 = arith.constant 1 : i32
          %dma_start3A_424 = arith.constant 0 : i32
          %dma_start3A_425 = tpu.memref_slice %arg10[%dma_start3A_423, %add3A_422, %dma_start3A_424] : memref<3x32x768xf32, #tpu.memory_space<vmem>> -> memref<1x1x768xf32, #tpu.memory_space<vmem>>
          %dma_start3A_426 = tpu.memref_squeeze %dma_start3A_425 : memref<1x1x768xf32, #tpu.memory_space<vmem>> -> memref<768xf32, #tpu.memory_space<vmem>>
          %dma_start3A_427 = tpu.memref_slice %arg8[%mul3A_418] : memref<196608xf32, #tpu.memory_space<vmem_shared>> -> memref<768xf32, #tpu.memory_space<vmem_shared>>
          %dma_start3A_428 = arith.constant 0 : i32
          %dma_start3A_429 = tpu.memref_slice %arg10[%dma_start3A_423, %add3A_422, %dma_start3A_428] : memref<3x32x768xf32, #tpu.memory_space<vmem>> -> memref<1x1x768xf32, #tpu.memory_space<vmem>>
          %dma_start3A_430 = tpu.memref_squeeze %dma_start3A_429 : memref<1x1x768xf32, #tpu.memory_space<vmem>> -> memref<768xf32, #tpu.memory_space<vmem>>
          %dma_start3A_431 = tpu.memref_slice %arg8[%mul3A_418] : memref<196608xf32, #tpu.memory_space<vmem_shared>> -> memref<768xf32, #tpu.memory_space<vmem_shared>>
          tpu.enqueue_dma source(%dma_start3A_431 : memref<768xf32, #tpu.memory_space<vmem_shared>>) target(%dma_start3A_430 : memref<768xf32, #tpu.memory_space<vmem>>) target_semaphore(%arg17 : memref<!tpu.dma_semaphore, #tpu.memory_space<semaphore_mem>>)
          %slice3A_432 = vector.extract_strided_slice %get3A_263 {offsets = [10], sizes = [1], strides = [1]} : vector<16xi32> to vector<1xi32>
          %squeeze3A_433 = vector.extract %slice3A_432[0] : i32 from vector<1xi32>
          %mul3A_434 = arith.constant 768 : i32
          %mul3A_435 = arith.muli %squeeze3A_433, %mul3A_434 : i32
          %mul3A_436 = arith.constant 16 : i32
          %mul3A_437 = arith.muli %scan3A_257, %mul3A_436 : i32
          %add3A_438 = arith.constant 10 : i32
          %add3A_439 = arith.addi %mul3A_437, %add3A_438 : i32
          %dma_start3A_440 = arith.constant 1 : i32
          %dma_start3A_441 = arith.constant 0 : i32
          %dma_start3A_442 = tpu.memref_slice %arg10[%dma_start3A_440, %add3A_439, %dma_start3A_441] : memref<3x32x768xf32, #tpu.memory_space<vmem>> -> memref<1x1x768xf32, #tpu.memory_space<vmem>>
          %dma_start3A_443 = tpu.memref_squeeze %dma_start3A_442 : memref<1x1x768xf32, #tpu.memory_space<vmem>> -> memref<768xf32, #tpu.memory_space<vmem>>
          %dma_start3A_444 = tpu.memref_slice %arg8[%mul3A_435] : memref<196608xf32, #tpu.memory_space<vmem_shared>> -> memref<768xf32, #tpu.memory_space<vmem_shared>>
          %dma_start3A_445 = arith.constant 0 : i32
          %dma_start3A_446 = tpu.memref_slice %arg10[%dma_start3A_440, %add3A_439, %dma_start3A_445] : memref<3x32x768xf32, #tpu.memory_space<vmem>> -> memref<1x1x768xf32, #tpu.memory_space<vmem>>
          %dma_start3A_447 = tpu.memref_squeeze %dma_start3A_446 : memref<1x1x768xf32, #tpu.memory_space<vmem>> -> memref<768xf32, #tpu.memory_space<vmem>>
          %dma_start3A_448 = tpu.memref_slice %arg8[%mul3A_435] : memref<196608xf32, #tpu.memory_space<vmem_shared>> -> memref<768xf32, #tpu.memory_space<vmem_shared>>
          tpu.enqueue_dma source(%dma_start3A_448 : memref<768xf32, #tpu.memory_space<vmem_shared>>) target(%dma_start3A_447 : memref<768xf32, #tpu.memory_space<vmem>>) target_semaphore(%arg17 : memref<!tpu.dma_semaphore, #tpu.memory_space<semaphore_mem>>)
          %slice3A_449 = vector.extract_strided_slice %get3A_263 {offsets = [11], sizes = [1], strides = [1]} : vector<16xi32> to vector<1xi32>
          %squeeze3A_450 = vector.extract %slice3A_449[0] : i32 from vector<1xi32>
          %mul3A_451 = arith.constant 768 : i32
          %mul3A_452 = arith.muli %squeeze3A_450, %mul3A_451 : i32
          %mul3A_453 = arith.constant 16 : i32
          %mul3A_454 = arith.muli %scan3A_257, %mul3A_453 : i32
          %add3A_455 = arith.constant 11 : i32
          %add3A_456 = arith.addi %mul3A_454, %add3A_455 : i32
          %dma_start3A_457 = arith.constant 1 : i32
          %dma_start3A_458 = arith.constant 0 : i32
          %dma_start3A_459 = tpu.memref_slice %arg10[%dma_start3A_457, %add3A_456, %dma_start3A_458] : memref<3x32x768xf32, #tpu.memory_space<vmem>> -> memref<1x1x768xf32, #tpu.memory_space<vmem>>
          %dma_start3A_460 = tpu.memref_squeeze %dma_start3A_459 : memref<1x1x768xf32, #tpu.memory_space<vmem>> -> memref<768xf32, #tpu.memory_space<vmem>>
          %dma_start3A_461 = tpu.memref_slice %arg8[%mul3A_452] : memref<196608xf32, #tpu.memory_space<vmem_shared>> -> memref<768xf32, #tpu.memory_space<vmem_shared>>
          %dma_start3A_462 = arith.constant 0 : i32
          %dma_start3A_463 = tpu.memref_slice %arg10[%dma_start3A_457, %add3A_456, %dma_start3A_462] : memref<3x32x768xf32, #tpu.memory_space<vmem>> -> memref<1x1x768xf32, #tpu.memory_space<vmem>>
          %dma_start3A_464 = tpu.memref_squeeze %dma_start3A_463 : memref<1x1x768xf32, #tpu.memory_space<vmem>> -> memref<768xf32, #tpu.memory_space<vmem>>
          %dma_start3A_465 = tpu.memref_slice %arg8[%mul3A_452] : memref<196608xf32, #tpu.memory_space<vmem_shared>> -> memref<768xf32, #tpu.memory_space<vmem_shared>>
          tpu.enqueue_dma source(%dma_start3A_465 : memref<768xf32, #tpu.memory_space<vmem_shared>>) target(%dma_start3A_464 : memref<768xf32, #tpu.memory_space<vmem>>) target_semaphore(%arg17 : memref<!tpu.dma_semaphore, #tpu.memory_space<semaphore_mem>>)
          %slice3A_466 = vector.extract_strided_slice %get3A_263 {offsets = [12], sizes = [1], strides = [1]} : vector<16xi32> to vector<1xi32>
          %squeeze3A_467 = vector.extract %slice3A_466[0] : i32 from vector<1xi32>
          %mul3A_468 = arith.constant 768 : i32
          %mul3A_469 = arith.muli %squeeze3A_467, %mul3A_468 : i32
          %mul3A_470 = arith.constant 16 : i32
          %mul3A_471 = arith.muli %scan3A_257, %mul3A_470 : i32
          %add3A_472 = arith.constant 12 : i32
          %add3A_473 = arith.addi %mul3A_471, %add3A_472 : i32
          %dma_start3A_474 = arith.constant 1 : i32
          %dma_start3A_475 = arith.constant 0 : i32
          %dma_start3A_476 = tpu.memref_slice %arg10[%dma_start3A_474, %add3A_473, %dma_start3A_475] : memref<3x32x768xf32, #tpu.memory_space<vmem>> -> memref<1x1x768xf32, #tpu.memory_space<vmem>>
          %dma_start3A_477 = tpu.memref_squeeze %dma_start3A_476 : memref<1x1x768xf32, #tpu.memory_space<vmem>> -> memref<768xf32, #tpu.memory_space<vmem>>
          %dma_start3A_478 = tpu.memref_slice %arg8[%mul3A_469] : memref<196608xf32, #tpu.memory_space<vmem_shared>> -> memref<768xf32, #tpu.memory_space<vmem_shared>>
          %dma_start3A_479 = arith.constant 0 : i32
          %dma_start3A_480 = tpu.memref_slice %arg10[%dma_start3A_474, %add3A_473, %dma_start3A_479] : memref<3x32x768xf32, #tpu.memory_space<vmem>> -> memref<1x1x768xf32, #tpu.memory_space<vmem>>
          %dma_start3A_481 = tpu.memref_squeeze %dma_start3A_480 : memref<1x1x768xf32, #tpu.memory_space<vmem>> -> memref<768xf32, #tpu.memory_space<vmem>>
          %dma_start3A_482 = tpu.memref_slice %arg8[%mul3A_469] : memref<196608xf32, #tpu.memory_space<vmem_shared>> -> memref<768xf32, #tpu.memory_space<vmem_shared>>
          tpu.enqueue_dma source(%dma_start3A_482 : memref<768xf32, #tpu.memory_space<vmem_shared>>) target(%dma_start3A_481 : memref<768xf32, #tpu.memory_space<vmem>>) target_semaphore(%arg17 : memref<!tpu.dma_semaphore, #tpu.memory_space<semaphore_mem>>)
          %slice3A_483 = vector.extract_strided_slice %get3A_263 {offsets = [13], sizes = [1], strides = [1]} : vector<16xi32> to vector<1xi32>
          %squeeze3A_484 = vector.extract %slice3A_483[0] : i32 from vector<1xi32>
          %mul3A_485 = arith.constant 768 : i32
          %mul3A_486 = arith.muli %squeeze3A_484, %mul3A_485 : i32
          %mul3A_487 = arith.constant 16 : i32
          %mul3A_488 = arith.muli %scan3A_257, %mul3A_487 : i32
          %add3A_489 = arith.constant 13 : i32
          %add3A_490 = arith.addi %mul3A_488, %add3A_489 : i32
          %dma_start3A_491 = arith.constant 1 : i32
          %dma_start3A_492 = arith.constant 0 : i32
          %dma_start3A_493 = tpu.memref_slice %arg10[%dma_start3A_491, %add3A_490, %dma_start3A_492] : memref<3x32x768xf32, #tpu.memory_space<vmem>> -> memref<1x1x768xf32, #tpu.memory_space<vmem>>
          %dma_start3A_494 = tpu.memref_squeeze %dma_start3A_493 : memref<1x1x768xf32, #tpu.memory_space<vmem>> -> memref<768xf32, #tpu.memory_space<vmem>>
          %dma_start3A_495 = tpu.memref_slice %arg8[%mul3A_486] : memref<196608xf32, #tpu.memory_space<vmem_shared>> -> memref<768xf32, #tpu.memory_space<vmem_shared>>
          %dma_start3A_496 = arith.constant 0 : i32
          %dma_start3A_497 = tpu.memref_slice %arg10[%dma_start3A_491, %add3A_490, %dma_start3A_496] : memref<3x32x768xf32, #tpu.memory_space<vmem>> -> memref<1x1x768xf32, #tpu.memory_space<vmem>>
          %dma_start3A_498 = tpu.memref_squeeze %dma_start3A_497 : memref<1x1x768xf32, #tpu.memory_space<vmem>> -> memref<768xf32, #tpu.memory_space<vmem>>
          %dma_start3A_499 = tpu.memref_slice %arg8[%mul3A_486] : memref<196608xf32, #tpu.memory_space<vmem_shared>> -> memref<768xf32, #tpu.memory_space<vmem_shared>>
          tpu.enqueue_dma source(%dma_start3A_499 : memref<768xf32, #tpu.memory_space<vmem_shared>>) target(%dma_start3A_498 : memref<768xf32, #tpu.memory_space<vmem>>) target_semaphore(%arg17 : memref<!tpu.dma_semaphore, #tpu.memory_space<semaphore_mem>>)
          %slice3A_500 = vector.extract_strided_slice %get3A_263 {offsets = [14], sizes = [1], strides = [1]} : vector<16xi32> to vector<1xi32>
          %squeeze3A_501 = vector.extract %slice3A_500[0] : i32 from vector<1xi32>
          %mul3A_502 = arith.constant 768 : i32
          %mul3A_503 = arith.muli %squeeze3A_501, %mul3A_502 : i32
          %mul3A_504 = arith.constant 16 : i32
          %mul3A_505 = arith.muli %scan3A_257, %mul3A_504 : i32
          %add3A_506 = arith.constant 14 : i32
          %add3A_507 = arith.addi %mul3A_505, %add3A_506 : i32
          %dma_start3A_508 = arith.constant 1 : i32
          %dma_start3A_509 = arith.constant 0 : i32
          %dma_start3A_510 = tpu.memref_slice %arg10[%dma_start3A_508, %add3A_507, %dma_start3A_509] : memref<3x32x768xf32, #tpu.memory_space<vmem>> -> memref<1x1x768xf32, #tpu.memory_space<vmem>>
          %dma_start3A_511 = tpu.memref_squeeze %dma_start3A_510 : memref<1x1x768xf32, #tpu.memory_space<vmem>> -> memref<768xf32, #tpu.memory_space<vmem>>
          %dma_start3A_512 = tpu.memref_slice %arg8[%mul3A_503] : memref<196608xf32, #tpu.memory_space<vmem_shared>> -> memref<768xf32, #tpu.memory_space<vmem_shared>>
          %dma_start3A_513 = arith.constant 0 : i32
          %dma_start3A_514 = tpu.memref_slice %arg10[%dma_start3A_508, %add3A_507, %dma_start3A_513] : memref<3x32x768xf32, #tpu.memory_space<vmem>> -> memref<1x1x768xf32, #tpu.memory_space<vmem>>
          %dma_start3A_515 = tpu.memref_squeeze %dma_start3A_514 : memref<1x1x768xf32, #tpu.memory_space<vmem>> -> memref<768xf32, #tpu.memory_space<vmem>>
          %dma_start3A_516 = tpu.memref_slice %arg8[%mul3A_503] : memref<196608xf32, #tpu.memory_space<vmem_shared>> -> memref<768xf32, #tpu.memory_space<vmem_shared>>
          tpu.enqueue_dma source(%dma_start3A_516 : memref<768xf32, #tpu.memory_space<vmem_shared>>) target(%dma_start3A_515 : memref<768xf32, #tpu.memory_space<vmem>>) target_semaphore(%arg17 : memref<!tpu.dma_semaphore, #tpu.memory_space<semaphore_mem>>)
          %slice3A_517 = vector.extract_strided_slice %get3A_263 {offsets = [15], sizes = [1], strides = [1]} : vector<16xi32> to vector<1xi32>
          %squeeze3A_518 = vector.extract %slice3A_517[0] : i32 from vector<1xi32>
          %mul3A_519 = arith.constant 768 : i32
          %mul3A_520 = arith.muli %squeeze3A_518, %mul3A_519 : i32
          %mul3A_521 = arith.constant 16 : i32
          %mul3A_522 = arith.muli %scan3A_257, %mul3A_521 : i32
          %add3A_523 = arith.constant 15 : i32
          %add3A_524 = arith.addi %mul3A_522, %add3A_523 : i32
          %dma_start3A_525 = arith.constant 1 : i32
          %dma_start3A_526 = arith.constant 0 : i32
          %dma_start3A_527 = tpu.memref_slice %arg10[%dma_start3A_525, %add3A_524, %dma_start3A_526] : memref<3x32x768xf32, #tpu.memory_space<vmem>> -> memref<1x1x768xf32, #tpu.memory_space<vmem>>
          %dma_start3A_528 = tpu.memref_squeeze %dma_start3A_527 : memref<1x1x768xf32, #tpu.memory_space<vmem>> -> memref<768xf32, #tpu.memory_space<vmem>>
          %dma_start3A_529 = tpu.memref_slice %arg8[%mul3A_520] : memref<196608xf32, #tpu.memory_space<vmem_shared>> -> memref<768xf32, #tpu.memory_space<vmem_shared>>
          %dma_start3A_530 = arith.constant 0 : i32
          %dma_start3A_531 = tpu.memref_slice %arg10[%dma_start3A_525, %add3A_524, %dma_start3A_530] : memref<3x32x768xf32, #tpu.memory_space<vmem>> -> memref<1x1x768xf32, #tpu.memory_space<vmem>>
          %dma_start3A_532 = tpu.memref_squeeze %dma_start3A_531 : memref<1x1x768xf32, #tpu.memory_space<vmem>> -> memref<768xf32, #tpu.memory_space<vmem>>
          %dma_start3A_533 = tpu.memref_slice %arg8[%mul3A_520] : memref<196608xf32, #tpu.memory_space<vmem_shared>> -> memref<768xf32, #tpu.memory_space<vmem_shared>>
          tpu.enqueue_dma source(%dma_start3A_533 : memref<768xf32, #tpu.memory_space<vmem_shared>>) target(%dma_start3A_532 : memref<768xf32, #tpu.memory_space<vmem>>) target_semaphore(%arg17 : memref<!tpu.dma_semaphore, #tpu.memory_space<semaphore_mem>>)
        }
        %scan3A_256 = arith.constant 2 : i32
      } else {
      }
      %dma_wait3A_117 = arith.constant 0 : i32
      %dma_wait3A_118 = arith.constant 0 : i32
      %dma_wait3A_119 = arith.constant 0 : i32
      %dma_wait3A_120 = tpu.memref_slice %arg10[%dma_wait3A_117, %dma_wait3A_118, %dma_wait3A_119] : memref<3x32x768xf32, #tpu.memory_space<vmem>> -> memref<1x32x768xf32, #tpu.memory_space<vmem>>
      %dma_wait3A_121 = tpu.memref_squeeze %dma_wait3A_120 : memref<1x32x768xf32, #tpu.memory_space<vmem>> -> memref<32x768xf32, #tpu.memory_space<vmem>>
      %dma_wait3A_122 = arith.constant 0 : i32
      %dma_wait3A_123 = tpu.memref_slice %arg7[%mul3A_2, %dma_wait3A_122] : memref<65536x768xf32, #tpu.memory_space<hbm>> -> memref<32x768xf32, #tpu.memory_space<hbm>>
      %dma_wait3A_124 = arith.constant 0 : i32
      %dma_wait3A_125 = arith.constant 0 : i32
      %dma_wait3A_126 = tpu.memref_slice %arg10[%dma_wait3A_117, %dma_wait3A_124, %dma_wait3A_125] : memref<3x32x768xf32, #tpu.memory_space<vmem>> -> memref<1x32x768xf32, #tpu.memory_space<vmem>>
      %dma_wait3A_127 = tpu.memref_squeeze %dma_wait3A_126 : memref<1x32x768xf32, #tpu.memory_space<vmem>> -> memref<32x768xf32, #tpu.memory_space<vmem>>
      %dma_wait3A_128 = arith.constant 0 : i32
      %dma_wait3A_129 = tpu.memref_slice %arg7[%mul3A_2, %dma_wait3A_128] : memref<65536x768xf32, #tpu.memory_space<hbm>> -> memref<32x768xf32, #tpu.memory_space<hbm>>
      tpu.wait_dma2 semaphore(%arg16 : memref<!tpu.dma_semaphore, #tpu.memory_space<semaphore_mem>>) src(%dma_wait3A_129 : memref<32x768xf32, #tpu.memory_space<hbm>>) dst(%dma_wait3A_127 : memref<32x768xf32, #tpu.memory_space<vmem>>)
      %mul3A_130 = arith.constant 32 : i32
      %mul3A_131 = arith.muli %add3A_112, %mul3A_130 : i32
      %add3A_132 = arith.addi %mul3A_2, %mul3A_131 : i32
      %dma_start3A_133 = arith.constant 0 : i32
      %dma_start3A_134 = arith.constant 0 : i32
      %dma_start3A_135 = arith.constant 0 : i32
      %dma_start3A_136 = tpu.memref_slice %arg10[%dma_start3A_133, %dma_start3A_134, %dma_start3A_135] : memref<3x32x768xf32, #tpu.memory_space<vmem>> -> memref<1x32x768xf32, #tpu.memory_space<vmem>>
      %dma_start3A_137 = tpu.memref_squeeze %dma_start3A_136 : memref<1x32x768xf32, #tpu.memory_space<vmem>> -> memref<32x768xf32, #tpu.memory_space<vmem>>
      %dma_start3A_138 = arith.constant 0 : i32
      %dma_start3A_139 = tpu.memref_slice %arg7[%add3A_132, %dma_start3A_138] : memref<65536x768xf32, #tpu.memory_space<hbm>> -> memref<32x768xf32, #tpu.memory_space<hbm>>
      %dma_start3A_140 = arith.constant 0 : i32
      %dma_start3A_141 = tpu.memref_slice %arg7[%add3A_132, %dma_start3A_140] : memref<65536x768xf32, #tpu.memory_space<hbm>> -> memref<32x768xf32, #tpu.memory_space<hbm>>
      %dma_start3A_142 = arith.constant 0 : i32
      %dma_start3A_143 = arith.constant 0 : i32
      %dma_start3A_144 = tpu.memref_slice %arg10[%dma_start3A_133, %dma_start3A_142, %dma_start3A_143] : memref<3x32x768xf32, #tpu.memory_space<vmem>> -> memref<1x32x768xf32, #tpu.memory_space<vmem>>
      %dma_start3A_145 = tpu.memref_squeeze %dma_start3A_144 : memref<1x32x768xf32, #tpu.memory_space<vmem>> -> memref<32x768xf32, #tpu.memory_space<vmem>>
      tpu.enqueue_dma source(%dma_start3A_145 : memref<32x768xf32, #tpu.memory_space<vmem>>) target(%dma_start3A_141 : memref<32x768xf32, #tpu.memory_space<hbm>>) target_semaphore(%arg13 : memref<!tpu.dma_semaphore, #tpu.memory_space<semaphore_mem>>)
      %mul3A_146 = arith.constant 3 : i32
      %mul3A_147 = arith.muli %mul3A_146, %scan3A_108 : i32
      %add3A_148 = arith.constant 1 : i32
      %add3A_149 = arith.addi %mul3A_147, %add3A_148 : i32
      %add3A_150 = arith.constant 1 : i32
      %add3A_151 = arith.addi %add3A_149, %add3A_150 : i32
      %lt3A_152 = arith.constant 48 : i32
      %lt3A_153 = arith.cmpi slt, %add3A_151, %lt3A_152 : i32
      %convert_element_type3A_154 = arith.extui %lt3A_153 : i1 to i32
      %cond3A_155 = arith.constant 0 : i32
      %cond3A_156 = arith.cmpi ne, %convert_element_type3A_154, %cond3A_155 : i32
      scf.if %cond3A_156 {
        %add3A_240 = arith.constant 1 : i32
        %add3A_241 = arith.addi %add3A_149, %add3A_240 : i32
        %ge3A_242 = arith.constant 3 : i32
        %ge3A_243 = arith.cmpi sge, %add3A_241, %ge3A_242 : i32
        %convert_element_type3A_244 = arith.extui %ge3A_243 : i1 to i32
        %cond3A_245 = arith.constant 0 : i32
        %cond3A_246 = arith.cmpi ne, %convert_element_type3A_244, %cond3A_245 : i32
        scf.if %cond3A_246 {
          %dma_wait3A_257 = arith.constant 2 : i32
          %dma_wait3A_258 = arith.constant 0 : i32
          %dma_wait3A_259 = arith.constant 0 : i32
          %dma_wait3A_260 = tpu.memref_slice %arg10[%dma_wait3A_257, %dma_wait3A_258, %dma_wait3A_259] : memref<3x32x768xf32, #tpu.memory_space<vmem>> -> memref<1x32x768xf32, #tpu.memory_space<vmem>>
          %dma_wait3A_261 = tpu.memref_squeeze %dma_wait3A_260 : memref<1x32x768xf32, #tpu.memory_space<vmem>> -> memref<32x768xf32, #tpu.memory_space<vmem>>
          %dma_wait3A_262 = arith.constant 0 : i32
          %dma_wait3A_263 = tpu.memref_slice %arg7[%mul3A_2, %dma_wait3A_262] : memref<65536x768xf32, #tpu.memory_space<hbm>> -> memref<32x768xf32, #tpu.memory_space<hbm>>
          %dma_wait3A_264 = arith.constant 0 : i32
          %dma_wait3A_265 = tpu.memref_slice %arg7[%mul3A_2, %dma_wait3A_264] : memref<65536x768xf32, #tpu.memory_space<hbm>> -> memref<32x768xf32, #tpu.memory_space<hbm>>
          %dma_wait3A_266 = arith.constant 0 : i32
          %dma_wait3A_267 = arith.constant 0 : i32
          %dma_wait3A_268 = tpu.memref_slice %arg10[%dma_wait3A_257, %dma_wait3A_266, %dma_wait3A_267] : memref<3x32x768xf32, #tpu.memory_space<vmem>> -> memref<1x32x768xf32, #tpu.memory_space<vmem>>
          %dma_wait3A_269 = tpu.memref_squeeze %dma_wait3A_268 : memref<1x32x768xf32, #tpu.memory_space<vmem>> -> memref<32x768xf32, #tpu.memory_space<vmem>>
          tpu.wait_dma2 semaphore(%arg15 : memref<!tpu.dma_semaphore, #tpu.memory_space<semaphore_mem>>) src(%dma_wait3A_269 : memref<32x768xf32, #tpu.memory_space<vmem>>) dst(%dma_wait3A_265 : memref<32x768xf32, #tpu.memory_space<hbm>>)
        } else {
        }
        %add3A_247 = arith.constant 1 : i32
        %add3A_248 = arith.addi %add3A_149, %add3A_247 : i32
        %mul3A_249 = arith.constant 32 : i32
        %mul3A_250 = arith.muli %add3A_248, %mul3A_249 : i32
        %scan3A_251 = arith.constant 0 : i32
        %scan3A_252 = arith.constant 0 : i32
        %scan3A_253 = arith.constant 2 : i32
        %scan3A_254 = arith.addi %scan3A_252, %scan3A_253 : i32
        %scan3A_255 = arith.constant 1 : i32
        scf.for %scan3A_257 = %scan3A_252 to %scan3A_254 step %scan3A_255  : i32 {
          %mul3A_258 = arith.constant 16 : i32
          %mul3A_259 = arith.muli %scan3A_257, %mul3A_258 : i32
          %add3A_260 = arith.addi %mul3A_250, %mul3A_259 : i32
          %get3A_261 = arith.index_cast %add3A_260 : i32 to index
          %get3A_262 = tpu.vector_load %arg9[%get3A_261] {strides = array<i32>} : memref<2048xi32, #tpu.memory_space<vmem>>, vector<16xi32>,
          %get3A_263 = vector.shape_cast %get3A_262 : vector<16xi32> to vector<16xi32>
          %slice3A = vector.extract_strided_slice %get3A_263 {offsets = [0], sizes = [1], strides = [1]} : vector<16xi32> to vector<1xi32>
          %squeeze3A = vector.extract %slice3A[0] : i32 from vector<1xi32>
          %mul3A_264 = arith.constant 768 : i32
          %mul3A_265 = arith.muli %squeeze3A, %mul3A_264 : i32
          %mul3A_266 = arith.constant 16 : i32
          %mul3A_267 = arith.muli %scan3A_257, %mul3A_266 : i32
          %add3A_268 = arith.constant 0 : i32
          %add3A_269 = arith.addi %mul3A_267, %add3A_268 : i32
          %dma_start3A_270 = arith.constant 2 : i32
          %dma_start3A_271 = arith.constant 0 : i32
          %dma_start3A_272 = tpu.memref_slice %arg10[%dma_start3A_270, %add3A_269, %dma_start3A_271] : memref<3x32x768xf32, #tpu.memory_space<vmem>> -> memref<1x1x768xf32, #tpu.memory_space<vmem>>
          %dma_start3A_273 = tpu.memref_squeeze %dma_start3A_272 : memref<1x1x768xf32, #tpu.memory_space<vmem>> -> memref<768xf32, #tpu.memory_space<vmem>>
          %dma_start3A_274 = tpu.memref_slice %arg8[%mul3A_265] : memref<196608xf32, #tpu.memory_space<vmem_shared>> -> memref<768xf32, #tpu.memory_space<vmem_shared>>
          %dma_start3A_275 = arith.constant 0 : i32
          %dma_start3A_276 = tpu.memref_slice %arg10[%dma_start3A_270, %add3A_269, %dma_start3A_275] : memref<3x32x768xf32, #tpu.memory_space<vmem>> -> memref<1x1x768xf32, #tpu.memory_space<vmem>>
          %dma_start3A_277 = tpu.memref_squeeze %dma_start3A_276 : memref<1x1x768xf32, #tpu.memory_space<vmem>> -> memref<768xf32, #tpu.memory_space<vmem>>
          %dma_start3A_278 = tpu.memref_slice %arg8[%mul3A_265] : memref<196608xf32, #tpu.memory_space<vmem_shared>> -> memref<768xf32, #tpu.memory_space<vmem_shared>>
          tpu.enqueue_dma source(%dma_start3A_278 : memref<768xf32, #tpu.memory_space<vmem_shared>>) target(%dma_start3A_277 : memref<768xf32, #tpu.memory_space<vmem>>) target_semaphore(%arg18 : memref<!tpu.dma_semaphore, #tpu.memory_space<semaphore_mem>>)
          %slice3A_279 = vector.extract_strided_slice %get3A_263 {offsets = [1], sizes = [1], strides = [1]} : vector<16xi32> to vector<1xi32>
          %squeeze3A_280 = vector.extract %slice3A_279[0] : i32 from vector<1xi32>
          %mul3A_281 = arith.constant 768 : i32
          %mul3A_282 = arith.muli %squeeze3A_280, %mul3A_281 : i32
          %mul3A_283 = arith.constant 16 : i32
          %mul3A_284 = arith.muli %scan3A_257, %mul3A_283 : i32
          %add3A_285 = arith.constant 1 : i32
          %add3A_286 = arith.addi %mul3A_284, %add3A_285 : i32
          %dma_start3A_287 = arith.constant 2 : i32
          %dma_start3A_288 = arith.constant 0 : i32
          %dma_start3A_289 = tpu.memref_slice %arg10[%dma_start3A_287, %add3A_286, %dma_start3A_288] : memref<3x32x768xf32, #tpu.memory_space<vmem>> -> memref<1x1x768xf32, #tpu.memory_space<vmem>>
          %dma_start3A_290 = tpu.memref_squeeze %dma_start3A_289 : memref<1x1x768xf32, #tpu.memory_space<vmem>> -> memref<768xf32, #tpu.memory_space<vmem>>
          %dma_start3A_291 = tpu.memref_slice %arg8[%mul3A_282] : memref<196608xf32, #tpu.memory_space<vmem_shared>> -> memref<768xf32, #tpu.memory_space<vmem_shared>>
          %dma_start3A_292 = arith.constant 0 : i32
          %dma_start3A_293 = tpu.memref_slice %arg10[%dma_start3A_287, %add3A_286, %dma_start3A_292] : memref<3x32x768xf32, #tpu.memory_space<vmem>> -> memref<1x1x768xf32, #tpu.memory_space<vmem>>
          %dma_start3A_294 = tpu.memref_squeeze %dma_start3A_293 : memref<1x1x768xf32, #tpu.memory_space<vmem>> -> memref<768xf32, #tpu.memory_space<vmem>>
          %dma_start3A_295 = tpu.memref_slice %arg8[%mul3A_282] : memref<196608xf32, #tpu.memory_space<vmem_shared>> -> memref<768xf32, #tpu.memory_space<vmem_shared>>
          tpu.enqueue_dma source(%dma_start3A_295 : memref<768xf32, #tpu.memory_space<vmem_shared>>) target(%dma_start3A_294 : memref<768xf32, #tpu.memory_space<vmem>>) target_semaphore(%arg18 : memref<!tpu.dma_semaphore, #tpu.memory_space<semaphore_mem>>)
          %slice3A_296 = vector.extract_strided_slice %get3A_263 {offsets = [2], sizes = [1], strides = [1]} : vector<16xi32> to vector<1xi32>
          %squeeze3A_297 = vector.extract %slice3A_296[0] : i32 from vector<1xi32>
          %mul3A_298 = arith.constant 768 : i32
          %mul3A_299 = arith.muli %squeeze3A_297, %mul3A_298 : i32
          %mul3A_300 = arith.constant 16 : i32
          %mul3A_301 = arith.muli %scan3A_257, %mul3A_300 : i32
          %add3A_302 = arith.constant 2 : i32
          %add3A_303 = arith.addi %mul3A_301, %add3A_302 : i32
          %dma_start3A_304 = arith.constant 2 : i32
          %dma_start3A_305 = arith.constant 0 : i32
          %dma_start3A_306 = tpu.memref_slice %arg10[%dma_start3A_304, %add3A_303, %dma_start3A_305] : memref<3x32x768xf32, #tpu.memory_space<vmem>> -> memref<1x1x768xf32, #tpu.memory_space<vmem>>
          %dma_start3A_307 = tpu.memref_squeeze %dma_start3A_306 : memref<1x1x768xf32, #tpu.memory_space<vmem>> -> memref<768xf32, #tpu.memory_space<vmem>>
          %dma_start3A_308 = tpu.memref_slice %arg8[%mul3A_299] : memref<196608xf32, #tpu.memory_space<vmem_shared>> -> memref<768xf32, #tpu.memory_space<vmem_shared>>
          %dma_start3A_309 = arith.constant 0 : i32
          %dma_start3A_310 = tpu.memref_slice %arg10[%dma_start3A_304, %add3A_303, %dma_start3A_309] : memref<3x32x768xf32, #tpu.memory_space<vmem>> -> memref<1x1x768xf32, #tpu.memory_space<vmem>>
          %dma_start3A_311 = tpu.memref_squeeze %dma_start3A_310 : memref<1x1x768xf32, #tpu.memory_space<vmem>> -> memref<768xf32, #tpu.memory_space<vmem>>
          %dma_start3A_312 = tpu.memref_slice %arg8[%mul3A_299] : memref<196608xf32, #tpu.memory_space<vmem_shared>> -> memref<768xf32, #tpu.memory_space<vmem_shared>>
          tpu.enqueue_dma source(%dma_start3A_312 : memref<768xf32, #tpu.memory_space<vmem_shared>>) target(%dma_start3A_311 : memref<768xf32, #tpu.memory_space<vmem>>) target_semaphore(%arg18 : memref<!tpu.dma_semaphore, #tpu.memory_space<semaphore_mem>>)
          %slice3A_313 = vector.extract_strided_slice %get3A_263 {offsets = [3], sizes = [1], strides = [1]} : vector<16xi32> to vector<1xi32>
          %squeeze3A_314 = vector.extract %slice3A_313[0] : i32 from vector<1xi32>
          %mul3A_315 = arith.constant 768 : i32
          %mul3A_316 = arith.muli %squeeze3A_314, %mul3A_315 : i32
          %mul3A_317 = arith.constant 16 : i32
          %mul3A_318 = arith.muli %scan3A_257, %mul3A_317 : i32
          %add3A_319 = arith.constant 3 : i32
          %add3A_320 = arith.addi %mul3A_318, %add3A_319 : i32
          %dma_start3A_321 = arith.constant 2 : i32
          %dma_start3A_322 = arith.constant 0 : i32
          %dma_start3A_323 = tpu.memref_slice %arg10[%dma_start3A_321, %add3A_320, %dma_start3A_322] : memref<3x32x768xf32, #tpu.memory_space<vmem>> -> memref<1x1x768xf32, #tpu.memory_space<vmem>>
          %dma_start3A_324 = tpu.memref_squeeze %dma_start3A_323 : memref<1x1x768xf32, #tpu.memory_space<vmem>> -> memref<768xf32, #tpu.memory_space<vmem>>
          %dma_start3A_325 = tpu.memref_slice %arg8[%mul3A_316] : memref<196608xf32, #tpu.memory_space<vmem_shared>> -> memref<768xf32, #tpu.memory_space<vmem_shared>>
          %dma_start3A_326 = arith.constant 0 : i32
          %dma_start3A_327 = tpu.memref_slice %arg10[%dma_start3A_321, %add3A_320, %dma_start3A_326] : memref<3x32x768xf32, #tpu.memory_space<vmem>> -> memref<1x1x768xf32, #tpu.memory_space<vmem>>
          %dma_start3A_328 = tpu.memref_squeeze %dma_start3A_327 : memref<1x1x768xf32, #tpu.memory_space<vmem>> -> memref<768xf32, #tpu.memory_space<vmem>>
          %dma_start3A_329 = tpu.memref_slice %arg8[%mul3A_316] : memref<196608xf32, #tpu.memory_space<vmem_shared>> -> memref<768xf32, #tpu.memory_space<vmem_shared>>
          tpu.enqueue_dma source(%dma_start3A_329 : memref<768xf32, #tpu.memory_space<vmem_shared>>) target(%dma_start3A_328 : memref<768xf32, #tpu.memory_space<vmem>>) target_semaphore(%arg18 : memref<!tpu.dma_semaphore, #tpu.memory_space<semaphore_mem>>)
          %slice3A_330 = vector.extract_strided_slice %get3A_263 {offsets = [4], sizes = [1], strides = [1]} : vector<16xi32> to vector<1xi32>
          %squeeze3A_331 = vector.extract %slice3A_330[0] : i32 from vector<1xi32>
          %mul3A_332 = arith.constant 768 : i32
          %mul3A_333 = arith.muli %squeeze3A_331, %mul3A_332 : i32
          %mul3A_334 = arith.constant 16 : i32
          %mul3A_335 = arith.muli %scan3A_257, %mul3A_334 : i32
          %add3A_336 = arith.constant 4 : i32
          %add3A_337 = arith.addi %mul3A_335, %add3A_336 : i32
          %dma_start3A_338 = arith.constant 2 : i32
          %dma_start3A_339 = arith.constant 0 : i32
          %dma_start3A_340 = tpu.memref_slice %arg10[%dma_start3A_338, %add3A_337, %dma_start3A_339] : memref<3x32x768xf32, #tpu.memory_space<vmem>> -> memref<1x1x768xf32, #tpu.memory_space<vmem>>
          %dma_start3A_341 = tpu.memref_squeeze %dma_start3A_340 : memref<1x1x768xf32, #tpu.memory_space<vmem>> -> memref<768xf32, #tpu.memory_space<vmem>>
          %dma_start3A_342 = tpu.memref_slice %arg8[%mul3A_333] : memref<196608xf32, #tpu.memory_space<vmem_shared>> -> memref<768xf32, #tpu.memory_space<vmem_shared>>
          %dma_start3A_343 = arith.constant 0 : i32
          %dma_start3A_344 = tpu.memref_slice %arg10[%dma_start3A_338, %add3A_337, %dma_start3A_343] : memref<3x32x768xf32, #tpu.memory_space<vmem>> -> memref<1x1x768xf32, #tpu.memory_space<vmem>>
          %dma_start3A_345 = tpu.memref_squeeze %dma_start3A_344 : memref<1x1x768xf32, #tpu.memory_space<vmem>> -> memref<768xf32, #tpu.memory_space<vmem>>
          %dma_start3A_346 = tpu.memref_slice %arg8[%mul3A_333] : memref<196608xf32, #tpu.memory_space<vmem_shared>> -> memref<768xf32, #tpu.memory_space<vmem_shared>>
          tpu.enqueue_dma source(%dma_start3A_346 : memref<768xf32, #tpu.memory_space<vmem_shared>>) target(%dma_start3A_345 : memref<768xf32, #tpu.memory_space<vmem>>) target_semaphore(%arg18 : memref<!tpu.dma_semaphore, #tpu.memory_space<semaphore_mem>>)
          %slice3A_347 = vector.extract_strided_slice %get3A_263 {offsets = [5], sizes = [1], strides = [1]} : vector<16xi32> to vector<1xi32>
          %squeeze3A_348 = vector.extract %slice3A_347[0] : i32 from vector<1xi32>
          %mul3A_349 = arith.constant 768 : i32
          %mul3A_350 = arith.muli %squeeze3A_348, %mul3A_349 : i32
          %mul3A_351 = arith.constant 16 : i32
          %mul3A_352 = arith.muli %scan3A_257, %mul3A_351 : i32
          %add3A_353 = arith.constant 5 : i32
          %add3A_354 = arith.addi %mul3A_352, %add3A_353 : i32
          %dma_start3A_355 = arith.constant 2 : i32
          %dma_start3A_356 = arith.constant 0 : i32
          %dma_start3A_357 = tpu.memref_slice %arg10[%dma_start3A_355, %add3A_354, %dma_start3A_356] : memref<3x32x768xf32, #tpu.memory_space<vmem>> -> memref<1x1x768xf32, #tpu.memory_space<vmem>>
          %dma_start3A_358 = tpu.memref_squeeze %dma_start3A_357 : memref<1x1x768xf32, #tpu.memory_space<vmem>> -> memref<768xf32, #tpu.memory_space<vmem>>
          %dma_start3A_359 = tpu.memref_slice %arg8[%mul3A_350] : memref<196608xf32, #tpu.memory_space<vmem_shared>> -> memref<768xf32, #tpu.memory_space<vmem_shared>>
          %dma_start3A_360 = arith.constant 0 : i32
          %dma_start3A_361 = tpu.memref_slice %arg10[%dma_start3A_355, %add3A_354, %dma_start3A_360] : memref<3x32x768xf32, #tpu.memory_space<vmem>> -> memref<1x1x768xf32, #tpu.memory_space<vmem>>
          %dma_start3A_362 = tpu.memref_squeeze %dma_start3A_361 : memref<1x1x768xf32, #tpu.memory_space<vmem>> -> memref<768xf32, #tpu.memory_space<vmem>>
          %dma_start3A_363 = tpu.memref_slice %arg8[%mul3A_350] : memref<196608xf32, #tpu.memory_space<vmem_shared>> -> memref<768xf32, #tpu.memory_space<vmem_shared>>
          tpu.enqueue_dma source(%dma_start3A_363 : memref<768xf32, #tpu.memory_space<vmem_shared>>) target(%dma_start3A_362 : memref<768xf32, #tpu.memory_space<vmem>>) target_semaphore(%arg18 : memref<!tpu.dma_semaphore, #tpu.memory_space<semaphore_mem>>)
          %slice3A_364 = vector.extract_strided_slice %get3A_263 {offsets = [6], sizes = [1], strides = [1]} : vector<16xi32> to vector<1xi32>
          %squeeze3A_365 = vector.extract %slice3A_364[0] : i32 from vector<1xi32>
          %mul3A_366 = arith.constant 768 : i32
          %mul3A_367 = arith.muli %squeeze3A_365, %mul3A_366 : i32
          %mul3A_368 = arith.constant 16 : i32
          %mul3A_369 = arith.muli %scan3A_257, %mul3A_368 : i32
          %add3A_370 = arith.constant 6 : i32
          %add3A_371 = arith.addi %mul3A_369, %add3A_370 : i32
          %dma_start3A_372 = arith.constant 2 : i32
          %dma_start3A_373 = arith.constant 0 : i32
          %dma_start3A_374 = tpu.memref_slice %arg10[%dma_start3A_372, %add3A_371, %dma_start3A_373] : memref<3x32x768xf32, #tpu.memory_space<vmem>> -> memref<1x1x768xf32, #tpu.memory_space<vmem>>
          %dma_start3A_375 = tpu.memref_squeeze %dma_start3A_374 : memref<1x1x768xf32, #tpu.memory_space<vmem>> -> memref<768xf32, #tpu.memory_space<vmem>>
          %dma_start3A_376 = tpu.memref_slice %arg8[%mul3A_367] : memref<196608xf32, #tpu.memory_space<vmem_shared>> -> memref<768xf32, #tpu.memory_space<vmem_shared>>
          %dma_start3A_377 = arith.constant 0 : i32
          %dma_start3A_378 = tpu.memref_slice %arg10[%dma_start3A_372, %add3A_371, %dma_start3A_377] : memref<3x32x768xf32, #tpu.memory_space<vmem>> -> memref<1x1x768xf32, #tpu.memory_space<vmem>>
          %dma_start3A_379 = tpu.memref_squeeze %dma_start3A_378 : memref<1x1x768xf32, #tpu.memory_space<vmem>> -> memref<768xf32, #tpu.memory_space<vmem>>
          %dma_start3A_380 = tpu.memref_slice %arg8[%mul3A_367] : memref<196608xf32, #tpu.memory_space<vmem_shared>> -> memref<768xf32, #tpu.memory_space<vmem_shared>>
          tpu.enqueue_dma source(%dma_start3A_380 : memref<768xf32, #tpu.memory_space<vmem_shared>>) target(%dma_start3A_379 : memref<768xf32, #tpu.memory_space<vmem>>) target_semaphore(%arg18 : memref<!tpu.dma_semaphore, #tpu.memory_space<semaphore_mem>>)
          %slice3A_381 = vector.extract_strided_slice %get3A_263 {offsets = [7], sizes = [1], strides = [1]} : vector<16xi32> to vector<1xi32>
          %squeeze3A_382 = vector.extract %slice3A_381[0] : i32 from vector<1xi32>
          %mul3A_383 = arith.constant 768 : i32
          %mul3A_384 = arith.muli %squeeze3A_382, %mul3A_383 : i32
          %mul3A_385 = arith.constant 16 : i32
          %mul3A_386 = arith.muli %scan3A_257, %mul3A_385 : i32
          %add3A_387 = arith.constant 7 : i32
          %add3A_388 = arith.addi %mul3A_386, %add3A_387 : i32
          %dma_start3A_389 = arith.constant 2 : i32
          %dma_start3A_390 = arith.constant 0 : i32
          %dma_start3A_391 = tpu.memref_slice %arg10[%dma_start3A_389, %add3A_388, %dma_start3A_390] : memref<3x32x768xf32, #tpu.memory_space<vmem>> -> memref<1x1x768xf32, #tpu.memory_space<vmem>>
          %dma_start3A_392 = tpu.memref_squeeze %dma_start3A_391 : memref<1x1x768xf32, #tpu.memory_space<vmem>> -> memref<768xf32, #tpu.memory_space<vmem>>
          %dma_start3A_393 = tpu.memref_slice %arg8[%mul3A_384] : memref<196608xf32, #tpu.memory_space<vmem_shared>> -> memref<768xf32, #tpu.memory_space<vmem_shared>>
          %dma_start3A_394 = arith.constant 0 : i32
          %dma_start3A_395 = tpu.memref_slice %arg10[%dma_start3A_389, %add3A_388, %dma_start3A_394] : memref<3x32x768xf32, #tpu.memory_space<vmem>> -> memref<1x1x768xf32, #tpu.memory_space<vmem>>
          %dma_start3A_396 = tpu.memref_squeeze %dma_start3A_395 : memref<1x1x768xf32, #tpu.memory_space<vmem>> -> memref<768xf32, #tpu.memory_space<vmem>>
          %dma_start3A_397 = tpu.memref_slice %arg8[%mul3A_384] : memref<196608xf32, #tpu.memory_space<vmem_shared>> -> memref<768xf32, #tpu.memory_space<vmem_shared>>
          tpu.enqueue_dma source(%dma_start3A_397 : memref<768xf32, #tpu.memory_space<vmem_shared>>) target(%dma_start3A_396 : memref<768xf32, #tpu.memory_space<vmem>>) target_semaphore(%arg18 : memref<!tpu.dma_semaphore, #tpu.memory_space<semaphore_mem>>)
          %slice3A_398 = vector.extract_strided_slice %get3A_263 {offsets = [8], sizes = [1], strides = [1]} : vector<16xi32> to vector<1xi32>
          %squeeze3A_399 = vector.extract %slice3A_398[0] : i32 from vector<1xi32>
          %mul3A_400 = arith.constant 768 : i32
          %mul3A_401 = arith.muli %squeeze3A_399, %mul3A_400 : i32
          %mul3A_402 = arith.constant 16 : i32
          %mul3A_403 = arith.muli %scan3A_257, %mul3A_402 : i32
          %add3A_404 = arith.constant 8 : i32
          %add3A_405 = arith.addi %mul3A_403, %add3A_404 : i32
          %dma_start3A_406 = arith.constant 2 : i32
          %dma_start3A_407 = arith.constant 0 : i32
          %dma_start3A_408 = tpu.memref_slice %arg10[%dma_start3A_406, %add3A_405, %dma_start3A_407] : memref<3x32x768xf32, #tpu.memory_space<vmem>> -> memref<1x1x768xf32, #tpu.memory_space<vmem>>
          %dma_start3A_409 = tpu.memref_squeeze %dma_start3A_408 : memref<1x1x768xf32, #tpu.memory_space<vmem>> -> memref<768xf32, #tpu.memory_space<vmem>>
          %dma_start3A_410 = tpu.memref_slice %arg8[%mul3A_401] : memref<196608xf32, #tpu.memory_space<vmem_shared>> -> memref<768xf32, #tpu.memory_space<vmem_shared>>
          %dma_start3A_411 = arith.constant 0 : i32
          %dma_start3A_412 = tpu.memref_slice %arg10[%dma_start3A_406, %add3A_405, %dma_start3A_411] : memref<3x32x768xf32, #tpu.memory_space<vmem>> -> memref<1x1x768xf32, #tpu.memory_space<vmem>>
          %dma_start3A_413 = tpu.memref_squeeze %dma_start3A_412 : memref<1x1x768xf32, #tpu.memory_space<vmem>> -> memref<768xf32, #tpu.memory_space<vmem>>
          %dma_start3A_414 = tpu.memref_slice %arg8[%mul3A_401] : memref<196608xf32, #tpu.memory_space<vmem_shared>> -> memref<768xf32, #tpu.memory_space<vmem_shared>>
          tpu.enqueue_dma source(%dma_start3A_414 : memref<768xf32, #tpu.memory_space<vmem_shared>>) target(%dma_start3A_413 : memref<768xf32, #tpu.memory_space<vmem>>) target_semaphore(%arg18 : memref<!tpu.dma_semaphore, #tpu.memory_space<semaphore_mem>>)
          %slice3A_415 = vector.extract_strided_slice %get3A_263 {offsets = [9], sizes = [1], strides = [1]} : vector<16xi32> to vector<1xi32>
          %squeeze3A_416 = vector.extract %slice3A_415[0] : i32 from vector<1xi32>
          %mul3A_417 = arith.constant 768 : i32
          %mul3A_418 = arith.muli %squeeze3A_416, %mul3A_417 : i32
          %mul3A_419 = arith.constant 16 : i32
          %mul3A_420 = arith.muli %scan3A_257, %mul3A_419 : i32
          %add3A_421 = arith.constant 9 : i32
          %add3A_422 = arith.addi %mul3A_420, %add3A_421 : i32
          %dma_start3A_423 = arith.constant 2 : i32
          %dma_start3A_424 = arith.constant 0 : i32
          %dma_start3A_425 = tpu.memref_slice %arg10[%dma_start3A_423, %add3A_422, %dma_start3A_424] : memref<3x32x768xf32, #tpu.memory_space<vmem>> -> memref<1x1x768xf32, #tpu.memory_space<vmem>>
          %dma_start3A_426 = tpu.memref_squeeze %dma_start3A_425 : memref<1x1x768xf32, #tpu.memory_space<vmem>> -> memref<768xf32, #tpu.memory_space<vmem>>
          %dma_start3A_427 = tpu.memref_slice %arg8[%mul3A_418] : memref<196608xf32, #tpu.memory_space<vmem_shared>> -> memref<768xf32, #tpu.memory_space<vmem_shared>>
          %dma_start3A_428 = arith.constant 0 : i32
          %dma_start3A_429 = tpu.memref_slice %arg10[%dma_start3A_423, %add3A_422, %dma_start3A_428] : memref<3x32x768xf32, #tpu.memory_space<vmem>> -> memref<1x1x768xf32, #tpu.memory_space<vmem>>
          %dma_start3A_430 = tpu.memref_squeeze %dma_start3A_429 : memref<1x1x768xf32, #tpu.memory_space<vmem>> -> memref<768xf32, #tpu.memory_space<vmem>>
          %dma_start3A_431 = tpu.memref_slice %arg8[%mul3A_418] : memref<196608xf32, #tpu.memory_space<vmem_shared>> -> memref<768xf32, #tpu.memory_space<vmem_shared>>
          tpu.enqueue_dma source(%dma_start3A_431 : memref<768xf32, #tpu.memory_space<vmem_shared>>) target(%dma_start3A_430 : memref<768xf32, #tpu.memory_space<vmem>>) target_semaphore(%arg18 : memref<!tpu.dma_semaphore, #tpu.memory_space<semaphore_mem>>)
          %slice3A_432 = vector.extract_strided_slice %get3A_263 {offsets = [10], sizes = [1], strides = [1]} : vector<16xi32> to vector<1xi32>
          %squeeze3A_433 = vector.extract %slice3A_432[0] : i32 from vector<1xi32>
          %mul3A_434 = arith.constant 768 : i32
          %mul3A_435 = arith.muli %squeeze3A_433, %mul3A_434 : i32
          %mul3A_436 = arith.constant 16 : i32
          %mul3A_437 = arith.muli %scan3A_257, %mul3A_436 : i32
          %add3A_438 = arith.constant 10 : i32
          %add3A_439 = arith.addi %mul3A_437, %add3A_438 : i32
          %dma_start3A_440 = arith.constant 2 : i32
          %dma_start3A_441 = arith.constant 0 : i32
          %dma_start3A_442 = tpu.memref_slice %arg10[%dma_start3A_440, %add3A_439, %dma_start3A_441] : memref<3x32x768xf32, #tpu.memory_space<vmem>> -> memref<1x1x768xf32, #tpu.memory_space<vmem>>
          %dma_start3A_443 = tpu.memref_squeeze %dma_start3A_442 : memref<1x1x768xf32, #tpu.memory_space<vmem>> -> memref<768xf32, #tpu.memory_space<vmem>>
          %dma_start3A_444 = tpu.memref_slice %arg8[%mul3A_435] : memref<196608xf32, #tpu.memory_space<vmem_shared>> -> memref<768xf32, #tpu.memory_space<vmem_shared>>
          %dma_start3A_445 = arith.constant 0 : i32
          %dma_start3A_446 = tpu.memref_slice %arg10[%dma_start3A_440, %add3A_439, %dma_start3A_445] : memref<3x32x768xf32, #tpu.memory_space<vmem>> -> memref<1x1x768xf32, #tpu.memory_space<vmem>>
          %dma_start3A_447 = tpu.memref_squeeze %dma_start3A_446 : memref<1x1x768xf32, #tpu.memory_space<vmem>> -> memref<768xf32, #tpu.memory_space<vmem>>
          %dma_start3A_448 = tpu.memref_slice %arg8[%mul3A_435] : memref<196608xf32, #tpu.memory_space<vmem_shared>> -> memref<768xf32, #tpu.memory_space<vmem_shared>>
          tpu.enqueue_dma source(%dma_start3A_448 : memref<768xf32, #tpu.memory_space<vmem_shared>>) target(%dma_start3A_447 : memref<768xf32, #tpu.memory_space<vmem>>) target_semaphore(%arg18 : memref<!tpu.dma_semaphore, #tpu.memory_space<semaphore_mem>>)
          %slice3A_449 = vector.extract_strided_slice %get3A_263 {offsets = [11], sizes = [1], strides = [1]} : vector<16xi32> to vector<1xi32>
          %squeeze3A_450 = vector.extract %slice3A_449[0] : i32 from vector<1xi32>
          %mul3A_451 = arith.constant 768 : i32
          %mul3A_452 = arith.muli %squeeze3A_450, %mul3A_451 : i32
          %mul3A_453 = arith.constant 16 : i32
          %mul3A_454 = arith.muli %scan3A_257, %mul3A_453 : i32
          %add3A_455 = arith.constant 11 : i32
          %add3A_456 = arith.addi %mul3A_454, %add3A_455 : i32
          %dma_start3A_457 = arith.constant 2 : i32
          %dma_start3A_458 = arith.constant 0 : i32
          %dma_start3A_459 = tpu.memref_slice %arg10[%dma_start3A_457, %add3A_456, %dma_start3A_458] : memref<3x32x768xf32, #tpu.memory_space<vmem>> -> memref<1x1x768xf32, #tpu.memory_space<vmem>>
          %dma_start3A_460 = tpu.memref_squeeze %dma_start3A_459 : memref<1x1x768xf32, #tpu.memory_space<vmem>> -> memref<768xf32, #tpu.memory_space<vmem>>
          %dma_start3A_461 = tpu.memref_slice %arg8[%mul3A_452] : memref<196608xf32, #tpu.memory_space<vmem_shared>> -> memref<768xf32, #tpu.memory_space<vmem_shared>>
          %dma_start3A_462 = arith.constant 0 : i32
          %dma_start3A_463 = tpu.memref_slice %arg10[%dma_start3A_457, %add3A_456, %dma_start3A_462] : memref<3x32x768xf32, #tpu.memory_space<vmem>> -> memref<1x1x768xf32, #tpu.memory_space<vmem>>
          %dma_start3A_464 = tpu.memref_squeeze %dma_start3A_463 : memref<1x1x768xf32, #tpu.memory_space<vmem>> -> memref<768xf32, #tpu.memory_space<vmem>>
          %dma_start3A_465 = tpu.memref_slice %arg8[%mul3A_452] : memref<196608xf32, #tpu.memory_space<vmem_shared>> -> memref<768xf32, #tpu.memory_space<vmem_shared>>
          tpu.enqueue_dma source(%dma_start3A_465 : memref<768xf32, #tpu.memory_space<vmem_shared>>) target(%dma_start3A_464 : memref<768xf32, #tpu.memory_space<vmem>>) target_semaphore(%arg18 : memref<!tpu.dma_semaphore, #tpu.memory_space<semaphore_mem>>)
          %slice3A_466 = vector.extract_strided_slice %get3A_263 {offsets = [12], sizes = [1], strides = [1]} : vector<16xi32> to vector<1xi32>
          %squeeze3A_467 = vector.extract %slice3A_466[0] : i32 from vector<1xi32>
          %mul3A_468 = arith.constant 768 : i32
          %mul3A_469 = arith.muli %squeeze3A_467, %mul3A_468 : i32
          %mul3A_470 = arith.constant 16 : i32
          %mul3A_471 = arith.muli %scan3A_257, %mul3A_470 : i32
          %add3A_472 = arith.constant 12 : i32
          %add3A_473 = arith.addi %mul3A_471, %add3A_472 : i32
          %dma_start3A_474 = arith.constant 2 : i32
          %dma_start3A_475 = arith.constant 0 : i32
          %dma_start3A_476 = tpu.memref_slice %arg10[%dma_start3A_474, %add3A_473, %dma_start3A_475] : memref<3x32x768xf32, #tpu.memory_space<vmem>> -> memref<1x1x768xf32, #tpu.memory_space<vmem>>
          %dma_start3A_477 = tpu.memref_squeeze %dma_start3A_476 : memref<1x1x768xf32, #tpu.memory_space<vmem>> -> memref<768xf32, #tpu.memory_space<vmem>>
          %dma_start3A_478 = tpu.memref_slice %arg8[%mul3A_469] : memref<196608xf32, #tpu.memory_space<vmem_shared>> -> memref<768xf32, #tpu.memory_space<vmem_shared>>
          %dma_start3A_479 = arith.constant 0 : i32
          %dma_start3A_480 = tpu.memref_slice %arg10[%dma_start3A_474, %add3A_473, %dma_start3A_479] : memref<3x32x768xf32, #tpu.memory_space<vmem>> -> memref<1x1x768xf32, #tpu.memory_space<vmem>>
          %dma_start3A_481 = tpu.memref_squeeze %dma_start3A_480 : memref<1x1x768xf32, #tpu.memory_space<vmem>> -> memref<768xf32, #tpu.memory_space<vmem>>
          %dma_start3A_482 = tpu.memref_slice %arg8[%mul3A_469] : memref<196608xf32, #tpu.memory_space<vmem_shared>> -> memref<768xf32, #tpu.memory_space<vmem_shared>>
          tpu.enqueue_dma source(%dma_start3A_482 : memref<768xf32, #tpu.memory_space<vmem_shared>>) target(%dma_start3A_481 : memref<768xf32, #tpu.memory_space<vmem>>) target_semaphore(%arg18 : memref<!tpu.dma_semaphore, #tpu.memory_space<semaphore_mem>>)
          %slice3A_483 = vector.extract_strided_slice %get3A_263 {offsets = [13], sizes = [1], strides = [1]} : vector<16xi32> to vector<1xi32>
          %squeeze3A_484 = vector.extract %slice3A_483[0] : i32 from vector<1xi32>
          %mul3A_485 = arith.constant 768 : i32
          %mul3A_486 = arith.muli %squeeze3A_484, %mul3A_485 : i32
          %mul3A_487 = arith.constant 16 : i32
          %mul3A_488 = arith.muli %scan3A_257, %mul3A_487 : i32
          %add3A_489 = arith.constant 13 : i32
          %add3A_490 = arith.addi %mul3A_488, %add3A_489 : i32
          %dma_start3A_491 = arith.constant 2 : i32
          %dma_start3A_492 = arith.constant 0 : i32
          %dma_start3A_493 = tpu.memref_slice %arg10[%dma_start3A_491, %add3A_490, %dma_start3A_492] : memref<3x32x768xf32, #tpu.memory_space<vmem>> -> memref<1x1x768xf32, #tpu.memory_space<vmem>>
          %dma_start3A_494 = tpu.memref_squeeze %dma_start3A_493 : memref<1x1x768xf32, #tpu.memory_space<vmem>> -> memref<768xf32, #tpu.memory_space<vmem>>
          %dma_start3A_495 = tpu.memref_slice %arg8[%mul3A_486] : memref<196608xf32, #tpu.memory_space<vmem_shared>> -> memref<768xf32, #tpu.memory_space<vmem_shared>>
          %dma_start3A_496 = arith.constant 0 : i32
          %dma_start3A_497 = tpu.memref_slice %arg10[%dma_start3A_491, %add3A_490, %dma_start3A_496] : memref<3x32x768xf32, #tpu.memory_space<vmem>> -> memref<1x1x768xf32, #tpu.memory_space<vmem>>
          %dma_start3A_498 = tpu.memref_squeeze %dma_start3A_497 : memref<1x1x768xf32, #tpu.memory_space<vmem>> -> memref<768xf32, #tpu.memory_space<vmem>>
          %dma_start3A_499 = tpu.memref_slice %arg8[%mul3A_486] : memref<196608xf32, #tpu.memory_space<vmem_shared>> -> memref<768xf32, #tpu.memory_space<vmem_shared>>
          tpu.enqueue_dma source(%dma_start3A_499 : memref<768xf32, #tpu.memory_space<vmem_shared>>) target(%dma_start3A_498 : memref<768xf32, #tpu.memory_space<vmem>>) target_semaphore(%arg18 : memref<!tpu.dma_semaphore, #tpu.memory_space<semaphore_mem>>)
          %slice3A_500 = vector.extract_strided_slice %get3A_263 {offsets = [14], sizes = [1], strides = [1]} : vector<16xi32> to vector<1xi32>
          %squeeze3A_501 = vector.extract %slice3A_500[0] : i32 from vector<1xi32>
          %mul3A_502 = arith.constant 768 : i32
          %mul3A_503 = arith.muli %squeeze3A_501, %mul3A_502 : i32
          %mul3A_504 = arith.constant 16 : i32
          %mul3A_505 = arith.muli %scan3A_257, %mul3A_504 : i32
          %add3A_506 = arith.constant 14 : i32
          %add3A_507 = arith.addi %mul3A_505, %add3A_506 : i32
          %dma_start3A_508 = arith.constant 2 : i32
          %dma_start3A_509 = arith.constant 0 : i32
          %dma_start3A_510 = tpu.memref_slice %arg10[%dma_start3A_508, %add3A_507, %dma_start3A_509] : memref<3x32x768xf32, #tpu.memory_space<vmem>> -> memref<1x1x768xf32, #tpu.memory_space<vmem>>
          %dma_start3A_511 = tpu.memref_squeeze %dma_start3A_510 : memref<1x1x768xf32, #tpu.memory_space<vmem>> -> memref<768xf32, #tpu.memory_space<vmem>>
          %dma_start3A_512 = tpu.memref_slice %arg8[%mul3A_503] : memref<196608xf32, #tpu.memory_space<vmem_shared>> -> memref<768xf32, #tpu.memory_space<vmem_shared>>
          %dma_start3A_513 = arith.constant 0 : i32
          %dma_start3A_514 = tpu.memref_slice %arg10[%dma_start3A_508, %add3A_507, %dma_start3A_513] : memref<3x32x768xf32, #tpu.memory_space<vmem>> -> memref<1x1x768xf32, #tpu.memory_space<vmem>>
          %dma_start3A_515 = tpu.memref_squeeze %dma_start3A_514 : memref<1x1x768xf32, #tpu.memory_space<vmem>> -> memref<768xf32, #tpu.memory_space<vmem>>
          %dma_start3A_516 = tpu.memref_slice %arg8[%mul3A_503] : memref<196608xf32, #tpu.memory_space<vmem_shared>> -> memref<768xf32, #tpu.memory_space<vmem_shared>>
          tpu.enqueue_dma source(%dma_start3A_516 : memref<768xf32, #tpu.memory_space<vmem_shared>>) target(%dma_start3A_515 : memref<768xf32, #tpu.memory_space<vmem>>) target_semaphore(%arg18 : memref<!tpu.dma_semaphore, #tpu.memory_space<semaphore_mem>>)
          %slice3A_517 = vector.extract_strided_slice %get3A_263 {offsets = [15], sizes = [1], strides = [1]} : vector<16xi32> to vector<1xi32>
          %squeeze3A_518 = vector.extract %slice3A_517[0] : i32 from vector<1xi32>
          %mul3A_519 = arith.constant 768 : i32
          %mul3A_520 = arith.muli %squeeze3A_518, %mul3A_519 : i32
          %mul3A_521 = arith.constant 16 : i32
          %mul3A_522 = arith.muli %scan3A_257, %mul3A_521 : i32
          %add3A_523 = arith.constant 15 : i32
          %add3A_524 = arith.addi %mul3A_522, %add3A_523 : i32
          %dma_start3A_525 = arith.constant 2 : i32
          %dma_start3A_526 = arith.constant 0 : i32
          %dma_start3A_527 = tpu.memref_slice %arg10[%dma_start3A_525, %add3A_524, %dma_start3A_526] : memref<3x32x768xf32, #tpu.memory_space<vmem>> -> memref<1x1x768xf32, #tpu.memory_space<vmem>>
          %dma_start3A_528 = tpu.memref_squeeze %dma_start3A_527 : memref<1x1x768xf32, #tpu.memory_space<vmem>> -> memref<768xf32, #tpu.memory_space<vmem>>
          %dma_start3A_529 = tpu.memref_slice %arg8[%mul3A_520] : memref<196608xf32, #tpu.memory_space<vmem_shared>> -> memref<768xf32, #tpu.memory_space<vmem_shared>>
          %dma_start3A_530 = arith.constant 0 : i32
          %dma_start3A_531 = tpu.memref_slice %arg10[%dma_start3A_525, %add3A_524, %dma_start3A_530] : memref<3x32x768xf32, #tpu.memory_space<vmem>> -> memref<1x1x768xf32, #tpu.memory_space<vmem>>
          %dma_start3A_532 = tpu.memref_squeeze %dma_start3A_531 : memref<1x1x768xf32, #tpu.memory_space<vmem>> -> memref<768xf32, #tpu.memory_space<vmem>>
          %dma_start3A_533 = tpu.memref_slice %arg8[%mul3A_520] : memref<196608xf32, #tpu.memory_space<vmem_shared>> -> memref<768xf32, #tpu.memory_space<vmem_shared>>
          tpu.enqueue_dma source(%dma_start3A_533 : memref<768xf32, #tpu.memory_space<vmem_shared>>) target(%dma_start3A_532 : memref<768xf32, #tpu.memory_space<vmem>>) target_semaphore(%arg18 : memref<!tpu.dma_semaphore, #tpu.memory_space<semaphore_mem>>)
        }
        %scan3A_256 = arith.constant 2 : i32
      } else {
      }
      %dma_wait3A_157 = arith.constant 1 : i32
      %dma_wait3A_158 = arith.constant 0 : i32
      %dma_wait3A_159 = arith.constant 0 : i32
      %dma_wait3A_160 = tpu.memref_slice %arg10[%dma_wait3A_157, %dma_wait3A_158, %dma_wait3A_159] : memref<3x32x768xf32, #tpu.memory_space<vmem>> -> memref<1x32x768xf32, #tpu.memory_space<vmem>>
      %dma_wait3A_161 = tpu.memref_squeeze %dma_wait3A_160 : memref<1x32x768xf32, #tpu.memory_space<vmem>> -> memref<32x768xf32, #tpu.memory_space<vmem>>
      %dma_wait3A_162 = arith.constant 0 : i32
      %dma_wait3A_163 = tpu.memref_slice %arg7[%mul3A_2, %dma_wait3A_162] : memref<65536x768xf32, #tpu.memory_space<hbm>> -> memref<32x768xf32, #tpu.memory_space<hbm>>
      %dma_wait3A_164 = arith.constant 0 : i32
      %dma_wait3A_165 = arith.constant 0 : i32
      %dma_wait3A_166 = tpu.memref_slice %arg10[%dma_wait3A_157, %dma_wait3A_164, %dma_wait3A_165] : memref<3x32x768xf32, #tpu.memory_space<vmem>> -> memref<1x32x768xf32, #tpu.memory_space<vmem>>
      %dma_wait3A_167 = tpu.memref_squeeze %dma_wait3A_166 : memref<1x32x768xf32, #tpu.memory_space<vmem>> -> memref<32x768xf32, #tpu.memory_space<vmem>>
      %dma_wait3A_168 = arith.constant 0 : i32
      %dma_wait3A_169 = tpu.memref_slice %arg7[%mul3A_2, %dma_wait3A_168] : memref<65536x768xf32, #tpu.memory_space<hbm>> -> memref<32x768xf32, #tpu.memory_space<hbm>>
      tpu.wait_dma2 semaphore(%arg17 : memref<!tpu.dma_semaphore, #tpu.memory_space<semaphore_mem>>) src(%dma_wait3A_169 : memref<32x768xf32, #tpu.memory_space<hbm>>) dst(%dma_wait3A_167 : memref<32x768xf32, #tpu.memory_space<vmem>>)
      %mul3A_170 = arith.constant 32 : i32
      %mul3A_171 = arith.muli %add3A_149, %mul3A_170 : i32
      %add3A_172 = arith.addi %mul3A_2, %mul3A_171 : i32
      %dma_start3A_173 = arith.constant 1 : i32
      %dma_start3A_174 = arith.constant 0 : i32
      %dma_start3A_175 = arith.constant 0 : i32
      %dma_start3A_176 = tpu.memref_slice %arg10[%dma_start3A_173, %dma_start3A_174, %dma_start3A_175] : memref<3x32x768xf32, #tpu.memory_space<vmem>> -> memref<1x32x768xf32, #tpu.memory_space<vmem>>
      %dma_start3A_177 = tpu.memref_squeeze %dma_start3A_176 : memref<1x32x768xf32, #tpu.memory_space<vmem>> -> memref<32x768xf32, #tpu.memory_space<vmem>>
      %dma_start3A_178 = arith.constant 0 : i32
      %dma_start3A_179 = tpu.memref_slice %arg7[%add3A_172, %dma_start3A_178] : memref<65536x768xf32, #tpu.memory_space<hbm>> -> memref<32x768xf32, #tpu.memory_space<hbm>>
      %dma_start3A_180 = arith.constant 0 : i32
      %dma_start3A_181 = tpu.memref_slice %arg7[%add3A_172, %dma_start3A_180] : memref<65536x768xf32, #tpu.memory_space<hbm>> -> memref<32x768xf32, #tpu.memory_space<hbm>>
      %dma_start3A_182 = arith.constant 0 : i32
      %dma_start3A_183 = arith.constant 0 : i32
      %dma_start3A_184 = tpu.memref_slice %arg10[%dma_start3A_173, %dma_start3A_182, %dma_start3A_183] : memref<3x32x768xf32, #tpu.memory_space<vmem>> -> memref<1x32x768xf32, #tpu.memory_space<vmem>>
      %dma_start3A_185 = tpu.memref_squeeze %dma_start3A_184 : memref<1x32x768xf32, #tpu.memory_space<vmem>> -> memref<32x768xf32, #tpu.memory_space<vmem>>
      tpu.enqueue_dma source(%dma_start3A_185 : memref<32x768xf32, #tpu.memory_space<vmem>>) target(%dma_start3A_181 : memref<32x768xf32, #tpu.memory_space<hbm>>) target_semaphore(%arg14 : memref<!tpu.dma_semaphore, #tpu.memory_space<semaphore_mem>>)
      %mul3A_186 = arith.constant 3 : i32
      %mul3A_187 = arith.muli %mul3A_186, %scan3A_108 : i32
      %add3A_188 = arith.constant 2 : i32
      %add3A_189 = arith.addi %mul3A_187, %add3A_188 : i32
      %add3A_190 = arith.constant 1 : i32
      %add3A_191 = arith.addi %add3A_189, %add3A_190 : i32
      %lt3A_192 = arith.constant 48 : i32
      %lt3A_193 = arith.cmpi slt, %add3A_191, %lt3A_192 : i32
      %convert_element_type3A_194 = arith.extui %lt3A_193 : i1 to i32
      %cond3A_195 = arith.constant 0 : i32
      %cond3A_196 = arith.cmpi ne, %convert_element_type3A_194, %cond3A_195 : i32
      scf.if %cond3A_196 {
        %add3A_240 = arith.constant 1 : i32
        %add3A_241 = arith.addi %add3A_189, %add3A_240 : i32
        %ge3A_242 = arith.constant 3 : i32
        %ge3A_243 = arith.cmpi sge, %add3A_241, %ge3A_242 : i32
        %convert_element_type3A_244 = arith.extui %ge3A_243 : i1 to i32
        %cond3A_245 = arith.constant 0 : i32
        %cond3A_246 = arith.cmpi ne, %convert_element_type3A_244, %cond3A_245 : i32
        scf.if %cond3A_246 {
          %dma_wait3A_257 = arith.constant 0 : i32
          %dma_wait3A_258 = arith.constant 0 : i32
          %dma_wait3A_259 = arith.constant 0 : i32
          %dma_wait3A_260 = tpu.memref_slice %arg10[%dma_wait3A_257, %dma_wait3A_258, %dma_wait3A_259] : memref<3x32x768xf32, #tpu.memory_space<vmem>> -> memref<1x32x768xf32, #tpu.memory_space<vmem>>
          %dma_wait3A_261 = tpu.memref_squeeze %dma_wait3A_260 : memref<1x32x768xf32, #tpu.memory_space<vmem>> -> memref<32x768xf32, #tpu.memory_space<vmem>>
          %dma_wait3A_262 = arith.constant 0 : i32
          %dma_wait3A_263 = tpu.memref_slice %arg7[%mul3A_2, %dma_wait3A_262] : memref<65536x768xf32, #tpu.memory_space<hbm>> -> memref<32x768xf32, #tpu.memory_space<hbm>>
          %dma_wait3A_264 = arith.constant 0 : i32
          %dma_wait3A_265 = tpu.memref_slice %arg7[%mul3A_2, %dma_wait3A_264] : memref<65536x768xf32, #tpu.memory_space<hbm>> -> memref<32x768xf32, #tpu.memory_space<hbm>>
          %dma_wait3A_266 = arith.constant 0 : i32
          %dma_wait3A_267 = arith.constant 0 : i32
          %dma_wait3A_268 = tpu.memref_slice %arg10[%dma_wait3A_257, %dma_wait3A_266, %dma_wait3A_267] : memref<3x32x768xf32, #tpu.memory_space<vmem>> -> memref<1x32x768xf32, #tpu.memory_space<vmem>>
          %dma_wait3A_269 = tpu.memref_squeeze %dma_wait3A_268 : memref<1x32x768xf32, #tpu.memory_space<vmem>> -> memref<32x768xf32, #tpu.memory_space<vmem>>
          tpu.wait_dma2 semaphore(%arg13 : memref<!tpu.dma_semaphore, #tpu.memory_space<semaphore_mem>>) src(%dma_wait3A_269 : memref<32x768xf32, #tpu.memory_space<vmem>>) dst(%dma_wait3A_265 : memref<32x768xf32, #tpu.memory_space<hbm>>)
        } else {
        }
        %add3A_247 = arith.constant 1 : i32
        %add3A_248 = arith.addi %add3A_189, %add3A_247 : i32
        %mul3A_249 = arith.constant 32 : i32
        %mul3A_250 = arith.muli %add3A_248, %mul3A_249 : i32
        %scan3A_251 = arith.constant 0 : i32
        %scan3A_252 = arith.constant 0 : i32
        %scan3A_253 = arith.constant 2 : i32
        %scan3A_254 = arith.addi %scan3A_252, %scan3A_253 : i32
        %scan3A_255 = arith.constant 1 : i32
        scf.for %scan3A_257 = %scan3A_252 to %scan3A_254 step %scan3A_255  : i32 {
          %mul3A_258 = arith.constant 16 : i32
          %mul3A_259 = arith.muli %scan3A_257, %mul3A_258 : i32
          %add3A_260 = arith.addi %mul3A_250, %mul3A_259 : i32
          %get3A_261 = arith.index_cast %add3A_260 : i32 to index
          %get3A_262 = tpu.vector_load %arg9[%get3A_261] {strides = array<i32>} : memref<2048xi32, #tpu.memory_space<vmem>>, vector<16xi32>,
          %get3A_263 = vector.shape_cast %get3A_262 : vector<16xi32> to vector<16xi32>
          %slice3A = vector.extract_strided_slice %get3A_263 {offsets = [0], sizes = [1], strides = [1]} : vector<16xi32> to vector<1xi32>
          %squeeze3A = vector.extract %slice3A[0] : i32 from vector<1xi32>
          %mul3A_264 = arith.constant 768 : i32
          %mul3A_265 = arith.muli %squeeze3A, %mul3A_264 : i32
          %mul3A_266 = arith.constant 16 : i32
          %mul3A_267 = arith.muli %scan3A_257, %mul3A_266 : i32
          %add3A_268 = arith.constant 0 : i32
          %add3A_269 = arith.addi %mul3A_267, %add3A_268 : i32
          %dma_start3A_270 = arith.constant 0 : i32
          %dma_start3A_271 = arith.constant 0 : i32
          %dma_start3A_272 = tpu.memref_slice %arg10[%dma_start3A_270, %add3A_269, %dma_start3A_271] : memref<3x32x768xf32, #tpu.memory_space<vmem>> -> memref<1x1x768xf32, #tpu.memory_space<vmem>>
          %dma_start3A_273 = tpu.memref_squeeze %dma_start3A_272 : memref<1x1x768xf32, #tpu.memory_space<vmem>> -> memref<768xf32, #tpu.memory_space<vmem>>
          %dma_start3A_274 = tpu.memref_slice %arg8[%mul3A_265] : memref<196608xf32, #tpu.memory_space<vmem_shared>> -> memref<768xf32, #tpu.memory_space<vmem_shared>>
          %dma_start3A_275 = arith.constant 0 : i32
          %dma_start3A_276 = tpu.memref_slice %arg10[%dma_start3A_270, %add3A_269, %dma_start3A_275] : memref<3x32x768xf32, #tpu.memory_space<vmem>> -> memref<1x1x768xf32, #tpu.memory_space<vmem>>
          %dma_start3A_277 = tpu.memref_squeeze %dma_start3A_276 : memref<1x1x768xf32, #tpu.memory_space<vmem>> -> memref<768xf32, #tpu.memory_space<vmem>>
          %dma_start3A_278 = tpu.memref_slice %arg8[%mul3A_265] : memref<196608xf32, #tpu.memory_space<vmem_shared>> -> memref<768xf32, #tpu.memory_space<vmem_shared>>
          tpu.enqueue_dma source(%dma_start3A_278 : memref<768xf32, #tpu.memory_space<vmem_shared>>) target(%dma_start3A_277 : memref<768xf32, #tpu.memory_space<vmem>>) target_semaphore(%arg16 : memref<!tpu.dma_semaphore, #tpu.memory_space<semaphore_mem>>)
          %slice3A_279 = vector.extract_strided_slice %get3A_263 {offsets = [1], sizes = [1], strides = [1]} : vector<16xi32> to vector<1xi32>
          %squeeze3A_280 = vector.extract %slice3A_279[0] : i32 from vector<1xi32>
          %mul3A_281 = arith.constant 768 : i32
          %mul3A_282 = arith.muli %squeeze3A_280, %mul3A_281 : i32
          %mul3A_283 = arith.constant 16 : i32
          %mul3A_284 = arith.muli %scan3A_257, %mul3A_283 : i32
          %add3A_285 = arith.constant 1 : i32
          %add3A_286 = arith.addi %mul3A_284, %add3A_285 : i32
          %dma_start3A_287 = arith.constant 0 : i32
          %dma_start3A_288 = arith.constant 0 : i32
          %dma_start3A_289 = tpu.memref_slice %arg10[%dma_start3A_287, %add3A_286, %dma_start3A_288] : memref<3x32x768xf32, #tpu.memory_space<vmem>> -> memref<1x1x768xf32, #tpu.memory_space<vmem>>
          %dma_start3A_290 = tpu.memref_squeeze %dma_start3A_289 : memref<1x1x768xf32, #tpu.memory_space<vmem>> -> memref<768xf32, #tpu.memory_space<vmem>>
          %dma_start3A_291 = tpu.memref_slice %arg8[%mul3A_282] : memref<196608xf32, #tpu.memory_space<vmem_shared>> -> memref<768xf32, #tpu.memory_space<vmem_shared>>
          %dma_start3A_292 = arith.constant 0 : i32
          %dma_start3A_293 = tpu.memref_slice %arg10[%dma_start3A_287, %add3A_286, %dma_start3A_292] : memref<3x32x768xf32, #tpu.memory_space<vmem>> -> memref<1x1x768xf32, #tpu.memory_space<vmem>>
          %dma_start3A_294 = tpu.memref_squeeze %dma_start3A_293 : memref<1x1x768xf32, #tpu.memory_space<vmem>> -> memref<768xf32, #tpu.memory_space<vmem>>
          %dma_start3A_295 = tpu.memref_slice %arg8[%mul3A_282] : memref<196608xf32, #tpu.memory_space<vmem_shared>> -> memref<768xf32, #tpu.memory_space<vmem_shared>>
          tpu.enqueue_dma source(%dma_start3A_295 : memref<768xf32, #tpu.memory_space<vmem_shared>>) target(%dma_start3A_294 : memref<768xf32, #tpu.memory_space<vmem>>) target_semaphore(%arg16 : memref<!tpu.dma_semaphore, #tpu.memory_space<semaphore_mem>>)
          %slice3A_296 = vector.extract_strided_slice %get3A_263 {offsets = [2], sizes = [1], strides = [1]} : vector<16xi32> to vector<1xi32>
          %squeeze3A_297 = vector.extract %slice3A_296[0] : i32 from vector<1xi32>
          %mul3A_298 = arith.constant 768 : i32
          %mul3A_299 = arith.muli %squeeze3A_297, %mul3A_298 : i32
          %mul3A_300 = arith.constant 16 : i32
          %mul3A_301 = arith.muli %scan3A_257, %mul3A_300 : i32
          %add3A_302 = arith.constant 2 : i32
          %add3A_303 = arith.addi %mul3A_301, %add3A_302 : i32
          %dma_start3A_304 = arith.constant 0 : i32
          %dma_start3A_305 = arith.constant 0 : i32
          %dma_start3A_306 = tpu.memref_slice %arg10[%dma_start3A_304, %add3A_303, %dma_start3A_305] : memref<3x32x768xf32, #tpu.memory_space<vmem>> -> memref<1x1x768xf32, #tpu.memory_space<vmem>>
          %dma_start3A_307 = tpu.memref_squeeze %dma_start3A_306 : memref<1x1x768xf32, #tpu.memory_space<vmem>> -> memref<768xf32, #tpu.memory_space<vmem>>
          %dma_start3A_308 = tpu.memref_slice %arg8[%mul3A_299] : memref<196608xf32, #tpu.memory_space<vmem_shared>> -> memref<768xf32, #tpu.memory_space<vmem_shared>>
          %dma_start3A_309 = arith.constant 0 : i32
          %dma_start3A_310 = tpu.memref_slice %arg10[%dma_start3A_304, %add3A_303, %dma_start3A_309] : memref<3x32x768xf32, #tpu.memory_space<vmem>> -> memref<1x1x768xf32, #tpu.memory_space<vmem>>
          %dma_start3A_311 = tpu.memref_squeeze %dma_start3A_310 : memref<1x1x768xf32, #tpu.memory_space<vmem>> -> memref<768xf32, #tpu.memory_space<vmem>>
          %dma_start3A_312 = tpu.memref_slice %arg8[%mul3A_299] : memref<196608xf32, #tpu.memory_space<vmem_shared>> -> memref<768xf32, #tpu.memory_space<vmem_shared>>
          tpu.enqueue_dma source(%dma_start3A_312 : memref<768xf32, #tpu.memory_space<vmem_shared>>) target(%dma_start3A_311 : memref<768xf32, #tpu.memory_space<vmem>>) target_semaphore(%arg16 : memref<!tpu.dma_semaphore, #tpu.memory_space<semaphore_mem>>)
          %slice3A_313 = vector.extract_strided_slice %get3A_263 {offsets = [3], sizes = [1], strides = [1]} : vector<16xi32> to vector<1xi32>
          %squeeze3A_314 = vector.extract %slice3A_313[0] : i32 from vector<1xi32>
          %mul3A_315 = arith.constant 768 : i32
          %mul3A_316 = arith.muli %squeeze3A_314, %mul3A_315 : i32
          %mul3A_317 = arith.constant 16 : i32
          %mul3A_318 = arith.muli %scan3A_257, %mul3A_317 : i32
          %add3A_319 = arith.constant 3 : i32
          %add3A_320 = arith.addi %mul3A_318, %add3A_319 : i32
          %dma_start3A_321 = arith.constant 0 : i32
          %dma_start3A_322 = arith.constant 0 : i32
          %dma_start3A_323 = tpu.memref_slice %arg10[%dma_start3A_321, %add3A_320, %dma_start3A_322] : memref<3x32x768xf32, #tpu.memory_space<vmem>> -> memref<1x1x768xf32, #tpu.memory_space<vmem>>
          %dma_start3A_324 = tpu.memref_squeeze %dma_start3A_323 : memref<1x1x768xf32, #tpu.memory_space<vmem>> -> memref<768xf32, #tpu.memory_space<vmem>>
          %dma_start3A_325 = tpu.memref_slice %arg8[%mul3A_316] : memref<196608xf32, #tpu.memory_space<vmem_shared>> -> memref<768xf32, #tpu.memory_space<vmem_shared>>
          %dma_start3A_326 = arith.constant 0 : i32
          %dma_start3A_327 = tpu.memref_slice %arg10[%dma_start3A_321, %add3A_320, %dma_start3A_326] : memref<3x32x768xf32, #tpu.memory_space<vmem>> -> memref<1x1x768xf32, #tpu.memory_space<vmem>>
          %dma_start3A_328 = tpu.memref_squeeze %dma_start3A_327 : memref<1x1x768xf32, #tpu.memory_space<vmem>> -> memref<768xf32, #tpu.memory_space<vmem>>
          %dma_start3A_329 = tpu.memref_slice %arg8[%mul3A_316] : memref<196608xf32, #tpu.memory_space<vmem_shared>> -> memref<768xf32, #tpu.memory_space<vmem_shared>>
          tpu.enqueue_dma source(%dma_start3A_329 : memref<768xf32, #tpu.memory_space<vmem_shared>>) target(%dma_start3A_328 : memref<768xf32, #tpu.memory_space<vmem>>) target_semaphore(%arg16 : memref<!tpu.dma_semaphore, #tpu.memory_space<semaphore_mem>>)
          %slice3A_330 = vector.extract_strided_slice %get3A_263 {offsets = [4], sizes = [1], strides = [1]} : vector<16xi32> to vector<1xi32>
          %squeeze3A_331 = vector.extract %slice3A_330[0] : i32 from vector<1xi32>
          %mul3A_332 = arith.constant 768 : i32
          %mul3A_333 = arith.muli %squeeze3A_331, %mul3A_332 : i32
          %mul3A_334 = arith.constant 16 : i32
          %mul3A_335 = arith.muli %scan3A_257, %mul3A_334 : i32
          %add3A_336 = arith.constant 4 : i32
          %add3A_337 = arith.addi %mul3A_335, %add3A_336 : i32
          %dma_start3A_338 = arith.constant 0 : i32
          %dma_start3A_339 = arith.constant 0 : i32
          %dma_start3A_340 = tpu.memref_slice %arg10[%dma_start3A_338, %add3A_337, %dma_start3A_339] : memref<3x32x768xf32, #tpu.memory_space<vmem>> -> memref<1x1x768xf32, #tpu.memory_space<vmem>>
          %dma_start3A_341 = tpu.memref_squeeze %dma_start3A_340 : memref<1x1x768xf32, #tpu.memory_space<vmem>> -> memref<768xf32, #tpu.memory_space<vmem>>
          %dma_start3A_342 = tpu.memref_slice %arg8[%mul3A_333] : memref<196608xf32, #tpu.memory_space<vmem_shared>> -> memref<768xf32, #tpu.memory_space<vmem_shared>>
          %dma_start3A_343 = arith.constant 0 : i32
          %dma_start3A_344 = tpu.memref_slice %arg10[%dma_start3A_338, %add3A_337, %dma_start3A_343] : memref<3x32x768xf32, #tpu.memory_space<vmem>> -> memref<1x1x768xf32, #tpu.memory_space<vmem>>
          %dma_start3A_345 = tpu.memref_squeeze %dma_start3A_344 : memref<1x1x768xf32, #tpu.memory_space<vmem>> -> memref<768xf32, #tpu.memory_space<vmem>>
          %dma_start3A_346 = tpu.memref_slice %arg8[%mul3A_333] : memref<196608xf32, #tpu.memory_space<vmem_shared>> -> memref<768xf32, #tpu.memory_space<vmem_shared>>
          tpu.enqueue_dma source(%dma_start3A_346 : memref<768xf32, #tpu.memory_space<vmem_shared>>) target(%dma_start3A_345 : memref<768xf32, #tpu.memory_space<vmem>>) target_semaphore(%arg16 : memref<!tpu.dma_semaphore, #tpu.memory_space<semaphore_mem>>)
          %slice3A_347 = vector.extract_strided_slice %get3A_263 {offsets = [5], sizes = [1], strides = [1]} : vector<16xi32> to vector<1xi32>
          %squeeze3A_348 = vector.extract %slice3A_347[0] : i32 from vector<1xi32>
          %mul3A_349 = arith.constant 768 : i32
          %mul3A_350 = arith.muli %squeeze3A_348, %mul3A_349 : i32
          %mul3A_351 = arith.constant 16 : i32
          %mul3A_352 = arith.muli %scan3A_257, %mul3A_351 : i32
          %add3A_353 = arith.constant 5 : i32
          %add3A_354 = arith.addi %mul3A_352, %add3A_353 : i32
          %dma_start3A_355 = arith.constant 0 : i32
          %dma_start3A_356 = arith.constant 0 : i32
          %dma_start3A_357 = tpu.memref_slice %arg10[%dma_start3A_355, %add3A_354, %dma_start3A_356] : memref<3x32x768xf32, #tpu.memory_space<vmem>> -> memref<1x1x768xf32, #tpu.memory_space<vmem>>
          %dma_start3A_358 = tpu.memref_squeeze %dma_start3A_357 : memref<1x1x768xf32, #tpu.memory_space<vmem>> -> memref<768xf32, #tpu.memory_space<vmem>>
          %dma_start3A_359 = tpu.memref_slice %arg8[%mul3A_350] : memref<196608xf32, #tpu.memory_space<vmem_shared>> -> memref<768xf32, #tpu.memory_space<vmem_shared>>
          %dma_start3A_360 = arith.constant 0 : i32
          %dma_start3A_361 = tpu.memref_slice %arg10[%dma_start3A_355, %add3A_354, %dma_start3A_360] : memref<3x32x768xf32, #tpu.memory_space<vmem>> -> memref<1x1x768xf32, #tpu.memory_space<vmem>>
          %dma_start3A_362 = tpu.memref_squeeze %dma_start3A_361 : memref<1x1x768xf32, #tpu.memory_space<vmem>> -> memref<768xf32, #tpu.memory_space<vmem>>
          %dma_start3A_363 = tpu.memref_slice %arg8[%mul3A_350] : memref<196608xf32, #tpu.memory_space<vmem_shared>> -> memref<768xf32, #tpu.memory_space<vmem_shared>>
          tpu.enqueue_dma source(%dma_start3A_363 : memref<768xf32, #tpu.memory_space<vmem_shared>>) target(%dma_start3A_362 : memref<768xf32, #tpu.memory_space<vmem>>) target_semaphore(%arg16 : memref<!tpu.dma_semaphore, #tpu.memory_space<semaphore_mem>>)
          %slice3A_364 = vector.extract_strided_slice %get3A_263 {offsets = [6], sizes = [1], strides = [1]} : vector<16xi32> to vector<1xi32>
          %squeeze3A_365 = vector.extract %slice3A_364[0] : i32 from vector<1xi32>
          %mul3A_366 = arith.constant 768 : i32
          %mul3A_367 = arith.muli %squeeze3A_365, %mul3A_366 : i32
          %mul3A_368 = arith.constant 16 : i32
          %mul3A_369 = arith.muli %scan3A_257, %mul3A_368 : i32
          %add3A_370 = arith.constant 6 : i32
          %add3A_371 = arith.addi %mul3A_369, %add3A_370 : i32
          %dma_start3A_372 = arith.constant 0 : i32
          %dma_start3A_373 = arith.constant 0 : i32
          %dma_start3A_374 = tpu.memref_slice %arg10[%dma_start3A_372, %add3A_371, %dma_start3A_373] : memref<3x32x768xf32, #tpu.memory_space<vmem>> -> memref<1x1x768xf32, #tpu.memory_space<vmem>>
          %dma_start3A_375 = tpu.memref_squeeze %dma_start3A_374 : memref<1x1x768xf32, #tpu.memory_space<vmem>> -> memref<768xf32, #tpu.memory_space<vmem>>
          %dma_start3A_376 = tpu.memref_slice %arg8[%mul3A_367] : memref<196608xf32, #tpu.memory_space<vmem_shared>> -> memref<768xf32, #tpu.memory_space<vmem_shared>>
          %dma_start3A_377 = arith.constant 0 : i32
          %dma_start3A_378 = tpu.memref_slice %arg10[%dma_start3A_372, %add3A_371, %dma_start3A_377] : memref<3x32x768xf32, #tpu.memory_space<vmem>> -> memref<1x1x768xf32, #tpu.memory_space<vmem>>
          %dma_start3A_379 = tpu.memref_squeeze %dma_start3A_378 : memref<1x1x768xf32, #tpu.memory_space<vmem>> -> memref<768xf32, #tpu.memory_space<vmem>>
          %dma_start3A_380 = tpu.memref_slice %arg8[%mul3A_367] : memref<196608xf32, #tpu.memory_space<vmem_shared>> -> memref<768xf32, #tpu.memory_space<vmem_shared>>
          tpu.enqueue_dma source(%dma_start3A_380 : memref<768xf32, #tpu.memory_space<vmem_shared>>) target(%dma_start3A_379 : memref<768xf32, #tpu.memory_space<vmem>>) target_semaphore(%arg16 : memref<!tpu.dma_semaphore, #tpu.memory_space<semaphore_mem>>)
          %slice3A_381 = vector.extract_strided_slice %get3A_263 {offsets = [7], sizes = [1], strides = [1]} : vector<16xi32> to vector<1xi32>
          %squeeze3A_382 = vector.extract %slice3A_381[0] : i32 from vector<1xi32>
          %mul3A_383 = arith.constant 768 : i32
          %mul3A_384 = arith.muli %squeeze3A_382, %mul3A_383 : i32
          %mul3A_385 = arith.constant 16 : i32
          %mul3A_386 = arith.muli %scan3A_257, %mul3A_385 : i32
          %add3A_387 = arith.constant 7 : i32
          %add3A_388 = arith.addi %mul3A_386, %add3A_387 : i32
          %dma_start3A_389 = arith.constant 0 : i32
          %dma_start3A_390 = arith.constant 0 : i32
          %dma_start3A_391 = tpu.memref_slice %arg10[%dma_start3A_389, %add3A_388, %dma_start3A_390] : memref<3x32x768xf32, #tpu.memory_space<vmem>> -> memref<1x1x768xf32, #tpu.memory_space<vmem>>
          %dma_start3A_392 = tpu.memref_squeeze %dma_start3A_391 : memref<1x1x768xf32, #tpu.memory_space<vmem>> -> memref<768xf32, #tpu.memory_space<vmem>>
          %dma_start3A_393 = tpu.memref_slice %arg8[%mul3A_384] : memref<196608xf32, #tpu.memory_space<vmem_shared>> -> memref<768xf32, #tpu.memory_space<vmem_shared>>
          %dma_start3A_394 = arith.constant 0 : i32
          %dma_start3A_395 = tpu.memref_slice %arg10[%dma_start3A_389, %add3A_388, %dma_start3A_394] : memref<3x32x768xf32, #tpu.memory_space<vmem>> -> memref<1x1x768xf32, #tpu.memory_space<vmem>>
          %dma_start3A_396 = tpu.memref_squeeze %dma_start3A_395 : memref<1x1x768xf32, #tpu.memory_space<vmem>> -> memref<768xf32, #tpu.memory_space<vmem>>
          %dma_start3A_397 = tpu.memref_slice %arg8[%mul3A_384] : memref<196608xf32, #tpu.memory_space<vmem_shared>> -> memref<768xf32, #tpu.memory_space<vmem_shared>>
          tpu.enqueue_dma source(%dma_start3A_397 : memref<768xf32, #tpu.memory_space<vmem_shared>>) target(%dma_start3A_396 : memref<768xf32, #tpu.memory_space<vmem>>) target_semaphore(%arg16 : memref<!tpu.dma_semaphore, #tpu.memory_space<semaphore_mem>>)
          %slice3A_398 = vector.extract_strided_slice %get3A_263 {offsets = [8], sizes = [1], strides = [1]} : vector<16xi32> to vector<1xi32>
          %squeeze3A_399 = vector.extract %slice3A_398[0] : i32 from vector<1xi32>
          %mul3A_400 = arith.constant 768 : i32
          %mul3A_401 = arith.muli %squeeze3A_399, %mul3A_400 : i32
          %mul3A_402 = arith.constant 16 : i32
          %mul3A_403 = arith.muli %scan3A_257, %mul3A_402 : i32
          %add3A_404 = arith.constant 8 : i32
          %add3A_405 = arith.addi %mul3A_403, %add3A_404 : i32
          %dma_start3A_406 = arith.constant 0 : i32
          %dma_start3A_407 = arith.constant 0 : i32
          %dma_start3A_408 = tpu.memref_slice %arg10[%dma_start3A_406, %add3A_405, %dma_start3A_407] : memref<3x32x768xf32, #tpu.memory_space<vmem>> -> memref<1x1x768xf32, #tpu.memory_space<vmem>>
          %dma_start3A_409 = tpu.memref_squeeze %dma_start3A_408 : memref<1x1x768xf32, #tpu.memory_space<vmem>> -> memref<768xf32, #tpu.memory_space<vmem>>
          %dma_start3A_410 = tpu.memref_slice %arg8[%mul3A_401] : memref<196608xf32, #tpu.memory_space<vmem_shared>> -> memref<768xf32, #tpu.memory_space<vmem_shared>>
          %dma_start3A_411 = arith.constant 0 : i32
          %dma_start3A_412 = tpu.memref_slice %arg10[%dma_start3A_406, %add3A_405, %dma_start3A_411] : memref<3x32x768xf32, #tpu.memory_space<vmem>> -> memref<1x1x768xf32, #tpu.memory_space<vmem>>
          %dma_start3A_413 = tpu.memref_squeeze %dma_start3A_412 : memref<1x1x768xf32, #tpu.memory_space<vmem>> -> memref<768xf32, #tpu.memory_space<vmem>>
          %dma_start3A_414 = tpu.memref_slice %arg8[%mul3A_401] : memref<196608xf32, #tpu.memory_space<vmem_shared>> -> memref<768xf32, #tpu.memory_space<vmem_shared>>
          tpu.enqueue_dma source(%dma_start3A_414 : memref<768xf32, #tpu.memory_space<vmem_shared>>) target(%dma_start3A_413 : memref<768xf32, #tpu.memory_space<vmem>>) target_semaphore(%arg16 : memref<!tpu.dma_semaphore, #tpu.memory_space<semaphore_mem>>)
          %slice3A_415 = vector.extract_strided_slice %get3A_263 {offsets = [9], sizes = [1], strides = [1]} : vector<16xi32> to vector<1xi32>
          %squeeze3A_416 = vector.extract %slice3A_415[0] : i32 from vector<1xi32>
          %mul3A_417 = arith.constant 768 : i32
          %mul3A_418 = arith.muli %squeeze3A_416, %mul3A_417 : i32
          %mul3A_419 = arith.constant 16 : i32
          %mul3A_420 = arith.muli %scan3A_257, %mul3A_419 : i32
          %add3A_421 = arith.constant 9 : i32
          %add3A_422 = arith.addi %mul3A_420, %add3A_421 : i32
          %dma_start3A_423 = arith.constant 0 : i32
          %dma_start3A_424 = arith.constant 0 : i32
          %dma_start3A_425 = tpu.memref_slice %arg10[%dma_start3A_423, %add3A_422, %dma_start3A_424] : memref<3x32x768xf32, #tpu.memory_space<vmem>> -> memref<1x1x768xf32, #tpu.memory_space<vmem>>
          %dma_start3A_426 = tpu.memref_squeeze %dma_start3A_425 : memref<1x1x768xf32, #tpu.memory_space<vmem>> -> memref<768xf32, #tpu.memory_space<vmem>>
          %dma_start3A_427 = tpu.memref_slice %arg8[%mul3A_418] : memref<196608xf32, #tpu.memory_space<vmem_shared>> -> memref<768xf32, #tpu.memory_space<vmem_shared>>
          %dma_start3A_428 = arith.constant 0 : i32
          %dma_start3A_429 = tpu.memref_slice %arg10[%dma_start3A_423, %add3A_422, %dma_start3A_428] : memref<3x32x768xf32, #tpu.memory_space<vmem>> -> memref<1x1x768xf32, #tpu.memory_space<vmem>>
          %dma_start3A_430 = tpu.memref_squeeze %dma_start3A_429 : memref<1x1x768xf32, #tpu.memory_space<vmem>> -> memref<768xf32, #tpu.memory_space<vmem>>
          %dma_start3A_431 = tpu.memref_slice %arg8[%mul3A_418] : memref<196608xf32, #tpu.memory_space<vmem_shared>> -> memref<768xf32, #tpu.memory_space<vmem_shared>>
          tpu.enqueue_dma source(%dma_start3A_431 : memref<768xf32, #tpu.memory_space<vmem_shared>>) target(%dma_start3A_430 : memref<768xf32, #tpu.memory_space<vmem>>) target_semaphore(%arg16 : memref<!tpu.dma_semaphore, #tpu.memory_space<semaphore_mem>>)
          %slice3A_432 = vector.extract_strided_slice %get3A_263 {offsets = [10], sizes = [1], strides = [1]} : vector<16xi32> to vector<1xi32>
          %squeeze3A_433 = vector.extract %slice3A_432[0] : i32 from vector<1xi32>
          %mul3A_434 = arith.constant 768 : i32
          %mul3A_435 = arith.muli %squeeze3A_433, %mul3A_434 : i32
          %mul3A_436 = arith.constant 16 : i32
          %mul3A_437 = arith.muli %scan3A_257, %mul3A_436 : i32
          %add3A_438 = arith.constant 10 : i32
          %add3A_439 = arith.addi %mul3A_437, %add3A_438 : i32
          %dma_start3A_440 = arith.constant 0 : i32
          %dma_start3A_441 = arith.constant 0 : i32
          %dma_start3A_442 = tpu.memref_slice %arg10[%dma_start3A_440, %add3A_439, %dma_start3A_441] : memref<3x32x768xf32, #tpu.memory_space<vmem>> -> memref<1x1x768xf32, #tpu.memory_space<vmem>>
          %dma_start3A_443 = tpu.memref_squeeze %dma_start3A_442 : memref<1x1x768xf32, #tpu.memory_space<vmem>> -> memref<768xf32, #tpu.memory_space<vmem>>
          %dma_start3A_444 = tpu.memref_slice %arg8[%mul3A_435] : memref<196608xf32, #tpu.memory_space<vmem_shared>> -> memref<768xf32, #tpu.memory_space<vmem_shared>>
          %dma_start3A_445 = arith.constant 0 : i32
          %dma_start3A_446 = tpu.memref_slice %arg10[%dma_start3A_440, %add3A_439, %dma_start3A_445] : memref<3x32x768xf32, #tpu.memory_space<vmem>> -> memref<1x1x768xf32, #tpu.memory_space<vmem>>
          %dma_start3A_447 = tpu.memref_squeeze %dma_start3A_446 : memref<1x1x768xf32, #tpu.memory_space<vmem>> -> memref<768xf32, #tpu.memory_space<vmem>>
          %dma_start3A_448 = tpu.memref_slice %arg8[%mul3A_435] : memref<196608xf32, #tpu.memory_space<vmem_shared>> -> memref<768xf32, #tpu.memory_space<vmem_shared>>
          tpu.enqueue_dma source(%dma_start3A_448 : memref<768xf32, #tpu.memory_space<vmem_shared>>) target(%dma_start3A_447 : memref<768xf32, #tpu.memory_space<vmem>>) target_semaphore(%arg16 : memref<!tpu.dma_semaphore, #tpu.memory_space<semaphore_mem>>)
          %slice3A_449 = vector.extract_strided_slice %get3A_263 {offsets = [11], sizes = [1], strides = [1]} : vector<16xi32> to vector<1xi32>
          %squeeze3A_450 = vector.extract %slice3A_449[0] : i32 from vector<1xi32>
          %mul3A_451 = arith.constant 768 : i32
          %mul3A_452 = arith.muli %squeeze3A_450, %mul3A_451 : i32
          %mul3A_453 = arith.constant 16 : i32
          %mul3A_454 = arith.muli %scan3A_257, %mul3A_453 : i32
          %add3A_455 = arith.constant 11 : i32
          %add3A_456 = arith.addi %mul3A_454, %add3A_455 : i32
          %dma_start3A_457 = arith.constant 0 : i32
          %dma_start3A_458 = arith.constant 0 : i32
          %dma_start3A_459 = tpu.memref_slice %arg10[%dma_start3A_457, %add3A_456, %dma_start3A_458] : memref<3x32x768xf32, #tpu.memory_space<vmem>> -> memref<1x1x768xf32, #tpu.memory_space<vmem>>
          %dma_start3A_460 = tpu.memref_squeeze %dma_start3A_459 : memref<1x1x768xf32, #tpu.memory_space<vmem>> -> memref<768xf32, #tpu.memory_space<vmem>>
          %dma_start3A_461 = tpu.memref_slice %arg8[%mul3A_452] : memref<196608xf32, #tpu.memory_space<vmem_shared>> -> memref<768xf32, #tpu.memory_space<vmem_shared>>
          %dma_start3A_462 = arith.constant 0 : i32
          %dma_start3A_463 = tpu.memref_slice %arg10[%dma_start3A_457, %add3A_456, %dma_start3A_462] : memref<3x32x768xf32, #tpu.memory_space<vmem>> -> memref<1x1x768xf32, #tpu.memory_space<vmem>>
          %dma_start3A_464 = tpu.memref_squeeze %dma_start3A_463 : memref<1x1x768xf32, #tpu.memory_space<vmem>> -> memref<768xf32, #tpu.memory_space<vmem>>
          %dma_start3A_465 = tpu.memref_slice %arg8[%mul3A_452] : memref<196608xf32, #tpu.memory_space<vmem_shared>> -> memref<768xf32, #tpu.memory_space<vmem_shared>>
          tpu.enqueue_dma source(%dma_start3A_465 : memref<768xf32, #tpu.memory_space<vmem_shared>>) target(%dma_start3A_464 : memref<768xf32, #tpu.memory_space<vmem>>) target_semaphore(%arg16 : memref<!tpu.dma_semaphore, #tpu.memory_space<semaphore_mem>>)
          %slice3A_466 = vector.extract_strided_slice %get3A_263 {offsets = [12], sizes = [1], strides = [1]} : vector<16xi32> to vector<1xi32>
          %squeeze3A_467 = vector.extract %slice3A_466[0] : i32 from vector<1xi32>
          %mul3A_468 = arith.constant 768 : i32
          %mul3A_469 = arith.muli %squeeze3A_467, %mul3A_468 : i32
          %mul3A_470 = arith.constant 16 : i32
          %mul3A_471 = arith.muli %scan3A_257, %mul3A_470 : i32
          %add3A_472 = arith.constant 12 : i32
          %add3A_473 = arith.addi %mul3A_471, %add3A_472 : i32
          %dma_start3A_474 = arith.constant 0 : i32
          %dma_start3A_475 = arith.constant 0 : i32
          %dma_start3A_476 = tpu.memref_slice %arg10[%dma_start3A_474, %add3A_473, %dma_start3A_475] : memref<3x32x768xf32, #tpu.memory_space<vmem>> -> memref<1x1x768xf32, #tpu.memory_space<vmem>>
          %dma_start3A_477 = tpu.memref_squeeze %dma_start3A_476 : memref<1x1x768xf32, #tpu.memory_space<vmem>> -> memref<768xf32, #tpu.memory_space<vmem>>
          %dma_start3A_478 = tpu.memref_slice %arg8[%mul3A_469] : memref<196608xf32, #tpu.memory_space<vmem_shared>> -> memref<768xf32, #tpu.memory_space<vmem_shared>>
          %dma_start3A_479 = arith.constant 0 : i32
          %dma_start3A_480 = tpu.memref_slice %arg10[%dma_start3A_474, %add3A_473, %dma_start3A_479] : memref<3x32x768xf32, #tpu.memory_space<vmem>> -> memref<1x1x768xf32, #tpu.memory_space<vmem>>
          %dma_start3A_481 = tpu.memref_squeeze %dma_start3A_480 : memref<1x1x768xf32, #tpu.memory_space<vmem>> -> memref<768xf32, #tpu.memory_space<vmem>>
          %dma_start3A_482 = tpu.memref_slice %arg8[%mul3A_469] : memref<196608xf32, #tpu.memory_space<vmem_shared>> -> memref<768xf32, #tpu.memory_space<vmem_shared>>
          tpu.enqueue_dma source(%dma_start3A_482 : memref<768xf32, #tpu.memory_space<vmem_shared>>) target(%dma_start3A_481 : memref<768xf32, #tpu.memory_space<vmem>>) target_semaphore(%arg16 : memref<!tpu.dma_semaphore, #tpu.memory_space<semaphore_mem>>)
          %slice3A_483 = vector.extract_strided_slice %get3A_263 {offsets = [13], sizes = [1], strides = [1]} : vector<16xi32> to vector<1xi32>
          %squeeze3A_484 = vector.extract %slice3A_483[0] : i32 from vector<1xi32>
          %mul3A_485 = arith.constant 768 : i32
          %mul3A_486 = arith.muli %squeeze3A_484, %mul3A_485 : i32
          %mul3A_487 = arith.constant 16 : i32
          %mul3A_488 = arith.muli %scan3A_257, %mul3A_487 : i32
          %add3A_489 = arith.constant 13 : i32
          %add3A_490 = arith.addi %mul3A_488, %add3A_489 : i32
          %dma_start3A_491 = arith.constant 0 : i32
          %dma_start3A_492 = arith.constant 0 : i32
          %dma_start3A_493 = tpu.memref_slice %arg10[%dma_start3A_491, %add3A_490, %dma_start3A_492] : memref<3x32x768xf32, #tpu.memory_space<vmem>> -> memref<1x1x768xf32, #tpu.memory_space<vmem>>
          %dma_start3A_494 = tpu.memref_squeeze %dma_start3A_493 : memref<1x1x768xf32, #tpu.memory_space<vmem>> -> memref<768xf32, #tpu.memory_space<vmem>>
          %dma_start3A_495 = tpu.memref_slice %arg8[%mul3A_486] : memref<196608xf32, #tpu.memory_space<vmem_shared>> -> memref<768xf32, #tpu.memory_space<vmem_shared>>
          %dma_start3A_496 = arith.constant 0 : i32
          %dma_start3A_497 = tpu.memref_slice %arg10[%dma_start3A_491, %add3A_490, %dma_start3A_496] : memref<3x32x768xf32, #tpu.memory_space<vmem>> -> memref<1x1x768xf32, #tpu.memory_space<vmem>>
          %dma_start3A_498 = tpu.memref_squeeze %dma_start3A_497 : memref<1x1x768xf32, #tpu.memory_space<vmem>> -> memref<768xf32, #tpu.memory_space<vmem>>
          %dma_start3A_499 = tpu.memref_slice %arg8[%mul3A_486] : memref<196608xf32, #tpu.memory_space<vmem_shared>> -> memref<768xf32, #tpu.memory_space<vmem_shared>>
          tpu.enqueue_dma source(%dma_start3A_499 : memref<768xf32, #tpu.memory_space<vmem_shared>>) target(%dma_start3A_498 : memref<768xf32, #tpu.memory_space<vmem>>) target_semaphore(%arg16 : memref<!tpu.dma_semaphore, #tpu.memory_space<semaphore_mem>>)
          %slice3A_500 = vector.extract_strided_slice %get3A_263 {offsets = [14], sizes = [1], strides = [1]} : vector<16xi32> to vector<1xi32>
          %squeeze3A_501 = vector.extract %slice3A_500[0] : i32 from vector<1xi32>
          %mul3A_502 = arith.constant 768 : i32
          %mul3A_503 = arith.muli %squeeze3A_501, %mul3A_502 : i32
          %mul3A_504 = arith.constant 16 : i32
          %mul3A_505 = arith.muli %scan3A_257, %mul3A_504 : i32
          %add3A_506 = arith.constant 14 : i32
          %add3A_507 = arith.addi %mul3A_505, %add3A_506 : i32
          %dma_start3A_508 = arith.constant 0 : i32
          %dma_start3A_509 = arith.constant 0 : i32
          %dma_start3A_510 = tpu.memref_slice %arg10[%dma_start3A_508, %add3A_507, %dma_start3A_509] : memref<3x32x768xf32, #tpu.memory_space<vmem>> -> memref<1x1x768xf32, #tpu.memory_space<vmem>>
          %dma_start3A_511 = tpu.memref_squeeze %dma_start3A_510 : memref<1x1x768xf32, #tpu.memory_space<vmem>> -> memref<768xf32, #tpu.memory_space<vmem>>
          %dma_start3A_512 = tpu.memref_slice %arg8[%mul3A_503] : memref<196608xf32, #tpu.memory_space<vmem_shared>> -> memref<768xf32, #tpu.memory_space<vmem_shared>>
          %dma_start3A_513 = arith.constant 0 : i32
          %dma_start3A_514 = tpu.memref_slice %arg10[%dma_start3A_508, %add3A_507, %dma_start3A_513] : memref<3x32x768xf32, #tpu.memory_space<vmem>> -> memref<1x1x768xf32, #tpu.memory_space<vmem>>
          %dma_start3A_515 = tpu.memref_squeeze %dma_start3A_514 : memref<1x1x768xf32, #tpu.memory_space<vmem>> -> memref<768xf32, #tpu.memory_space<vmem>>
          %dma_start3A_516 = tpu.memref_slice %arg8[%mul3A_503] : memref<196608xf32, #tpu.memory_space<vmem_shared>> -> memref<768xf32, #tpu.memory_space<vmem_shared>>
          tpu.enqueue_dma source(%dma_start3A_516 : memref<768xf32, #tpu.memory_space<vmem_shared>>) target(%dma_start3A_515 : memref<768xf32, #tpu.memory_space<vmem>>) target_semaphore(%arg16 : memref<!tpu.dma_semaphore, #tpu.memory_space<semaphore_mem>>)
          %slice3A_517 = vector.extract_strided_slice %get3A_263 {offsets = [15], sizes = [1], strides = [1]} : vector<16xi32> to vector<1xi32>
          %squeeze3A_518 = vector.extract %slice3A_517[0] : i32 from vector<1xi32>
          %mul3A_519 = arith.constant 768 : i32
          %mul3A_520 = arith.muli %squeeze3A_518, %mul3A_519 : i32
          %mul3A_521 = arith.constant 16 : i32
          %mul3A_522 = arith.muli %scan3A_257, %mul3A_521 : i32
          %add3A_523 = arith.constant 15 : i32
          %add3A_524 = arith.addi %mul3A_522, %add3A_523 : i32
          %dma_start3A_525 = arith.constant 0 : i32
          %dma_start3A_526 = arith.constant 0 : i32
          %dma_start3A_527 = tpu.memref_slice %arg10[%dma_start3A_525, %add3A_524, %dma_start3A_526] : memref<3x32x768xf32, #tpu.memory_space<vmem>> -> memref<1x1x768xf32, #tpu.memory_space<vmem>>
          %dma_start3A_528 = tpu.memref_squeeze %dma_start3A_527 : memref<1x1x768xf32, #tpu.memory_space<vmem>> -> memref<768xf32, #tpu.memory_space<vmem>>
          %dma_start3A_529 = tpu.memref_slice %arg8[%mul3A_520] : memref<196608xf32, #tpu.memory_space<vmem_shared>> -> memref<768xf32, #tpu.memory_space<vmem_shared>>
          %dma_start3A_530 = arith.constant 0 : i32
          %dma_start3A_531 = tpu.memref_slice %arg10[%dma_start3A_525, %add3A_524, %dma_start3A_530] : memref<3x32x768xf32, #tpu.memory_space<vmem>> -> memref<1x1x768xf32, #tpu.memory_space<vmem>>
          %dma_start3A_532 = tpu.memref_squeeze %dma_start3A_531 : memref<1x1x768xf32, #tpu.memory_space<vmem>> -> memref<768xf32, #tpu.memory_space<vmem>>
          %dma_start3A_533 = tpu.memref_slice %arg8[%mul3A_520] : memref<196608xf32, #tpu.memory_space<vmem_shared>> -> memref<768xf32, #tpu.memory_space<vmem_shared>>
          tpu.enqueue_dma source(%dma_start3A_533 : memref<768xf32, #tpu.memory_space<vmem_shared>>) target(%dma_start3A_532 : memref<768xf32, #tpu.memory_space<vmem>>) target_semaphore(%arg16 : memref<!tpu.dma_semaphore, #tpu.memory_space<semaphore_mem>>)
        }
        %scan3A_256 = arith.constant 2 : i32
      } else {
      }
      %dma_wait3A_197 = arith.constant 2 : i32
      %dma_wait3A_198 = arith.constant 0 : i32
      %dma_wait3A_199 = arith.constant 0 : i32
      %dma_wait3A_200 = tpu.memref_slice %arg10[%dma_wait3A_197, %dma_wait3A_198, %dma_wait3A_199] : memref<3x32x768xf32, #tpu.memory_space<vmem>> -> memref<1x32x768xf32, #tpu.memory_space<vmem>>
      %dma_wait3A_201 = tpu.memref_squeeze %dma_wait3A_200 : memref<1x32x768xf32, #tpu.memory_space<vmem>> -> memref<32x768xf32, #tpu.memory_space<vmem>>
      %dma_wait3A_202 = arith.constant 0 : i32
      %dma_wait3A_203 = tpu.memref_slice %arg7[%mul3A_2, %dma_wait3A_202] : memref<65536x768xf32, #tpu.memory_space<hbm>> -> memref<32x768xf32, #tpu.memory_space<hbm>>
      %dma_wait3A_204 = arith.constant 0 : i32
      %dma_wait3A_205 = arith.constant 0 : i32
      %dma_wait3A_206 = tpu.memref_slice %arg10[%dma_wait3A_197, %dma_wait3A_204, %dma_wait3A_205] : memref<3x32x768xf32, #tpu.memory_space<vmem>> -> memref<1x32x768xf32, #tpu.memory_space<vmem>>
      %dma_wait3A_207 = tpu.memref_squeeze %dma_wait3A_206 : memref<1x32x768xf32, #tpu.memory_space<vmem>> -> memref<32x768xf32, #tpu.memory_space<vmem>>
      %dma_wait3A_208 = arith.constant 0 : i32
      %dma_wait3A_209 = tpu.memref_slice %arg7[%mul3A_2, %dma_wait3A_208] : memref<65536x768xf32, #tpu.memory_space<hbm>> -> memref<32x768xf32, #tpu.memory_space<hbm>>
      tpu.wait_dma2 semaphore(%arg18 : memref<!tpu.dma_semaphore, #tpu.memory_space<semaphore_mem>>) src(%dma_wait3A_209 : memref<32x768xf32, #tpu.memory_space<hbm>>) dst(%dma_wait3A_207 : memref<32x768xf32, #tpu.memory_space<vmem>>)
      %mul3A_210 = arith.constant 32 : i32
      %mul3A_211 = arith.muli %add3A_189, %mul3A_210 : i32
      %add3A_212 = arith.addi %mul3A_2, %mul3A_211 : i32
      %dma_start3A_213 = arith.constant 2 : i32
      %dma_start3A_214 = arith.constant 0 : i32
      %dma_start3A_215 = arith.constant 0 : i32
      %dma_start3A_216 = tpu.memref_slice %arg10[%dma_start3A_213, %dma_start3A_214, %dma_start3A_215] : memref<3x32x768xf32, #tpu.memory_space<vmem>> -> memref<1x32x768xf32, #tpu.memory_space<vmem>>
      %dma_start3A_217 = tpu.memref_squeeze %dma_start3A_216 : memref<1x32x768xf32, #tpu.memory_space<vmem>> -> memref<32x768xf32, #tpu.memory_space<vmem>>
      %dma_start3A_218 = arith.constant 0 : i32
      %dma_start3A_219 = tpu.memref_slice %arg7[%add3A_212, %dma_start3A_218] : memref<65536x768xf32, #tpu.memory_space<hbm>> -> memref<32x768xf32, #tpu.memory_space<hbm>>
      %dma_start3A_220 = arith.constant 0 : i32
      %dma_start3A_221 = tpu.memref_slice %arg7[%add3A_212, %dma_start3A_220] : memref<65536x768xf32, #tpu.memory_space<hbm>> -> memref<32x768xf32, #tpu.memory_space<hbm>>
      %dma_start3A_222 = arith.constant 0 : i32
      %dma_start3A_223 = arith.constant 0 : i32
      %dma_start3A_224 = tpu.memref_slice %arg10[%dma_start3A_213, %dma_start3A_222, %dma_start3A_223] : memref<3x32x768xf32, #tpu.memory_space<vmem>> -> memref<1x32x768xf32, #tpu.memory_space<vmem>>
      %dma_start3A_225 = tpu.memref_squeeze %dma_start3A_224 : memref<1x32x768xf32, #tpu.memory_space<vmem>> -> memref<32x768xf32, #tpu.memory_space<vmem>>
      tpu.enqueue_dma source(%dma_start3A_225 : memref<32x768xf32, #tpu.memory_space<vmem>>) target(%dma_start3A_221 : memref<32x768xf32, #tpu.memory_space<hbm>>) target_semaphore(%arg15 : memref<!tpu.dma_semaphore, #tpu.memory_space<semaphore_mem>>)
      %add3A_226 = arith.constant 48 : i32
      %add3A_227 = arith.addi %add3A_226, %scan3A_108 : i32
      %mul3A_228 = arith.constant 32 : i32
      %mul3A_229 = arith.muli %add3A_227, %mul3A_228 : i32
      %scan3A_230 = arith.constant 0 : i32
      %scan3A_231 = arith.constant 0 : i32
      %scan3A_232 = arith.constant 2 : i32
      %scan3A_233 = arith.addi %scan3A_231, %scan3A_232 : i32
      %scan3A_234 = arith.constant 1 : i32
      scf.for %scan3A_240 = %scan3A_231 to %scan3A_233 step %scan3A_234  : i32 {
        %mul3A_241 = arith.constant 16 : i32
        %mul3A_242 = arith.muli %scan3A_240, %mul3A_241 : i32
        %add3A_243 = arith.addi %mul3A_229, %mul3A_242 : i32
        %get3A_244 = arith.index_cast %add3A_243 : i32 to index
        %get3A_245 = tpu.vector_load %arg9[%get3A_244] {strides = array<i32>} : memref<2048xi32, #tpu.memory_space<vmem>>, vector<16xi32>,
        %get3A_246 = vector.shape_cast %get3A_245 : vector<16xi32> to vector<16xi32>
        %slice3A = vector.extract_strided_slice %get3A_246 {offsets = [0], sizes = [1], strides = [1]} : vector<16xi32> to vector<1xi32>
        %squeeze3A = vector.extract %slice3A[0] : i32 from vector<1xi32>
        %mul3A_247 = arith.constant 768 : i32
        %mul3A_248 = arith.muli %squeeze3A, %mul3A_247 : i32
        %add3A_249 = arith.addi %mul3A_2, %mul3A_229 : i32
        %mul3A_250 = arith.constant 16 : i32
        %mul3A_251 = arith.muli %scan3A_240, %mul3A_250 : i32
        %add3A_252 = arith.addi %add3A_249, %mul3A_251 : i32
        %add3A_253 = arith.constant 0 : i32
        %add3A_254 = arith.addi %add3A_252, %add3A_253 : i32
        %dma_start3A_255 = arith.constant 0 : i32
        %dma_start3A_256 = tpu.memref_slice %arg7[%add3A_254, %dma_start3A_255] : memref<65536x768xf32, #tpu.memory_space<hbm>> -> memref<1x768xf32, #tpu.memory_space<hbm>>
        %dma_start3A_257 = tpu.memref_squeeze %dma_start3A_256 : memref<1x768xf32, #tpu.memory_space<hbm>> -> memref<768xf32, #tpu.memory_space<hbm>>
        %dma_start3A_258 = tpu.memref_slice %arg8[%mul3A_248] : memref<196608xf32, #tpu.memory_space<vmem_shared>> -> memref<768xf32, #tpu.memory_space<vmem_shared>>
        tpu.enqueue_dma source(%dma_start3A_258 : memref<768xf32, #tpu.memory_space<vmem_shared>>) target(%dma_start3A_257 : memref<768xf32, #tpu.memory_space<hbm>>) target_semaphore(%arg19 : memref<!tpu.dma_semaphore, #tpu.memory_space<semaphore_mem>>)
        %slice3A_259 = vector.extract_strided_slice %get3A_246 {offsets = [1], sizes = [1], strides = [1]} : vector<16xi32> to vector<1xi32>
        %squeeze3A_260 = vector.extract %slice3A_259[0] : i32 from vector<1xi32>
        %mul3A_261 = arith.constant 768 : i32
        %mul3A_262 = arith.muli %squeeze3A_260, %mul3A_261 : i32
        %add3A_263 = arith.addi %mul3A_2, %mul3A_229 : i32
        %mul3A_264 = arith.constant 16 : i32
        %mul3A_265 = arith.muli %scan3A_240, %mul3A_264 : i32
        %add3A_266 = arith.addi %add3A_263, %mul3A_265 : i32
        %add3A_267 = arith.constant 1 : i32
        %add3A_268 = arith.addi %add3A_266, %add3A_267 : i32
        %dma_start3A_269 = arith.constant 0 : i32
        %dma_start3A_270 = tpu.memref_slice %arg7[%add3A_268, %dma_start3A_269] : memref<65536x768xf32, #tpu.memory_space<hbm>> -> memref<1x768xf32, #tpu.memory_space<hbm>>
        %dma_start3A_271 = tpu.memref_squeeze %dma_start3A_270 : memref<1x768xf32, #tpu.memory_space<hbm>> -> memref<768xf32, #tpu.memory_space<hbm>>
        %dma_start3A_272 = tpu.memref_slice %arg8[%mul3A_262] : memref<196608xf32, #tpu.memory_space<vmem_shared>> -> memref<768xf32, #tpu.memory_space<vmem_shared>>
        tpu.enqueue_dma source(%dma_start3A_272 : memref<768xf32, #tpu.memory_space<vmem_shared>>) target(%dma_start3A_271 : memref<768xf32, #tpu.memory_space<hbm>>) target_semaphore(%arg19 : memref<!tpu.dma_semaphore, #tpu.memory_space<semaphore_mem>>)
        %slice3A_273 = vector.extract_strided_slice %get3A_246 {offsets = [2], sizes = [1], strides = [1]} : vector<16xi32> to vector<1xi32>
        %squeeze3A_274 = vector.extract %slice3A_273[0] : i32 from vector<1xi32>
        %mul3A_275 = arith.constant 768 : i32
        %mul3A_276 = arith.muli %squeeze3A_274, %mul3A_275 : i32
        %add3A_277 = arith.addi %mul3A_2, %mul3A_229 : i32
        %mul3A_278 = arith.constant 16 : i32
        %mul3A_279 = arith.muli %scan3A_240, %mul3A_278 : i32
        %add3A_280 = arith.addi %add3A_277, %mul3A_279 : i32
        %add3A_281 = arith.constant 2 : i32
        %add3A_282 = arith.addi %add3A_280, %add3A_281 : i32
        %dma_start3A_283 = arith.constant 0 : i32
        %dma_start3A_284 = tpu.memref_slice %arg7[%add3A_282, %dma_start3A_283] : memref<65536x768xf32, #tpu.memory_space<hbm>> -> memref<1x768xf32, #tpu.memory_space<hbm>>
        %dma_start3A_285 = tpu.memref_squeeze %dma_start3A_284 : memref<1x768xf32, #tpu.memory_space<hbm>> -> memref<768xf32, #tpu.memory_space<hbm>>
        %dma_start3A_286 = tpu.memref_slice %arg8[%mul3A_276] : memref<196608xf32, #tpu.memory_space<vmem_shared>> -> memref<768xf32, #tpu.memory_space<vmem_shared>>
        tpu.enqueue_dma source(%dma_start3A_286 : memref<768xf32, #tpu.memory_space<vmem_shared>>) target(%dma_start3A_285 : memref<768xf32, #tpu.memory_space<hbm>>) target_semaphore(%arg19 : memref<!tpu.dma_semaphore, #tpu.memory_space<semaphore_mem>>)
        %slice3A_287 = vector.extract_strided_slice %get3A_246 {offsets = [3], sizes = [1], strides = [1]} : vector<16xi32> to vector<1xi32>
        %squeeze3A_288 = vector.extract %slice3A_287[0] : i32 from vector<1xi32>
        %mul3A_289 = arith.constant 768 : i32
        %mul3A_290 = arith.muli %squeeze3A_288, %mul3A_289 : i32
        %add3A_291 = arith.addi %mul3A_2, %mul3A_229 : i32
        %mul3A_292 = arith.constant 16 : i32
        %mul3A_293 = arith.muli %scan3A_240, %mul3A_292 : i32
        %add3A_294 = arith.addi %add3A_291, %mul3A_293 : i32
        %add3A_295 = arith.constant 3 : i32
        %add3A_296 = arith.addi %add3A_294, %add3A_295 : i32
        %dma_start3A_297 = arith.constant 0 : i32
        %dma_start3A_298 = tpu.memref_slice %arg7[%add3A_296, %dma_start3A_297] : memref<65536x768xf32, #tpu.memory_space<hbm>> -> memref<1x768xf32, #tpu.memory_space<hbm>>
        %dma_start3A_299 = tpu.memref_squeeze %dma_start3A_298 : memref<1x768xf32, #tpu.memory_space<hbm>> -> memref<768xf32, #tpu.memory_space<hbm>>
        %dma_start3A_300 = tpu.memref_slice %arg8[%mul3A_290] : memref<196608xf32, #tpu.memory_space<vmem_shared>> -> memref<768xf32, #tpu.memory_space<vmem_shared>>
        tpu.enqueue_dma source(%dma_start3A_300 : memref<768xf32, #tpu.memory_space<vmem_shared>>) target(%dma_start3A_299 : memref<768xf32, #tpu.memory_space<hbm>>) target_semaphore(%arg19 : memref<!tpu.dma_semaphore, #tpu.memory_space<semaphore_mem>>)
        %slice3A_301 = vector.extract_strided_slice %get3A_246 {offsets = [4], sizes = [1], strides = [1]} : vector<16xi32> to vector<1xi32>
        %squeeze3A_302 = vector.extract %slice3A_301[0] : i32 from vector<1xi32>
        %mul3A_303 = arith.constant 768 : i32
        %mul3A_304 = arith.muli %squeeze3A_302, %mul3A_303 : i32
        %add3A_305 = arith.addi %mul3A_2, %mul3A_229 : i32
        %mul3A_306 = arith.constant 16 : i32
        %mul3A_307 = arith.muli %scan3A_240, %mul3A_306 : i32
        %add3A_308 = arith.addi %add3A_305, %mul3A_307 : i32
        %add3A_309 = arith.constant 4 : i32
        %add3A_310 = arith.addi %add3A_308, %add3A_309 : i32
        %dma_start3A_311 = arith.constant 0 : i32
        %dma_start3A_312 = tpu.memref_slice %arg7[%add3A_310, %dma_start3A_311] : memref<65536x768xf32, #tpu.memory_space<hbm>> -> memref<1x768xf32, #tpu.memory_space<hbm>>
        %dma_start3A_313 = tpu.memref_squeeze %dma_start3A_312 : memref<1x768xf32, #tpu.memory_space<hbm>> -> memref<768xf32, #tpu.memory_space<hbm>>
        %dma_start3A_314 = tpu.memref_slice %arg8[%mul3A_304] : memref<196608xf32, #tpu.memory_space<vmem_shared>> -> memref<768xf32, #tpu.memory_space<vmem_shared>>
        tpu.enqueue_dma source(%dma_start3A_314 : memref<768xf32, #tpu.memory_space<vmem_shared>>) target(%dma_start3A_313 : memref<768xf32, #tpu.memory_space<hbm>>) target_semaphore(%arg19 : memref<!tpu.dma_semaphore, #tpu.memory_space<semaphore_mem>>)
        %slice3A_315 = vector.extract_strided_slice %get3A_246 {offsets = [5], sizes = [1], strides = [1]} : vector<16xi32> to vector<1xi32>
        %squeeze3A_316 = vector.extract %slice3A_315[0] : i32 from vector<1xi32>
        %mul3A_317 = arith.constant 768 : i32
        %mul3A_318 = arith.muli %squeeze3A_316, %mul3A_317 : i32
        %add3A_319 = arith.addi %mul3A_2, %mul3A_229 : i32
        %mul3A_320 = arith.constant 16 : i32
        %mul3A_321 = arith.muli %scan3A_240, %mul3A_320 : i32
        %add3A_322 = arith.addi %add3A_319, %mul3A_321 : i32
        %add3A_323 = arith.constant 5 : i32
        %add3A_324 = arith.addi %add3A_322, %add3A_323 : i32
        %dma_start3A_325 = arith.constant 0 : i32
        %dma_start3A_326 = tpu.memref_slice %arg7[%add3A_324, %dma_start3A_325] : memref<65536x768xf32, #tpu.memory_space<hbm>> -> memref<1x768xf32, #tpu.memory_space<hbm>>
        %dma_start3A_327 = tpu.memref_squeeze %dma_start3A_326 : memref<1x768xf32, #tpu.memory_space<hbm>> -> memref<768xf32, #tpu.memory_space<hbm>>
        %dma_start3A_328 = tpu.memref_slice %arg8[%mul3A_318] : memref<196608xf32, #tpu.memory_space<vmem_shared>> -> memref<768xf32, #tpu.memory_space<vmem_shared>>
        tpu.enqueue_dma source(%dma_start3A_328 : memref<768xf32, #tpu.memory_space<vmem_shared>>) target(%dma_start3A_327 : memref<768xf32, #tpu.memory_space<hbm>>) target_semaphore(%arg19 : memref<!tpu.dma_semaphore, #tpu.memory_space<semaphore_mem>>)
        %slice3A_329 = vector.extract_strided_slice %get3A_246 {offsets = [6], sizes = [1], strides = [1]} : vector<16xi32> to vector<1xi32>
        %squeeze3A_330 = vector.extract %slice3A_329[0] : i32 from vector<1xi32>
        %mul3A_331 = arith.constant 768 : i32
        %mul3A_332 = arith.muli %squeeze3A_330, %mul3A_331 : i32
        %add3A_333 = arith.addi %mul3A_2, %mul3A_229 : i32
        %mul3A_334 = arith.constant 16 : i32
        %mul3A_335 = arith.muli %scan3A_240, %mul3A_334 : i32
        %add3A_336 = arith.addi %add3A_333, %mul3A_335 : i32
        %add3A_337 = arith.constant 6 : i32
        %add3A_338 = arith.addi %add3A_336, %add3A_337 : i32
        %dma_start3A_339 = arith.constant 0 : i32
        %dma_start3A_340 = tpu.memref_slice %arg7[%add3A_338, %dma_start3A_339] : memref<65536x768xf32, #tpu.memory_space<hbm>> -> memref<1x768xf32, #tpu.memory_space<hbm>>
        %dma_start3A_341 = tpu.memref_squeeze %dma_start3A_340 : memref<1x768xf32, #tpu.memory_space<hbm>> -> memref<768xf32, #tpu.memory_space<hbm>>
        %dma_start3A_342 = tpu.memref_slice %arg8[%mul3A_332] : memref<196608xf32, #tpu.memory_space<vmem_shared>> -> memref<768xf32, #tpu.memory_space<vmem_shared>>
        tpu.enqueue_dma source(%dma_start3A_342 : memref<768xf32, #tpu.memory_space<vmem_shared>>) target(%dma_start3A_341 : memref<768xf32, #tpu.memory_space<hbm>>) target_semaphore(%arg19 : memref<!tpu.dma_semaphore, #tpu.memory_space<semaphore_mem>>)
        %slice3A_343 = vector.extract_strided_slice %get3A_246 {offsets = [7], sizes = [1], strides = [1]} : vector<16xi32> to vector<1xi32>
        %squeeze3A_344 = vector.extract %slice3A_343[0] : i32 from vector<1xi32>
        %mul3A_345 = arith.constant 768 : i32
        %mul3A_346 = arith.muli %squeeze3A_344, %mul3A_345 : i32
        %add3A_347 = arith.addi %mul3A_2, %mul3A_229 : i32
        %mul3A_348 = arith.constant 16 : i32
        %mul3A_349 = arith.muli %scan3A_240, %mul3A_348 : i32
        %add3A_350 = arith.addi %add3A_347, %mul3A_349 : i32
        %add3A_351 = arith.constant 7 : i32
        %add3A_352 = arith.addi %add3A_350, %add3A_351 : i32
        %dma_start3A_353 = arith.constant 0 : i32
        %dma_start3A_354 = tpu.memref_slice %arg7[%add3A_352, %dma_start3A_353] : memref<65536x768xf32, #tpu.memory_space<hbm>> -> memref<1x768xf32, #tpu.memory_space<hbm>>
        %dma_start3A_355 = tpu.memref_squeeze %dma_start3A_354 : memref<1x768xf32, #tpu.memory_space<hbm>> -> memref<768xf32, #tpu.memory_space<hbm>>
        %dma_start3A_356 = tpu.memref_slice %arg8[%mul3A_346] : memref<196608xf32, #tpu.memory_space<vmem_shared>> -> memref<768xf32, #tpu.memory_space<vmem_shared>>
        tpu.enqueue_dma source(%dma_start3A_356 : memref<768xf32, #tpu.memory_space<vmem_shared>>) target(%dma_start3A_355 : memref<768xf32, #tpu.memory_space<hbm>>) target_semaphore(%arg19 : memref<!tpu.dma_semaphore, #tpu.memory_space<semaphore_mem>>)
        %slice3A_357 = vector.extract_strided_slice %get3A_246 {offsets = [8], sizes = [1], strides = [1]} : vector<16xi32> to vector<1xi32>
        %squeeze3A_358 = vector.extract %slice3A_357[0] : i32 from vector<1xi32>
        %mul3A_359 = arith.constant 768 : i32
        %mul3A_360 = arith.muli %squeeze3A_358, %mul3A_359 : i32
        %add3A_361 = arith.addi %mul3A_2, %mul3A_229 : i32
        %mul3A_362 = arith.constant 16 : i32
        %mul3A_363 = arith.muli %scan3A_240, %mul3A_362 : i32
        %add3A_364 = arith.addi %add3A_361, %mul3A_363 : i32
        %add3A_365 = arith.constant 8 : i32
        %add3A_366 = arith.addi %add3A_364, %add3A_365 : i32
        %dma_start3A_367 = arith.constant 0 : i32
        %dma_start3A_368 = tpu.memref_slice %arg7[%add3A_366, %dma_start3A_367] : memref<65536x768xf32, #tpu.memory_space<hbm>> -> memref<1x768xf32, #tpu.memory_space<hbm>>
        %dma_start3A_369 = tpu.memref_squeeze %dma_start3A_368 : memref<1x768xf32, #tpu.memory_space<hbm>> -> memref<768xf32, #tpu.memory_space<hbm>>
        %dma_start3A_370 = tpu.memref_slice %arg8[%mul3A_360] : memref<196608xf32, #tpu.memory_space<vmem_shared>> -> memref<768xf32, #tpu.memory_space<vmem_shared>>
        tpu.enqueue_dma source(%dma_start3A_370 : memref<768xf32, #tpu.memory_space<vmem_shared>>) target(%dma_start3A_369 : memref<768xf32, #tpu.memory_space<hbm>>) target_semaphore(%arg19 : memref<!tpu.dma_semaphore, #tpu.memory_space<semaphore_mem>>)
        %slice3A_371 = vector.extract_strided_slice %get3A_246 {offsets = [9], sizes = [1], strides = [1]} : vector<16xi32> to vector<1xi32>
        %squeeze3A_372 = vector.extract %slice3A_371[0] : i32 from vector<1xi32>
        %mul3A_373 = arith.constant 768 : i32
        %mul3A_374 = arith.muli %squeeze3A_372, %mul3A_373 : i32
        %add3A_375 = arith.addi %mul3A_2, %mul3A_229 : i32
        %mul3A_376 = arith.constant 16 : i32
        %mul3A_377 = arith.muli %scan3A_240, %mul3A_376 : i32
        %add3A_378 = arith.addi %add3A_375, %mul3A_377 : i32
        %add3A_379 = arith.constant 9 : i32
        %add3A_380 = arith.addi %add3A_378, %add3A_379 : i32
        %dma_start3A_381 = arith.constant 0 : i32
        %dma_start3A_382 = tpu.memref_slice %arg7[%add3A_380, %dma_start3A_381] : memref<65536x768xf32, #tpu.memory_space<hbm>> -> memref<1x768xf32, #tpu.memory_space<hbm>>
        %dma_start3A_383 = tpu.memref_squeeze %dma_start3A_382 : memref<1x768xf32, #tpu.memory_space<hbm>> -> memref<768xf32, #tpu.memory_space<hbm>>
        %dma_start3A_384 = tpu.memref_slice %arg8[%mul3A_374] : memref<196608xf32, #tpu.memory_space<vmem_shared>> -> memref<768xf32, #tpu.memory_space<vmem_shared>>
        tpu.enqueue_dma source(%dma_start3A_384 : memref<768xf32, #tpu.memory_space<vmem_shared>>) target(%dma_start3A_383 : memref<768xf32, #tpu.memory_space<hbm>>) target_semaphore(%arg19 : memref<!tpu.dma_semaphore, #tpu.memory_space<semaphore_mem>>)
        %slice3A_385 = vector.extract_strided_slice %get3A_246 {offsets = [10], sizes = [1], strides = [1]} : vector<16xi32> to vector<1xi32>
        %squeeze3A_386 = vector.extract %slice3A_385[0] : i32 from vector<1xi32>
        %mul3A_387 = arith.constant 768 : i32
        %mul3A_388 = arith.muli %squeeze3A_386, %mul3A_387 : i32
        %add3A_389 = arith.addi %mul3A_2, %mul3A_229 : i32
        %mul3A_390 = arith.constant 16 : i32
        %mul3A_391 = arith.muli %scan3A_240, %mul3A_390 : i32
        %add3A_392 = arith.addi %add3A_389, %mul3A_391 : i32
        %add3A_393 = arith.constant 10 : i32
        %add3A_394 = arith.addi %add3A_392, %add3A_393 : i32
        %dma_start3A_395 = arith.constant 0 : i32
        %dma_start3A_396 = tpu.memref_slice %arg7[%add3A_394, %dma_start3A_395] : memref<65536x768xf32, #tpu.memory_space<hbm>> -> memref<1x768xf32, #tpu.memory_space<hbm>>
        %dma_start3A_397 = tpu.memref_squeeze %dma_start3A_396 : memref<1x768xf32, #tpu.memory_space<hbm>> -> memref<768xf32, #tpu.memory_space<hbm>>
        %dma_start3A_398 = tpu.memref_slice %arg8[%mul3A_388] : memref<196608xf32, #tpu.memory_space<vmem_shared>> -> memref<768xf32, #tpu.memory_space<vmem_shared>>
        tpu.enqueue_dma source(%dma_start3A_398 : memref<768xf32, #tpu.memory_space<vmem_shared>>) target(%dma_start3A_397 : memref<768xf32, #tpu.memory_space<hbm>>) target_semaphore(%arg19 : memref<!tpu.dma_semaphore, #tpu.memory_space<semaphore_mem>>)
        %slice3A_399 = vector.extract_strided_slice %get3A_246 {offsets = [11], sizes = [1], strides = [1]} : vector<16xi32> to vector<1xi32>
        %squeeze3A_400 = vector.extract %slice3A_399[0] : i32 from vector<1xi32>
        %mul3A_401 = arith.constant 768 : i32
        %mul3A_402 = arith.muli %squeeze3A_400, %mul3A_401 : i32
        %add3A_403 = arith.addi %mul3A_2, %mul3A_229 : i32
        %mul3A_404 = arith.constant 16 : i32
        %mul3A_405 = arith.muli %scan3A_240, %mul3A_404 : i32
        %add3A_406 = arith.addi %add3A_403, %mul3A_405 : i32
        %add3A_407 = arith.constant 11 : i32
        %add3A_408 = arith.addi %add3A_406, %add3A_407 : i32
        %dma_start3A_409 = arith.constant 0 : i32
        %dma_start3A_410 = tpu.memref_slice %arg7[%add3A_408, %dma_start3A_409] : memref<65536x768xf32, #tpu.memory_space<hbm>> -> memref<1x768xf32, #tpu.memory_space<hbm>>
        %dma_start3A_411 = tpu.memref_squeeze %dma_start3A_410 : memref<1x768xf32, #tpu.memory_space<hbm>> -> memref<768xf32, #tpu.memory_space<hbm>>
        %dma_start3A_412 = tpu.memref_slice %arg8[%mul3A_402] : memref<196608xf32, #tpu.memory_space<vmem_shared>> -> memref<768xf32, #tpu.memory_space<vmem_shared>>
        tpu.enqueue_dma source(%dma_start3A_412 : memref<768xf32, #tpu.memory_space<vmem_shared>>) target(%dma_start3A_411 : memref<768xf32, #tpu.memory_space<hbm>>) target_semaphore(%arg19 : memref<!tpu.dma_semaphore, #tpu.memory_space<semaphore_mem>>)
        %slice3A_413 = vector.extract_strided_slice %get3A_246 {offsets = [12], sizes = [1], strides = [1]} : vector<16xi32> to vector<1xi32>
        %squeeze3A_414 = vector.extract %slice3A_413[0] : i32 from vector<1xi32>
        %mul3A_415 = arith.constant 768 : i32
        %mul3A_416 = arith.muli %squeeze3A_414, %mul3A_415 : i32
        %add3A_417 = arith.addi %mul3A_2, %mul3A_229 : i32
        %mul3A_418 = arith.constant 16 : i32
        %mul3A_419 = arith.muli %scan3A_240, %mul3A_418 : i32
        %add3A_420 = arith.addi %add3A_417, %mul3A_419 : i32
        %add3A_421 = arith.constant 12 : i32
        %add3A_422 = arith.addi %add3A_420, %add3A_421 : i32
        %dma_start3A_423 = arith.constant 0 : i32
        %dma_start3A_424 = tpu.memref_slice %arg7[%add3A_422, %dma_start3A_423] : memref<65536x768xf32, #tpu.memory_space<hbm>> -> memref<1x768xf32, #tpu.memory_space<hbm>>
        %dma_start3A_425 = tpu.memref_squeeze %dma_start3A_424 : memref<1x768xf32, #tpu.memory_space<hbm>> -> memref<768xf32, #tpu.memory_space<hbm>>
        %dma_start3A_426 = tpu.memref_slice %arg8[%mul3A_416] : memref<196608xf32, #tpu.memory_space<vmem_shared>> -> memref<768xf32, #tpu.memory_space<vmem_shared>>
        tpu.enqueue_dma source(%dma_start3A_426 : memref<768xf32, #tpu.memory_space<vmem_shared>>) target(%dma_start3A_425 : memref<768xf32, #tpu.memory_space<hbm>>) target_semaphore(%arg19 : memref<!tpu.dma_semaphore, #tpu.memory_space<semaphore_mem>>)
        %slice3A_427 = vector.extract_strided_slice %get3A_246 {offsets = [13], sizes = [1], strides = [1]} : vector<16xi32> to vector<1xi32>
        %squeeze3A_428 = vector.extract %slice3A_427[0] : i32 from vector<1xi32>
        %mul3A_429 = arith.constant 768 : i32
        %mul3A_430 = arith.muli %squeeze3A_428, %mul3A_429 : i32
        %add3A_431 = arith.addi %mul3A_2, %mul3A_229 : i32
        %mul3A_432 = arith.constant 16 : i32
        %mul3A_433 = arith.muli %scan3A_240, %mul3A_432 : i32
        %add3A_434 = arith.addi %add3A_431, %mul3A_433 : i32
        %add3A_435 = arith.constant 13 : i32
        %add3A_436 = arith.addi %add3A_434, %add3A_435 : i32
        %dma_start3A_437 = arith.constant 0 : i32
        %dma_start3A_438 = tpu.memref_slice %arg7[%add3A_436, %dma_start3A_437] : memref<65536x768xf32, #tpu.memory_space<hbm>> -> memref<1x768xf32, #tpu.memory_space<hbm>>
        %dma_start3A_439 = tpu.memref_squeeze %dma_start3A_438 : memref<1x768xf32, #tpu.memory_space<hbm>> -> memref<768xf32, #tpu.memory_space<hbm>>
        %dma_start3A_440 = tpu.memref_slice %arg8[%mul3A_430] : memref<196608xf32, #tpu.memory_space<vmem_shared>> -> memref<768xf32, #tpu.memory_space<vmem_shared>>
        tpu.enqueue_dma source(%dma_start3A_440 : memref<768xf32, #tpu.memory_space<vmem_shared>>) target(%dma_start3A_439 : memref<768xf32, #tpu.memory_space<hbm>>) target_semaphore(%arg19 : memref<!tpu.dma_semaphore, #tpu.memory_space<semaphore_mem>>)
        %slice3A_441 = vector.extract_strided_slice %get3A_246 {offsets = [14], sizes = [1], strides = [1]} : vector<16xi32> to vector<1xi32>
        %squeeze3A_442 = vector.extract %slice3A_441[0] : i32 from vector<1xi32>
        %mul3A_443 = arith.constant 768 : i32
        %mul3A_444 = arith.muli %squeeze3A_442, %mul3A_443 : i32
        %add3A_445 = arith.addi %mul3A_2, %mul3A_229 : i32
        %mul3A_446 = arith.constant 16 : i32
        %mul3A_447 = arith.muli %scan3A_240, %mul3A_446 : i32
        %add3A_448 = arith.addi %add3A_445, %mul3A_447 : i32
        %add3A_449 = arith.constant 14 : i32
        %add3A_450 = arith.addi %add3A_448, %add3A_449 : i32
        %dma_start3A_451 = arith.constant 0 : i32
        %dma_start3A_452 = tpu.memref_slice %arg7[%add3A_450, %dma_start3A_451] : memref<65536x768xf32, #tpu.memory_space<hbm>> -> memref<1x768xf32, #tpu.memory_space<hbm>>
        %dma_start3A_453 = tpu.memref_squeeze %dma_start3A_452 : memref<1x768xf32, #tpu.memory_space<hbm>> -> memref<768xf32, #tpu.memory_space<hbm>>
        %dma_start3A_454 = tpu.memref_slice %arg8[%mul3A_444] : memref<196608xf32, #tpu.memory_space<vmem_shared>> -> memref<768xf32, #tpu.memory_space<vmem_shared>>
        tpu.enqueue_dma source(%dma_start3A_454 : memref<768xf32, #tpu.memory_space<vmem_shared>>) target(%dma_start3A_453 : memref<768xf32, #tpu.memory_space<hbm>>) target_semaphore(%arg19 : memref<!tpu.dma_semaphore, #tpu.memory_space<semaphore_mem>>)
        %slice3A_455 = vector.extract_strided_slice %get3A_246 {offsets = [15], sizes = [1], strides = [1]} : vector<16xi32> to vector<1xi32>
        %squeeze3A_456 = vector.extract %slice3A_455[0] : i32 from vector<1xi32>
        %mul3A_457 = arith.constant 768 : i32
        %mul3A_458 = arith.muli %squeeze3A_456, %mul3A_457 : i32
        %add3A_459 = arith.addi %mul3A_2, %mul3A_229 : i32
        %mul3A_460 = arith.constant 16 : i32
        %mul3A_461 = arith.muli %scan3A_240, %mul3A_460 : i32
        %add3A_462 = arith.addi %add3A_459, %mul3A_461 : i32
        %add3A_463 = arith.constant 15 : i32
        %add3A_464 = arith.addi %add3A_462, %add3A_463 : i32
        %dma_start3A_465 = arith.constant 0 : i32
        %dma_start3A_466 = tpu.memref_slice %arg7[%add3A_464, %dma_start3A_465] : memref<65536x768xf32, #tpu.memory_space<hbm>> -> memref<1x768xf32, #tpu.memory_space<hbm>>
        %dma_start3A_467 = tpu.memref_squeeze %dma_start3A_466 : memref<1x768xf32, #tpu.memory_space<hbm>> -> memref<768xf32, #tpu.memory_space<hbm>>
        %dma_start3A_468 = tpu.memref_slice %arg8[%mul3A_458] : memref<196608xf32, #tpu.memory_space<vmem_shared>> -> memref<768xf32, #tpu.memory_space<vmem_shared>>
        tpu.enqueue_dma source(%dma_start3A_468 : memref<768xf32, #tpu.memory_space<vmem_shared>>) target(%dma_start3A_467 : memref<768xf32, #tpu.memory_space<hbm>>) target_semaphore(%arg19 : memref<!tpu.dma_semaphore, #tpu.memory_space<semaphore_mem>>)
      }
      %scan3A_235 = arith.constant 2 : i32
      %ge3A = arith.constant 4 : i32
      %ge3A_236 = arith.cmpi sge, %scan3A_108, %ge3A : i32
      %convert_element_type3A_237 = arith.extui %ge3A_236 : i1 to i32
      %cond3A_238 = arith.constant 0 : i32
      %cond3A_239 = arith.cmpi ne, %convert_element_type3A_237, %cond3A_238 : i32
      scf.if %cond3A_239 {
        %dma_wait3A_240 = arith.constant 0 : i32
        %dma_wait3A_241 = tpu.memref_slice %arg8[%dma_wait3A_240] : memref<196608xf32, #tpu.memory_space<vmem_shared>> -> memref<24576xf32, #tpu.memory_space<vmem_shared>>
        %dma_wait3A_242 = arith.constant 0 : i32
        %dma_wait3A_243 = tpu.memref_slice %arg2[%dma_wait3A_242] : memref<65536xi32, #tpu.memory_space<hbm>> -> memref<24576xi32, #tpu.memory_space<hbm>>
        tpu.wait_dma2 semaphore(%arg19 : memref<!tpu.dma_semaphore, #tpu.memory_space<semaphore_mem>>) src(%dma_wait3A_243 : memref<24576xi32, #tpu.memory_space<hbm>>) dst(%dma_wait3A_241 : memref<24576xf32, #tpu.memory_space<vmem_shared>>)
      } else {
      }
    }
    %scan3A_62 = arith.constant 16 : i32
    %scan3A_63 = arith.constant 0 : i32
    %scan3A_64 = arith.constant 0 : i32
    %scan3A_65 = arith.constant 4 : i32
    %scan3A_66 = arith.addi %scan3A_64, %scan3A_65 : i32
    %scan3A_67 = arith.constant 1 : i32
    scf.for %scan3A_108 = %scan3A_64 to %scan3A_66 step %scan3A_67  : i32 {
      %dma_wait3A_109 = arith.constant 0 : i32
      %dma_wait3A_110 = tpu.memref_slice %arg8[%dma_wait3A_109] : memref<196608xf32, #tpu.memory_space<vmem_shared>> -> memref<24576xf32, #tpu.memory_space<vmem_shared>>
      %dma_wait3A_111 = arith.constant 0 : i32
      %dma_wait3A_112 = tpu.memref_slice %arg2[%dma_wait3A_111] : memref<65536xi32, #tpu.memory_space<hbm>> -> memref<24576xi32, #tpu.memory_space<hbm>>
      tpu.wait_dma2 semaphore(%arg19 : memref<!tpu.dma_semaphore, #tpu.memory_space<semaphore_mem>>) src(%dma_wait3A_112 : memref<24576xi32, #tpu.memory_space<hbm>>) dst(%dma_wait3A_110 : memref<24576xf32, #tpu.memory_space<vmem_shared>>)
    }
    %scan3A_68 = arith.constant 4 : i32
    %dma_wait3A_69 = arith.constant 0 : i32
    %dma_wait3A_70 = arith.constant 0 : i32
    %dma_wait3A_71 = arith.constant 0 : i32
    %dma_wait3A_72 = tpu.memref_slice %arg10[%dma_wait3A_69, %dma_wait3A_70, %dma_wait3A_71] : memref<3x32x768xf32, #tpu.memory_space<vmem>> -> memref<1x32x768xf32, #tpu.memory_space<vmem>>
    %dma_wait3A_73 = tpu.memref_squeeze %dma_wait3A_72 : memref<1x32x768xf32, #tpu.memory_space<vmem>> -> memref<32x768xf32, #tpu.memory_space<vmem>>
    %dma_wait3A_74 = arith.constant 0 : i32
    %dma_wait3A_75 = tpu.memref_slice %arg7[%mul3A_2, %dma_wait3A_74] : memref<65536x768xf32, #tpu.memory_space<hbm>> -> memref<32x768xf32, #tpu.memory_space<hbm>>
    %dma_wait3A_76 = arith.constant 0 : i32
    %dma_wait3A_77 = tpu.memref_slice %arg7[%mul3A_2, %dma_wait3A_76] : memref<65536x768xf32, #tpu.memory_space<hbm>> -> memref<32x768xf32, #tpu.memory_space<hbm>>
    %dma_wait3A_78 = arith.constant 0 : i32
    %dma_wait3A_79 = arith.constant 0 : i32
    %dma_wait3A_80 = tpu.memref_slice %arg10[%dma_wait3A_69, %dma_wait3A_78, %dma_wait3A_79] : memref<3x32x768xf32, #tpu.memory_space<vmem>> -> memref<1x32x768xf32, #tpu.memory_space<vmem>>
    %dma_wait3A_81 = tpu.memref_squeeze %dma_wait3A_80 : memref<1x32x768xf32, #tpu.memory_space<vmem>> -> memref<32x768xf32, #tpu.memory_space<vmem>>
    tpu.wait_dma2 semaphore(%arg13 : memref<!tpu.dma_semaphore, #tpu.memory_space<semaphore_mem>>) src(%dma_wait3A_81 : memref<32x768xf32, #tpu.memory_space<vmem>>) dst(%dma_wait3A_77 : memref<32x768xf32, #tpu.memory_space<hbm>>)
    %dma_wait3A_82 = arith.constant 1 : i32
    %dma_wait3A_83 = arith.constant 0 : i32
    %dma_wait3A_84 = arith.constant 0 : i32
    %dma_wait3A_85 = tpu.memref_slice %arg10[%dma_wait3A_82, %dma_wait3A_83, %dma_wait3A_84] : memref<3x32x768xf32, #tpu.memory_space<vmem>> -> memref<1x32x768xf32, #tpu.memory_space<vmem>>
    %dma_wait3A_86 = tpu.memref_squeeze %dma_wait3A_85 : memref<1x32x768xf32, #tpu.memory_space<vmem>> -> memref<32x768xf32, #tpu.memory_space<vmem>>
    %dma_wait3A_87 = arith.constant 0 : i32
    %dma_wait3A_88 = tpu.memref_slice %arg7[%mul3A_2, %dma_wait3A_87] : memref<65536x768xf32, #tpu.memory_space<hbm>> -> memref<32x768xf32, #tpu.memory_space<hbm>>
    %dma_wait3A_89 = arith.constant 0 : i32
    %dma_wait3A_90 = tpu.memref_slice %arg7[%mul3A_2, %dma_wait3A_89] : memref<65536x768xf32, #tpu.memory_space<hbm>> -> memref<32x768xf32, #tpu.memory_space<hbm>>
    %dma_wait3A_91 = arith.constant 0 : i32
    %dma_wait3A_92 = arith.constant 0 : i32
    %dma_wait3A_93 = tpu.memref_slice %arg10[%dma_wait3A_82, %dma_wait3A_91, %dma_wait3A_92] : memref<3x32x768xf32, #tpu.memory_space<vmem>> -> memref<1x32x768xf32, #tpu.memory_space<vmem>>
    %dma_wait3A_94 = tpu.memref_squeeze %dma_wait3A_93 : memref<1x32x768xf32, #tpu.memory_space<vmem>> -> memref<32x768xf32, #tpu.memory_space<vmem>>
    tpu.wait_dma2 semaphore(%arg14 : memref<!tpu.dma_semaphore, #tpu.memory_space<semaphore_mem>>) src(%dma_wait3A_94 : memref<32x768xf32, #tpu.memory_space<vmem>>) dst(%dma_wait3A_90 : memref<32x768xf32, #tpu.memory_space<hbm>>)
    %dma_wait3A_95 = arith.constant 2 : i32
    %dma_wait3A_96 = arith.constant 0 : i32
    %dma_wait3A_97 = arith.constant 0 : i32
    %dma_wait3A_98 = tpu.memref_slice %arg10[%dma_wait3A_95, %dma_wait3A_96, %dma_wait3A_97] : memref<3x32x768xf32, #tpu.memory_space<vmem>> -> memref<1x32x768xf32, #tpu.memory_space<vmem>>
    %dma_wait3A_99 = tpu.memref_squeeze %dma_wait3A_98 : memref<1x32x768xf32, #tpu.memory_space<vmem>> -> memref<32x768xf32, #tpu.memory_space<vmem>>
    %dma_wait3A_100 = arith.constant 0 : i32
    %dma_wait3A_101 = tpu.memref_slice %arg7[%mul3A_2, %dma_wait3A_100] : memref<65536x768xf32, #tpu.memory_space<hbm>> -> memref<32x768xf32, #tpu.memory_space<hbm>>
    %dma_wait3A_102 = arith.constant 0 : i32
    %dma_wait3A_103 = tpu.memref_slice %arg7[%mul3A_2, %dma_wait3A_102] : memref<65536x768xf32, #tpu.memory_space<hbm>> -> memref<32x768xf32, #tpu.memory_space<hbm>>
    %dma_wait3A_104 = arith.constant 0 : i32
    %dma_wait3A_105 = arith.constant 0 : i32
    %dma_wait3A_106 = tpu.memref_slice %arg10[%dma_wait3A_95, %dma_wait3A_104, %dma_wait3A_105] : memref<3x32x768xf32, #tpu.memory_space<vmem>> -> memref<1x32x768xf32, #tpu.memory_space<vmem>>
    %dma_wait3A_107 = tpu.memref_squeeze %dma_wait3A_106 : memref<1x32x768xf32, #tpu.memory_space<vmem>> -> memref<32x768xf32, #tpu.memory_space<vmem>>
    tpu.wait_dma2 semaphore(%arg15 : memref<!tpu.dma_semaphore, #tpu.memory_space<semaphore_mem>>) src(%dma_wait3A_107 : memref<32x768xf32, #tpu.memory_space<vmem>>) dst(%dma_wait3A_103 : memref<32x768xf32, #tpu.memory_space<hbm>>)
    return
  }
}

</mosaic_0001>

<sc_bundles>
// kernel: kernel.3.cloned.1.call-start
scs
__scs_entry_jumppad:
0x0: {  	(pc) =	sbr.rel $0x88, $3  }
0x1: {  	(tag) =	ssettag $0x0;
	lr =	simm.s32 $0x1  }
0x2: {  	[smem:$0x3F9D] =	sst lr;
	_ =	strace $0xD0000000  }
0x3: {  	_ = 	snop  }
0x4: {  	_ = 	snop  }
0x5: {  	_ = 	snop  }
0x6: {  	_ = 	snop  }
0x7: {  	_ = 	snop  }
__scs_overlays_trampoline_lowered:
0x8: {  	[smem:$0x3FAC] =	sst s0  }
0x9: {  	[smem:$0x3FAD] =	sst s1  }
0xa: {  	[smem:$0x3FAE] =	sst s2  }
0xb: {  	[smem:$0x3FAF] =	sst s3  }
0xc: {  	[smem:$0x3FB0] =	sst s4  }
0xd: {  	[smem:$0x3FB1] =	sst s5  }
0xe: {  	[smem:$0x3FB2] =	sst s6  }
0xf: {  	[smem:$0x3FB3] =	sst s7  }
0x10: {  	[smem:$0x3FB4] =	sst s8  }
0x11: {  	[smem:$0x3FB5] =	sst s9;
	s0 =	simm.s32 @!p0 $0x0  }
0x12: {  	s1 =	sld [smem:$0x3F9B];
	s0 =	simm.s32 @p0 $0x1  }
0x13: {  	[smem:$0x3FB6] =	sst s0;
	s0 =	simm.s32 @!p1 $0x0  }
0x14: {  	s2 =	sld [smem:$0x3F9A];
	s0 =	simm.s32 @p1 $0x1  }
0x15: {  	[smem:$0x3FB7] =	sst s0;
	s0 =	simm.s32 @!p2 $0x0  }
0x16: {  	s3 =	sld [smem:$0x3FDB];
	s0 =	simm.s32 @p2 $0x1  }
0x17: {  	s4 =	simm.s32 $0x1BF5;
	[smem:$0x3FB9] =	sst s0  }
0x18: {  	s0 =	sld [smem:$0x3F9C];
	_ =	swait.ge [sflag:s4], $0x0  }
0x19: {  	s7 =	sld [smem:$0x3F9D]  }
0x1a: {  	s8 =	sadd.s32 $0xFFFFE003, lr  }
0x1b: {  	s9 =	sadd.s32 $0xFFFFFEF7, lr;
	s5 =	simm.s32 $0xFFFFFFFF;
	p2 =	slt.u32 s8, $0xFFFFF086  }
0x1c: {  	p1 =	slt.u32 s9, $0xF7A;
	s5 =	simm.s32 @!p2 $0x0  }
0x1d: {  	s5 =	simm.s32 @p1 $0x1;
	p0 =	seq.s32 s7, s2  }
0x1e: {  	s7 =	smul.u32 @!p0 $0xF7A, s2;
	p2 =	seq.s32 @!p0 s5, $0x0  }
0x1f: {  	s9 =	smul.u32 $0xF7A, s1;
	s8 =	simm.s32 @!p0 $0x1BF5;
	p2 =	por !p2, p0  }
0x20: {  	[sflag:s8] =	ssyncset.s32 @!p0 $0xFFFFF086;
	s6 =	sadd.s32 @!p0 s3, s7;
	s7 =	simm.s32 @!p0 $0x108  }
0x21: {  	s3 =	sadd.s32 s3, s9;
	s6 =	sadd.s32 @!p0 $0x88, s6;
	s7 =	simm.s32 @p2 $0x1082  }
0x22: {  	[simem:s7], [sflag:s8] =	dma.local @!p0 [hbm:s6], $0xF7A  }
0x23: {  	s9 =	sor.u32 $0xD0000000, s2;
	s6 =	simm.s32 $0x108;
	_ =	swait.ge @!p0 [sflag:s8], $0x0  }
0x24: {  	s3 =	sadd.s32 $0x88, s3;
	s6 =	simm.s32 @!p1 $0x1082;
	[sflag:s4] =	ssyncset.s32 $0xFFFFF086  }
0x25: {  	[simem:s6], [sflag:s4] =	dma.local [hbm:s3], $0xF7A  }
0x26: {  	[smem:$0x3F9D] =	sst s1;
	(tag) =	ssettag s2;
	_ =	strace s9  }
0x27: {  	s1 =	sld [smem:$0x3FAD]  }
0x28: {  	s2 =	sld [smem:$0x3FAE]  }
0x29: {  	s4 =	sld [smem:$0x3FB0]  }
0x2a: {  	p0 =	seq.s32 s5, $0x0;
	s5 =	sld [smem:$0x3FB1]  }
0x2b: {  	s6 =	sld [smem:$0x3FB2]  }
0x2c: {  	s7 =	sld [smem:$0x3FB3]  }
0x2d: {  	s3 =	simm.s32 $0x108;
	s8 =	sld [smem:$0x3FB4]  }
0x2e: {  	s3 =	simm.s32 @!p0 $0x1082;
	s9 =	sld [smem:$0x3FB5]  }
0x2f: {  	lr =	sadd.s32 s0, s3;
	s0 =	sld [smem:$0x3FAC]  }
0x30: {  	s3 =	sld [smem:$0x3FAF]  }
0x31: {  	[smem:$0x3FB8] =	sst s10  }
0x32: {  	s10 =	sld [smem:$0x3FB6];
	_ =	sdelay $0x3  }
0x33: {  	p0 =	seq.s32 s10, $0x1;
	s10 =	sld [smem:$0x3FB8];
	_ =	sdelay $0x3  }
0x34: {  	[smem:$0x3FB8] =	sst s10  }
0x35: {  	s10 =	sld [smem:$0x3FB7];
	_ =	sdelay $0x3  }
0x36: {  	p1 =	seq.s32 s10, $0x1;
	s10 =	sld [smem:$0x3FB8];
	_ =	sdelay $0x3  }
0x37: {  	[smem:$0x3FB8] =	sst s10  }
0x38: {  	s10 =	sld [smem:$0x3FB9]  }
0x39: {  	_ = 	snop;
	(pc) =	sbr.ind lr, $3  }
0x3a: {  	_ = 	snop  }
0x3b: {  	_ = 	snop  }
0x3c: {  	p2 =	seq.s32 s10, $0x1;
	s10 =	sld [smem:$0x3FB8]  }
0x3d: {  	_ =	shalt  }
0x3e: {  	_ =	shalt  }
0x3f: {  	_ =	shalt  }
0x40: {  	_ =	shalt  }
0x41: {  	_ =	shalt  }
0x42: {  	_ =	shalt  }
0x43: {  	_ =	shalt  }
0x44: {  	_ =	shalt  }
0x45: {  	_ =	shalt  }
0x46: {  	_ =	shalt  }
0x47: {  	_ =	shalt  }
0x48: {  	_ =	shalt  }
0x49: {  	_ =	shalt  }
0x4a: {  	_ =	shalt  }
0x4b: {  	_ =	shalt  }
0x4c: {  	_ =	shalt  }
0x4d: {  	_ =	shalt  }
0x4e: {  	_ =	shalt  }
0x4f: {  	_ =	shalt  }
0x50: {  	_ =	shalt  }
0x51: {  	_ =	shalt  }
0x52: {  	_ =	shalt  }
0x53: {  	_ =	shalt  }
0x54: {  	_ =	shalt  }
0x55: {  	_ =	shalt  }
0x56: {  	_ =	shalt  }
0x57: {  	_ =	shalt  }
0x58: {  	_ =	shalt  }
0x59: {  	_ =	shalt  }
0x5a: {  	_ =	shalt  }
0x5b: {  	_ =	shalt  }
0x5c: {  	_ =	shalt  }
0x5d: {  	_ =	shalt  }
0x5e: {  	_ =	shalt  }
0x5f: {  	_ =	shalt  }
0x60: {  	_ =	shalt  }
0x61: {  	_ =	shalt  }
0x62: {  	_ =	shalt  }
0x63: {  	_ =	shalt  }
0x64: {  	_ =	shalt  }
0x65: {  	_ =	shalt  }
0x66: {  	_ =	shalt  }
0x67: {  	_ =	shalt  }
0x68: {  	_ =	shalt  }
0x69: {  	_ =	shalt  }
0x6a: {  	_ =	shalt  }
0x6b: {  	_ =	shalt  }
0x6c: {  	_ =	shalt  }
0x6d: {  	_ =	shalt  }
0x6e: {  	_ =	shalt  }
0x6f: {  	_ =	shalt  }
0x70: {  	_ =	shalt  }
0x71: {  	_ =	shalt  }
0x72: {  	_ =	shalt  }
0x73: {  	_ =	shalt  }
0x74: {  	_ =	shalt  }
0x75: {  	_ =	shalt  }
0x76: {  	_ =	shalt  }
0x77: {  	_ =	shalt  }
0x78: {  	_ =	shalt  }
0x79: {  	_ =	shalt  }
0x7a: {  	_ =	shalt  }
0x7b: {  	_ =	shalt  }
0x7c: {  	_ =	shalt  }
0x7d: {  	_ =	shalt  }
0x7e: {  	_ =	shalt  }
0x7f: {  	_ =	shalt  }
0x80: {  	_ =	shalt  }
0x81: {  	_ =	shalt  }
0x82: {  	_ =	shalt  }
0x83: {  	_ =	shalt  }
0x84: {  	_ =	shalt  }
0x85: {  	_ =	shalt  }
0x86: {  	_ =	shalt  }
0x87: {  	_ =	shalt  }
.Lfunc_end0:
.L_simem_size_0:
called_computation_lowered:
.L_overlay_start_0:
0x88: {  	s2 =	sld [smem:$0x3FD9]  }
0x89: {  	s3 =	sld [smem:$0x3FFE];
	_ =	sdelay $0x1  }
0x8a: {  	s1 =	srdreg.scid  }
0x8b: {  	s0 =	sand.u32 $0x1, s1  }
0x8c: {  	s17 =	sshll.u32 s0, $0xA;
	s2 =	sadd.s32 s3, s2  }
0x8d: {  	s2 =	sadd.s32 s2, s17  }
0x8e: {  	[smem:$0x3FC4] =	sst s2  }
0x8f: {  	_ = 	snop  }
0x90: {  	s2 =	sld [smem:$0x3FC9]  }
0x91: {  	s18 =	sld [smem:$0x3FC7]  }
0x92: {  	s4 =	sld [smem:$0x3FC6]  }
0x93: {  	s5 =	sld [smem:$0x3FD0];
	(tm) =	ssettm $0x1  }
0x94: {  	s6 =	sld [smem:$0x3FFB];
	_ =	sdelay $0x3  }
0x95: {  	_ =	strace s6  }
0x96: {  	s6 =	sld [smem:$0x3FFC];
	_ =	sdelay $0x3  }
0x97: {  	_ =	strace s6  }
0x98: {  	s6 =	sld [smem:$0x3FFD];
	_ =	sdelay $0x3  }
0x99: {  	_ =	strace s6  }
0x9a: {  	_ =	strace $0x8FFFFFFF  }
0x9b: {  	s19 =	sld [smem:$0x3FDB];
	_ =	sdelay $0x1  }
0x9c: {  	s7 =	simm.s32 $_scs_section_size  }
0x9d: {  	s8 =	simm.s32 $_size__tile_overlayer_lowered;
	s9 =	simm.s32 $_tile_overlayer_lowered  }
0x9e: {  	s22 =	simm.s32 $0x1BFF;
	s21 =	sshll.u32 s9, $0x1;
	s6 =	sadd.s32 s7, s19  }
0x9f: {  	s10 =	simm.s32 $0x0;
	s20 =	sshll.u32 s8, $0x1;
	s8 =	sadd.s32 s21, s6  }
0xa0: {  	[timem:s10], [sflag:s22] =	dma.local [hbm:s8], s20  }
0xa1: {  	_ =	swait.ge [sflag:s22], s20  }
0xa2: {  	s7 =	ssub.s32 $0x0, s20;
	[sflag:s22] =	ssyncset.done $0x0  }
0xa3: {  	[sflag:s22] =	ssyncadd.s32 s7;
	_ =	sdelay $0x1  }
0xa4: {  	s23 =	simm.s32 $0x1B8B  }
0xa5: {  	_ =	swait.ge [sflag:s23], $0x1  }
0xa6: {  	[sflag:s23] =	ssyncset.done $0x0  }
0xa7: {  	s25 =	simm.s32 $0x1B8E;
	s24 =	sld [smem:$0x3FFE];
	[sflag:s23] =	ssyncadd.s32 $0xFFFFFFFF  }
0xa8: {  	s26 =	simm.s32 $execute0_lowered;
	[smem:$0x3FD2] =	sst s25  }
0xa9: {  	s8 =	sshll.u32 s26, $0x1;
	_ =	strace $0x80000046;
	[dreg:$0x1] =	wrdreg $0xFFFFFFFF  }
0xaa: {  	s28 =	simm.s32 $_size_execute0_lowered;
	s6 =	sadd.s32 s6, s8;
	[dreg:$0x0] =	wrdreg $0x0  }
0xab: {  	s8 =	sshll.u32 s28, $0x1;
	[dreg:$0x2] =	wrdreg s6  }
0xac: {  	[dreg:$0x3] =	wrdreg s8  }
0xad: {  	[dreg:$0x4] =	wrdreg $0xC0  }
0xae: {  	_ =	task [dreg:s10], $0x5FFFF  }
0xaf: {  	[dreg:$0x1] =	wrdreg $0xFFFFFFFF  }
0xb0: {  	[dreg:$0x0] =	wrdreg $0x60  }
0xb1: {  	[dreg:$0x2] =	wrdreg s2  }
0xb2: {  	[dreg:$0x3] =	wrdreg s24  }
0xb3: {  	[dreg:$0x4] =	wrdreg s18  }
0xb4: {  	[dreg:$0x5] =	wrdreg s4  }
0xb5: {  	[dreg:$0x6] =	wrdreg s5  }
0xb6: {  	[dreg:$0x7] =	wrdreg $0x0  }
0xb7: {  	[dreg:$0x8] =	wrdreg $0x9  }
0xb8: {  	_ =	task.clear_ibuf [dreg:s10], $0x9FFFF;
	_ =	strace $0x90000046  }
0xb9: {  	s29 =	simm.s32 $0x9;
	_ =	strace $0x80000048  }
0xba: {  	_ =	swait.ge [sflag:s29], $0x1  }
0xbb: {  	[sflag:s29] =	ssyncadd.s32 $0xFFFFFFFF  }
0xbc: {  	_ =	strace $0x90000048  }
0xbd: {  	_ =	sfence  }
0xbe: {  	s30 =	sld [smem:$0x0];
	_ =	sdelay $0x2  }
0xbf: {  	s31 =	sshll.u32 s1, $0xD;
	s1 =	sshrl.u32 s1, $0x2  }
0xc0: {  	s3 =	sand.u32 $0x4000, s31;
	s1 =	sadd.s32 s1, s30  }
0xc1: {  	s0 =	sor.u32 s3, s0;
	s1 =	sshll.u32 s1, $0x11  }
0xc2: {  	s0 =	sor.u32 s1, s0  }
0xc3: {  	s0 =	sadd.s32 $0x8F2B, s0  }
0xc4: {  	[sflag:s0] =	ssyncadd.remote.s32 $0x1  }
0xc5: {  	_ =	sfence.sel $0xFFFF  }
0xc6: {  	[dreg:$0x0] =	wrdreg $0xFFFFFFFF;
	(pc) =	sbr.abs _section_cstart, $3  }
0xc7: {  	[dreg:$0x1] =	wrdreg $0xFFFFFFFF  }
0xc8: {  	_ =	task.clear_ibuf [dreg:s10], $0x2FFFF;
	_ =	strace $0x9FFFFFFF  }
0xc9: {  	(tm) =	ssettm $0x7FFFFFFF  }
tec
execute0_lowered:
.L_overlay_start_1:
0x0: {  	(tag) =	ssettag $0x1  }
0x1: {  	s0 =	rddreg [dreg:$0x0]  }
0x2: {  	s1 =	rddreg [dreg:$0x1]  }
0x3: {  	s11 =	rddreg [dreg:$0x2]  }
0x4: {  	s12 =	rddreg [dreg:$0x3]  }
0x5: {  	s3 =	rddreg [dreg:$0x4]  }
0x6: {  	s4 =	rddreg [dreg:$0x5];
	s6 =	simm.s32 $0x0;
	s2 =	srdreg.scid  }
0x7: {  	s5 =	stileid.u32;
	s28 =	simm.s32 $0x3800;
	s30 =	simm.s32 $0x4  }
0x8: {  	s31 =	simm.s32 $0x5;
	s29 =	simm.s32 $0x1;
	[smem:$0x7FF] =	sst s6  }
0x9: {  	s2 =	sand.u32 $0x1, s2;
	s7 =	sshll.u32 s5, $0x1;
	s10 =	sshll.u32 s5, $0xC  }
0xa: {  	s20 =	sadd.s32 $0x100, s11;
	s21 =	sadd.s32 $0x200, s11;
	s22 =	sadd.s32 $0x100, s12  }
0xb: {  	s24 =	sadd.s32 $0x200, s12;
	s15 =	sadd.s32 $0x10, s3;
	s16 =	sadd.s32 $0x20, s3  }
0xc: {  	s17 =	sadd.s32 $0x30, s3;
	_ =	strace $0x80000047;
	[dreg:$0x9] =	wrdreg s20  }
0xd: {  	s25 =	smul.u32 $0xC000, s5;
	s18 =	sadd.s32 $0x40, s3;
	[dreg:$0xa] =	wrdreg s21  }
0xe: {  	s8 =	ssub.s32 $0x2, s2;
	s2 =	sshll.u32 s2, $0xB;
	[dreg:$0xb] =	wrdreg s22  }
0xf: {  	s1 =	sadd.s32 s7, s1;
	[dreg:$0xc] =	wrdreg s24;
	s20 =	sadd.s32 $0x60, s3  }
0x10: {  	s21 =	sadd.s32 $0x70, s3;
	s9 =	sshrl.u32 s8, $0x1;
	s19 =	sadd.s32 $0x800, s1  }
0x11: {  	s7 =	sor.u32 s2, s10;
	s1 =	sadd.s32 $0x600, s1;
	[dreg:$0x7] =	wrdreg s19  }
0x12: {  	s8 =	ssub.s32 s8, s9;
	[dreg:$0x8] =	wrdreg s1;
	s23 =	sshrl.u32 s7, $0x3  }
0x13: {  	s19 =	sadd.s32 $0x50, s3;
	s9 =	simm.s32 $0x0;
	s0 =	sadd.s32 s0, s23  }
0x14: {  	v2 =	vlaneseq.u32;
	s26 =	smax.u32 s8, $0x1;
	s8 =	simm.s32 $0x80;
	[dreg:$0xd] =	wrdreg s0  }
0x15: {  	vm0 =	vmmov $0xffff;
	v1 =	vshrl.u32 v2, $0x3;
	[dreg:$0xe] =	wrdreg s26;
	s0 =	sshrl.u32 s25, $0x2;
	s25 =	simm.s32 $0x8  }
0x16: {  	v0 =	vand.u32 $0x7, v2;
	v2 =	vor.u32 $0x8, v2;
	v1 =	vmul.u32 $0x8, v1;
	s26 =	simm.s32 $0x9800;
	s23 =	sadd.s32 s0, s4;
	s0 =	simm.s32 $0x6  }
.LBB2_1:
0x17: {  	[dreg:$0xf] =	wrdreg s9  }
0x18: {  	s1 =	rddreg [dreg:$0x7];
	s2 =	simm.s32 $0x15800  }
0x19: {  	[tilespmem:s2], [sflag:$0x8] =	stream.linear.gather [hbm4b:s1+s6], $0x10, $0x38;
	[tilespmem:$0x15900] =	vst v63  }
0x1a: {  	_ =	swait.ge [sflag:s25], $0x10  }
0x1b: {  	[sflag:s25] =	ssyncset.done $0x0  }
0x1c: {  	s24 =	simm.s32 $0x15880;
	s22 =	rddreg [dreg:$0x8];
	[sflag:s25] =	ssyncadd.s32 $0xFFFFFFF0  }
0x1d: {  	[tilespmem:s24], [sflag:$0x8] =	stream.linear.gather [hbm4b:s22+s6], $0x10, $0x38;
	[tilespmem:$0x15900] =	vst v63  }
0x1e: {  	_ =	swait.ge [sflag:s25], $0x10  }
0x1f: {  	[sflag:s25] =	ssyncset.done $0x0  }
0x20: {  	[sflag:s25] =	ssyncadd.s32 $0xFFFFFFF0  }
0x21: {  	v3 =	vld [tilespmem:$0x15800];
	_ =	sdelay $0x4  }
0x22: {  	v4 =	vshrl.u32 v3, $0x3  }
0x23: {  	v4 =	vmul.u32 $0x30, v4  }
0x24: {  	v3 =	vand.u32 $0x7, v3  }
0x25: {  	v3 =	vor.u32 v3, v4  }
0x26: {  	v4 =	vperm.xlane v3, v0;
	_ =	sdelay $0x1  }
0x27: {  	v4 =	vadd.s32 v1, v4  }
0x28: {  	v5 =	vld [tilespmem:$0x15880];
	_ =	sdelay $0x2  }
0x29: {  	s2 =	rddreg [dreg:$0x2];
	v3 =	vperm.xlane v3, v2  }
0x2a: {  	[tilespmem:s28], [sflag:$0x4] =	stream.indirect_vreg.gather [hbm4b:s2+s6], $0x80, v4, vm0, $0xb8;
	[tilespmem:$0x15900] =	vst v63  }
0x2b: {  	s12 =	simm.s32 $0x4000;
	s11 =	rddreg [dreg:$0x9];
	v6 =	vshrl.u32 v5, $0x3;
	v3 =	vadd.s32 v1, v3  }
0x2c: {  	v6 =	vmul.u32 $0x30, v6;
	[tilespmem:s12], [sflag:$0x4] =	stream.indirect_vreg.gather [hbm4b:s11+s6], $0x80, v4, vm0, $0xb8;
	[tilespmem:$0x15900] =	vst v63  }
0x2d: {  	s10 =	simm.s32 $0x4800;
	s13 =	rddreg [dreg:$0xa];
	v5 =	vand.u32 $0x7, v5  }
0x2e: {  	[tilespmem:s10], [sflag:$0x4] =	stream.indirect_vreg.gather [hbm4b:s13+s6], $0x80, v4, vm0, $0xb8;
	v4 =	vor.u32 v5, v6;
	[tilespmem:$0x15900] =	vst v63  }
0x2f: {  	s14 =	simm.s32 $0x5000;
	v5 =	vperm.xlane v4, v0  }
0x30: {  	[tilespmem:s14], [sflag:$0x4] =	stream.indirect_vreg.gather [hbm4b:s2+s6], $0x80, v3, vm0, $0xb8;
	[tilespmem:$0x15900] =	vst v63  }
0x31: {  	s22 =	simm.s32 $0x5800;
	v5 =	vadd.s32 v1, v5  }
0x32: {  	[tilespmem:s22], [sflag:$0x4] =	stream.indirect_vreg.gather [hbm4b:s11+s6], $0x80, v3, vm0, $0xb8;
	[tilespmem:$0x15900] =	vst v63  }
0x33: {  	s24 =	simm.s32 $0x6000  }
0x34: {  	[tilespmem:s24], [sflag:$0x4] =	stream.indirect_vreg.gather [hbm4b:s13+s6], $0x80, v3, vm0, $0xb8;
	[tilespmem:$0x15900] =	vst v63  }
0x35: {  	s2 =	rddreg [dreg:$0x3];
	v3 =	vperm.xlane v4, v2  }
0x36: {  	[tilespmem:s26], [sflag:$0x5] =	stream.indirect_vreg.gather [hbm4b:s2+s6], $0x80, v5, vm0, $0xb8;
	[tilespmem:$0x15900] =	vst v63  }
0x37: {  	s12 =	simm.s32 $0xA000;
	s11 =	rddreg [dreg:$0xb];
	v3 =	vadd.s32 v1, v3  }
0x38: {  	[tilespmem:s12], [sflag:$0x5] =	stream.indirect_vreg.gather [hbm4b:s11+s6], $0x80, v5, vm0, $0xb8;
	[tilespmem:$0x15900] =	vst v63  }
0x39: {  	s14 =	simm.s32 $0xA800;
	s13 =	rddreg [dreg:$0xc]  }
0x3a: {  	[tilespmem:s14], [sflag:$0x5] =	stream.indirect_vreg.gather [hbm4b:s13+s6], $0x80, v5, vm0, $0xb8;
	[tilespmem:$0x15900] =	vst v63  }
0x3b: {  	s22 =	simm.s32 $0xB000  }
0x3c: {  	[tilespmem:s22], [sflag:$0x5] =	stream.indirect_vreg.gather [hbm4b:s2+s6], $0x80, v3, vm0, $0xb8;
	[tilespmem:$0x15900] =	vst v63  }
0x3d: {  	s24 =	simm.s32 $0xB800  }
0x3e: {  	[tilespmem:s24], [sflag:$0x5] =	stream.indirect_vreg.gather [hbm4b:s11+s6], $0x80, v3, vm0, $0xb8;
	[tilespmem:$0x15900] =	vst v63  }
0x3f: {  	s2 =	simm.s32 $0xC000  }
0x40: {  	[tilespmem:s2], [sflag:$0x5] =	stream.indirect_vreg.gather [hbm4b:s13+s6], $0x80, v3, vm0, $0xb8;
	[tilespmem:$0x15900] =	vst v63  }
0x41: {  	s10 =	rddreg [dreg:$0xd];
	s11 =	simm.s32 $0x3000  }
0x42: {  	[tilespmem:s11], [sflag:$0x8] =	stream.linear.gather [hbm4b:s10+s6], $0x800, $0x38;
	[tilespmem:$0x15900] =	vst v63  }
0x43: {  	_ =	swait.ge [sflag:s25], $0x800  }
0x44: {  	[sflag:s25] =	ssyncset.done $0x0  }
0x45: {  	[sflag:s25] =	ssyncadd.s32 $0xFFFFF800  }
0x46: {  	_ =	swait.ge [sflag:s30], $0x3000  }
0x47: {  	[sflag:s30] =	ssyncset.done $0x0  }
0x48: {  	s12 =	simm.s32 $0x0;
	[sflag:s30] =	ssyncadd.s32 $0xFFFFD000  }
0x49: {  	s13 =	smul.u32 $0x1800, s12;
	_ =	swait.ge [sflag:s31], $0x3000  }
0x4a: {  	s14 =	sand.u32 $0x380, s6;
	[sflag:s31] =	ssyncset.done $0x0  }
0x4b: {  	s2 =	sor.u32 s14, s13;
	[sflag:s31] =	ssyncadd.s32 $0xFFFFD000  }
0x4c: {  	v3 =	vld [tilespmem:s2+$0x3800]  }
0x4d: {  	v4 =	vld [tilespmem:s2+$0x9800]  }
0x4e: {  	v5 =	vld [tilespmem:s2+$0x3810]  }
0x4f: {  	v6 =	vld [tilespmem:s2+$0x9810]  }
0x50: {  	v7 =	vld [tilespmem:s2+$0x3820]  }
0x51: {  	v8 =	vld [tilespmem:s2+$0x9820]  }
0x52: {  	v9 =	vld [tilespmem:s2+$0x3830]  }
0x53: {  	v10 =	vld [tilespmem:s2+$0x9830]  }
0x54: {  	v11 =	vld [tilespmem:s2+$0x3850]  }
0x55: {  	v12 =	vld [tilespmem:s2+$0x9850]  }
0x56: {  	v13 =	vld [tilespmem:s2+$0x3860]  }
0x57: {  	v14 =	vld [tilespmem:s2+$0x9860]  }
0x58: {  	v15 =	vld [tilespmem:s2+$0x3870];
	v3 =	vadd.f32 v4, v3  }
0x59: {  	v4 =	vadd.f32 v6, v5;
	v5 =	vadd.f32 v8, v7;
	v7 =	vld [tilespmem:s2+$0x9870]  }
0x5a: {  	v17 =	vld [tilespmem:s2+$0xA050];
	[tilespmem:s2+$0x3800] =	vst v3  }
0x5b: {  	v18 =	vld [tilespmem:s2+$0x4060];
	v8 =	vadd.f32 v10, v9;
	[tilespmem:s2+$0x3810] =	vst v4  }
0x5c: {  	v19 =	vld [tilespmem:s2+$0xA060];
	v9 =	vadd.f32 v12, v11;
	[tilespmem:s2+$0x3820] =	vst v5  }
0x5d: {  	v20 =	vld [tilespmem:s2+$0x4070];
	[tilespmem:s2+$0x3830] =	vst v8;
	v8 =	vadd.f32 v14, v13  }
0x5e: {  	v10 =	vld [tilespmem:s2+$0x3840];
	[tilespmem:s2+$0x3850] =	vst v9;
	v7 =	vadd.f32 v7, v15  }
0x5f: {  	s10 =	sor.u32 s13, s6;
	v11 =	vld [tilespmem:s2+$0x9840];
	[tilespmem:s2+$0x3860] =	vst v8  }
0x60: {  	s10 =	sor.u32 $0x6400, s10;
	v12 =	vld [tilespmem:s2+$0x3C00];
	[tilespmem:s2+$0x3870] =	vst v7  }
0x61: {  	v13 =	vld [tilespmem:s10+$0x3800]  }
0x62: {  	v21 =	vld [tilespmem:s2+$0xA070]  }
0x63: {  	v22 =	vld [tilespmem:s2+$0x4400]  }
0x64: {  	v23 =	vld [tilespmem:s2+$0xA400]  }
0x65: {  	v24 =	vld [tilespmem:s2+$0x4410];
	v14 =	vadd.f32 v11, v10  }
0x66: {  	v25 =	vld [tilespmem:s2+$0xA410];
	v13 =	vadd.f32 v13, v12  }
0x67: {  	v26 =	vld [tilespmem:s2+$0x4420];
	[tilespmem:s2+$0x3840] =	vst v14  }
0x68: {  	[tilespmem:s2+$0x3C00] =	vst v13;
	v13 =	vld [tilespmem:s2+$0x3C10]  }
0x69: {  	v14 =	vld [tilespmem:s10+$0x3810]  }
0x6a: {  	v16 =	vld [tilespmem:s2+$0xA470]  }
0x6b: {  	v27 =	vld [tilespmem:s2+$0xA800]  }
0x6c: {  	v28 =	vld [tilespmem:s2+$0xA810]  }
0x6d: {  	v29 =	vld [tilespmem:s2+$0xA820]  }
0x6e: {  	v30 =	vld [tilespmem:s2+$0xA840];
	v13 =	vadd.f32 v14, v13  }
0x6f: {  	v31 =	vld [tilespmem:s2+$0x3C70]  }
0x70: {  	[tilespmem:s2+$0x3C10] =	vst v13;
	v13 =	vld [tilespmem:s2+$0x3C20]  }
0x71: {  	v14 =	vld [tilespmem:s10+$0x3820]  }
0x72: {  	v33 =	vld [tilespmem:s2+$0xA850]  }
0x73: {  	v34 =	vld [tilespmem:s2+$0xA860]  }
0x74: {  	v35 =	vld [tilespmem:s2+$0xA870]  }
0x75: {  	v36 =	vld [tilespmem:s2+$0xAC00]  }
0x76: {  	v60 =	vld [tilespmem:s2+$0xAC10];
	v13 =	vadd.f32 v14, v13  }
0x77: {  	v37 =	vld [tilespmem:s2+$0xAC20]  }
0x78: {  	[tilespmem:s2+$0x3C20] =	vst v13;
	v13 =	vld [tilespmem:s2+$0x3C30]  }
0x79: {  	v14 =	vld [tilespmem:s10+$0x3830]  }
0x7a: {  	v39 =	vld [tilespmem:s2+$0xAC30]  }
0x7b: {  	v40 =	vld [tilespmem:s2+$0xAC40]  }
0x7c: {  	v41 =	vld [tilespmem:s2+$0xAC50]  }
0x7d: {  	v42 =	vld [tilespmem:s2+$0xAC60]  }
0x7e: {  	v43 =	vld [tilespmem:s2+$0x3C60];
	v13 =	vadd.f32 v14, v13  }
0x7f: {  	v45 =	vld [tilespmem:s2+$0x4470]  }
0x80: {  	[tilespmem:s2+$0x3C30] =	vst v13;
	v13 =	vld [tilespmem:s2+$0x3C40]  }
0x81: {  	v32 =	vld [tilespmem:s10+$0x3840]  }
0x82: {  	v46 =	vld [tilespmem:s2+$0x4800]  }
0x83: {  	v47 =	vld [tilespmem:s2+$0x4810]  }
0x84: {  	v48 =	vld [tilespmem:s2+$0x4820]  }
0x85: {  	v61 =	vld [tilespmem:s2+$0x4830]  }
0x86: {  	v49 =	vld [tilespmem:s2+$0x4840];
	v13 =	vadd.f32 v32, v13  }
0x87: {  	v62 =	vld [tilespmem:s2+$0x4850]  }
0x88: {  	[tilespmem:s2+$0x3C40] =	vst v13;
	v13 =	vld [tilespmem:s2+$0x3C50]  }
0x89: {  	v38 =	vld [tilespmem:s10+$0x3850]  }
0x8a: {  	v51 =	vld [tilespmem:s2+$0x4870]  }
0x8b: {  	v53 =	vld [tilespmem:s2+$0x4C30]  }
0x8c: {  	v54 =	vld [tilespmem:s2+$0x4C40]  }
0x8d: {  	v55 =	vld [tilespmem:s2+$0x4430]  }
0x8e: {  	v56 =	vld [tilespmem:s2+$0x4C60];
	v13 =	vadd.f32 v38, v13  }
0x8f: {  	v57 =	vld [tilespmem:s2+$0xA430]  }
0x90: {  	v58 =	vld [tilespmem:s2+$0x4440];
	[tilespmem:s2+$0x3C50] =	vst v13  }
0x91: {  	v44 =	vld [tilespmem:s10+$0x3860]  }
0x92: {  	v59 =	vld [tilespmem:s2+$0xA440]  }
0x93: {  	v6 =	vld [tilespmem:s2+$0xA000]  }
0x94: {  	v14 =	vld [tilespmem:s2+$0xA830]  }
0x95: {  	v3 =	vld [tilespmem:s2+$0x4000]  }
0x96: {  	v4 =	vld [tilespmem:s2+$0x4010];
	v43 =	vadd.f32 v44, v43  }
0x97: {  	v16 =	vadd.f32 v16, v45;
	v5 =	vld [tilespmem:s2+$0xA010]  }
0x98: {  	v27 =	vadd.f32 v27, v46;
	v13 =	vld [tilespmem:s2+$0x4860];
	[tilespmem:s2+$0x3C60] =	vst v43  }
0x99: {  	v14 =	vadd.f32 v14, v61;
	v63 =	vld [tilespmem:s10+$0x3870];
	[tilespmem:s2+$0x4470] =	vst v16  }
0x9a: {  	v50 =	vadd.f32 v30, v49;
	v9 =	vld [tilespmem:s2+$0x4030];
	[tilespmem:s2+$0x4800] =	vst v27  }
0x9b: {  	v8 =	vld [tilespmem:s2+$0xA020];
	v16 =	vadd.f32 v28, v47;
	[tilespmem:s2+$0x4830] =	vst v14  }
0x9c: {  	v52 =	vadd.f32 v33, v62;
	v14 =	vld [tilespmem:s2+$0x4C20];
	[tilespmem:s2+$0x4840] =	vst v50  }
0x9d: {  	v13 =	vadd.f32 v34, v13;
	[tilespmem:s2+$0x4810] =	vst v16;
	v16 =	vld [tilespmem:s2+$0x4C00]  }
0x9e: {  	v30 =	vadd.f32 v40, v54;
	v11 =	vld [tilespmem:s2+$0xA030];
	[tilespmem:s2+$0x4850] =	vst v52  }
0x9f: {  	v15 =	vld [tilespmem:s2+$0x4050];
	v3 =	vadd.f32 v6, v3;
	[tilespmem:s2+$0x4860] =	vst v13  }
0xa0: {  	v47 =	vadd.f32 v29, v48;
	v48 =	vld [tilespmem:s2+$0x4C10];
	[tilespmem:s2+$0x4C40] =	vst v30  }
0xa1: {  	v38 =	vld [tilespmem:s2+$0xAC70];
	[tilespmem:s2+$0x4000] =	vst v3;
	v14 =	vadd.f32 v37, v14  }
0xa2: {  	v29 =	vadd.f32 v35, v51;
	[tilespmem:s2+$0x4820] =	vst v47;
	v13 =	vadd.f32 v36, v16;
	v16 =	vld [tilespmem:s2+$0x4C50]  }
0xa3: {  	v28 =	vadd.f32 v39, v53;
	[tilespmem:s2+$0x4C20] =	vst v14;
	v14 =	vld [tilespmem:s2+$0x4C70]  }
0xa4: {  	v10 =	vld [tilespmem:s2+$0x4040];
	[tilespmem:s2+$0x4870] =	vst v29;
	v29 =	vadd.f32 v42, v56  }
0xa5: {  	v7 =	vld [tilespmem:s2+$0x4020];
	[tilespmem:s2+$0x4C30] =	vst v28;
	v27 =	vadd.f32 v60, v48  }
0xa6: {  	v12 =	vld [tilespmem:s2+$0xA040];
	[tilespmem:s2+$0x4C60] =	vst v29  }
0xa7: {  	v5 =	vadd.f32 v5, v4;
	v61 =	vld [tilespmem:s2+$0xA450];
	[tilespmem:s2+$0x4C10] =	vst v27;
	v16 =	vadd.f32 v41, v16  }
0xa8: {  	s22 =	simm.s32 $0x0;
	v6 =	vadd.f32 v17, v15;
	v60 =	vld [tilespmem:s2+$0x4450];
	[tilespmem:s2+$0x4C00] =	vst v13;
	v14 =	vadd.f32 v38, v14  }
0xa9: {  	s11 =	smul.u32 $0x1800, s22;
	s14 =	simm.s32 $0x80;
	v15 =	vadd.f32 v57, v55;
	v13 =	vld [tilespmem:s2+$0xA420];
	[tilespmem:s2+$0x4C50] =	vst v16;
	v16 =	vadd.f32 v63, v31  }
0xaa: {  	s24 =	sand.u32 $0x380, s14;
	v17 =	vadd.f32 v59, v58;
	v62 =	vadd.f32 v8, v7;
	[tilespmem:s2+$0x4C70] =	vst v14;
	v14 =	vld [tilespmem:s2+$0x4460]  }
0xab: {  	v7 =	vadd.f32 v19, v18;
	v8 =	vadd.f32 v21, v20;
	s10 =	sor.u32 s24, s11;
	[tilespmem:s2+$0x3C70] =	vst v16;
	v16 =	vld [tilespmem:s2+$0xA460]  }
0xac: {  	v3 =	vadd.f32 v12, v10;
	v63 =	vadd.f32 v11, v9;
	v4 =	vld [tilespmem:s10+$0x3800];
	[tilespmem:s2+$0x4010] =	vst v5  }
0xad: {  	v10 =	vadd.f32 v25, v24;
	v12 =	vadd.f32 v61, v60;
	v5 =	vld [tilespmem:s10+$0x9800];
	[tilespmem:s2+$0x4020] =	vst v62  }
0xae: {  	s22 =	simm.s32 $0x2;
	v9 =	vadd.f32 v23, v22;
	v13 =	vadd.f32 v13, v26;
	v11 =	vld [tilespmem:s10+$0x3810];
	[tilespmem:s2+$0x4030] =	vst v63  }
.LBB2_2:
0xaf: {  	p0 =	sne.s32 s22, $0xF;
	v18 =	vld [tilespmem:s10+$0x9810];
	[tilespmem:s2+$0x4040] =	vst v3  }
0xb0: {  	v3 =	vld [tilespmem:s10+$0x3820];
	[tilespmem:s2+$0x4050] =	vst v6;
	v6 =	vadd.f32 v16, v14  }
0xb1: {  	v14 =	vld [tilespmem:s10+$0x9820];
	[tilespmem:s2+$0x4060] =	vst v7  }
0xb2: {  	v7 =	vld [tilespmem:s10+$0x3830];
	[tilespmem:s2+$0x4070] =	vst v8  }
0xb3: {  	v8 =	vld [tilespmem:s10+$0x9830];
	[tilespmem:s2+$0x4400] =	vst v9  }
0xb4: {  	v9 =	vld [tilespmem:s10+$0x3850];
	[tilespmem:s2+$0x4410] =	vst v10  }
0xb5: {  	v10 =	vld [tilespmem:s10+$0x9850];
	[tilespmem:s2+$0x4420] =	vst v13  }
0xb6: {  	v13 =	vld [tilespmem:s10+$0x3860];
	[tilespmem:s2+$0x4430] =	vst v15  }
0xb7: {  	v15 =	vld [tilespmem:s10+$0x9860];
	[tilespmem:s2+$0x4440] =	vst v17  }
0xb8: {  	v4 =	vadd.f32 v5, v4;
	v5 =	vld [tilespmem:s10+$0x3870];
	[tilespmem:s2+$0x4450] =	vst v12  }
0xb9: {  	v11 =	vadd.f32 v18, v11;
	v12 =	vld [tilespmem:s10+$0x9870];
	[tilespmem:s2+$0x4460] =	vst v6;
	s2 =	smov.u32 s10  }
0xba: {  	v3 =	vadd.f32 v14, v3;
	[tilespmem:s2+$0x3800] =	vst v4;
	v4 =	vld [tilespmem:s2+$0x4000]  }
0xbb: {  	v6 =	vadd.f32 v8, v7;
	[tilespmem:s2+$0x3810] =	vst v11;
	v7 =	vld [tilespmem:s2+$0xA000]  }
0xbc: {  	[tilespmem:s2+$0x3820] =	vst v3;
	v3 =	vadd.f32 v10, v9;
	v8 =	vld [tilespmem:s2+$0x4010]  }
0xbd: {  	[tilespmem:s2+$0x3830] =	vst v6;
	v6 =	vadd.f32 v15, v13;
	v9 =	vld [tilespmem:s2+$0xA010]  }
0xbe: {  	v10 =	vld [tilespmem:s2+$0x9840];
	[tilespmem:s2+$0x3850] =	vst v3;
	v3 =	vadd.f32 v12, v5  }
0xbf: {  	s10 =	sor.u32 s11, s14;
	v11 =	vld [tilespmem:s2+$0x3840];
	[tilespmem:s2+$0x3860] =	vst v6  }
0xc0: {  	s10 =	sor.u32 $0x6400, s10;
	[tilespmem:s2+$0x3870] =	vst v3;
	v3 =	vld [tilespmem:s2+$0x3C00];
	v4 =	vadd.f32 v7, v4  }
0xc1: {  	v6 =	vld [tilespmem:s10+$0x3800]  }
0xc2: {  	v5 =	vadd.f32 v9, v8;
	v7 =	vld [tilespmem:s2+$0x4020]  }
0xc3: {  	v8 =	vld [tilespmem:s2+$0xA020]  }
0xc4: {  	v9 =	vld [tilespmem:s2+$0x4030]  }
0xc5: {  	v10 =	vadd.f32 v10, v11;
	v12 =	vld [tilespmem:s2+$0xA030]  }
0xc6: {  	v3 =	vadd.f32 v6, v3;
	v6 =	vld [tilespmem:s2+$0x4040]  }
0xc7: {  	[tilespmem:s2+$0x3840] =	vst v10;
	v10 =	vld [tilespmem:s2+$0xA040]  }
0xc8: {  	[tilespmem:s2+$0x3C00] =	vst v3;
	v13 =	vld [tilespmem:s2+$0x3C10];
	v11 =	vadd.f32 v8, v7  }
0xc9: {  	v7 =	vld [tilespmem:s10+$0x3810]  }
0xca: {  	v12 =	vadd.f32 v12, v9;
	v8 =	vld [tilespmem:s2+$0x4050]  }
0xcb: {  	v9 =	vld [tilespmem:s2+$0xA050]  }
0xcc: {  	v3 =	vadd.f32 v10, v6;
	v10 =	vld [tilespmem:s2+$0x4060]  }
0xcd: {  	v14 =	vld [tilespmem:s2+$0xA060]  }
0xce: {  	v6 =	vadd.f32 v7, v13;
	v13 =	vld [tilespmem:s2+$0x4070]  }
0xcf: {  	v15 =	vld [tilespmem:s2+$0xA070]  }
0xd0: {  	[tilespmem:s2+$0x3C10] =	vst v6;
	v16 =	vld [tilespmem:s2+$0x3C20];
	v6 =	vadd.f32 v9, v8  }
0xd1: {  	v9 =	vld [tilespmem:s10+$0x3820]  }
0xd2: {  	v7 =	vadd.f32 v14, v10;
	v10 =	vld [tilespmem:s2+$0x4400]  }
0xd3: {  	v14 =	vld [tilespmem:s2+$0xA400]  }
0xd4: {  	v8 =	vadd.f32 v15, v13;
	v15 =	vld [tilespmem:s2+$0x4410]  }
0xd5: {  	v17 =	vld [tilespmem:s2+$0xA410]  }
0xd6: {  	v9 =	vadd.f32 v9, v16;
	v13 =	vld [tilespmem:s2+$0x4420]  }
0xd7: {  	v16 =	vld [tilespmem:s2+$0x3C70]  }
0xd8: {  	[tilespmem:s2+$0x3C20] =	vst v9;
	v18 =	vld [tilespmem:s2+$0x3C30];
	v9 =	vadd.f32 v14, v10  }
0xd9: {  	v14 =	vld [tilespmem:s10+$0x3830]  }
0xda: {  	v10 =	vadd.f32 v17, v15;
	v15 =	vld [tilespmem:s2+$0xA470]  }
0xdb: {  	v17 =	vld [tilespmem:s2+$0xA800]  }
0xdc: {  	v19 =	vld [tilespmem:s2+$0xA810]  }
0xdd: {  	v20 =	vld [tilespmem:s2+$0xA820]  }
0xde: {  	v14 =	vadd.f32 v14, v18;
	v18 =	vld [tilespmem:s2+$0xA830]  }
0xdf: {  	v21 =	vld [tilespmem:s2+$0xA840]  }
0xe0: {  	[tilespmem:s2+$0x3C30] =	vst v14;
	v14 =	vld [tilespmem:s2+$0x3C40]  }
0xe1: {  	v22 =	vld [tilespmem:s10+$0x3840]  }
0xe2: {  	v23 =	vld [tilespmem:s2+$0xA850]  }
0xe3: {  	v24 =	vld [tilespmem:s2+$0xA860]  }
0xe4: {  	v25 =	vld [tilespmem:s2+$0xA870]  }
0xe5: {  	v26 =	vld [tilespmem:s2+$0xAC00]  }
0xe6: {  	v14 =	vadd.f32 v22, v14;
	v22 =	vld [tilespmem:s2+$0xAC10]  }
0xe7: {  	v27 =	vld [tilespmem:s2+$0xAC20]  }
0xe8: {  	[tilespmem:s2+$0x3C40] =	vst v14;
	v14 =	vld [tilespmem:s2+$0x3C50]  }
0xe9: {  	v28 =	vld [tilespmem:s10+$0x3850]  }
0xea: {  	v29 =	vld [tilespmem:s2+$0xAC30]  }
0xeb: {  	v30 =	vld [tilespmem:s2+$0xAC40]  }
0xec: {  	v31 =	vld [tilespmem:s2+$0xAC50]  }
0xed: {  	v32 =	vld [tilespmem:s2+$0xAC60]  }
0xee: {  	v14 =	vadd.f32 v28, v14;
	v28 =	vld [tilespmem:s2+$0xAC70]  }
0xef: {  	v33 =	vld [tilespmem:s2+$0x3C60]  }
0xf0: {  	[tilespmem:s2+$0x3C50] =	vst v14;
	v14 =	vld [tilespmem:s2+$0x4860]  }
0xf1: {  	v34 =	vld [tilespmem:s10+$0x3860]  }
0xf2: {  	v35 =	vld [tilespmem:s2+$0x4470]  }
0xf3: {  	v36 =	vld [tilespmem:s2+$0x4800]  }
0xf4: {  	v37 =	vld [tilespmem:s2+$0x4810]  }
0xf5: {  	v38 =	vld [tilespmem:s2+$0x4820]  }
0xf6: {  	v33 =	vadd.f32 v34, v33;
	v34 =	vld [tilespmem:s2+$0x4830]  }
0xf7: {  	v15 =	vadd.f32 v15, v35;
	v35 =	vld [tilespmem:s2+$0x4840]  }
0xf8: {  	[tilespmem:s2+$0x3C60] =	vst v33;
	v17 =	vadd.f32 v17, v36;
	v33 =	vld [tilespmem:s2+$0x4850]  }
0xf9: {  	v36 =	vld [tilespmem:s10+$0x3870];
	[tilespmem:s2+$0x4470] =	vst v15;
	v15 =	vadd.f32 v19, v37  }
0xfa: {  	[tilespmem:s2+$0x4800] =	vst v17;
	v17 =	vadd.f32 v20, v38;
	v19 =	vld [tilespmem:s2+$0x4870]  }
0xfb: {  	[tilespmem:s2+$0x4810] =	vst v15;
	v15 =	vadd.f32 v18, v34;
	v18 =	vld [tilespmem:s2+$0x4C00]  }
0xfc: {  	[tilespmem:s2+$0x4820] =	vst v17;
	v17 =	vadd.f32 v21, v35;
	v20 =	vld [tilespmem:s2+$0x4C10]  }
0xfd: {  	[tilespmem:s2+$0x4830] =	vst v15;
	v15 =	vadd.f32 v23, v33;
	v21 =	vld [tilespmem:s2+$0x4C20]  }
0xfe: {  	v14 =	vadd.f32 v24, v14;
	v16 =	vadd.f32 v36, v16;
	[tilespmem:s2+$0x4840] =	vst v17;
	v17 =	vld [tilespmem:s2+$0x4C30]  }
0xff: {  	[tilespmem:s2+$0x4850] =	vst v15;
	v15 =	vadd.f32 v25, v19;
	v19 =	vld [tilespmem:s2+$0x4C40]  }
0x100: {  	[tilespmem:s2+$0x4860] =	vst v14;
	v14 =	vadd.f32 v26, v18;
	v18 =	vld [tilespmem:s2+$0x4C50]  }
0x101: {  	[tilespmem:s2+$0x4870] =	vst v15;
	v15 =	vadd.f32 v22, v20;
	v20 =	vld [tilespmem:s2+$0x4C60]  }
0x102: {  	[tilespmem:s2+$0x4C00] =	vst v14;
	v14 =	vadd.f32 v27, v21;
	v21 =	vld [tilespmem:s2+$0x4C70]  }
0x103: {  	v22 =	vld [tilespmem:s2+$0xA420];
	[tilespmem:s2+$0x4C10] =	vst v15;
	v15 =	vadd.f32 v29, v17  }
0x104: {  	v17 =	vld [tilespmem:s2+$0x4430];
	[tilespmem:s2+$0x4C20] =	vst v14;
	v14 =	vadd.f32 v30, v19  }
0x105: {  	v19 =	vld [tilespmem:s2+$0xA430];
	[tilespmem:s2+$0x4C30] =	vst v15;
	v15 =	vadd.f32 v31, v18  }
0x106: {  	v18 =	vld [tilespmem:s2+$0x4440];
	[tilespmem:s2+$0x4C40] =	vst v14;
	v14 =	vadd.f32 v32, v20  }
0x107: {  	v20 =	vld [tilespmem:s2+$0xA440];
	[tilespmem:s2+$0x4C50] =	vst v15;
	v15 =	vadd.f32 v28, v21  }
0x108: {  	s10 =	sshrl.u32 s22, $0x3;
	v13 =	vadd.f32 v22, v13;
	v21 =	vld [tilespmem:s2+$0x4450];
	[tilespmem:s2+$0x4C60] =	vst v14  }
0x109: {  	s14 =	sadd.s32 $0x80, s14;
	s11 =	smul.u32 $0x1800, s10;
	v22 =	vld [tilespmem:s2+$0xA450];
	[tilespmem:s2+$0x4C70] =	vst v15  }
.Ltmp0:
0x10a: {  	s10 =	sand.u32 $0x380, s14;
	[tilespmem:s2+$0x3C70] =	vst v16;
	v15 =	vadd.f32 v19, v17;
	v14 =	vld [tilespmem:s2+$0x4460];
	(pc) =	sbr.rel @p0 .LBB2_2-.Ltmp0, $4  }
0x10b: {  	s10 =	sor.u32 s10, s11;
	[tilespmem:s2+$0x4000] =	vst v4;
	v16 =	vld [tilespmem:s2+$0xA460]  }
0x10c: {  	v4 =	vld [tilespmem:s10+$0x3800];
	[tilespmem:s2+$0x4010] =	vst v5;
	v17 =	vadd.f32 v20, v18  }
0x10d: {  	v5 =	vld [tilespmem:s10+$0x9800];
	[tilespmem:s2+$0x4020] =	vst v11  }
0x10e: {  	s22 =	sadd.s32 $0x1, s22;
	v11 =	vld [tilespmem:s10+$0x3810];
	[tilespmem:s2+$0x4030] =	vst v12;
	v12 =	vadd.f32 v22, v21  }
0x10f: {  	v18 =	vld [tilespmem:s10+$0x9810];
	[tilespmem:s2+$0x4040] =	vst v3  }
0x110: {  	v19 =	vld [tilespmem:s10+$0x3820];
	[tilespmem:s2+$0x4050] =	vst v6  }
0x111: {  	v6 =	vld [tilespmem:s10+$0x9820];
	[tilespmem:s2+$0x4060] =	vst v7  }
0x112: {  	v7 =	vld [tilespmem:s10+$0x3830];
	[tilespmem:s2+$0x4070] =	vst v8  }
0x113: {  	v8 =	vld [tilespmem:s10+$0x9830];
	[tilespmem:s2+$0x4400] =	vst v9  }
0x114: {  	v9 =	vld [tilespmem:s10+$0x3850];
	[tilespmem:s2+$0x4410] =	vst v10  }
0x115: {  	v10 =	vld [tilespmem:s10+$0x9850];
	[tilespmem:s2+$0x4420] =	vst v13  }
0x116: {  	v13 =	vld [tilespmem:s10+$0x3860];
	[tilespmem:s2+$0x4430] =	vst v15  }
0x117: {  	v3 =	vadd.f32 v16, v14;
	v15 =	vld [tilespmem:s10+$0x9860];
	[tilespmem:s2+$0x4440] =	vst v17  }
0x118: {  	v4 =	vadd.f32 v5, v4;
	v17 =	vld [tilespmem:s10+$0x3870];
	[tilespmem:s2+$0x4450] =	vst v12  }
0x119: {  	v50 =	vadd.f32 v18, v11;
	v12 =	vld [tilespmem:s10+$0x9870];
	[tilespmem:s2+$0x4460] =	vst v3  }
0x11a: {  	v6 =	vadd.f32 v6, v19;
	[tilespmem:s10+$0x3800] =	vst v4  }
0x11b: {  	v7 =	vadd.f32 v8, v7;
	[tilespmem:s10+$0x3810] =	vst v50  }
0x11c: {  	[tilespmem:s10+$0x3820] =	vst v6;
	v51 =	vadd.f32 v10, v9  }
0x11d: {  	[tilespmem:s10+$0x3830] =	vst v7;
	v52 =	vadd.f32 v15, v13  }
0x11e: {  	v54 =	vld [tilespmem:s10+$0x3840];
	[tilespmem:s10+$0x3850] =	vst v51;
	v53 =	vadd.f32 v12, v17  }
0x11f: {  	s24 =	sor.u32 s11, s14;
	v55 =	vld [tilespmem:s10+$0x9840];
	[tilespmem:s10+$0x3860] =	vst v52  }
0x120: {  	s2 =	sor.u32 $0x6400, s24;
	v56 =	vld [tilespmem:s10+$0x3C00];
	[tilespmem:s10+$0x3870] =	vst v53  }
0x121: {  	v8 =	vld [tilespmem:s2+$0x3800];
	_ =	sdelay $0x3  }
0x122: {  	v21 =	vld [tilespmem:s10+$0x4400];
	v9 =	vadd.f32 v55, v54  }
0x123: {  	v23 =	vld [tilespmem:s10+$0x4410];
	v7 =	vadd.f32 v8, v56  }
0x124: {  	v3 =	vld [tilespmem:s10+$0x4000];
	[tilespmem:s10+$0x3840] =	vst v9  }
0x125: {  	v57 =	vld [tilespmem:s10+$0x3C10];
	[tilespmem:s10+$0x3C00] =	vst v7  }
0x126: {  	v9 =	vld [tilespmem:s2+$0x3810]  }
0x127: {  	v4 =	vld [tilespmem:s10+$0xA000]  }
0x128: {  	v5 =	vld [tilespmem:s10+$0x4010]  }
0x129: {  	v6 =	vld [tilespmem:s10+$0xA010]  }
0x12a: {  	v11 =	vld [tilespmem:s10+$0x4020]  }
0x12b: {  	v10 =	vld [tilespmem:s10+$0xA030];
	v7 =	vadd.f32 v9, v57  }
0x12c: {  	v14 =	vld [tilespmem:s10+$0x4040]  }
0x12d: {  	v58 =	vld [tilespmem:s10+$0x3C20];
	[tilespmem:s10+$0x3C10] =	vst v7  }
0x12e: {  	v20 =	vld [tilespmem:s2+$0x3820]  }
0x12f: {  	v16 =	vld [tilespmem:s10+$0xA050]  }
0x130: {  	v18 =	vld [tilespmem:s10+$0xA060]  }
0x131: {  	v19 =	vld [tilespmem:s10+$0xA070]  }
0x132: {  	v22 =	vld [tilespmem:s10+$0xA400]  }
0x133: {  	v24 =	vld [tilespmem:s10+$0xA410];
	v7 =	vadd.f32 v20, v58  }
0x134: {  	v59 =	vld [tilespmem:s10+$0x3C30]  }
0x135: {  	v26 =	vld [tilespmem:s10+$0xA470];
	[tilespmem:s10+$0x3C20] =	vst v7  }
0x136: {  	v25 =	vld [tilespmem:s2+$0x3830]  }
0x137: {  	v27 =	vld [tilespmem:s10+$0xA800]  }
0x138: {  	v28 =	vld [tilespmem:s10+$0xA810]  }
0x139: {  	v29 =	vld [tilespmem:s10+$0xA820]  }
0x13a: {  	v60 =	vld [tilespmem:s10+$0xA830]  }
0x13b: {  	v30 =	vld [tilespmem:s10+$0xA840];
	v7 =	vadd.f32 v25, v59  }
0x13c: {  	v31 =	vld [tilespmem:s10+$0x3C70]  }
0x13d: {  	v61 =	vld [tilespmem:s10+$0x3C40];
	[tilespmem:s10+$0x3C30] =	vst v7  }
0x13e: {  	v32 =	vld [tilespmem:s2+$0x3840]  }
0x13f: {  	v33 =	vld [tilespmem:s10+$0xA850]  }
0x140: {  	v34 =	vld [tilespmem:s10+$0xA860]  }
0x141: {  	v35 =	vld [tilespmem:s10+$0xA870]  }
0x142: {  	v36 =	vld [tilespmem:s10+$0xAC00]  }
0x143: {  	v37 =	vld [tilespmem:s10+$0xAC20];
	v7 =	vadd.f32 v32, v61  }
0x144: {  	v62 =	vld [tilespmem:s10+$0x3C50]  }
0x145: {  	v39 =	vld [tilespmem:s10+$0xAC30];
	[tilespmem:s10+$0x3C40] =	vst v7  }
0x146: {  	v38 =	vld [tilespmem:s2+$0x3850]  }
0x147: {  	v40 =	vld [tilespmem:s10+$0xAC40]  }
0x148: {  	v41 =	vld [tilespmem:s10+$0xAC50]  }
0x149: {  	v42 =	vld [tilespmem:s10+$0xAC60]  }
0x14a: {  	v43 =	vld [tilespmem:s10+$0x3C60]  }
0x14b: {  	v45 =	vld [tilespmem:s10+$0x4470];
	v7 =	vadd.f32 v38, v62  }
0x14c: {  	v46 =	vld [tilespmem:s10+$0x4800]  }
0x14d: {  	v47 =	vld [tilespmem:s10+$0x4810];
	[tilespmem:s10+$0x3C50] =	vst v7  }
0x14e: {  	v44 =	vld [tilespmem:s2+$0x3860]  }
0x14f: {  	v48 =	vld [tilespmem:s10+$0x4820]  }
0x150: {  	v63 =	vld [tilespmem:s10+$0x4830]  }
0x151: {  	v49 =	vld [tilespmem:s10+$0x4840]  }
0x152: {  	v50 =	vld [tilespmem:s10+$0x4440]  }
0x153: {  	v13 =	vld [tilespmem:s10+$0x4030];
	v43 =	vadd.f32 v44, v43  }
0x154: {  	v52 =	vld [tilespmem:s10+$0x4850];
	v26 =	vadd.f32 v26, v45  }
0x155: {  	v27 =	vadd.f32 v27, v46;
	v7 =	vld [tilespmem:s10+$0x4860];
	[tilespmem:s10+$0x3C60] =	vst v43  }
0x156: {  	v54 =	vadd.f32 v28, v47;
	v53 =	vld [tilespmem:s2+$0x3870];
	[tilespmem:s10+$0x4470] =	vst v26  }
0x157: {  	v55 =	vadd.f32 v29, v48;
	v59 =	vld [tilespmem:s10+$0x4870];
	[tilespmem:s10+$0x4800] =	vst v27  }
0x158: {  	v56 =	vld [tilespmem:s10+$0x4C00];
	v25 =	vadd.f32 v60, v63;
	[tilespmem:s10+$0x4810] =	vst v54  }
0x159: {  	v58 =	vadd.f32 v30, v49;
	v62 =	vld [tilespmem:s10+$0x4C30];
	[tilespmem:s10+$0x4820] =	vst v55  }
0x15a: {  	v63 =	vld [tilespmem:s10+$0x4C40];
	v61 =	vadd.f32 v33, v52;
	[tilespmem:s10+$0x4830] =	vst v25  }
0x15b: {  	v15 =	vld [tilespmem:s10+$0x4050];
	v7 =	vadd.f32 v34, v7;
	[tilespmem:s10+$0x4840] =	vst v58  }
0x15c: {  	v51 =	vld [tilespmem:s10+$0xA440];
	v29 =	vadd.f32 v35, v59;
	[tilespmem:s10+$0x4850] =	vst v61  }
0x15d: {  	v47 =	vld [tilespmem:s10+$0x4C60];
	v36 =	vadd.f32 v36, v56;
	[tilespmem:s10+$0x4860] =	vst v7  }
0x15e: {  	v9 =	vld [tilespmem:s10+$0x4070];
	v28 =	vadd.f32 v39, v62;
	[tilespmem:s10+$0x4870] =	vst v29  }
0x15f: {  	v57 =	vld [tilespmem:s10+$0x4C10];
	v30 =	vadd.f32 v40, v63;
	[tilespmem:s10+$0x4C00] =	vst v36  }
0x160: {  	v3 =	vadd.f32 v4, v3;
	v32 =	vld [tilespmem:s10+$0xAC10];
	[tilespmem:s10+$0x4C30] =	vst v28  }
0x161: {  	v5 =	vadd.f32 v6, v5;
	v60 =	vld [tilespmem:s10+$0x4C20];
	[tilespmem:s10+$0x4C40] =	vst v30  }
0x162: {  	v10 =	vadd.f32 v10, v13;
	v49 =	vld [tilespmem:s10+$0x4C70];
	[tilespmem:s10+$0x4000] =	vst v3  }
0x163: {  	v59 =	vadd.f32 v19, v9;
	v38 =	vld [tilespmem:s10+$0xAC70];
	[tilespmem:s10+$0x4010] =	vst v5  }
0x164: {  	v12 =	vld [tilespmem:s10+$0xA020];
	v62 =	vadd.f32 v51, v50;
	[tilespmem:s10+$0x4030] =	vst v10  }
0x165: {  	v8 =	vld [tilespmem:s10+$0xA040];
	v27 =	vadd.f32 v32, v57;
	[tilespmem:s10+$0x4070] =	vst v59  }
0x166: {  	v17 =	vld [tilespmem:s10+$0x4060];
	v25 =	vadd.f32 v37, v60;
	[tilespmem:s10+$0x4440] =	vst v62  }
0x167: {  	v46 =	vld [tilespmem:s10+$0x4430];
	v29 =	vadd.f32 v42, v47;
	[tilespmem:s10+$0x4C10] =	vst v27  }
0x168: {  	v20 =	vld [tilespmem:s10+$0x4420];
	v32 =	vadd.f32 v38, v49;
	[tilespmem:s10+$0x4C20] =	vst v25  }
0x169: {  	v44 =	vld [tilespmem:s10+$0xA420];
	v3 =	vadd.f32 v12, v11;
	[tilespmem:s10+$0x4C60] =	vst v29  }
0x16a: {  	v43 =	vld [tilespmem:s10+$0x4C50];
	v57 =	vadd.f32 v8, v14;
	[tilespmem:s10+$0x4C70] =	vst v32  }
0x16b: {  	v48 =	vld [tilespmem:s10+$0xA430];
	v58 =	vadd.f32 v18, v17;
	[tilespmem:s10+$0x4020] =	vst v3  }
0x16c: {  	v56 =	vld [tilespmem:s10+$0xA460];
	v60 =	vadd.f32 v24, v23;
	[tilespmem:s10+$0x4040] =	vst v57  }
0x16d: {  	v52 =	vld [tilespmem:s10+$0x4450];
	v3 =	vadd.f32 v16, v15;
	[tilespmem:s10+$0x4060] =	vst v58  }
0x16e: {  	v54 =	vld [tilespmem:s10+$0xA450];
	v61 =	vadd.f32 v44, v20;
	[tilespmem:s10+$0x4410] =	vst v60  }
0x16f: {  	v55 =	vld [tilespmem:s10+$0x4460];
	v26 =	vadd.f32 v41, v43;
	[tilespmem:s10+$0x4050] =	vst v3  }
0x170: {  	v3 =	vadd.f32 v22, v21;
	[tilespmem:s10+$0x4420] =	vst v61  }
0x171: {  	s1 =	simm.s32 $0x0;
	v53 =	vadd.f32 v53, v31;
	[tilespmem:s10+$0x4C50] =	vst v26  }
0x172: {  	s2 =	smul.u32 $0x6000, s1;
	[tilespmem:s10+$0x4400] =	vst v3;
	v3 =	vadd.f32 v48, v46  }
0x173: {  	s9 =	simm.s32 $0x0;
	v63 =	vadd.f32 v54, v52;
	[tilespmem:s10+$0x3C70] =	vst v53  }
0x174: {  	s11 =	sand.u32 $0x380, s9;
	s2 =	sshra.s32 s2, $0x2;
	[tilespmem:s10+$0x4430] =	vst v3;
	v3 =	vadd.f32 v56, v55  }
0x175: {  	s12 =	sor.u32 s11, s2;
	[tilespmem:s10+$0x4450] =	vst v63  }
0x176: {  	s14 =	sadd.s32 $0x0, s23;
	s2 =	sadd.s32 $0x3800, s12;
	[tilespmem:s10+$0x4460] =	vst v3  }
0x177: {  	[spmem:s14] =	stream.linear.scatter [tilespmem:s2], [sflag:$0x8], $0x80, $0x38;
	[tilespmem:$0x15900] =	vst v63  }
0x178: {  	s11 =	sadd.s32 $0x80, s14;
	s10 =	sadd.s32 $0x3C00, s12  }
0x179: {  	[spmem:s11] =	stream.linear.scatter [tilespmem:s10], [sflag:$0x8], $0x80, $0x38;
	[tilespmem:$0x15900] =	vst v63  }
0x17a: {  	s22 =	sadd.s32 $0x100, s14;
	s24 =	simm.s32 $0x80;
	s13 =	sadd.s32 $0x4000, s12  }
0x17b: {  	[spmem:s22] =	stream.linear.scatter [tilespmem:s13], [sflag:$0x8], $0x80, $0x38;
	[tilespmem:$0x15900] =	vst v63  }
0x17c: {  	s1 =	sadd.s32 $0x4400, s12;
	s9 =	sadd.s32 $0x4800, s12;
	s22 =	sadd.s32 $0x180, s14  }
0x17d: {  	[spmem:s22] =	stream.linear.scatter [tilespmem:s1], [sflag:$0x8], $0x80, $0x38;
	[tilespmem:$0x15900] =	vst v63  }
0x17e: {  	s12 =	sadd.s32 $0x4C00, s12;
	s2 =	simm.s32 $0x1800;
	s13 =	sadd.s32 $0x200, s14  }
0x17f: {  	[spmem:s13] =	stream.linear.scatter [tilespmem:s9], [sflag:$0x8], $0x80, $0x38;
	[tilespmem:$0x15900] =	vst v63  }
0x180: {  	s10 =	simm.s32 $0xC00;
	s11 =	sand.u32 $0x380, s24;
	s14 =	sadd.s32 $0x280, s14  }
0x181: {  	[spmem:s14] =	stream.linear.scatter [tilespmem:s12], [sflag:$0x8], $0x80, $0x38;
	[tilespmem:$0x15900] =	vst v63  }
0x182: {  	s24 =	simm.s32 $0x0;
	s22 =	simm.s32 $0x100;
	_ =	swait.ge [sflag:s25], $0x300  }
0x183: {  	s14 =	simm.s32 $0x1;
	s12 =	smul.u32 $0x6000, s24;
	[sflag:s25] =	ssyncset.done $0x0  }
.LBB2_4:
0x184: {  	s13 =	sand.u32 $0x380, s22  }
0x185: {  	s12 =	sshra.s32 s12, $0x2;
	[sflag:s25] =	ssyncadd.s32 $0xFFFFFD00;
	s9 =	smov.u32 s2  }
0x186: {  	p0 =	sne.s32 s2, $0xB400;
	s10 =	sshra.s32 s10, $0x2;
	s12 =	sor.u32 s11, s12  }
0x187: {  	s2 =	sadd.s32 $0xC00, s2;
	s1 =	sadd.s32 s10, s23;
	s10 =	sadd.s32 $0x3800, s12  }
0x188: {  	[spmem:s1] =	stream.linear.scatter [tilespmem:s10], [sflag:$0x8], $0x80, $0x38;
	[tilespmem:$0x15900] =	vst v63  }
0x189: {  	s11 =	smov.u32 s13;
	s24 =	sadd.s32 $0x80, s1;
	s10 =	sadd.s32 $0x3C00, s12  }
0x18a: {  	[spmem:s24] =	stream.linear.scatter [tilespmem:s10], [sflag:$0x8], $0x80, $0x38;
	[tilespmem:$0x15900] =	vst v63  }
0x18b: {  	s13 =	sadd.s32 $0x4000, s12;
	s24 =	sadd.s32 $0x100, s1;
	s10 =	smov.u32 s9  }
0x18c: {  	[spmem:s24] =	stream.linear.scatter [tilespmem:s13], [sflag:$0x8], $0x80, $0x38;
	[tilespmem:$0x15900] =	vst v63  }
0x18d: {  	s9 =	sadd.s32 $0x4400, s12;
	s13 =	sadd.s32 $0x180, s1  }
0x18e: {  	[spmem:s13] =	stream.linear.scatter [tilespmem:s9], [sflag:$0x8], $0x80, $0x38;
	[tilespmem:$0x15900] =	vst v63  }
0x18f: {  	s14 =	sadd.s32 $0x1, s14;
	s9 =	sadd.s32 $0x4800, s12;
	s13 =	sadd.s32 $0x200, s1  }
0x190: {  	[spmem:s13] =	stream.linear.scatter [tilespmem:s9], [sflag:$0x8], $0x80, $0x38;
	[tilespmem:$0x15900] =	vst v63  }
.Ltmp1:
0x191: {  	_ = 	snop;
	(pc) =	sbr.rel @p0 .LBB2_4-.Ltmp1, $4  }
0x192: {  	s12 =	sadd.s32 $0x4C00, s12;
	s1 =	sadd.s32 $0x280, s1;
	s9 =	sshrl.u32 s14, $0x3  }
0x193: {  	[spmem:s1] =	stream.linear.scatter [tilespmem:s12], [sflag:$0x8], $0x80, $0x38;
	[tilespmem:$0x15900] =	vst v63  }
0x194: {  	s12 =	smul.u32 $0x6000, s9;
	_ =	swait.ge [sflag:s25], $0x300  }
0x195: {  	s22 =	sadd.s32 $0x80, s22;
	[sflag:s25] =	ssyncset.done $0x0  }
0x196: {  	s1 =	sshra.s32 s12, $0x2  }
0x197: {  	s2 =	sshra.s32 s10, $0x2;
	s1 =	sor.u32 s11, s1  }
0x198: {  	[sflag:s25] =	ssyncadd.s32 $0xFFFFFD00;
	s2 =	sadd.s32 s2, s23;
	s9 =	sadd.s32 $0x3800, s1  }
0x199: {  	[spmem:s2] =	stream.linear.scatter [tilespmem:s9], [sflag:$0x8], $0x80, $0x38;
	[tilespmem:$0x15900] =	vst v63  }
0x19a: {  	s22 =	sadd.s32 $0x3C00, s1;
	s24 =	sadd.s32 $0x80, s2  }
0x19b: {  	[spmem:s24] =	stream.linear.scatter [tilespmem:s22], [sflag:$0x8], $0x80, $0x38;
	[tilespmem:$0x15900] =	vst v63  }
0x19c: {  	s11 =	sadd.s32 $0x4000, s1;
	s12 =	sadd.s32 $0x100, s2  }
0x19d: {  	[spmem:s12] =	stream.linear.scatter [tilespmem:s11], [sflag:$0x8], $0x80, $0x38;
	[tilespmem:$0x15900] =	vst v63  }
0x19e: {  	s13 =	sadd.s32 $0x4400, s1;
	s14 =	sadd.s32 $0x180, s2  }
0x19f: {  	[spmem:s14] =	stream.linear.scatter [tilespmem:s13], [sflag:$0x8], $0x80, $0x38;
	[tilespmem:$0x15900] =	vst v63  }
0x1a0: {  	s22 =	sadd.s32 $0x4800, s1;
	s24 =	sadd.s32 $0x200, s2  }
0x1a1: {  	[spmem:s24] =	stream.linear.scatter [tilespmem:s22], [sflag:$0x8], $0x80, $0x38;
	[tilespmem:$0x15900] =	vst v63  }
0x1a2: {  	s1 =	sadd.s32 $0x4C00, s1;
	s2 =	sadd.s32 $0x280, s2  }
0x1a3: {  	[spmem:s2] =	stream.linear.scatter [tilespmem:s1], [sflag:$0x8], $0x80, $0x38;
	[tilespmem:$0x15900] =	vst v63  }
0x1a4: {  	_ =	swait.ge [sflag:s25], $0x300  }
0x1a5: {  	[sflag:s25] =	ssyncset.done $0x0  }
0x1a6: {  	p0 =	por $0x1, $0x1;
	[sflag:s25] =	ssyncadd.s32 $0xFFFFFD00  }
0x1a7: {  	s10 =	simm.s32 $0x0;
	s2 =	simm.s32 $0x0;
	[bflag:$0x0] =	sbarrier.arrive $0xFFFF  }
.LBB2_6:
0x1a8: {  	s1 =	sshll.u32 s10, $0x4  }
0x1a9: {  	s1 =	sand.u32 $0x3FFFFFF0, s1  }
0x1aa: {  	v3 =	vld [tilespmem:s1+$0x3000];
	_ =	sdelay $0x4  }
0x1ab: {  	v3 =	vmul.u32 $0xC00, v3;
	_ =	sdelay $0x1  }
0x1ac: {  	v3 =	vshra.s32 v3, $0x2  }
0x1ad: {  	v3 =	vadd.s32 s4, v3  }
0x1ae: {  	(v2sf) =	vpush v3, $0x0;
	_ =	sdelay $0xb  }
0x1af: {  	s14 =	smul.u32 $0xC000, s10;
	(v2sf) =	vpush v3, $0x1;
	_ =	sdelay $0x1  }
0x1b0: {  	s14 =	sshra.s32 s14, $0x2  }
0x1b1: {  	s1 =	sadd.s32 $0x3800, s14;
	s9 =	spop (v2sf)  }
0x1b2: {  	[tilespmem:s1], [sflag:$0x4] =	stream.linear.gather [spmem:s9], $0x80, $0x38;
	[tilespmem:$0x15900] =	vst v63  }
0x1b3: {  	s24 =	sadd.s32 $0x3C00, s14;
	s22 =	sadd.s32 $0x80, s9  }
0x1b4: {  	[tilespmem:s24], [sflag:$0x4] =	stream.linear.gather [spmem:s22], $0x80, $0x38;
	[tilespmem:$0x15900] =	vst v63  }
0x1b5: {  	s11 =	sadd.s32 $0x4000, s14;
	s10 =	sadd.s32 $0x100, s9  }
0x1b6: {  	[tilespmem:s11], [sflag:$0x4] =	stream.linear.gather [spmem:s10], $0x80, $0x38;
	[tilespmem:$0x15900] =	vst v63  }
0x1b7: {  	s13 =	sadd.s32 $0x4400, s14;
	s12 =	sadd.s32 $0x180, s9  }
0x1b8: {  	[tilespmem:s13], [sflag:$0x4] =	stream.linear.gather [spmem:s12], $0x80, $0x38;
	[tilespmem:$0x15900] =	vst v63  }
0x1b9: {  	s22 =	sadd.s32 $0x200, s9;
	s24 =	sadd.s32 $0x4800, s14  }
0x1ba: {  	(v2sf) =	vpush v3, $0x2;
	[tilespmem:s24], [sflag:$0x4] =	stream.linear.gather [spmem:s22], $0x80, $0x38;
	[tilespmem:$0x15900] =	vst v63  }
0x1bb: {  	s11 =	sadd.s32 $0x280, s9;
	s12 =	sadd.s32 $0x4C00, s14  }
0x1bc: {  	[tilespmem:s12], [sflag:$0x4] =	stream.linear.gather [spmem:s11], $0x80, $0x38;
	[tilespmem:$0x15900] =	vst v63  }
0x1bd: {  	s9 =	spop (v2sf);
	s13 =	sadd.s32 $0x3880, s14  }
0x1be: {  	[tilespmem:s13], [sflag:$0x4] =	stream.linear.gather [spmem:s9], $0x80, $0x38;
	[tilespmem:$0x15900] =	vst v63  }
0x1bf: {  	s22 =	sadd.s32 $0x80, s9;
	s24 =	sadd.s32 $0x3C80, s14  }
0x1c0: {  	[tilespmem:s24], [sflag:$0x4] =	stream.linear.gather [spmem:s22], $0x80, $0x38;
	[tilespmem:$0x15900] =	vst v63  }
0x1c1: {  	s10 =	sadd.s32 $0x100, s9;
	s11 =	sadd.s32 $0x4080, s14  }
0x1c2: {  	[tilespmem:s11], [sflag:$0x4] =	stream.linear.gather [spmem:s10], $0x80, $0x38;
	[tilespmem:$0x15900] =	vst v63  }
0x1c3: {  	s12 =	sadd.s32 $0x180, s9;
	s13 =	sadd.s32 $0x4480, s14  }
0x1c4: {  	[tilespmem:s13], [sflag:$0x4] =	stream.linear.gather [spmem:s12], $0x80, $0x38;
	[tilespmem:$0x15900] =	vst v63  }
0x1c5: {  	s22 =	sadd.s32 $0x200, s9;
	s24 =	sadd.s32 $0x4880, s14  }
0x1c6: {  	(v2sf) =	vpush v3, $0x3;
	[tilespmem:s24], [sflag:$0x4] =	stream.linear.gather [spmem:s22], $0x80, $0x38;
	[tilespmem:$0x15900] =	vst v63  }
0x1c7: {  	s11 =	sadd.s32 $0x280, s9;
	s12 =	sadd.s32 $0x4C80, s14  }
0x1c8: {  	[tilespmem:s12], [sflag:$0x4] =	stream.linear.gather [spmem:s11], $0x80, $0x38;
	[tilespmem:$0x15900] =	vst v63  }
0x1c9: {  	s9 =	spop (v2sf);
	s13 =	sadd.s32 $0x3900, s14  }
0x1ca: {  	[tilespmem:s13], [sflag:$0x4] =	stream.linear.gather [spmem:s9], $0x80, $0x38;
	[tilespmem:$0x15900] =	vst v63  }
0x1cb: {  	s22 =	sadd.s32 $0x80, s9;
	s24 =	sadd.s32 $0x3D00, s14  }
0x1cc: {  	[tilespmem:s24], [sflag:$0x4] =	stream.linear.gather [spmem:s22], $0x80, $0x38;
	[tilespmem:$0x15900] =	vst v63  }
0x1cd: {  	s10 =	sadd.s32 $0x100, s9;
	s11 =	sadd.s32 $0x4100, s14  }
0x1ce: {  	[tilespmem:s11], [sflag:$0x4] =	stream.linear.gather [spmem:s10], $0x80, $0x38;
	[tilespmem:$0x15900] =	vst v63  }
0x1cf: {  	s12 =	sadd.s32 $0x180, s9;
	s13 =	sadd.s32 $0x4500, s14  }
0x1d0: {  	[tilespmem:s13], [sflag:$0x4] =	stream.linear.gather [spmem:s12], $0x80, $0x38;
	[tilespmem:$0x15900] =	vst v63  }
0x1d1: {  	s22 =	sadd.s32 $0x200, s9;
	s24 =	sadd.s32 $0x4900, s14  }
0x1d2: {  	(v2sf) =	vpush v3, $0x4;
	[tilespmem:s24], [sflag:$0x4] =	stream.linear.gather [spmem:s22], $0x80, $0x38;
	[tilespmem:$0x15900] =	vst v63  }
0x1d3: {  	s11 =	sadd.s32 $0x280, s9;
	s12 =	sadd.s32 $0x4D00, s14  }
0x1d4: {  	[tilespmem:s12], [sflag:$0x4] =	stream.linear.gather [spmem:s11], $0x80, $0x38;
	[tilespmem:$0x15900] =	vst v63  }
0x1d5: {  	s9 =	spop (v2sf);
	s13 =	sadd.s32 $0x3980, s14  }
0x1d6: {  	[tilespmem:s13], [sflag:$0x4] =	stream.linear.gather [spmem:s9], $0x80, $0x38;
	[tilespmem:$0x15900] =	vst v63  }
0x1d7: {  	s22 =	sadd.s32 $0x80, s9;
	s24 =	sadd.s32 $0x3D80, s14  }
0x1d8: {  	[tilespmem:s24], [sflag:$0x4] =	stream.linear.gather [spmem:s22], $0x80, $0x38;
	[tilespmem:$0x15900] =	vst v63  }
0x1d9: {  	s10 =	sadd.s32 $0x100, s9;
	s11 =	sadd.s32 $0x4180, s14  }
0x1da: {  	[tilespmem:s11], [sflag:$0x4] =	stream.linear.gather [spmem:s10], $0x80, $0x38;
	[tilespmem:$0x15900] =	vst v63  }
0x1db: {  	s12 =	sadd.s32 $0x180, s9;
	s13 =	sadd.s32 $0x4580, s14  }
0x1dc: {  	[tilespmem:s13], [sflag:$0x4] =	stream.linear.gather [spmem:s12], $0x80, $0x38;
	[tilespmem:$0x15900] =	vst v63  }
0x1dd: {  	s22 =	sadd.s32 $0x200, s9;
	s24 =	sadd.s32 $0x4980, s14  }
0x1de: {  	(v2sf) =	vpush v3, $0x5;
	[tilespmem:s24], [sflag:$0x4] =	stream.linear.gather [spmem:s22], $0x80, $0x38;
	[tilespmem:$0x15900] =	vst v63  }
0x1df: {  	s11 =	sadd.s32 $0x280, s9;
	s12 =	sadd.s32 $0x4D80, s14  }
0x1e0: {  	[tilespmem:s12], [sflag:$0x4] =	stream.linear.gather [spmem:s11], $0x80, $0x38;
	[tilespmem:$0x15900] =	vst v63  }
0x1e1: {  	s9 =	spop (v2sf);
	s13 =	sadd.s32 $0x3A00, s14  }
0x1e2: {  	[tilespmem:s13], [sflag:$0x4] =	stream.linear.gather [spmem:s9], $0x80, $0x38;
	[tilespmem:$0x15900] =	vst v63  }
0x1e3: {  	s22 =	sadd.s32 $0x80, s9;
	s24 =	sadd.s32 $0x3E00, s14  }
0x1e4: {  	[tilespmem:s24], [sflag:$0x4] =	stream.linear.gather [spmem:s22], $0x80, $0x38;
	[tilespmem:$0x15900] =	vst v63  }
0x1e5: {  	s10 =	sadd.s32 $0x100, s9;
	s11 =	sadd.s32 $0x4200, s14  }
0x1e6: {  	[tilespmem:s11], [sflag:$0x4] =	stream.linear.gather [spmem:s10], $0x80, $0x38;
	[tilespmem:$0x15900] =	vst v63  }
0x1e7: {  	s12 =	sadd.s32 $0x180, s9;
	s13 =	sadd.s32 $0x4600, s14  }
0x1e8: {  	[tilespmem:s13], [sflag:$0x4] =	stream.linear.gather [spmem:s12], $0x80, $0x38;
	[tilespmem:$0x15900] =	vst v63  }
0x1e9: {  	s22 =	sadd.s32 $0x200, s9;
	s24 =	sadd.s32 $0x4A00, s14  }
0x1ea: {  	(v2sf) =	vpush v3, $0x6;
	[tilespmem:s24], [sflag:$0x4] =	stream.linear.gather [spmem:s22], $0x80, $0x38;
	[tilespmem:$0x15900] =	vst v63  }
0x1eb: {  	s11 =	sadd.s32 $0x280, s9;
	s12 =	sadd.s32 $0x4E00, s14  }
0x1ec: {  	[tilespmem:s12], [sflag:$0x4] =	stream.linear.gather [spmem:s11], $0x80, $0x38;
	[tilespmem:$0x15900] =	vst v63  }
0x1ed: {  	s9 =	spop (v2sf);
	s13 =	sadd.s32 $0x3A80, s14  }
0x1ee: {  	[tilespmem:s13], [sflag:$0x4] =	stream.linear.gather [spmem:s9], $0x80, $0x38;
	[tilespmem:$0x15900] =	vst v63  }
0x1ef: {  	s22 =	sadd.s32 $0x80, s9;
	s24 =	sadd.s32 $0x3E80, s14  }
0x1f0: {  	[tilespmem:s24], [sflag:$0x4] =	stream.linear.gather [spmem:s22], $0x80, $0x38;
	[tilespmem:$0x15900] =	vst v63  }
0x1f1: {  	s10 =	sadd.s32 $0x100, s9;
	s11 =	sadd.s32 $0x4280, s14  }
0x1f2: {  	[tilespmem:s11], [sflag:$0x4] =	stream.linear.gather [spmem:s10], $0x80, $0x38;
	[tilespmem:$0x15900] =	vst v63  }
0x1f3: {  	s12 =	sadd.s32 $0x180, s9;
	s13 =	sadd.s32 $0x4680, s14  }
0x1f4: {  	[tilespmem:s13], [sflag:$0x4] =	stream.linear.gather [spmem:s12], $0x80, $0x38;
	[tilespmem:$0x15900] =	vst v63  }
0x1f5: {  	s22 =	sadd.s32 $0x200, s9;
	s24 =	sadd.s32 $0x4A80, s14  }
0x1f6: {  	(v2sf) =	vpush v3, $0x7;
	[tilespmem:s24], [sflag:$0x4] =	stream.linear.gather [spmem:s22], $0x80, $0x38;
	[tilespmem:$0x15900] =	vst v63  }
0x1f7: {  	s11 =	sadd.s32 $0x280, s9;
	s12 =	sadd.s32 $0x4E80, s14  }
0x1f8: {  	[tilespmem:s12], [sflag:$0x4] =	stream.linear.gather [spmem:s11], $0x80, $0x38;
	[tilespmem:$0x15900] =	vst v63  }
0x1f9: {  	s9 =	spop (v2sf);
	s13 =	sadd.s32 $0x3B00, s14  }
0x1fa: {  	[tilespmem:s13], [sflag:$0x4] =	stream.linear.gather [spmem:s9], $0x80, $0x38;
	[tilespmem:$0x15900] =	vst v63  }
0x1fb: {  	s22 =	sadd.s32 $0x80, s9;
	s24 =	sadd.s32 $0x3F00, s14  }
0x1fc: {  	[tilespmem:s24], [sflag:$0x4] =	stream.linear.gather [spmem:s22], $0x80, $0x38;
	[tilespmem:$0x15900] =	vst v63  }
0x1fd: {  	s10 =	sadd.s32 $0x100, s9;
	s11 =	sadd.s32 $0x4300, s14  }
0x1fe: {  	[tilespmem:s11], [sflag:$0x4] =	stream.linear.gather [spmem:s10], $0x80, $0x38;
	[tilespmem:$0x15900] =	vst v63  }
0x1ff: {  	s12 =	sadd.s32 $0x180, s9;
	s13 =	sadd.s32 $0x4700, s14  }
0x200: {  	[tilespmem:s13], [sflag:$0x4] =	stream.linear.gather [spmem:s12], $0x80, $0x38;
	[tilespmem:$0x15900] =	vst v63  }
0x201: {  	s22 =	sadd.s32 $0x200, s9;
	s24 =	sadd.s32 $0x4B00, s14  }
0x202: {  	(v2sf) =	vpush v3, $0x8;
	[tilespmem:s24], [sflag:$0x4] =	stream.linear.gather [spmem:s22], $0x80, $0x38;
	[tilespmem:$0x15900] =	vst v63  }
0x203: {  	s11 =	sadd.s32 $0x280, s9;
	s12 =	sadd.s32 $0x4F00, s14  }
0x204: {  	[tilespmem:s12], [sflag:$0x4] =	stream.linear.gather [spmem:s11], $0x80, $0x38;
	[tilespmem:$0x15900] =	vst v63  }
0x205: {  	s9 =	spop (v2sf);
	s13 =	sadd.s32 $0x3B80, s14  }
0x206: {  	[tilespmem:s13], [sflag:$0x4] =	stream.linear.gather [spmem:s9], $0x80, $0x38;
	[tilespmem:$0x15900] =	vst v63  }
0x207: {  	s22 =	sadd.s32 $0x80, s9;
	s24 =	sadd.s32 $0x3F80, s14  }
0x208: {  	[tilespmem:s24], [sflag:$0x4] =	stream.linear.gather [spmem:s22], $0x80, $0x38;
	[tilespmem:$0x15900] =	vst v63  }
0x209: {  	s10 =	sadd.s32 $0x100, s9;
	s11 =	sadd.s32 $0x4380, s14  }
0x20a: {  	[tilespmem:s11], [sflag:$0x4] =	stream.linear.gather [spmem:s10], $0x80, $0x38;
	[tilespmem:$0x15900] =	vst v63  }
0x20b: {  	s12 =	sadd.s32 $0x180, s9;
	s13 =	sadd.s32 $0x4780, s14  }
0x20c: {  	[tilespmem:s13], [sflag:$0x4] =	stream.linear.gather [spmem:s12], $0x80, $0x38;
	[tilespmem:$0x15900] =	vst v63  }
0x20d: {  	s22 =	sadd.s32 $0x200, s9;
	s24 =	sadd.s32 $0x4B80, s14  }
0x20e: {  	(v2sf) =	vpush v3, $0x9;
	[tilespmem:s24], [sflag:$0x4] =	stream.linear.gather [spmem:s22], $0x80, $0x38;
	[tilespmem:$0x15900] =	vst v63  }
0x20f: {  	s11 =	sadd.s32 $0x280, s9;
	s12 =	sadd.s32 $0x4F80, s14  }
0x210: {  	[tilespmem:s12], [sflag:$0x4] =	stream.linear.gather [spmem:s11], $0x80, $0x38;
	[tilespmem:$0x15900] =	vst v63  }
0x211: {  	s9 =	spop (v2sf);
	s13 =	sadd.s32 $0x5000, s14  }
0x212: {  	[tilespmem:s13], [sflag:$0x4] =	stream.linear.gather [spmem:s9], $0x80, $0x38;
	[tilespmem:$0x15900] =	vst v63  }
0x213: {  	s22 =	sadd.s32 $0x80, s9;
	s24 =	sadd.s32 $0x5400, s14  }
0x214: {  	[tilespmem:s24], [sflag:$0x4] =	stream.linear.gather [spmem:s22], $0x80, $0x38;
	[tilespmem:$0x15900] =	vst v63  }
0x215: {  	s10 =	sadd.s32 $0x100, s9;
	s11 =	sadd.s32 $0x5800, s14  }
0x216: {  	[tilespmem:s11], [sflag:$0x4] =	stream.linear.gather [spmem:s10], $0x80, $0x38;
	[tilespmem:$0x15900] =	vst v63  }
0x217: {  	s12 =	sadd.s32 $0x180, s9;
	s13 =	sadd.s32 $0x5C00, s14  }
0x218: {  	[tilespmem:s13], [sflag:$0x4] =	stream.linear.gather [spmem:s12], $0x80, $0x38;
	[tilespmem:$0x15900] =	vst v63  }
0x219: {  	s22 =	sadd.s32 $0x200, s9;
	s24 =	sadd.s32 $0x6000, s14  }
0x21a: {  	(v2sf) =	vpush v3, $0xA;
	[tilespmem:s24], [sflag:$0x4] =	stream.linear.gather [spmem:s22], $0x80, $0x38;
	[tilespmem:$0x15900] =	vst v63  }
0x21b: {  	s11 =	sadd.s32 $0x280, s9;
	s12 =	sadd.s32 $0x6400, s14  }
0x21c: {  	[tilespmem:s12], [sflag:$0x4] =	stream.linear.gather [spmem:s11], $0x80, $0x38;
	[tilespmem:$0x15900] =	vst v63  }
0x21d: {  	s9 =	spop (v2sf);
	s13 =	sadd.s32 $0x5080, s14  }
0x21e: {  	[tilespmem:s13], [sflag:$0x4] =	stream.linear.gather [spmem:s9], $0x80, $0x38;
	[tilespmem:$0x15900] =	vst v63  }
0x21f: {  	s22 =	sadd.s32 $0x80, s9;
	s24 =	sadd.s32 $0x5480, s14  }
0x220: {  	[tilespmem:s24], [sflag:$0x4] =	stream.linear.gather [spmem:s22], $0x80, $0x38;
	[tilespmem:$0x15900] =	vst v63  }
0x221: {  	s10 =	sadd.s32 $0x100, s9;
	s11 =	sadd.s32 $0x5880, s14  }
0x222: {  	[tilespmem:s11], [sflag:$0x4] =	stream.linear.gather [spmem:s10], $0x80, $0x38;
	[tilespmem:$0x15900] =	vst v63  }
0x223: {  	s12 =	sadd.s32 $0x180, s9;
	s13 =	sadd.s32 $0x5C80, s14  }
0x224: {  	[tilespmem:s13], [sflag:$0x4] =	stream.linear.gather [spmem:s12], $0x80, $0x38;
	[tilespmem:$0x15900] =	vst v63  }
0x225: {  	s22 =	sadd.s32 $0x200, s9;
	s24 =	sadd.s32 $0x6080, s14  }
0x226: {  	(v2sf) =	vpush v3, $0xB;
	[tilespmem:s24], [sflag:$0x4] =	stream.linear.gather [spmem:s22], $0x80, $0x38;
	[tilespmem:$0x15900] =	vst v63  }
0x227: {  	s11 =	sadd.s32 $0x280, s9;
	s12 =	sadd.s32 $0x6480, s14  }
0x228: {  	[tilespmem:s12], [sflag:$0x4] =	stream.linear.gather [spmem:s11], $0x80, $0x38;
	[tilespmem:$0x15900] =	vst v63  }
0x229: {  	s9 =	spop (v2sf);
	s13 =	sadd.s32 $0x5100, s14  }
0x22a: {  	[tilespmem:s13], [sflag:$0x4] =	stream.linear.gather [spmem:s9], $0x80, $0x38;
	[tilespmem:$0x15900] =	vst v63  }
0x22b: {  	s22 =	sadd.s32 $0x80, s9;
	s24 =	sadd.s32 $0x5500, s14  }
0x22c: {  	[tilespmem:s24], [sflag:$0x4] =	stream.linear.gather [spmem:s22], $0x80, $0x38;
	[tilespmem:$0x15900] =	vst v63  }
0x22d: {  	s10 =	sadd.s32 $0x100, s9;
	s11 =	sadd.s32 $0x5900, s14  }
0x22e: {  	[tilespmem:s11], [sflag:$0x4] =	stream.linear.gather [spmem:s10], $0x80, $0x38;
	[tilespmem:$0x15900] =	vst v63  }
0x22f: {  	s12 =	sadd.s32 $0x180, s9;
	s13 =	sadd.s32 $0x5D00, s14  }
0x230: {  	[tilespmem:s13], [sflag:$0x4] =	stream.linear.gather [spmem:s12], $0x80, $0x38;
	[tilespmem:$0x15900] =	vst v63  }
0x231: {  	s22 =	sadd.s32 $0x200, s9;
	s24 =	sadd.s32 $0x6100, s14  }
0x232: {  	(v2sf) =	vpush v3, $0xC;
	[tilespmem:s24], [sflag:$0x4] =	stream.linear.gather [spmem:s22], $0x80, $0x38;
	[tilespmem:$0x15900] =	vst v63  }
0x233: {  	s11 =	sadd.s32 $0x280, s9;
	s12 =	sadd.s32 $0x6500, s14  }
0x234: {  	[tilespmem:s12], [sflag:$0x4] =	stream.linear.gather [spmem:s11], $0x80, $0x38;
	[tilespmem:$0x15900] =	vst v63  }
0x235: {  	s9 =	spop (v2sf);
	s13 =	sadd.s32 $0x5180, s14  }
0x236: {  	[tilespmem:s13], [sflag:$0x4] =	stream.linear.gather [spmem:s9], $0x80, $0x38;
	[tilespmem:$0x15900] =	vst v63  }
0x237: {  	s22 =	sadd.s32 $0x80, s9;
	s24 =	sadd.s32 $0x5580, s14  }
0x238: {  	[tilespmem:s24], [sflag:$0x4] =	stream.linear.gather [spmem:s22], $0x80, $0x38;
	[tilespmem:$0x15900] =	vst v63  }
0x239: {  	s10 =	sadd.s32 $0x100, s9;
	s11 =	sadd.s32 $0x5980, s14  }
0x23a: {  	[tilespmem:s11], [sflag:$0x4] =	stream.linear.gather [spmem:s10], $0x80, $0x38;
	[tilespmem:$0x15900] =	vst v63  }
0x23b: {  	s12 =	sadd.s32 $0x180, s9;
	s13 =	sadd.s32 $0x5D80, s14  }
0x23c: {  	[tilespmem:s13], [sflag:$0x4] =	stream.linear.gather [spmem:s12], $0x80, $0x38;
	[tilespmem:$0x15900] =	vst v63  }
0x23d: {  	s22 =	sadd.s32 $0x200, s9;
	s24 =	sadd.s32 $0x6180, s14  }
0x23e: {  	(v2sf) =	vpush v3, $0xD;
	[tilespmem:s24], [sflag:$0x4] =	stream.linear.gather [spmem:s22], $0x80, $0x38;
	[tilespmem:$0x15900] =	vst v63  }
0x23f: {  	s11 =	sadd.s32 $0x280, s9;
	s12 =	sadd.s32 $0x6580, s14  }
0x240: {  	[tilespmem:s12], [sflag:$0x4] =	stream.linear.gather [spmem:s11], $0x80, $0x38;
	[tilespmem:$0x15900] =	vst v63  }
0x241: {  	s9 =	spop (v2sf);
	s13 =	sadd.s32 $0x5200, s14  }
0x242: {  	[tilespmem:s13], [sflag:$0x4] =	stream.linear.gather [spmem:s9], $0x80, $0x38;
	[tilespmem:$0x15900] =	vst v63  }
0x243: {  	s22 =	sadd.s32 $0x80, s9;
	s24 =	sadd.s32 $0x5600, s14  }
0x244: {  	[tilespmem:s24], [sflag:$0x4] =	stream.linear.gather [spmem:s22], $0x80, $0x38;
	[tilespmem:$0x15900] =	vst v63  }
0x245: {  	s10 =	sadd.s32 $0x100, s9;
	s11 =	sadd.s32 $0x5A00, s14  }
0x246: {  	[tilespmem:s11], [sflag:$0x4] =	stream.linear.gather [spmem:s10], $0x80, $0x38;
	[tilespmem:$0x15900] =	vst v63  }
0x247: {  	s12 =	sadd.s32 $0x180, s9;
	s13 =	sadd.s32 $0x5E00, s14  }
0x248: {  	[tilespmem:s13], [sflag:$0x4] =	stream.linear.gather [spmem:s12], $0x80, $0x38;
	[tilespmem:$0x15900] =	vst v63  }
0x249: {  	s22 =	sadd.s32 $0x200, s9;
	s24 =	sadd.s32 $0x6200, s14  }
0x24a: {  	(v2sf) =	vpush v3, $0xE;
	[tilespmem:s24], [sflag:$0x4] =	stream.linear.gather [spmem:s22], $0x80, $0x38;
	[tilespmem:$0x15900] =	vst v63  }
0x24b: {  	s11 =	sadd.s32 $0x280, s9;
	s12 =	sadd.s32 $0x6600, s14  }
0x24c: {  	[tilespmem:s12], [sflag:$0x4] =	stream.linear.gather [spmem:s11], $0x80, $0x38;
	[tilespmem:$0x15900] =	vst v63  }
0x24d: {  	s9 =	spop (v2sf);
	s13 =	sadd.s32 $0x5280, s14  }
0x24e: {  	[tilespmem:s13], [sflag:$0x4] =	stream.linear.gather [spmem:s9], $0x80, $0x38;
	[tilespmem:$0x15900] =	vst v63  }
0x24f: {  	s22 =	sadd.s32 $0x80, s9;
	s24 =	sadd.s32 $0x5680, s14  }
0x250: {  	[tilespmem:s24], [sflag:$0x4] =	stream.linear.gather [spmem:s22], $0x80, $0x38;
	[tilespmem:$0x15900] =	vst v63  }
0x251: {  	s10 =	sadd.s32 $0x100, s9;
	s11 =	sadd.s32 $0x5A80, s14  }
0x252: {  	[tilespmem:s11], [sflag:$0x4] =	stream.linear.gather [spmem:s10], $0x80, $0x38;
	[tilespmem:$0x15900] =	vst v63  }
0x253: {  	s12 =	sadd.s32 $0x180, s9;
	s13 =	sadd.s32 $0x5E80, s14  }
0x254: {  	[tilespmem:s13], [sflag:$0x4] =	stream.linear.gather [spmem:s12], $0x80, $0x38;
	[tilespmem:$0x15900] =	vst v63  }
0x255: {  	s22 =	sadd.s32 $0x200, s9;
	s24 =	sadd.s32 $0x6280, s14  }
0x256: {  	(v2sf) =	vpush v3, $0xF;
	[tilespmem:s24], [sflag:$0x4] =	stream.linear.gather [spmem:s22], $0x80, $0x38;
	[tilespmem:$0x15900] =	vst v63  }
0x257: {  	s11 =	sadd.s32 $0x280, s9;
	s12 =	sadd.s32 $0x6680, s14  }
0x258: {  	[tilespmem:s12], [sflag:$0x4] =	stream.linear.gather [spmem:s11], $0x80, $0x38;
	[tilespmem:$0x15900] =	vst v63  }
0x259: {  	s1 =	spop (v2sf);
	s13 =	sadd.s32 $0x5300, s14  }
0x25a: {  	[tilespmem:s13], [sflag:$0x4] =	stream.linear.gather [spmem:s1], $0x80, $0x38;
	[tilespmem:$0x15900] =	vst v63  }
0x25b: {  	s22 =	sadd.s32 $0x80, s1;
	s24 =	sadd.s32 $0x5700, s14  }
0x25c: {  	[tilespmem:s24], [sflag:$0x4] =	stream.linear.gather [spmem:s22], $0x80, $0x38;
	[tilespmem:$0x15900] =	vst v63  }
0x25d: {  	s10 =	sadd.s32 $0x100, s1;
	s11 =	sadd.s32 $0x5B00, s14  }
0x25e: {  	[tilespmem:s11], [sflag:$0x4] =	stream.linear.gather [spmem:s10], $0x80, $0x38;
	[tilespmem:$0x15900] =	vst v63  }
0x25f: {  	s12 =	sadd.s32 $0x180, s1;
	s13 =	sadd.s32 $0x5F00, s14  }
0x260: {  	[tilespmem:s13], [sflag:$0x4] =	stream.linear.gather [spmem:s12], $0x80, $0x38;
	[tilespmem:$0x15900] =	vst v63  }
0x261: {  	s22 =	sadd.s32 $0x200, s1;
	s24 =	sadd.s32 $0x6300, s14  }
0x262: {  	[tilespmem:s24], [sflag:$0x4] =	stream.linear.gather [spmem:s22], $0x80, $0x38;
	[tilespmem:$0x15900] =	vst v63  }
0x263: {  	s1 =	sadd.s32 $0x280, s1;
	s10 =	sadd.s32 $0x6700, s14  }
0x264: {  	[tilespmem:s10], [sflag:$0x4] =	stream.linear.gather [spmem:s1], $0x80, $0x38;
	[tilespmem:$0x15900] =	vst v63  }
0x265: {  	s9 =	spop (v2sf);
	s11 =	sadd.s32 $0x5380, s14  }
0x266: {  	[tilespmem:s11], [sflag:$0x4] =	stream.linear.gather [spmem:s9], $0x80, $0x38;
	[tilespmem:$0x15900] =	vst v63  }
0x267: {  	s12 =	sadd.s32 $0x80, s9;
	s13 =	sadd.s32 $0x5780, s14  }
0x268: {  	[tilespmem:s13], [sflag:$0x4] =	stream.linear.gather [spmem:s12], $0x80, $0x38;
	[tilespmem:$0x15900] =	vst v63  }
0x269: {  	s22 =	sadd.s32 $0x100, s9;
	s24 =	sadd.s32 $0x5B80, s14  }
0x26a: {  	[tilespmem:s24], [sflag:$0x4] =	stream.linear.gather [spmem:s22], $0x80, $0x38;
	[tilespmem:$0x15900] =	vst v63  }
0x26b: {  	p1 =	por p0, p0;
	s10 =	sadd.s32 $0x180, s9;
	s11 =	sadd.s32 $0x5F80, s14  }
0x26c: {  	[tilespmem:s11], [sflag:$0x4] =	stream.linear.gather [spmem:s10], $0x80, $0x38;
	[tilespmem:$0x15900] =	vst v63  }
.Ltmp2:
0x26d: {  	_ = 	snop;
	(pc) =	sbr.rel @p1 .LBB2_6-.Ltmp2, $4  }
0x26e: {  	p0 =	por $0x0, $0x0;
	s12 =	sadd.s32 $0x200, s9;
	s13 =	sadd.s32 $0x6380, s14  }
0x26f: {  	[tilespmem:s13], [sflag:$0x4] =	stream.linear.gather [spmem:s12], $0x80, $0x38;
	[tilespmem:$0x15900] =	vst v63  }
0x270: {  	s22 =	sadd.s32 $0x280, s9;
	s24 =	sadd.s32 $0x6780, s14;
	s10 =	simm.s32 $0x1  }
0x271: {  	[tilespmem:s24], [sflag:$0x4] =	stream.linear.gather [spmem:s22], $0x80, $0x38;
	[tilespmem:$0x15900] =	vst v63  }
0x272: {  	s24 =	simm.s32 $0xF800  }
.LBB2_8:
0x273: {  	s14 =	smul.u32 $0x3, s2;
	_ =	sdelay $0x1  }
0x274: {  	s1 =	sadd.s32 $0x1, s14  }
0x275: {  	s22 =	sshll.u32 s1, $0x5  }
0x276: {  	p0 =	seq.s32 s2, $0x0;
	s1 =	sand.u32 $0x3FFFFFE0, s22  }
0x277: {  	s9 =	simm.s32 @!p0 $0x2;
	s1 =	sadd.s32 $0x3000, s1  }
0x278: {  	_ =	swait.ge @!p0 [sflag:s9], $0x6000;
	v3 =	vmov s1  }
0x279: {  	[sflag:s9] =	ssyncset.done @!p0 $0x0  }
0x27a: {  	s10 =	simm.s32 $0x0;
	p1 =	por $0x1, $0x1;
	[sflag:s9] =	ssyncadd.s32 @!p0 $0xFFFFA000  }
.LBB2_9:
0x27b: {  	s1 =	sshll.u32 s10, $0x4  }
0x27c: {  	s1 =	sand.u32 $0x3FFFFFF0, s1  }
0x27d: {  	v4 =	vld.idx.msk [tilespmem:v3+s1+$0x0 ss:$0x1], $0xffff;
	_ =	sdelay $0x4  }
0x27e: {  	v4 =	vmul.u32 $0xC00, v4;
	_ =	sdelay $0x1  }
0x27f: {  	v4 =	vshra.s32 v4, $0x2  }
0x280: {  	v4 =	vadd.s32 s4, v4  }
0x281: {  	(v2sf) =	vpush v4, $0x0;
	_ =	sdelay $0xb  }
0x282: {  	s12 =	smul.u32 $0xC000, s10;
	(v2sf) =	vpush v4, $0x1;
	_ =	sdelay $0x1  }
0x283: {  	s10 =	sshra.s32 s12, $0x2  }
0x284: {  	s1 =	sadd.s32 $0x9800, s10;
	s9 =	spop (v2sf)  }
0x285: {  	[tilespmem:s1], [sflag:$0x5] =	stream.linear.gather [spmem:s9], $0x80, $0x38;
	[tilespmem:$0x15900] =	vst v63  }
0x286: {  	s11 =	sadd.s32 $0x9C00, s10;
	s13 =	sadd.s32 $0x80, s9  }
0x287: {  	[tilespmem:s11], [sflag:$0x5] =	stream.linear.gather [spmem:s13], $0x80, $0x38;
	[tilespmem:$0x15900] =	vst v63  }
0x288: {  	s12 =	sadd.s32 $0x100, s9;
	s13 =	sadd.s32 $0xA000, s10  }
0x289: {  	[tilespmem:s13], [sflag:$0x5] =	stream.linear.gather [spmem:s12], $0x80, $0x38;
	[tilespmem:$0x15900] =	vst v63  }
0x28a: {  	s12 =	sadd.s32 $0x180, s9;
	s13 =	sadd.s32 $0xA400, s10  }
0x28b: {  	[tilespmem:s13], [sflag:$0x5] =	stream.linear.gather [spmem:s12], $0x80, $0x38;
	[tilespmem:$0x15900] =	vst v63  }
0x28c: {  	s12 =	sadd.s32 $0x200, s9;
	s13 =	sadd.s32 $0xA800, s10  }
0x28d: {  	(v2sf) =	vpush v4, $0x2;
	[tilespmem:s13], [sflag:$0x5] =	stream.linear.gather [spmem:s12], $0x80, $0x38;
	[tilespmem:$0x15900] =	vst v63  }
0x28e: {  	s12 =	sadd.s32 $0x280, s9;
	s13 =	sadd.s32 $0xAC00, s10  }
0x28f: {  	[tilespmem:s13], [sflag:$0x5] =	stream.linear.gather [spmem:s12], $0x80, $0x38;
	[tilespmem:$0x15900] =	vst v63  }
0x290: {  	s11 =	sadd.s32 $0x9880, s10;
	s9 =	spop (v2sf)  }
0x291: {  	[tilespmem:s11], [sflag:$0x5] =	stream.linear.gather [spmem:s9], $0x80, $0x38;
	[tilespmem:$0x15900] =	vst v63  }
0x292: {  	s12 =	sadd.s32 $0x80, s9;
	s13 =	sadd.s32 $0x9C80, s10  }
0x293: {  	[tilespmem:s13], [sflag:$0x5] =	stream.linear.gather [spmem:s12], $0x80, $0x38;
	[tilespmem:$0x15900] =	vst v63  }
0x294: {  	s12 =	sadd.s32 $0x100, s9;
	s13 =	sadd.s32 $0xA080, s10  }
0x295: {  	[tilespmem:s13], [sflag:$0x5] =	stream.linear.gather [spmem:s12], $0x80, $0x38;
	[tilespmem:$0x15900] =	vst v63  }
0x296: {  	s12 =	sadd.s32 $0x180, s9;
	s13 =	sadd.s32 $0xA480, s10  }
0x297: {  	[tilespmem:s13], [sflag:$0x5] =	stream.linear.gather [spmem:s12], $0x80, $0x38;
	[tilespmem:$0x15900] =	vst v63  }
0x298: {  	s12 =	sadd.s32 $0x200, s9;
	s13 =	sadd.s32 $0xA880, s10  }
0x299: {  	(v2sf) =	vpush v4, $0x3;
	[tilespmem:s13], [sflag:$0x5] =	stream.linear.gather [spmem:s12], $0x80, $0x38;
	[tilespmem:$0x15900] =	vst v63  }
0x29a: {  	s12 =	sadd.s32 $0x280, s9;
	s13 =	sadd.s32 $0xAC80, s10  }
0x29b: {  	[tilespmem:s13], [sflag:$0x5] =	stream.linear.gather [spmem:s12], $0x80, $0x38;
	[tilespmem:$0x15900] =	vst v63  }
0x29c: {  	s11 =	sadd.s32 $0x9900, s10;
	s9 =	spop (v2sf)  }
0x29d: {  	[tilespmem:s11], [sflag:$0x5] =	stream.linear.gather [spmem:s9], $0x80, $0x38;
	[tilespmem:$0x15900] =	vst v63  }
0x29e: {  	s12 =	sadd.s32 $0x80, s9;
	s13 =	sadd.s32 $0x9D00, s10  }
0x29f: {  	[tilespmem:s13], [sflag:$0x5] =	stream.linear.gather [spmem:s12], $0x80, $0x38;
	[tilespmem:$0x15900] =	vst v63  }
0x2a0: {  	s12 =	sadd.s32 $0x100, s9;
	s13 =	sadd.s32 $0xA100, s10  }
0x2a1: {  	[tilespmem:s13], [sflag:$0x5] =	stream.linear.gather [spmem:s12], $0x80, $0x38;
	[tilespmem:$0x15900] =	vst v63  }
0x2a2: {  	s12 =	sadd.s32 $0x180, s9;
	s13 =	sadd.s32 $0xA500, s10  }
0x2a3: {  	[tilespmem:s13], [sflag:$0x5] =	stream.linear.gather [spmem:s12], $0x80, $0x38;
	[tilespmem:$0x15900] =	vst v63  }
0x2a4: {  	s12 =	sadd.s32 $0x200, s9;
	s13 =	sadd.s32 $0xA900, s10  }
0x2a5: {  	(v2sf) =	vpush v4, $0x4;
	[tilespmem:s13], [sflag:$0x5] =	stream.linear.gather [spmem:s12], $0x80, $0x38;
	[tilespmem:$0x15900] =	vst v63  }
0x2a6: {  	s12 =	sadd.s32 $0x280, s9;
	s13 =	sadd.s32 $0xAD00, s10  }
0x2a7: {  	[tilespmem:s13], [sflag:$0x5] =	stream.linear.gather [spmem:s12], $0x80, $0x38;
	[tilespmem:$0x15900] =	vst v63  }
0x2a8: {  	s11 =	sadd.s32 $0x9980, s10;
	s9 =	spop (v2sf)  }
0x2a9: {  	[tilespmem:s11], [sflag:$0x5] =	stream.linear.gather [spmem:s9], $0x80, $0x38;
	[tilespmem:$0x15900] =	vst v63  }
0x2aa: {  	s12 =	sadd.s32 $0x80, s9;
	s13 =	sadd.s32 $0x9D80, s10  }
0x2ab: {  	[tilespmem:s13], [sflag:$0x5] =	stream.linear.gather [spmem:s12], $0x80, $0x38;
	[tilespmem:$0x15900] =	vst v63  }
0x2ac: {  	s12 =	sadd.s32 $0x100, s9;
	s13 =	sadd.s32 $0xA180, s10  }
0x2ad: {  	[tilespmem:s13], [sflag:$0x5] =	stream.linear.gather [spmem:s12], $0x80, $0x38;
	[tilespmem:$0x15900] =	vst v63  }
0x2ae: {  	s12 =	sadd.s32 $0x180, s9;
	s13 =	sadd.s32 $0xA580, s10  }
0x2af: {  	[tilespmem:s13], [sflag:$0x5] =	stream.linear.gather [spmem:s12], $0x80, $0x38;
	[tilespmem:$0x15900] =	vst v63  }
0x2b0: {  	s12 =	sadd.s32 $0x200, s9;
	s13 =	sadd.s32 $0xA980, s10  }
0x2b1: {  	(v2sf) =	vpush v4, $0x5;
	[tilespmem:s13], [sflag:$0x5] =	stream.linear.gather [spmem:s12], $0x80, $0x38;
	[tilespmem:$0x15900] =	vst v63  }
0x2b2: {  	s12 =	sadd.s32 $0x280, s9;
	s13 =	sadd.s32 $0xAD80, s10  }
0x2b3: {  	[tilespmem:s13], [sflag:$0x5] =	stream.linear.gather [spmem:s12], $0x80, $0x38;
	[tilespmem:$0x15900] =	vst v63  }
0x2b4: {  	s11 =	sadd.s32 $0x9A00, s10;
	s9 =	spop (v2sf)  }
0x2b5: {  	[tilespmem:s11], [sflag:$0x5] =	stream.linear.gather [spmem:s9], $0x80, $0x38;
	[tilespmem:$0x15900] =	vst v63  }
0x2b6: {  	s12 =	sadd.s32 $0x80, s9;
	s13 =	sadd.s32 $0x9E00, s10  }
0x2b7: {  	[tilespmem:s13], [sflag:$0x5] =	stream.linear.gather [spmem:s12], $0x80, $0x38;
	[tilespmem:$0x15900] =	vst v63  }
0x2b8: {  	s12 =	sadd.s32 $0x100, s9;
	s13 =	sadd.s32 $0xA200, s10  }
0x2b9: {  	[tilespmem:s13], [sflag:$0x5] =	stream.linear.gather [spmem:s12], $0x80, $0x38;
	[tilespmem:$0x15900] =	vst v63  }
0x2ba: {  	s12 =	sadd.s32 $0x180, s9;
	s13 =	sadd.s32 $0xA600, s10  }
0x2bb: {  	[tilespmem:s13], [sflag:$0x5] =	stream.linear.gather [spmem:s12], $0x80, $0x38;
	[tilespmem:$0x15900] =	vst v63  }
0x2bc: {  	s12 =	sadd.s32 $0x200, s9;
	s13 =	sadd.s32 $0xAA00, s10  }
0x2bd: {  	(v2sf) =	vpush v4, $0x6;
	[tilespmem:s13], [sflag:$0x5] =	stream.linear.gather [spmem:s12], $0x80, $0x38;
	[tilespmem:$0x15900] =	vst v63  }
0x2be: {  	s12 =	sadd.s32 $0x280, s9;
	s13 =	sadd.s32 $0xAE00, s10  }
0x2bf: {  	[tilespmem:s13], [sflag:$0x5] =	stream.linear.gather [spmem:s12], $0x80, $0x38;
	[tilespmem:$0x15900] =	vst v63  }
0x2c0: {  	s11 =	sadd.s32 $0x9A80, s10;
	s9 =	spop (v2sf)  }
0x2c1: {  	[tilespmem:s11], [sflag:$0x5] =	stream.linear.gather [spmem:s9], $0x80, $0x38;
	[tilespmem:$0x15900] =	vst v63  }
0x2c2: {  	s12 =	sadd.s32 $0x80, s9;
	s13 =	sadd.s32 $0x9E80, s10  }
0x2c3: {  	[tilespmem:s13], [sflag:$0x5] =	stream.linear.gather [spmem:s12], $0x80, $0x38;
	[tilespmem:$0x15900] =	vst v63  }
0x2c4: {  	s12 =	sadd.s32 $0x100, s9;
	s13 =	sadd.s32 $0xA280, s10  }
0x2c5: {  	[tilespmem:s13], [sflag:$0x5] =	stream.linear.gather [spmem:s12], $0x80, $0x38;
	[tilespmem:$0x15900] =	vst v63  }
0x2c6: {  	s12 =	sadd.s32 $0x180, s9;
	s13 =	sadd.s32 $0xA680, s10  }
0x2c7: {  	[tilespmem:s13], [sflag:$0x5] =	stream.linear.gather [spmem:s12], $0x80, $0x38;
	[tilespmem:$0x15900] =	vst v63  }
0x2c8: {  	s12 =	sadd.s32 $0x200, s9;
	s13 =	sadd.s32 $0xAA80, s10  }
0x2c9: {  	(v2sf) =	vpush v4, $0x7;
	[tilespmem:s13], [sflag:$0x5] =	stream.linear.gather [spmem:s12], $0x80, $0x38;
	[tilespmem:$0x15900] =	vst v63  }
0x2ca: {  	s12 =	sadd.s32 $0x280, s9;
	s13 =	sadd.s32 $0xAE80, s10  }
0x2cb: {  	[tilespmem:s13], [sflag:$0x5] =	stream.linear.gather [spmem:s12], $0x80, $0x38;
	[tilespmem:$0x15900] =	vst v63  }
0x2cc: {  	s11 =	sadd.s32 $0x9B00, s10;
	s9 =	spop (v2sf)  }
0x2cd: {  	[tilespmem:s11], [sflag:$0x5] =	stream.linear.gather [spmem:s9], $0x80, $0x38;
	[tilespmem:$0x15900] =	vst v63  }
0x2ce: {  	s12 =	sadd.s32 $0x80, s9;
	s13 =	sadd.s32 $0x9F00, s10  }
0x2cf: {  	[tilespmem:s13], [sflag:$0x5] =	stream.linear.gather [spmem:s12], $0x80, $0x38;
	[tilespmem:$0x15900] =	vst v63  }
0x2d0: {  	s12 =	sadd.s32 $0x100, s9;
	s13 =	sadd.s32 $0xA300, s10  }
0x2d1: {  	[tilespmem:s13], [sflag:$0x5] =	stream.linear.gather [spmem:s12], $0x80, $0x38;
	[tilespmem:$0x15900] =	vst v63  }
0x2d2: {  	s12 =	sadd.s32 $0x180, s9;
	s13 =	sadd.s32 $0xA700, s10  }
0x2d3: {  	[tilespmem:s13], [sflag:$0x5] =	stream.linear.gather [spmem:s12], $0x80, $0x38;
	[tilespmem:$0x15900] =	vst v63  }
0x2d4: {  	s12 =	sadd.s32 $0x200, s9;
	s13 =	sadd.s32 $0xAB00, s10  }
0x2d5: {  	(v2sf) =	vpush v4, $0x8;
	[tilespmem:s13], [sflag:$0x5] =	stream.linear.gather [spmem:s12], $0x80, $0x38;
	[tilespmem:$0x15900] =	vst v63  }
0x2d6: {  	s12 =	sadd.s32 $0x280, s9;
	s13 =	sadd.s32 $0xAF00, s10  }
0x2d7: {  	[tilespmem:s13], [sflag:$0x5] =	stream.linear.gather [spmem:s12], $0x80, $0x38;
	[tilespmem:$0x15900] =	vst v63  }
0x2d8: {  	s11 =	sadd.s32 $0x9B80, s10;
	s9 =	spop (v2sf)  }
0x2d9: {  	[tilespmem:s11], [sflag:$0x5] =	stream.linear.gather [spmem:s9], $0x80, $0x38;
	[tilespmem:$0x15900] =	vst v63  }
0x2da: {  	s12 =	sadd.s32 $0x80, s9;
	s13 =	sadd.s32 $0x9F80, s10  }
0x2db: {  	[tilespmem:s13], [sflag:$0x5] =	stream.linear.gather [spmem:s12], $0x80, $0x38;
	[tilespmem:$0x15900] =	vst v63  }
0x2dc: {  	s12 =	sadd.s32 $0x100, s9;
	s13 =	sadd.s32 $0xA380, s10  }
0x2dd: {  	[tilespmem:s13], [sflag:$0x5] =	stream.linear.gather [spmem:s12], $0x80, $0x38;
	[tilespmem:$0x15900] =	vst v63  }
0x2de: {  	s12 =	sadd.s32 $0x180, s9;
	s13 =	sadd.s32 $0xA780, s10  }
0x2df: {  	[tilespmem:s13], [sflag:$0x5] =	stream.linear.gather [spmem:s12], $0x80, $0x38;
	[tilespmem:$0x15900] =	vst v63  }
0x2e0: {  	s12 =	sadd.s32 $0x200, s9;
	s13 =	sadd.s32 $0xAB80, s10  }
0x2e1: {  	(v2sf) =	vpush v4, $0x9;
	[tilespmem:s13], [sflag:$0x5] =	stream.linear.gather [spmem:s12], $0x80, $0x38;
	[tilespmem:$0x15900] =	vst v63  }
0x2e2: {  	s12 =	sadd.s32 $0x280, s9;
	s13 =	sadd.s32 $0xAF80, s10  }
0x2e3: {  	[tilespmem:s13], [sflag:$0x5] =	stream.linear.gather [spmem:s12], $0x80, $0x38;
	[tilespmem:$0x15900] =	vst v63  }
0x2e4: {  	s11 =	sadd.s32 $0xB000, s10;
	s9 =	spop (v2sf)  }
0x2e5: {  	[tilespmem:s11], [sflag:$0x5] =	stream.linear.gather [spmem:s9], $0x80, $0x38;
	[tilespmem:$0x15900] =	vst v63  }
0x2e6: {  	s12 =	sadd.s32 $0x80, s9;
	s13 =	sadd.s32 $0xB400, s10  }
0x2e7: {  	[tilespmem:s13], [sflag:$0x5] =	stream.linear.gather [spmem:s12], $0x80, $0x38;
	[tilespmem:$0x15900] =	vst v63  }
0x2e8: {  	s12 =	sadd.s32 $0x100, s9;
	s13 =	sadd.s32 $0xB800, s10  }
0x2e9: {  	[tilespmem:s13], [sflag:$0x5] =	stream.linear.gather [spmem:s12], $0x80, $0x38;
	[tilespmem:$0x15900] =	vst v63  }
0x2ea: {  	s12 =	sadd.s32 $0x180, s9;
	s13 =	sadd.s32 $0xBC00, s10  }
0x2eb: {  	[tilespmem:s13], [sflag:$0x5] =	stream.linear.gather [spmem:s12], $0x80, $0x38;
	[tilespmem:$0x15900] =	vst v63  }
0x2ec: {  	s12 =	sadd.s32 $0x200, s9;
	s13 =	sadd.s32 $0xC000, s10  }
0x2ed: {  	(v2sf) =	vpush v4, $0xA;
	[tilespmem:s13], [sflag:$0x5] =	stream.linear.gather [spmem:s12], $0x80, $0x38;
	[tilespmem:$0x15900] =	vst v63  }
0x2ee: {  	s12 =	sadd.s32 $0x280, s9;
	s13 =	sadd.s32 $0xC400, s10  }
0x2ef: {  	[tilespmem:s13], [sflag:$0x5] =	stream.linear.gather [spmem:s12], $0x80, $0x38;
	[tilespmem:$0x15900] =	vst v63  }
0x2f0: {  	s11 =	sadd.s32 $0xB080, s10;
	s9 =	spop (v2sf)  }
0x2f1: {  	[tilespmem:s11], [sflag:$0x5] =	stream.linear.gather [spmem:s9], $0x80, $0x38;
	[tilespmem:$0x15900] =	vst v63  }
0x2f2: {  	s12 =	sadd.s32 $0x80, s9;
	s13 =	sadd.s32 $0xB480, s10  }
0x2f3: {  	[tilespmem:s13], [sflag:$0x5] =	stream.linear.gather [spmem:s12], $0x80, $0x38;
	[tilespmem:$0x15900] =	vst v63  }
0x2f4: {  	s12 =	sadd.s32 $0x100, s9;
	s13 =	sadd.s32 $0xB880, s10  }
0x2f5: {  	[tilespmem:s13], [sflag:$0x5] =	stream.linear.gather [spmem:s12], $0x80, $0x38;
	[tilespmem:$0x15900] =	vst v63  }
0x2f6: {  	s12 =	sadd.s32 $0x180, s9;
	s13 =	sadd.s32 $0xBC80, s10  }
0x2f7: {  	[tilespmem:s13], [sflag:$0x5] =	stream.linear.gather [spmem:s12], $0x80, $0x38;
	[tilespmem:$0x15900] =	vst v63  }
0x2f8: {  	s12 =	sadd.s32 $0x200, s9;
	s13 =	sadd.s32 $0xC080, s10  }
0x2f9: {  	(v2sf) =	vpush v4, $0xB;
	[tilespmem:s13], [sflag:$0x5] =	stream.linear.gather [spmem:s12], $0x80, $0x38;
	[tilespmem:$0x15900] =	vst v63  }
0x2fa: {  	s12 =	sadd.s32 $0x280, s9;
	s13 =	sadd.s32 $0xC480, s10  }
0x2fb: {  	[tilespmem:s13], [sflag:$0x5] =	stream.linear.gather [spmem:s12], $0x80, $0x38;
	[tilespmem:$0x15900] =	vst v63  }
0x2fc: {  	s11 =	sadd.s32 $0xB100, s10;
	s9 =	spop (v2sf)  }
0x2fd: {  	[tilespmem:s11], [sflag:$0x5] =	stream.linear.gather [spmem:s9], $0x80, $0x38;
	[tilespmem:$0x15900] =	vst v63  }
0x2fe: {  	s12 =	sadd.s32 $0x80, s9;
	s13 =	sadd.s32 $0xB500, s10  }
0x2ff: {  	[tilespmem:s13], [sflag:$0x5] =	stream.linear.gather [spmem:s12], $0x80, $0x38;
	[tilespmem:$0x15900] =	vst v63  }
0x300: {  	s12 =	sadd.s32 $0x100, s9;
	s13 =	sadd.s32 $0xB900, s10  }
0x301: {  	[tilespmem:s13], [sflag:$0x5] =	stream.linear.gather [spmem:s12], $0x80, $0x38;
	[tilespmem:$0x15900] =	vst v63  }
0x302: {  	s12 =	sadd.s32 $0x180, s9;
	s13 =	sadd.s32 $0xBD00, s10  }
0x303: {  	[tilespmem:s13], [sflag:$0x5] =	stream.linear.gather [spmem:s12], $0x80, $0x38;
	[tilespmem:$0x15900] =	vst v63  }
0x304: {  	s12 =	sadd.s32 $0x200, s9;
	s13 =	sadd.s32 $0xC100, s10  }
0x305: {  	(v2sf) =	vpush v4, $0xC;
	[tilespmem:s13], [sflag:$0x5] =	stream.linear.gather [spmem:s12], $0x80, $0x38;
	[tilespmem:$0x15900] =	vst v63  }
0x306: {  	s12 =	sadd.s32 $0x280, s9;
	s13 =	sadd.s32 $0xC500, s10  }
0x307: {  	[tilespmem:s13], [sflag:$0x5] =	stream.linear.gather [spmem:s12], $0x80, $0x38;
	[tilespmem:$0x15900] =	vst v63  }
0x308: {  	s11 =	sadd.s32 $0xB180, s10;
	s9 =	spop (v2sf)  }
0x309: {  	[tilespmem:s11], [sflag:$0x5] =	stream.linear.gather [spmem:s9], $0x80, $0x38;
	[tilespmem:$0x15900] =	vst v63  }
0x30a: {  	s12 =	sadd.s32 $0x80, s9;
	s13 =	sadd.s32 $0xB580, s10  }
0x30b: {  	[tilespmem:s13], [sflag:$0x5] =	stream.linear.gather [spmem:s12], $0x80, $0x38;
	[tilespmem:$0x15900] =	vst v63  }
0x30c: {  	s12 =	sadd.s32 $0x100, s9;
	s13 =	sadd.s32 $0xB980, s10  }
0x30d: {  	[tilespmem:s13], [sflag:$0x5] =	stream.linear.gather [spmem:s12], $0x80, $0x38;
	[tilespmem:$0x15900] =	vst v63  }
0x30e: {  	s12 =	sadd.s32 $0x180, s9;
	s13 =	sadd.s32 $0xBD80, s10  }
0x30f: {  	[tilespmem:s13], [sflag:$0x5] =	stream.linear.gather [spmem:s12], $0x80, $0x38;
	[tilespmem:$0x15900] =	vst v63  }
0x310: {  	s12 =	sadd.s32 $0x200, s9;
	s13 =	sadd.s32 $0xC180, s10  }
0x311: {  	(v2sf) =	vpush v4, $0xD;
	[tilespmem:s13], [sflag:$0x5] =	stream.linear.gather [spmem:s12], $0x80, $0x38;
	[tilespmem:$0x15900] =	vst v63  }
0x312: {  	s12 =	sadd.s32 $0x280, s9;
	s13 =	sadd.s32 $0xC580, s10  }
0x313: {  	[tilespmem:s13], [sflag:$0x5] =	stream.linear.gather [spmem:s12], $0x80, $0x38;
	[tilespmem:$0x15900] =	vst v63  }
0x314: {  	s11 =	sadd.s32 $0xB200, s10;
	s9 =	spop (v2sf)  }
0x315: {  	[tilespmem:s11], [sflag:$0x5] =	stream.linear.gather [spmem:s9], $0x80, $0x38;
	[tilespmem:$0x15900] =	vst v63  }
0x316: {  	s12 =	sadd.s32 $0x80, s9;
	s13 =	sadd.s32 $0xB600, s10  }
0x317: {  	[tilespmem:s13], [sflag:$0x5] =	stream.linear.gather [spmem:s12], $0x80, $0x38;
	[tilespmem:$0x15900] =	vst v63  }
0x318: {  	s12 =	sadd.s32 $0x100, s9;
	s13 =	sadd.s32 $0xBA00, s10  }
0x319: {  	[tilespmem:s13], [sflag:$0x5] =	stream.linear.gather [spmem:s12], $0x80, $0x38;
	[tilespmem:$0x15900] =	vst v63  }
0x31a: {  	s12 =	sadd.s32 $0x180, s9;
	s13 =	sadd.s32 $0xBE00, s10  }
0x31b: {  	[tilespmem:s13], [sflag:$0x5] =	stream.linear.gather [spmem:s12], $0x80, $0x38;
	[tilespmem:$0x15900] =	vst v63  }
0x31c: {  	s12 =	sadd.s32 $0x200, s9;
	s13 =	sadd.s32 $0xC200, s10  }
0x31d: {  	(v2sf) =	vpush v4, $0xE;
	[tilespmem:s13], [sflag:$0x5] =	stream.linear.gather [spmem:s12], $0x80, $0x38;
	[tilespmem:$0x15900] =	vst v63  }
0x31e: {  	s12 =	sadd.s32 $0x280, s9;
	s13 =	sadd.s32 $0xC600, s10  }
0x31f: {  	[tilespmem:s13], [sflag:$0x5] =	stream.linear.gather [spmem:s12], $0x80, $0x38;
	[tilespmem:$0x15900] =	vst v63  }
0x320: {  	s11 =	sadd.s32 $0xB280, s10;
	s9 =	spop (v2sf)  }
0x321: {  	[tilespmem:s11], [sflag:$0x5] =	stream.linear.gather [spmem:s9], $0x80, $0x38;
	[tilespmem:$0x15900] =	vst v63  }
0x322: {  	s12 =	sadd.s32 $0x80, s9;
	s13 =	sadd.s32 $0xB680, s10  }
0x323: {  	[tilespmem:s13], [sflag:$0x5] =	stream.linear.gather [spmem:s12], $0x80, $0x38;
	[tilespmem:$0x15900] =	vst v63  }
0x324: {  	s12 =	sadd.s32 $0x100, s9;
	s13 =	sadd.s32 $0xBA80, s10  }
0x325: {  	[tilespmem:s13], [sflag:$0x5] =	stream.linear.gather [spmem:s12], $0x80, $0x38;
	[tilespmem:$0x15900] =	vst v63  }
0x326: {  	s12 =	sadd.s32 $0x180, s9;
	s13 =	sadd.s32 $0xBE80, s10  }
0x327: {  	[tilespmem:s13], [sflag:$0x5] =	stream.linear.gather [spmem:s12], $0x80, $0x38;
	[tilespmem:$0x15900] =	vst v63  }
0x328: {  	s12 =	sadd.s32 $0x200, s9;
	s13 =	sadd.s32 $0xC280, s10  }
0x329: {  	(v2sf) =	vpush v4, $0xF;
	[tilespmem:s13], [sflag:$0x5] =	stream.linear.gather [spmem:s12], $0x80, $0x38;
	[tilespmem:$0x15900] =	vst v63  }
0x32a: {  	s12 =	sadd.s32 $0x280, s9;
	s13 =	sadd.s32 $0xC680, s10  }
0x32b: {  	[tilespmem:s13], [sflag:$0x5] =	stream.linear.gather [spmem:s12], $0x80, $0x38;
	[tilespmem:$0x15900] =	vst v63  }
0x32c: {  	s1 =	spop (v2sf);
	s11 =	sadd.s32 $0xB300, s10  }
0x32d: {  	[tilespmem:s11], [sflag:$0x5] =	stream.linear.gather [spmem:s1], $0x80, $0x38;
	[tilespmem:$0x15900] =	vst v63  }
0x32e: {  	s12 =	sadd.s32 $0x80, s1;
	s13 =	sadd.s32 $0xB700, s10  }
0x32f: {  	[tilespmem:s13], [sflag:$0x5] =	stream.linear.gather [spmem:s12], $0x80, $0x38;
	[tilespmem:$0x15900] =	vst v63  }
0x330: {  	s12 =	sadd.s32 $0x100, s1;
	s13 =	sadd.s32 $0xBB00, s10  }
0x331: {  	[tilespmem:s13], [sflag:$0x5] =	stream.linear.gather [spmem:s12], $0x80, $0x38;
	[tilespmem:$0x15900] =	vst v63  }
0x332: {  	s12 =	sadd.s32 $0x180, s1;
	s13 =	sadd.s32 $0xBF00, s10  }
0x333: {  	[tilespmem:s13], [sflag:$0x5] =	stream.linear.gather [spmem:s12], $0x80, $0x38;
	[tilespmem:$0x15900] =	vst v63  }
0x334: {  	s11 =	sadd.s32 $0x200, s1;
	s12 =	sadd.s32 $0xC300, s10  }
0x335: {  	[tilespmem:s12], [sflag:$0x5] =	stream.linear.gather [spmem:s11], $0x80, $0x38;
	[tilespmem:$0x15900] =	vst v63  }
0x336: {  	s1 =	sadd.s32 $0x280, s1;
	s13 =	sadd.s32 $0xC700, s10  }
0x337: {  	[tilespmem:s13], [sflag:$0x5] =	stream.linear.gather [spmem:s1], $0x80, $0x38;
	[tilespmem:$0x15900] =	vst v63  }
0x338: {  	s9 =	spop (v2sf);
	s11 =	sadd.s32 $0xB380, s10  }
0x339: {  	[tilespmem:s11], [sflag:$0x5] =	stream.linear.gather [spmem:s9], $0x80, $0x38;
	[tilespmem:$0x15900] =	vst v63  }
0x33a: {  	s12 =	sadd.s32 $0x80, s9;
	s13 =	sadd.s32 $0xB780, s10  }
0x33b: {  	[tilespmem:s13], [sflag:$0x5] =	stream.linear.gather [spmem:s12], $0x80, $0x38;
	[tilespmem:$0x15900] =	vst v63  }
0x33c: {  	s12 =	sadd.s32 $0x100, s9;
	s13 =	sadd.s32 $0xBB80, s10  }
0x33d: {  	[tilespmem:s13], [sflag:$0x5] =	stream.linear.gather [spmem:s12], $0x80, $0x38;
	[tilespmem:$0x15900] =	vst v63  }
0x33e: {  	p2 =	por p1, p1;
	s12 =	sadd.s32 $0x180, s9;
	s13 =	sadd.s32 $0xBF80, s10  }
0x33f: {  	[tilespmem:s13], [sflag:$0x5] =	stream.linear.gather [spmem:s12], $0x80, $0x38;
	[tilespmem:$0x15900] =	vst v63  }
.Ltmp3:
0x340: {  	_ = 	snop;
	(pc) =	sbr.rel @p2 .LBB2_9-.Ltmp3, $4  }
0x341: {  	p1 =	por $0x0, $0x0;
	s12 =	sadd.s32 $0x200, s9;
	s13 =	sadd.s32 $0xC380, s10  }
0x342: {  	[tilespmem:s13], [sflag:$0x5] =	stream.linear.gather [spmem:s12], $0x80, $0x38;
	[tilespmem:$0x15900] =	vst v63  }
0x343: {  	s12 =	sadd.s32 $0x280, s9;
	s13 =	sadd.s32 $0xC780, s10;
	s10 =	simm.s32 $0x1  }
0x344: {  	[tilespmem:s13], [sflag:$0x5] =	stream.linear.gather [spmem:s12], $0x80, $0x38;
	[tilespmem:$0x15900] =	vst v63  }
0x345: {  	s1 =	smul.u32 $0x60, s2;
	_ =	sdelay $0x1  }
0x346: {  	s1 =	sadd.s32 s7, s1  }
0x347: {  	s1 =	sshrl.u32 s1, $0x3  }
0x348: {  	_ =	swait.ge [sflag:s30], $0x6000;
	s1 =	smul.u32 $0x300, s1  }
0x349: {  	s14 =	sadd.s32 $0x2, s14;
	[sflag:s30] =	ssyncset.done $0x0  }
0x34a: {  	s14 =	sshll.u32 s14, $0x5;
	[sflag:s30] =	ssyncadd.s32 $0xFFFFA000;
	s1 =	sadd.s32 s3, s1  }
0x34b: {  	[hbm4b:s1+s6] =	stream.linear.scatter [tilespmem:s28], [sflag:$0x1], $0x6000, $0x38;
	[tilespmem:$0x15900] =	vst v63  }
0x34c: {  	s1 =	sand.u32 $0x3FFFFFE0, s14  }
0x34d: {  	s9 =	simm.s32 @!p0 $0x3;
	s1 =	sadd.s32 $0x3000, s1  }
0x34e: {  	_ =	swait.ge @!p0 [sflag:s9], $0x6000;
	v3 =	vmov s1  }
0x34f: {  	[sflag:s9] =	ssyncset.done @!p0 $0x0  }
0x350: {  	s10 =	simm.s32 $0x0;
	[sflag:s9] =	ssyncadd.s32 @!p0 $0xFFFFA000;
	p0 =	por $0x1, $0x1  }
.LBB2_11:
0x351: {  	s1 =	sshll.u32 s10, $0x4  }
0x352: {  	s1 =	sand.u32 $0x3FFFFFF0, s1  }
0x353: {  	v4 =	vld.idx.msk [tilespmem:v3+s1+$0x0 ss:$0x1], $0xffff;
	_ =	sdelay $0x4  }
0x354: {  	v4 =	vmul.u32 $0xC00, v4;
	_ =	sdelay $0x1  }
0x355: {  	v4 =	vshra.s32 v4, $0x2  }
0x356: {  	v4 =	vadd.s32 s4, v4  }
0x357: {  	(v2sf) =	vpush v4, $0x0;
	_ =	sdelay $0xb  }
0x358: {  	s12 =	smul.u32 $0xC000, s10;
	(v2sf) =	vpush v4, $0x1;
	_ =	sdelay $0x1  }
0x359: {  	s10 =	sshra.s32 s12, $0x2  }
0x35a: {  	s1 =	sadd.s32 $0xF800, s10;
	s9 =	spop (v2sf)  }
0x35b: {  	[tilespmem:s1], [sflag:$0x6] =	stream.linear.gather [spmem:s9], $0x80, $0x38;
	[tilespmem:$0x15900] =	vst v63  }
0x35c: {  	s11 =	sadd.s32 $0xFC00, s10;
	s13 =	sadd.s32 $0x80, s9  }
0x35d: {  	[tilespmem:s11], [sflag:$0x6] =	stream.linear.gather [spmem:s13], $0x80, $0x38;
	[tilespmem:$0x15900] =	vst v63  }
0x35e: {  	s12 =	sadd.s32 $0x100, s9;
	s13 =	sadd.s32 $0x10000, s10  }
0x35f: {  	[tilespmem:s13], [sflag:$0x6] =	stream.linear.gather [spmem:s12], $0x80, $0x38;
	[tilespmem:$0x15900] =	vst v63  }
0x360: {  	s12 =	sadd.s32 $0x180, s9;
	s13 =	sadd.s32 $0x10400, s10  }
0x361: {  	[tilespmem:s13], [sflag:$0x6] =	stream.linear.gather [spmem:s12], $0x80, $0x38;
	[tilespmem:$0x15900] =	vst v63  }
0x362: {  	s12 =	sadd.s32 $0x200, s9;
	s13 =	sadd.s32 $0x10800, s10  }
0x363: {  	(v2sf) =	vpush v4, $0x2;
	[tilespmem:s13], [sflag:$0x6] =	stream.linear.gather [spmem:s12], $0x80, $0x38;
	[tilespmem:$0x15900] =	vst v63  }
0x364: {  	s12 =	sadd.s32 $0x280, s9;
	s13 =	sadd.s32 $0x10C00, s10  }
0x365: {  	[tilespmem:s13], [sflag:$0x6] =	stream.linear.gather [spmem:s12], $0x80, $0x38;
	[tilespmem:$0x15900] =	vst v63  }
0x366: {  	s11 =	sadd.s32 $0xF880, s10;
	s9 =	spop (v2sf)  }
0x367: {  	[tilespmem:s11], [sflag:$0x6] =	stream.linear.gather [spmem:s9], $0x80, $0x38;
	[tilespmem:$0x15900] =	vst v63  }
0x368: {  	s12 =	sadd.s32 $0x80, s9;
	s13 =	sadd.s32 $0xFC80, s10  }
0x369: {  	[tilespmem:s13], [sflag:$0x6] =	stream.linear.gather [spmem:s12], $0x80, $0x38;
	[tilespmem:$0x15900] =	vst v63  }
0x36a: {  	s12 =	sadd.s32 $0x100, s9;
	s13 =	sadd.s32 $0x10080, s10  }
0x36b: {  	[tilespmem:s13], [sflag:$0x6] =	stream.linear.gather [spmem:s12], $0x80, $0x38;
	[tilespmem:$0x15900] =	vst v63  }
0x36c: {  	s12 =	sadd.s32 $0x180, s9;
	s13 =	sadd.s32 $0x10480, s10  }
0x36d: {  	[tilespmem:s13], [sflag:$0x6] =	stream.linear.gather [spmem:s12], $0x80, $0x38;
	[tilespmem:$0x15900] =	vst v63  }
0x36e: {  	s12 =	sadd.s32 $0x200, s9;
	s13 =	sadd.s32 $0x10880, s10  }
0x36f: {  	(v2sf) =	vpush v4, $0x3;
	[tilespmem:s13], [sflag:$0x6] =	stream.linear.gather [spmem:s12], $0x80, $0x38;
	[tilespmem:$0x15900] =	vst v63  }
0x370: {  	s12 =	sadd.s32 $0x280, s9;
	s13 =	sadd.s32 $0x10C80, s10  }
0x371: {  	[tilespmem:s13], [sflag:$0x6] =	stream.linear.gather [spmem:s12], $0x80, $0x38;
	[tilespmem:$0x15900] =	vst v63  }
0x372: {  	s11 =	sadd.s32 $0xF900, s10;
	s9 =	spop (v2sf)  }
0x373: {  	[tilespmem:s11], [sflag:$0x6] =	stream.linear.gather [spmem:s9], $0x80, $0x38;
	[tilespmem:$0x15900] =	vst v63  }
0x374: {  	s12 =	sadd.s32 $0x80, s9;
	s13 =	sadd.s32 $0xFD00, s10  }
0x375: {  	[tilespmem:s13], [sflag:$0x6] =	stream.linear.gather [spmem:s12], $0x80, $0x38;
	[tilespmem:$0x15900] =	vst v63  }
0x376: {  	s12 =	sadd.s32 $0x100, s9;
	s13 =	sadd.s32 $0x10100, s10  }
0x377: {  	[tilespmem:s13], [sflag:$0x6] =	stream.linear.gather [spmem:s12], $0x80, $0x38;
	[tilespmem:$0x15900] =	vst v63  }
0x378: {  	s12 =	sadd.s32 $0x180, s9;
	s13 =	sadd.s32 $0x10500, s10  }
0x379: {  	[tilespmem:s13], [sflag:$0x6] =	stream.linear.gather [spmem:s12], $0x80, $0x38;
	[tilespmem:$0x15900] =	vst v63  }
0x37a: {  	s12 =	sadd.s32 $0x200, s9;
	s13 =	sadd.s32 $0x10900, s10  }
0x37b: {  	(v2sf) =	vpush v4, $0x4;
	[tilespmem:s13], [sflag:$0x6] =	stream.linear.gather [spmem:s12], $0x80, $0x38;
	[tilespmem:$0x15900] =	vst v63  }
0x37c: {  	s12 =	sadd.s32 $0x280, s9;
	s13 =	sadd.s32 $0x10D00, s10  }
0x37d: {  	[tilespmem:s13], [sflag:$0x6] =	stream.linear.gather [spmem:s12], $0x80, $0x38;
	[tilespmem:$0x15900] =	vst v63  }
0x37e: {  	s11 =	sadd.s32 $0xF980, s10;
	s9 =	spop (v2sf)  }
0x37f: {  	[tilespmem:s11], [sflag:$0x6] =	stream.linear.gather [spmem:s9], $0x80, $0x38;
	[tilespmem:$0x15900] =	vst v63  }
0x380: {  	s12 =	sadd.s32 $0x80, s9;
	s13 =	sadd.s32 $0xFD80, s10  }
0x381: {  	[tilespmem:s13], [sflag:$0x6] =	stream.linear.gather [spmem:s12], $0x80, $0x38;
	[tilespmem:$0x15900] =	vst v63  }
0x382: {  	s12 =	sadd.s32 $0x100, s9;
	s13 =	sadd.s32 $0x10180, s10  }
0x383: {  	[tilespmem:s13], [sflag:$0x6] =	stream.linear.gather [spmem:s12], $0x80, $0x38;
	[tilespmem:$0x15900] =	vst v63  }
0x384: {  	s12 =	sadd.s32 $0x180, s9;
	s13 =	sadd.s32 $0x10580, s10  }
0x385: {  	[tilespmem:s13], [sflag:$0x6] =	stream.linear.gather [spmem:s12], $0x80, $0x38;
	[tilespmem:$0x15900] =	vst v63  }
0x386: {  	s12 =	sadd.s32 $0x200, s9;
	s13 =	sadd.s32 $0x10980, s10  }
0x387: {  	(v2sf) =	vpush v4, $0x5;
	[tilespmem:s13], [sflag:$0x6] =	stream.linear.gather [spmem:s12], $0x80, $0x38;
	[tilespmem:$0x15900] =	vst v63  }
0x388: {  	s12 =	sadd.s32 $0x280, s9;
	s13 =	sadd.s32 $0x10D80, s10  }
0x389: {  	[tilespmem:s13], [sflag:$0x6] =	stream.linear.gather [spmem:s12], $0x80, $0x38;
	[tilespmem:$0x15900] =	vst v63  }
0x38a: {  	s11 =	sadd.s32 $0xFA00, s10;
	s9 =	spop (v2sf)  }
0x38b: {  	[tilespmem:s11], [sflag:$0x6] =	stream.linear.gather [spmem:s9], $0x80, $0x38;
	[tilespmem:$0x15900] =	vst v63  }
0x38c: {  	s12 =	sadd.s32 $0x80, s9;
	s13 =	sadd.s32 $0xFE00, s10  }
0x38d: {  	[tilespmem:s13], [sflag:$0x6] =	stream.linear.gather [spmem:s12], $0x80, $0x38;
	[tilespmem:$0x15900] =	vst v63  }
0x38e: {  	s12 =	sadd.s32 $0x100, s9;
	s13 =	sadd.s32 $0x10200, s10  }
0x38f: {  	[tilespmem:s13], [sflag:$0x6] =	stream.linear.gather [spmem:s12], $0x80, $0x38;
	[tilespmem:$0x15900] =	vst v63  }
0x390: {  	s12 =	sadd.s32 $0x180, s9;
	s13 =	sadd.s32 $0x10600, s10  }
0x391: {  	[tilespmem:s13], [sflag:$0x6] =	stream.linear.gather [spmem:s12], $0x80, $0x38;
	[tilespmem:$0x15900] =	vst v63  }
0x392: {  	s12 =	sadd.s32 $0x200, s9;
	s13 =	sadd.s32 $0x10A00, s10  }
0x393: {  	(v2sf) =	vpush v4, $0x6;
	[tilespmem:s13], [sflag:$0x6] =	stream.linear.gather [spmem:s12], $0x80, $0x38;
	[tilespmem:$0x15900] =	vst v63  }
0x394: {  	s12 =	sadd.s32 $0x280, s9;
	s13 =	sadd.s32 $0x10E00, s10  }
0x395: {  	[tilespmem:s13], [sflag:$0x6] =	stream.linear.gather [spmem:s12], $0x80, $0x38;
	[tilespmem:$0x15900] =	vst v63  }
0x396: {  	s11 =	sadd.s32 $0xFA80, s10;
	s9 =	spop (v2sf)  }
0x397: {  	[tilespmem:s11], [sflag:$0x6] =	stream.linear.gather [spmem:s9], $0x80, $0x38;
	[tilespmem:$0x15900] =	vst v63  }
0x398: {  	s12 =	sadd.s32 $0x80, s9;
	s13 =	sadd.s32 $0xFE80, s10  }
0x399: {  	[tilespmem:s13], [sflag:$0x6] =	stream.linear.gather [spmem:s12], $0x80, $0x38;
	[tilespmem:$0x15900] =	vst v63  }
0x39a: {  	s12 =	sadd.s32 $0x100, s9;
	s13 =	sadd.s32 $0x10280, s10  }
0x39b: {  	[tilespmem:s13], [sflag:$0x6] =	stream.linear.gather [spmem:s12], $0x80, $0x38;
	[tilespmem:$0x15900] =	vst v63  }
0x39c: {  	s12 =	sadd.s32 $0x180, s9;
	s13 =	sadd.s32 $0x10680, s10  }
0x39d: {  	[tilespmem:s13], [sflag:$0x6] =	stream.linear.gather [spmem:s12], $0x80, $0x38;
	[tilespmem:$0x15900] =	vst v63  }
0x39e: {  	s12 =	sadd.s32 $0x200, s9;
	s13 =	sadd.s32 $0x10A80, s10  }
0x39f: {  	(v2sf) =	vpush v4, $0x7;
	[tilespmem:s13], [sflag:$0x6] =	stream.linear.gather [spmem:s12], $0x80, $0x38;
	[tilespmem:$0x15900] =	vst v63  }
0x3a0: {  	s12 =	sadd.s32 $0x280, s9;
	s13 =	sadd.s32 $0x10E80, s10  }
0x3a1: {  	[tilespmem:s13], [sflag:$0x6] =	stream.linear.gather [spmem:s12], $0x80, $0x38;
	[tilespmem:$0x15900] =	vst v63  }
0x3a2: {  	s11 =	sadd.s32 $0xFB00, s10;
	s9 =	spop (v2sf)  }
0x3a3: {  	[tilespmem:s11], [sflag:$0x6] =	stream.linear.gather [spmem:s9], $0x80, $0x38;
	[tilespmem:$0x15900] =	vst v63  }
0x3a4: {  	s12 =	sadd.s32 $0x80, s9;
	s13 =	sadd.s32 $0xFF00, s10  }
0x3a5: {  	[tilespmem:s13], [sflag:$0x6] =	stream.linear.gather [spmem:s12], $0x80, $0x38;
	[tilespmem:$0x15900] =	vst v63  }
0x3a6: {  	s12 =	sadd.s32 $0x100, s9;
	s13 =	sadd.s32 $0x10300, s10  }
0x3a7: {  	[tilespmem:s13], [sflag:$0x6] =	stream.linear.gather [spmem:s12], $0x80, $0x38;
	[tilespmem:$0x15900] =	vst v63  }
0x3a8: {  	s12 =	sadd.s32 $0x180, s9;
	s13 =	sadd.s32 $0x10700, s10  }
0x3a9: {  	[tilespmem:s13], [sflag:$0x6] =	stream.linear.gather [spmem:s12], $0x80, $0x38;
	[tilespmem:$0x15900] =	vst v63  }
0x3aa: {  	s12 =	sadd.s32 $0x200, s9;
	s13 =	sadd.s32 $0x10B00, s10  }
0x3ab: {  	(v2sf) =	vpush v4, $0x8;
	[tilespmem:s13], [sflag:$0x6] =	stream.linear.gather [spmem:s12], $0x80, $0x38;
	[tilespmem:$0x15900] =	vst v63  }
0x3ac: {  	s12 =	sadd.s32 $0x280, s9;
	s13 =	sadd.s32 $0x10F00, s10  }
0x3ad: {  	[tilespmem:s13], [sflag:$0x6] =	stream.linear.gather [spmem:s12], $0x80, $0x38;
	[tilespmem:$0x15900] =	vst v63  }
0x3ae: {  	s11 =	sadd.s32 $0xFB80, s10;
	s9 =	spop (v2sf)  }
0x3af: {  	[tilespmem:s11], [sflag:$0x6] =	stream.linear.gather [spmem:s9], $0x80, $0x38;
	[tilespmem:$0x15900] =	vst v63  }
0x3b0: {  	s12 =	sadd.s32 $0x80, s9;
	s13 =	sadd.s32 $0xFF80, s10  }
0x3b1: {  	[tilespmem:s13], [sflag:$0x6] =	stream.linear.gather [spmem:s12], $0x80, $0x38;
	[tilespmem:$0x15900] =	vst v63  }
0x3b2: {  	s12 =	sadd.s32 $0x100, s9;
	s13 =	sadd.s32 $0x10380, s10  }
0x3b3: {  	[tilespmem:s13], [sflag:$0x6] =	stream.linear.gather [spmem:s12], $0x80, $0x38;
	[tilespmem:$0x15900] =	vst v63  }
0x3b4: {  	s12 =	sadd.s32 $0x180, s9;
	s13 =	sadd.s32 $0x10780, s10  }
0x3b5: {  	[tilespmem:s13], [sflag:$0x6] =	stream.linear.gather [spmem:s12], $0x80, $0x38;
	[tilespmem:$0x15900] =	vst v63  }
0x3b6: {  	s12 =	sadd.s32 $0x200, s9;
	s13 =	sadd.s32 $0x10B80, s10  }
0x3b7: {  	(v2sf) =	vpush v4, $0x9;
	[tilespmem:s13], [sflag:$0x6] =	stream.linear.gather [spmem:s12], $0x80, $0x38;
	[tilespmem:$0x15900] =	vst v63  }
0x3b8: {  	s12 =	sadd.s32 $0x280, s9;
	s13 =	sadd.s32 $0x10F80, s10  }
0x3b9: {  	[tilespmem:s13], [sflag:$0x6] =	stream.linear.gather [spmem:s12], $0x80, $0x38;
	[tilespmem:$0x15900] =	vst v63  }
0x3ba: {  	s11 =	sadd.s32 $0x11000, s10;
	s9 =	spop (v2sf)  }
0x3bb: {  	[tilespmem:s11], [sflag:$0x6] =	stream.linear.gather [spmem:s9], $0x80, $0x38;
	[tilespmem:$0x15900] =	vst v63  }
0x3bc: {  	s12 =	sadd.s32 $0x80, s9;
	s13 =	sadd.s32 $0x11400, s10  }
0x3bd: {  	[tilespmem:s13], [sflag:$0x6] =	stream.linear.gather [spmem:s12], $0x80, $0x38;
	[tilespmem:$0x15900] =	vst v63  }
0x3be: {  	s12 =	sadd.s32 $0x100, s9;
	s13 =	sadd.s32 $0x11800, s10  }
0x3bf: {  	[tilespmem:s13], [sflag:$0x6] =	stream.linear.gather [spmem:s12], $0x80, $0x38;
	[tilespmem:$0x15900] =	vst v63  }
0x3c0: {  	s12 =	sadd.s32 $0x180, s9;
	s13 =	sadd.s32 $0x11C00, s10  }
0x3c1: {  	[tilespmem:s13], [sflag:$0x6] =	stream.linear.gather [spmem:s12], $0x80, $0x38;
	[tilespmem:$0x15900] =	vst v63  }
0x3c2: {  	s12 =	sadd.s32 $0x200, s9;
	s13 =	sadd.s32 $0x12000, s10  }
0x3c3: {  	(v2sf) =	vpush v4, $0xA;
	[tilespmem:s13], [sflag:$0x6] =	stream.linear.gather [spmem:s12], $0x80, $0x38;
	[tilespmem:$0x15900] =	vst v63  }
0x3c4: {  	s12 =	sadd.s32 $0x280, s9;
	s13 =	sadd.s32 $0x12400, s10  }
0x3c5: {  	[tilespmem:s13], [sflag:$0x6] =	stream.linear.gather [spmem:s12], $0x80, $0x38;
	[tilespmem:$0x15900] =	vst v63  }
0x3c6: {  	s11 =	sadd.s32 $0x11080, s10;
	s9 =	spop (v2sf)  }
0x3c7: {  	[tilespmem:s11], [sflag:$0x6] =	stream.linear.gather [spmem:s9], $0x80, $0x38;
	[tilespmem:$0x15900] =	vst v63  }
0x3c8: {  	s12 =	sadd.s32 $0x80, s9;
	s13 =	sadd.s32 $0x11480, s10  }
0x3c9: {  	[tilespmem:s13], [sflag:$0x6] =	stream.linear.gather [spmem:s12], $0x80, $0x38;
	[tilespmem:$0x15900] =	vst v63  }
0x3ca: {  	s12 =	sadd.s32 $0x100, s9;
	s13 =	sadd.s32 $0x11880, s10  }
0x3cb: {  	[tilespmem:s13], [sflag:$0x6] =	stream.linear.gather [spmem:s12], $0x80, $0x38;
	[tilespmem:$0x15900] =	vst v63  }
0x3cc: {  	s12 =	sadd.s32 $0x180, s9;
	s13 =	sadd.s32 $0x11C80, s10  }
0x3cd: {  	[tilespmem:s13], [sflag:$0x6] =	stream.linear.gather [spmem:s12], $0x80, $0x38;
	[tilespmem:$0x15900] =	vst v63  }
0x3ce: {  	s12 =	sadd.s32 $0x200, s9;
	s13 =	sadd.s32 $0x12080, s10  }
0x3cf: {  	(v2sf) =	vpush v4, $0xB;
	[tilespmem:s13], [sflag:$0x6] =	stream.linear.gather [spmem:s12], $0x80, $0x38;
	[tilespmem:$0x15900] =	vst v63  }
0x3d0: {  	s12 =	sadd.s32 $0x280, s9;
	s13 =	sadd.s32 $0x12480, s10  }
0x3d1: {  	[tilespmem:s13], [sflag:$0x6] =	stream.linear.gather [spmem:s12], $0x80, $0x38;
	[tilespmem:$0x15900] =	vst v63  }
0x3d2: {  	s11 =	sadd.s32 $0x11100, s10;
	s9 =	spop (v2sf)  }
0x3d3: {  	[tilespmem:s11], [sflag:$0x6] =	stream.linear.gather [spmem:s9], $0x80, $0x38;
	[tilespmem:$0x15900] =	vst v63  }
0x3d4: {  	s12 =	sadd.s32 $0x80, s9;
	s13 =	sadd.s32 $0x11500, s10  }
0x3d5: {  	[tilespmem:s13], [sflag:$0x6] =	stream.linear.gather [spmem:s12], $0x80, $0x38;
	[tilespmem:$0x15900] =	vst v63  }
0x3d6: {  	s12 =	sadd.s32 $0x100, s9;
	s13 =	sadd.s32 $0x11900, s10  }
0x3d7: {  	[tilespmem:s13], [sflag:$0x6] =	stream.linear.gather [spmem:s12], $0x80, $0x38;
	[tilespmem:$0x15900] =	vst v63  }
0x3d8: {  	s12 =	sadd.s32 $0x180, s9;
	s13 =	sadd.s32 $0x11D00, s10  }
0x3d9: {  	[tilespmem:s13], [sflag:$0x6] =	stream.linear.gather [spmem:s12], $0x80, $0x38;
	[tilespmem:$0x15900] =	vst v63  }
0x3da: {  	s12 =	sadd.s32 $0x200, s9;
	s13 =	sadd.s32 $0x12100, s10  }
0x3db: {  	(v2sf) =	vpush v4, $0xC;
	[tilespmem:s13], [sflag:$0x6] =	stream.linear.gather [spmem:s12], $0x80, $0x38;
	[tilespmem:$0x15900] =	vst v63  }
0x3dc: {  	s12 =	sadd.s32 $0x280, s9;
	s13 =	sadd.s32 $0x12500, s10  }
0x3dd: {  	[tilespmem:s13], [sflag:$0x6] =	stream.linear.gather [spmem:s12], $0x80, $0x38;
	[tilespmem:$0x15900] =	vst v63  }
0x3de: {  	s11 =	sadd.s32 $0x11180, s10;
	s9 =	spop (v2sf)  }
0x3df: {  	[tilespmem:s11], [sflag:$0x6] =	stream.linear.gather [spmem:s9], $0x80, $0x38;
	[tilespmem:$0x15900] =	vst v63  }
0x3e0: {  	s12 =	sadd.s32 $0x80, s9;
	s13 =	sadd.s32 $0x11580, s10  }
0x3e1: {  	[tilespmem:s13], [sflag:$0x6] =	stream.linear.gather [spmem:s12], $0x80, $0x38;
	[tilespmem:$0x15900] =	vst v63  }
0x3e2: {  	s12 =	sadd.s32 $0x100, s9;
	s13 =	sadd.s32 $0x11980, s10  }
0x3e3: {  	[tilespmem:s13], [sflag:$0x6] =	stream.linear.gather [spmem:s12], $0x80, $0x38;
	[tilespmem:$0x15900] =	vst v63  }
0x3e4: {  	s12 =	sadd.s32 $0x180, s9;
	s13 =	sadd.s32 $0x11D80, s10  }
0x3e5: {  	[tilespmem:s13], [sflag:$0x6] =	stream.linear.gather [spmem:s12], $0x80, $0x38;
	[tilespmem:$0x15900] =	vst v63  }
0x3e6: {  	s12 =	sadd.s32 $0x200, s9;
	s13 =	sadd.s32 $0x12180, s10  }
0x3e7: {  	(v2sf) =	vpush v4, $0xD;
	[tilespmem:s13], [sflag:$0x6] =	stream.linear.gather [spmem:s12], $0x80, $0x38;
	[tilespmem:$0x15900] =	vst v63  }
0x3e8: {  	s12 =	sadd.s32 $0x280, s9;
	s13 =	sadd.s32 $0x12580, s10  }
0x3e9: {  	[tilespmem:s13], [sflag:$0x6] =	stream.linear.gather [spmem:s12], $0x80, $0x38;
	[tilespmem:$0x15900] =	vst v63  }
0x3ea: {  	s11 =	sadd.s32 $0x11200, s10;
	s9 =	spop (v2sf)  }
0x3eb: {  	[tilespmem:s11], [sflag:$0x6] =	stream.linear.gather [spmem:s9], $0x80, $0x38;
	[tilespmem:$0x15900] =	vst v63  }
0x3ec: {  	s12 =	sadd.s32 $0x80, s9;
	s13 =	sadd.s32 $0x11600, s10  }
0x3ed: {  	[tilespmem:s13], [sflag:$0x6] =	stream.linear.gather [spmem:s12], $0x80, $0x38;
	[tilespmem:$0x15900] =	vst v63  }
0x3ee: {  	s12 =	sadd.s32 $0x100, s9;
	s13 =	sadd.s32 $0x11A00, s10  }
0x3ef: {  	[tilespmem:s13], [sflag:$0x6] =	stream.linear.gather [spmem:s12], $0x80, $0x38;
	[tilespmem:$0x15900] =	vst v63  }
0x3f0: {  	s12 =	sadd.s32 $0x180, s9;
	s13 =	sadd.s32 $0x11E00, s10  }
0x3f1: {  	[tilespmem:s13], [sflag:$0x6] =	stream.linear.gather [spmem:s12], $0x80, $0x38;
	[tilespmem:$0x15900] =	vst v63  }
0x3f2: {  	s12 =	sadd.s32 $0x200, s9;
	s13 =	sadd.s32 $0x12200, s10  }
0x3f3: {  	(v2sf) =	vpush v4, $0xE;
	[tilespmem:s13], [sflag:$0x6] =	stream.linear.gather [spmem:s12], $0x80, $0x38;
	[tilespmem:$0x15900] =	vst v63  }
0x3f4: {  	s12 =	sadd.s32 $0x280, s9;
	s13 =	sadd.s32 $0x12600, s10  }
0x3f5: {  	[tilespmem:s13], [sflag:$0x6] =	stream.linear.gather [spmem:s12], $0x80, $0x38;
	[tilespmem:$0x15900] =	vst v63  }
0x3f6: {  	s11 =	sadd.s32 $0x11280, s10;
	s9 =	spop (v2sf)  }
0x3f7: {  	[tilespmem:s11], [sflag:$0x6] =	stream.linear.gather [spmem:s9], $0x80, $0x38;
	[tilespmem:$0x15900] =	vst v63  }
0x3f8: {  	s12 =	sadd.s32 $0x80, s9;
	s13 =	sadd.s32 $0x11680, s10  }
0x3f9: {  	[tilespmem:s13], [sflag:$0x6] =	stream.linear.gather [spmem:s12], $0x80, $0x38;
	[tilespmem:$0x15900] =	vst v63  }
0x3fa: {  	s12 =	sadd.s32 $0x100, s9;
	s13 =	sadd.s32 $0x11A80, s10  }
0x3fb: {  	[tilespmem:s13], [sflag:$0x6] =	stream.linear.gather [spmem:s12], $0x80, $0x38;
	[tilespmem:$0x15900] =	vst v63  }
0x3fc: {  	s12 =	sadd.s32 $0x180, s9;
	s13 =	sadd.s32 $0x11E80, s10  }
0x3fd: {  	[tilespmem:s13], [sflag:$0x6] =	stream.linear.gather [spmem:s12], $0x80, $0x38;
	[tilespmem:$0x15900] =	vst v63  }
0x3fe: {  	s12 =	sadd.s32 $0x200, s9;
	s13 =	sadd.s32 $0x12280, s10  }
0x3ff: {  	(v2sf) =	vpush v4, $0xF;
	[tilespmem:s13], [sflag:$0x6] =	stream.linear.gather [spmem:s12], $0x80, $0x38;
	[tilespmem:$0x15900] =	vst v63  }
0x400: {  	s12 =	sadd.s32 $0x280, s9;
	s13 =	sadd.s32 $0x12680, s10  }
0x401: {  	[tilespmem:s13], [sflag:$0x6] =	stream.linear.gather [spmem:s12], $0x80, $0x38;
	[tilespmem:$0x15900] =	vst v63  }
0x402: {  	s1 =	spop (v2sf);
	s11 =	sadd.s32 $0x11300, s10  }
0x403: {  	[tilespmem:s11], [sflag:$0x6] =	stream.linear.gather [spmem:s1], $0x80, $0x38;
	[tilespmem:$0x15900] =	vst v63  }
0x404: {  	s12 =	sadd.s32 $0x80, s1;
	s13 =	sadd.s32 $0x11700, s10  }
0x405: {  	[tilespmem:s13], [sflag:$0x6] =	stream.linear.gather [spmem:s12], $0x80, $0x38;
	[tilespmem:$0x15900] =	vst v63  }
0x406: {  	s12 =	sadd.s32 $0x100, s1;
	s13 =	sadd.s32 $0x11B00, s10  }
0x407: {  	[tilespmem:s13], [sflag:$0x6] =	stream.linear.gather [spmem:s12], $0x80, $0x38;
	[tilespmem:$0x15900] =	vst v63  }
0x408: {  	s12 =	sadd.s32 $0x180, s1;
	s13 =	sadd.s32 $0x11F00, s10  }
0x409: {  	[tilespmem:s13], [sflag:$0x6] =	stream.linear.gather [spmem:s12], $0x80, $0x38;
	[tilespmem:$0x15900] =	vst v63  }
0x40a: {  	s11 =	sadd.s32 $0x200, s1;
	s12 =	sadd.s32 $0x12300, s10  }
0x40b: {  	[tilespmem:s12], [sflag:$0x6] =	stream.linear.gather [spmem:s11], $0x80, $0x38;
	[tilespmem:$0x15900] =	vst v63  }
0x40c: {  	s1 =	sadd.s32 $0x280, s1;
	s13 =	sadd.s32 $0x12700, s10  }
0x40d: {  	[tilespmem:s13], [sflag:$0x6] =	stream.linear.gather [spmem:s1], $0x80, $0x38;
	[tilespmem:$0x15900] =	vst v63  }
0x40e: {  	s9 =	spop (v2sf);
	s11 =	sadd.s32 $0x11380, s10  }
0x40f: {  	[tilespmem:s11], [sflag:$0x6] =	stream.linear.gather [spmem:s9], $0x80, $0x38;
	[tilespmem:$0x15900] =	vst v63  }
0x410: {  	s12 =	sadd.s32 $0x80, s9;
	s13 =	sadd.s32 $0x11780, s10  }
0x411: {  	[tilespmem:s13], [sflag:$0x6] =	stream.linear.gather [spmem:s12], $0x80, $0x38;
	[tilespmem:$0x15900] =	vst v63  }
0x412: {  	s12 =	sadd.s32 $0x100, s9;
	s13 =	sadd.s32 $0x11B80, s10  }
0x413: {  	[tilespmem:s13], [sflag:$0x6] =	stream.linear.gather [spmem:s12], $0x80, $0x38;
	[tilespmem:$0x15900] =	vst v63  }
0x414: {  	p1 =	por p0, p0;
	s12 =	sadd.s32 $0x180, s9;
	s13 =	sadd.s32 $0x11F80, s10  }
0x415: {  	[tilespmem:s13], [sflag:$0x6] =	stream.linear.gather [spmem:s12], $0x80, $0x38;
	[tilespmem:$0x15900] =	vst v63  }
.Ltmp4:
0x416: {  	_ = 	snop;
	(pc) =	sbr.rel @p1 .LBB2_11-.Ltmp4, $4  }
0x417: {  	p0 =	por $0x0, $0x0;
	s12 =	sadd.s32 $0x200, s9;
	s13 =	sadd.s32 $0x12380, s10  }
0x418: {  	[tilespmem:s13], [sflag:$0x6] =	stream.linear.gather [spmem:s12], $0x80, $0x38;
	[tilespmem:$0x15900] =	vst v63  }
0x419: {  	s12 =	sadd.s32 $0x280, s9;
	s13 =	sadd.s32 $0x12780, s10;
	s10 =	simm.s32 $0x1  }
0x41a: {  	[tilespmem:s13], [sflag:$0x6] =	stream.linear.gather [spmem:s12], $0x80, $0x38;
	[tilespmem:$0x15900] =	vst v63  }
0x41b: {  	s1 =	sadd.s32 s7, s22;
	p0 =	seq.s32 s2, $0xF  }
.Ltmp5:
0x41c: {  	s1 =	sshrl.u32 s1, $0x3;
	(pc) =	sbr.rel @p0 .LBB2_15-.Ltmp5, $4  }
0x41d: {  	_ =	swait.ge [sflag:s31], $0x6000;
	s1 =	smul.u32 $0x300, s1  }
0x41e: {  	[sflag:s31] =	ssyncset.done $0x0  }
0x41f: {  	[sflag:s31] =	ssyncadd.s32 $0xFFFFA000;
	s1 =	sadd.s32 s3, s1  }
0x420: {  	[hbm4b:s1+s6] =	stream.linear.scatter [tilespmem:s26], [sflag:$0x2], $0x6000, $0x38;
	[tilespmem:$0x15900] =	vst v63  }
0x421: {  	s1 =	smul.u32 $0x180, s2;
	_ =	sdelay $0x1  }
0x422: {  	s1 =	sshra.s32 s1, $0x2  }
0x423: {  	s1 =	sadd.s32 $0x3060, s1  }
0x424: {  	_ =	swait.ge [sflag:s29], $0x6000;
	v3 =	vmov s1  }
0x425: {  	[sflag:s29] =	ssyncset.done $0x0  }
0x426: {  	s10 =	simm.s32 $0x0;
	p0 =	por $0x1, $0x1;
	[sflag:s29] =	ssyncadd.s32 $0xFFFFA000  }
.LBB2_14:
0x427: {  	s1 =	sshll.u32 s10, $0x4  }
0x428: {  	s1 =	sand.u32 $0x3FFFFFF0, s1  }
0x429: {  	v4 =	vld.idx.msk [tilespmem:v3+s1+$0x0 ss:$0x1], $0xffff;
	_ =	sdelay $0x4  }
0x42a: {  	v4 =	vmul.u32 $0xC00, v4;
	_ =	sdelay $0x1  }
0x42b: {  	v4 =	vshra.s32 v4, $0x2  }
0x42c: {  	v4 =	vadd.s32 s4, v4  }
0x42d: {  	(v2sf) =	vpush v4, $0x0;
	_ =	sdelay $0xb  }
0x42e: {  	s11 =	smul.u32 $0xC000, s10;
	(v2sf) =	vpush v4, $0x1;
	_ =	sdelay $0x1  }
0x42f: {  	s10 =	sshra.s32 s11, $0x2  }
0x430: {  	s1 =	sadd.s32 $0x3800, s10;
	s9 =	spop (v2sf)  }
0x431: {  	[tilespmem:s1], [sflag:$0x4] =	stream.linear.gather [spmem:s9], $0x80, $0x38;
	[tilespmem:$0x15900] =	vst v63  }
0x432: {  	s11 =	sadd.s32 $0x3C00, s10;
	s12 =	sadd.s32 $0x80, s9  }
0x433: {  	[tilespmem:s11], [sflag:$0x4] =	stream.linear.gather [spmem:s12], $0x80, $0x38;
	[tilespmem:$0x15900] =	vst v63  }
0x434: {  	s22 =	sadd.s32 $0x4000, s10;
	s13 =	sadd.s32 $0x100, s9  }
0x435: {  	[tilespmem:s22], [sflag:$0x4] =	stream.linear.gather [spmem:s13], $0x80, $0x38;
	[tilespmem:$0x15900] =	vst v63  }
0x436: {  	s11 =	sadd.s32 $0x180, s9;
	s12 =	sadd.s32 $0x4400, s10  }
0x437: {  	[tilespmem:s12], [sflag:$0x4] =	stream.linear.gather [spmem:s11], $0x80, $0x38;
	[tilespmem:$0x15900] =	vst v63  }
0x438: {  	s13 =	sadd.s32 $0x200, s9;
	s22 =	sadd.s32 $0x4800, s10  }
0x439: {  	(v2sf) =	vpush v4, $0x2;
	[tilespmem:s22], [sflag:$0x4] =	stream.linear.gather [spmem:s13], $0x80, $0x38;
	[tilespmem:$0x15900] =	vst v63  }
0x43a: {  	s12 =	sadd.s32 $0x280, s9;
	s13 =	sadd.s32 $0x4C00, s10  }
0x43b: {  	[tilespmem:s13], [sflag:$0x4] =	stream.linear.gather [spmem:s12], $0x80, $0x38;
	[tilespmem:$0x15900] =	vst v63  }
0x43c: {  	s9 =	spop (v2sf);
	s22 =	sadd.s32 $0x3880, s10  }
0x43d: {  	[tilespmem:s22], [sflag:$0x4] =	stream.linear.gather [spmem:s9], $0x80, $0x38;
	[tilespmem:$0x15900] =	vst v63  }
0x43e: {  	s11 =	sadd.s32 $0x80, s9;
	s12 =	sadd.s32 $0x3C80, s10  }
0x43f: {  	[tilespmem:s12], [sflag:$0x4] =	stream.linear.gather [spmem:s11], $0x80, $0x38;
	[tilespmem:$0x15900] =	vst v63  }
0x440: {  	s13 =	sadd.s32 $0x100, s9;
	s22 =	sadd.s32 $0x4080, s10  }
0x441: {  	[tilespmem:s22], [sflag:$0x4] =	stream.linear.gather [spmem:s13], $0x80, $0x38;
	[tilespmem:$0x15900] =	vst v63  }
0x442: {  	s11 =	sadd.s32 $0x180, s9;
	s12 =	sadd.s32 $0x4480, s10  }
0x443: {  	[tilespmem:s12], [sflag:$0x4] =	stream.linear.gather [spmem:s11], $0x80, $0x38;
	[tilespmem:$0x15900] =	vst v63  }
0x444: {  	s13 =	sadd.s32 $0x200, s9;
	s22 =	sadd.s32 $0x4880, s10  }
0x445: {  	(v2sf) =	vpush v4, $0x3;
	[tilespmem:s22], [sflag:$0x4] =	stream.linear.gather [spmem:s13], $0x80, $0x38;
	[tilespmem:$0x15900] =	vst v63  }
0x446: {  	s12 =	sadd.s32 $0x280, s9;
	s13 =	sadd.s32 $0x4C80, s10  }
0x447: {  	[tilespmem:s13], [sflag:$0x4] =	stream.linear.gather [spmem:s12], $0x80, $0x38;
	[tilespmem:$0x15900] =	vst v63  }
0x448: {  	s9 =	spop (v2sf);
	s22 =	sadd.s32 $0x3900, s10  }
0x449: {  	[tilespmem:s22], [sflag:$0x4] =	stream.linear.gather [spmem:s9], $0x80, $0x38;
	[tilespmem:$0x15900] =	vst v63  }
0x44a: {  	s11 =	sadd.s32 $0x80, s9;
	s12 =	sadd.s32 $0x3D00, s10  }
0x44b: {  	[tilespmem:s12], [sflag:$0x4] =	stream.linear.gather [spmem:s11], $0x80, $0x38;
	[tilespmem:$0x15900] =	vst v63  }
0x44c: {  	s13 =	sadd.s32 $0x100, s9;
	s22 =	sadd.s32 $0x4100, s10  }
0x44d: {  	[tilespmem:s22], [sflag:$0x4] =	stream.linear.gather [spmem:s13], $0x80, $0x38;
	[tilespmem:$0x15900] =	vst v63  }
0x44e: {  	s11 =	sadd.s32 $0x180, s9;
	s12 =	sadd.s32 $0x4500, s10  }
0x44f: {  	[tilespmem:s12], [sflag:$0x4] =	stream.linear.gather [spmem:s11], $0x80, $0x38;
	[tilespmem:$0x15900] =	vst v63  }
0x450: {  	s13 =	sadd.s32 $0x200, s9;
	s22 =	sadd.s32 $0x4900, s10  }
0x451: {  	(v2sf) =	vpush v4, $0x4;
	[tilespmem:s22], [sflag:$0x4] =	stream.linear.gather [spmem:s13], $0x80, $0x38;
	[tilespmem:$0x15900] =	vst v63  }
0x452: {  	s12 =	sadd.s32 $0x280, s9;
	s13 =	sadd.s32 $0x4D00, s10  }
0x453: {  	[tilespmem:s13], [sflag:$0x4] =	stream.linear.gather [spmem:s12], $0x80, $0x38;
	[tilespmem:$0x15900] =	vst v63  }
0x454: {  	s9 =	spop (v2sf);
	s22 =	sadd.s32 $0x3980, s10  }
0x455: {  	[tilespmem:s22], [sflag:$0x4] =	stream.linear.gather [spmem:s9], $0x80, $0x38;
	[tilespmem:$0x15900] =	vst v63  }
0x456: {  	s11 =	sadd.s32 $0x80, s9;
	s12 =	sadd.s32 $0x3D80, s10  }
0x457: {  	[tilespmem:s12], [sflag:$0x4] =	stream.linear.gather [spmem:s11], $0x80, $0x38;
	[tilespmem:$0x15900] =	vst v63  }
0x458: {  	s13 =	sadd.s32 $0x100, s9;
	s22 =	sadd.s32 $0x4180, s10  }
0x459: {  	[tilespmem:s22], [sflag:$0x4] =	stream.linear.gather [spmem:s13], $0x80, $0x38;
	[tilespmem:$0x15900] =	vst v63  }
0x45a: {  	s11 =	sadd.s32 $0x180, s9;
	s12 =	sadd.s32 $0x4580, s10  }
0x45b: {  	[tilespmem:s12], [sflag:$0x4] =	stream.linear.gather [spmem:s11], $0x80, $0x38;
	[tilespmem:$0x15900] =	vst v63  }
0x45c: {  	s13 =	sadd.s32 $0x200, s9;
	s22 =	sadd.s32 $0x4980, s10  }
0x45d: {  	(v2sf) =	vpush v4, $0x5;
	[tilespmem:s22], [sflag:$0x4] =	stream.linear.gather [spmem:s13], $0x80, $0x38;
	[tilespmem:$0x15900] =	vst v63  }
0x45e: {  	s12 =	sadd.s32 $0x280, s9;
	s13 =	sadd.s32 $0x4D80, s10  }
0x45f: {  	[tilespmem:s13], [sflag:$0x4] =	stream.linear.gather [spmem:s12], $0x80, $0x38;
	[tilespmem:$0x15900] =	vst v63  }
0x460: {  	s9 =	spop (v2sf);
	s22 =	sadd.s32 $0x3A00, s10  }
0x461: {  	[tilespmem:s22], [sflag:$0x4] =	stream.linear.gather [spmem:s9], $0x80, $0x38;
	[tilespmem:$0x15900] =	vst v63  }
0x462: {  	s11 =	sadd.s32 $0x80, s9;
	s12 =	sadd.s32 $0x3E00, s10  }
0x463: {  	[tilespmem:s12], [sflag:$0x4] =	stream.linear.gather [spmem:s11], $0x80, $0x38;
	[tilespmem:$0x15900] =	vst v63  }
0x464: {  	s13 =	sadd.s32 $0x100, s9;
	s22 =	sadd.s32 $0x4200, s10  }
0x465: {  	[tilespmem:s22], [sflag:$0x4] =	stream.linear.gather [spmem:s13], $0x80, $0x38;
	[tilespmem:$0x15900] =	vst v63  }
0x466: {  	s11 =	sadd.s32 $0x180, s9;
	s12 =	sadd.s32 $0x4600, s10  }
0x467: {  	[tilespmem:s12], [sflag:$0x4] =	stream.linear.gather [spmem:s11], $0x80, $0x38;
	[tilespmem:$0x15900] =	vst v63  }
0x468: {  	s13 =	sadd.s32 $0x200, s9;
	s22 =	sadd.s32 $0x4A00, s10  }
0x469: {  	(v2sf) =	vpush v4, $0x6;
	[tilespmem:s22], [sflag:$0x4] =	stream.linear.gather [spmem:s13], $0x80, $0x38;
	[tilespmem:$0x15900] =	vst v63  }
0x46a: {  	s12 =	sadd.s32 $0x280, s9;
	s13 =	sadd.s32 $0x4E00, s10  }
0x46b: {  	[tilespmem:s13], [sflag:$0x4] =	stream.linear.gather [spmem:s12], $0x80, $0x38;
	[tilespmem:$0x15900] =	vst v63  }
0x46c: {  	s9 =	spop (v2sf);
	s22 =	sadd.s32 $0x3A80, s10  }
0x46d: {  	[tilespmem:s22], [sflag:$0x4] =	stream.linear.gather [spmem:s9], $0x80, $0x38;
	[tilespmem:$0x15900] =	vst v63  }
0x46e: {  	s11 =	sadd.s32 $0x80, s9;
	s12 =	sadd.s32 $0x3E80, s10  }
0x46f: {  	[tilespmem:s12], [sflag:$0x4] =	stream.linear.gather [spmem:s11], $0x80, $0x38;
	[tilespmem:$0x15900] =	vst v63  }
0x470: {  	s13 =	sadd.s32 $0x100, s9;
	s22 =	sadd.s32 $0x4280, s10  }
0x471: {  	[tilespmem:s22], [sflag:$0x4] =	stream.linear.gather [spmem:s13], $0x80, $0x38;
	[tilespmem:$0x15900] =	vst v63  }
0x472: {  	s11 =	sadd.s32 $0x180, s9;
	s12 =	sadd.s32 $0x4680, s10  }
0x473: {  	[tilespmem:s12], [sflag:$0x4] =	stream.linear.gather [spmem:s11], $0x80, $0x38;
	[tilespmem:$0x15900] =	vst v63  }
0x474: {  	s13 =	sadd.s32 $0x200, s9;
	s22 =	sadd.s32 $0x4A80, s10  }
0x475: {  	(v2sf) =	vpush v4, $0x7;
	[tilespmem:s22], [sflag:$0x4] =	stream.linear.gather [spmem:s13], $0x80, $0x38;
	[tilespmem:$0x15900] =	vst v63  }
0x476: {  	s12 =	sadd.s32 $0x280, s9;
	s13 =	sadd.s32 $0x4E80, s10  }
0x477: {  	[tilespmem:s13], [sflag:$0x4] =	stream.linear.gather [spmem:s12], $0x80, $0x38;
	[tilespmem:$0x15900] =	vst v63  }
0x478: {  	s9 =	spop (v2sf);
	s22 =	sadd.s32 $0x3B00, s10  }
0x479: {  	[tilespmem:s22], [sflag:$0x4] =	stream.linear.gather [spmem:s9], $0x80, $0x38;
	[tilespmem:$0x15900] =	vst v63  }
0x47a: {  	s11 =	sadd.s32 $0x80, s9;
	s12 =	sadd.s32 $0x3F00, s10  }
0x47b: {  	[tilespmem:s12], [sflag:$0x4] =	stream.linear.gather [spmem:s11], $0x80, $0x38;
	[tilespmem:$0x15900] =	vst v63  }
0x47c: {  	s13 =	sadd.s32 $0x100, s9;
	s22 =	sadd.s32 $0x4300, s10  }
0x47d: {  	[tilespmem:s22], [sflag:$0x4] =	stream.linear.gather [spmem:s13], $0x80, $0x38;
	[tilespmem:$0x15900] =	vst v63  }
0x47e: {  	s11 =	sadd.s32 $0x180, s9;
	s12 =	sadd.s32 $0x4700, s10  }
0x47f: {  	[tilespmem:s12], [sflag:$0x4] =	stream.linear.gather [spmem:s11], $0x80, $0x38;
	[tilespmem:$0x15900] =	vst v63  }
0x480: {  	s13 =	sadd.s32 $0x200, s9;
	s22 =	sadd.s32 $0x4B00, s10  }
0x481: {  	(v2sf) =	vpush v4, $0x8;
	[tilespmem:s22], [sflag:$0x4] =	stream.linear.gather [spmem:s13], $0x80, $0x38;
	[tilespmem:$0x15900] =	vst v63  }
0x482: {  	s12 =	sadd.s32 $0x280, s9;
	s13 =	sadd.s32 $0x4F00, s10  }
0x483: {  	[tilespmem:s13], [sflag:$0x4] =	stream.linear.gather [spmem:s12], $0x80, $0x38;
	[tilespmem:$0x15900] =	vst v63  }
0x484: {  	s9 =	spop (v2sf);
	s22 =	sadd.s32 $0x3B80, s10  }
0x485: {  	[tilespmem:s22], [sflag:$0x4] =	stream.linear.gather [spmem:s9], $0x80, $0x38;
	[tilespmem:$0x15900] =	vst v63  }
0x486: {  	s11 =	sadd.s32 $0x80, s9;
	s12 =	sadd.s32 $0x3F80, s10  }
0x487: {  	[tilespmem:s12], [sflag:$0x4] =	stream.linear.gather [spmem:s11], $0x80, $0x38;
	[tilespmem:$0x15900] =	vst v63  }
0x488: {  	s13 =	sadd.s32 $0x100, s9;
	s22 =	sadd.s32 $0x4380, s10  }
0x489: {  	[tilespmem:s22], [sflag:$0x4] =	stream.linear.gather [spmem:s13], $0x80, $0x38;
	[tilespmem:$0x15900] =	vst v63  }
0x48a: {  	s11 =	sadd.s32 $0x180, s9;
	s12 =	sadd.s32 $0x4780, s10  }
0x48b: {  	[tilespmem:s12], [sflag:$0x4] =	stream.linear.gather [spmem:s11], $0x80, $0x38;
	[tilespmem:$0x15900] =	vst v63  }
0x48c: {  	s13 =	sadd.s32 $0x200, s9;
	s22 =	sadd.s32 $0x4B80, s10  }
0x48d: {  	(v2sf) =	vpush v4, $0x9;
	[tilespmem:s22], [sflag:$0x4] =	stream.linear.gather [spmem:s13], $0x80, $0x38;
	[tilespmem:$0x15900] =	vst v63  }
0x48e: {  	s12 =	sadd.s32 $0x280, s9;
	s13 =	sadd.s32 $0x4F80, s10  }
0x48f: {  	[tilespmem:s13], [sflag:$0x4] =	stream.linear.gather [spmem:s12], $0x80, $0x38;
	[tilespmem:$0x15900] =	vst v63  }
0x490: {  	s9 =	spop (v2sf);
	s22 =	sadd.s32 $0x5000, s10  }
0x491: {  	[tilespmem:s22], [sflag:$0x4] =	stream.linear.gather [spmem:s9], $0x80, $0x38;
	[tilespmem:$0x15900] =	vst v63  }
0x492: {  	s11 =	sadd.s32 $0x80, s9;
	s12 =	sadd.s32 $0x5400, s10  }
0x493: {  	[tilespmem:s12], [sflag:$0x4] =	stream.linear.gather [spmem:s11], $0x80, $0x38;
	[tilespmem:$0x15900] =	vst v63  }
0x494: {  	s13 =	sadd.s32 $0x100, s9;
	s22 =	sadd.s32 $0x5800, s10  }
0x495: {  	[tilespmem:s22], [sflag:$0x4] =	stream.linear.gather [spmem:s13], $0x80, $0x38;
	[tilespmem:$0x15900] =	vst v63  }
0x496: {  	s11 =	sadd.s32 $0x180, s9;
	s12 =	sadd.s32 $0x5C00, s10  }
0x497: {  	[tilespmem:s12], [sflag:$0x4] =	stream.linear.gather [spmem:s11], $0x80, $0x38;
	[tilespmem:$0x15900] =	vst v63  }
0x498: {  	s13 =	sadd.s32 $0x200, s9;
	s22 =	sadd.s32 $0x6000, s10  }
0x499: {  	(v2sf) =	vpush v4, $0xA;
	[tilespmem:s22], [sflag:$0x4] =	stream.linear.gather [spmem:s13], $0x80, $0x38;
	[tilespmem:$0x15900] =	vst v63  }
0x49a: {  	s12 =	sadd.s32 $0x280, s9;
	s13 =	sadd.s32 $0x6400, s10  }
0x49b: {  	[tilespmem:s13], [sflag:$0x4] =	stream.linear.gather [spmem:s12], $0x80, $0x38;
	[tilespmem:$0x15900] =	vst v63  }
0x49c: {  	s9 =	spop (v2sf);
	s22 =	sadd.s32 $0x5080, s10  }
0x49d: {  	[tilespmem:s22], [sflag:$0x4] =	stream.linear.gather [spmem:s9], $0x80, $0x38;
	[tilespmem:$0x15900] =	vst v63  }
0x49e: {  	s11 =	sadd.s32 $0x80, s9;
	s12 =	sadd.s32 $0x5480, s10  }
0x49f: {  	[tilespmem:s12], [sflag:$0x4] =	stream.linear.gather [spmem:s11], $0x80, $0x38;
	[tilespmem:$0x15900] =	vst v63  }
0x4a0: {  	s13 =	sadd.s32 $0x100, s9;
	s22 =	sadd.s32 $0x5880, s10  }
0x4a1: {  	[tilespmem:s22], [sflag:$0x4] =	stream.linear.gather [spmem:s13], $0x80, $0x38;
	[tilespmem:$0x15900] =	vst v63  }
0x4a2: {  	s11 =	sadd.s32 $0x180, s9;
	s12 =	sadd.s32 $0x5C80, s10  }
0x4a3: {  	[tilespmem:s12], [sflag:$0x4] =	stream.linear.gather [spmem:s11], $0x80, $0x38;
	[tilespmem:$0x15900] =	vst v63  }
0x4a4: {  	s13 =	sadd.s32 $0x200, s9;
	s22 =	sadd.s32 $0x6080, s10  }
0x4a5: {  	(v2sf) =	vpush v4, $0xB;
	[tilespmem:s22], [sflag:$0x4] =	stream.linear.gather [spmem:s13], $0x80, $0x38;
	[tilespmem:$0x15900] =	vst v63  }
0x4a6: {  	s12 =	sadd.s32 $0x280, s9;
	s13 =	sadd.s32 $0x6480, s10  }
0x4a7: {  	[tilespmem:s13], [sflag:$0x4] =	stream.linear.gather [spmem:s12], $0x80, $0x38;
	[tilespmem:$0x15900] =	vst v63  }
0x4a8: {  	s9 =	spop (v2sf);
	s22 =	sadd.s32 $0x5100, s10  }
0x4a9: {  	[tilespmem:s22], [sflag:$0x4] =	stream.linear.gather [spmem:s9], $0x80, $0x38;
	[tilespmem:$0x15900] =	vst v63  }
0x4aa: {  	s11 =	sadd.s32 $0x80, s9;
	s12 =	sadd.s32 $0x5500, s10  }
0x4ab: {  	[tilespmem:s12], [sflag:$0x4] =	stream.linear.gather [spmem:s11], $0x80, $0x38;
	[tilespmem:$0x15900] =	vst v63  }
0x4ac: {  	s13 =	sadd.s32 $0x100, s9;
	s22 =	sadd.s32 $0x5900, s10  }
0x4ad: {  	[tilespmem:s22], [sflag:$0x4] =	stream.linear.gather [spmem:s13], $0x80, $0x38;
	[tilespmem:$0x15900] =	vst v63  }
0x4ae: {  	s11 =	sadd.s32 $0x180, s9;
	s12 =	sadd.s32 $0x5D00, s10  }
0x4af: {  	[tilespmem:s12], [sflag:$0x4] =	stream.linear.gather [spmem:s11], $0x80, $0x38;
	[tilespmem:$0x15900] =	vst v63  }
0x4b0: {  	s13 =	sadd.s32 $0x200, s9;
	s22 =	sadd.s32 $0x6100, s10  }
0x4b1: {  	(v2sf) =	vpush v4, $0xC;
	[tilespmem:s22], [sflag:$0x4] =	stream.linear.gather [spmem:s13], $0x80, $0x38;
	[tilespmem:$0x15900] =	vst v63  }
0x4b2: {  	s12 =	sadd.s32 $0x280, s9;
	s13 =	sadd.s32 $0x6500, s10  }
0x4b3: {  	[tilespmem:s13], [sflag:$0x4] =	stream.linear.gather [spmem:s12], $0x80, $0x38;
	[tilespmem:$0x15900] =	vst v63  }
0x4b4: {  	s9 =	spop (v2sf);
	s22 =	sadd.s32 $0x5180, s10  }
0x4b5: {  	[tilespmem:s22], [sflag:$0x4] =	stream.linear.gather [spmem:s9], $0x80, $0x38;
	[tilespmem:$0x15900] =	vst v63  }
0x4b6: {  	s11 =	sadd.s32 $0x80, s9;
	s12 =	sadd.s32 $0x5580, s10  }
0x4b7: {  	[tilespmem:s12], [sflag:$0x4] =	stream.linear.gather [spmem:s11], $0x80, $0x38;
	[tilespmem:$0x15900] =	vst v63  }
0x4b8: {  	s13 =	sadd.s32 $0x100, s9;
	s22 =	sadd.s32 $0x5980, s10  }
0x4b9: {  	[tilespmem:s22], [sflag:$0x4] =	stream.linear.gather [spmem:s13], $0x80, $0x38;
	[tilespmem:$0x15900] =	vst v63  }
0x4ba: {  	s11 =	sadd.s32 $0x180, s9;
	s12 =	sadd.s32 $0x5D80, s10  }
0x4bb: {  	[tilespmem:s12], [sflag:$0x4] =	stream.linear.gather [spmem:s11], $0x80, $0x38;
	[tilespmem:$0x15900] =	vst v63  }
0x4bc: {  	s13 =	sadd.s32 $0x200, s9;
	s22 =	sadd.s32 $0x6180, s10  }
0x4bd: {  	(v2sf) =	vpush v4, $0xD;
	[tilespmem:s22], [sflag:$0x4] =	stream.linear.gather [spmem:s13], $0x80, $0x38;
	[tilespmem:$0x15900] =	vst v63  }
0x4be: {  	s12 =	sadd.s32 $0x280, s9;
	s13 =	sadd.s32 $0x6580, s10  }
0x4bf: {  	[tilespmem:s13], [sflag:$0x4] =	stream.linear.gather [spmem:s12], $0x80, $0x38;
	[tilespmem:$0x15900] =	vst v63  }
0x4c0: {  	s9 =	spop (v2sf);
	s22 =	sadd.s32 $0x5200, s10  }
0x4c1: {  	[tilespmem:s22], [sflag:$0x4] =	stream.linear.gather [spmem:s9], $0x80, $0x38;
	[tilespmem:$0x15900] =	vst v63  }
0x4c2: {  	s11 =	sadd.s32 $0x80, s9;
	s12 =	sadd.s32 $0x5600, s10  }
0x4c3: {  	[tilespmem:s12], [sflag:$0x4] =	stream.linear.gather [spmem:s11], $0x80, $0x38;
	[tilespmem:$0x15900] =	vst v63  }
0x4c4: {  	s13 =	sadd.s32 $0x100, s9;
	s22 =	sadd.s32 $0x5A00, s10  }
0x4c5: {  	[tilespmem:s22], [sflag:$0x4] =	stream.linear.gather [spmem:s13], $0x80, $0x38;
	[tilespmem:$0x15900] =	vst v63  }
0x4c6: {  	s11 =	sadd.s32 $0x180, s9;
	s12 =	sadd.s32 $0x5E00, s10  }
0x4c7: {  	[tilespmem:s12], [sflag:$0x4] =	stream.linear.gather [spmem:s11], $0x80, $0x38;
	[tilespmem:$0x15900] =	vst v63  }
0x4c8: {  	s13 =	sadd.s32 $0x200, s9;
	s22 =	sadd.s32 $0x6200, s10  }
0x4c9: {  	(v2sf) =	vpush v4, $0xE;
	[tilespmem:s22], [sflag:$0x4] =	stream.linear.gather [spmem:s13], $0x80, $0x38;
	[tilespmem:$0x15900] =	vst v63  }
0x4ca: {  	s12 =	sadd.s32 $0x280, s9;
	s13 =	sadd.s32 $0x6600, s10  }
0x4cb: {  	[tilespmem:s13], [sflag:$0x4] =	stream.linear.gather [spmem:s12], $0x80, $0x38;
	[tilespmem:$0x15900] =	vst v63  }
0x4cc: {  	s9 =	spop (v2sf);
	s22 =	sadd.s32 $0x5280, s10  }
0x4cd: {  	[tilespmem:s22], [sflag:$0x4] =	stream.linear.gather [spmem:s9], $0x80, $0x38;
	[tilespmem:$0x15900] =	vst v63  }
0x4ce: {  	s11 =	sadd.s32 $0x80, s9;
	s12 =	sadd.s32 $0x5680, s10  }
0x4cf: {  	[tilespmem:s12], [sflag:$0x4] =	stream.linear.gather [spmem:s11], $0x80, $0x38;
	[tilespmem:$0x15900] =	vst v63  }
0x4d0: {  	s13 =	sadd.s32 $0x100, s9;
	s22 =	sadd.s32 $0x5A80, s10  }
0x4d1: {  	[tilespmem:s22], [sflag:$0x4] =	stream.linear.gather [spmem:s13], $0x80, $0x38;
	[tilespmem:$0x15900] =	vst v63  }
0x4d2: {  	s11 =	sadd.s32 $0x180, s9;
	s12 =	sadd.s32 $0x5E80, s10  }
0x4d3: {  	[tilespmem:s12], [sflag:$0x4] =	stream.linear.gather [spmem:s11], $0x80, $0x38;
	[tilespmem:$0x15900] =	vst v63  }
0x4d4: {  	s13 =	sadd.s32 $0x200, s9;
	s22 =	sadd.s32 $0x6280, s10  }
0x4d5: {  	(v2sf) =	vpush v4, $0xF;
	[tilespmem:s22], [sflag:$0x4] =	stream.linear.gather [spmem:s13], $0x80, $0x38;
	[tilespmem:$0x15900] =	vst v63  }
0x4d6: {  	s12 =	sadd.s32 $0x280, s9;
	s13 =	sadd.s32 $0x6680, s10  }
0x4d7: {  	[tilespmem:s13], [sflag:$0x4] =	stream.linear.gather [spmem:s12], $0x80, $0x38;
	[tilespmem:$0x15900] =	vst v63  }
0x4d8: {  	s1 =	spop (v2sf);
	s22 =	sadd.s32 $0x5300, s10  }
0x4d9: {  	[tilespmem:s22], [sflag:$0x4] =	stream.linear.gather [spmem:s1], $0x80, $0x38;
	[tilespmem:$0x15900] =	vst v63  }
0x4da: {  	s11 =	sadd.s32 $0x80, s1;
	s12 =	sadd.s32 $0x5700, s10  }
0x4db: {  	[tilespmem:s12], [sflag:$0x4] =	stream.linear.gather [spmem:s11], $0x80, $0x38;
	[tilespmem:$0x15900] =	vst v63  }
0x4dc: {  	s13 =	sadd.s32 $0x100, s1;
	s22 =	sadd.s32 $0x5B00, s10  }
0x4dd: {  	[tilespmem:s22], [sflag:$0x4] =	stream.linear.gather [spmem:s13], $0x80, $0x38;
	[tilespmem:$0x15900] =	vst v63  }
0x4de: {  	s11 =	sadd.s32 $0x180, s1;
	s12 =	sadd.s32 $0x5F00, s10  }
0x4df: {  	[tilespmem:s12], [sflag:$0x4] =	stream.linear.gather [spmem:s11], $0x80, $0x38;
	[tilespmem:$0x15900] =	vst v63  }
0x4e0: {  	s13 =	sadd.s32 $0x200, s1;
	s22 =	sadd.s32 $0x6300, s10  }
0x4e1: {  	[tilespmem:s22], [sflag:$0x4] =	stream.linear.gather [spmem:s13], $0x80, $0x38;
	[tilespmem:$0x15900] =	vst v63  }
0x4e2: {  	s1 =	sadd.s32 $0x280, s1;
	s11 =	sadd.s32 $0x6700, s10  }
0x4e3: {  	[tilespmem:s11], [sflag:$0x4] =	stream.linear.gather [spmem:s1], $0x80, $0x38;
	[tilespmem:$0x15900] =	vst v63  }
0x4e4: {  	s9 =	spop (v2sf);
	s12 =	sadd.s32 $0x5380, s10  }
0x4e5: {  	[tilespmem:s12], [sflag:$0x4] =	stream.linear.gather [spmem:s9], $0x80, $0x38;
	[tilespmem:$0x15900] =	vst v63  }
0x4e6: {  	s13 =	sadd.s32 $0x80, s9;
	s22 =	sadd.s32 $0x5780, s10  }
0x4e7: {  	[tilespmem:s22], [sflag:$0x4] =	stream.linear.gather [spmem:s13], $0x80, $0x38;
	[tilespmem:$0x15900] =	vst v63  }
0x4e8: {  	s11 =	sadd.s32 $0x100, s9;
	s12 =	sadd.s32 $0x5B80, s10  }
0x4e9: {  	[tilespmem:s12], [sflag:$0x4] =	stream.linear.gather [spmem:s11], $0x80, $0x38;
	[tilespmem:$0x15900] =	vst v63  }
0x4ea: {  	p1 =	por p0, p0;
	s13 =	sadd.s32 $0x180, s9;
	s22 =	sadd.s32 $0x5F80, s10  }
0x4eb: {  	[tilespmem:s22], [sflag:$0x4] =	stream.linear.gather [spmem:s13], $0x80, $0x38;
	[tilespmem:$0x15900] =	vst v63  }
.Ltmp6:
0x4ec: {  	_ = 	snop;
	(pc) =	sbr.rel @p1 .LBB2_14-.Ltmp6, $4  }
0x4ed: {  	p0 =	por $0x0, $0x0;
	s11 =	sadd.s32 $0x200, s9;
	s12 =	sadd.s32 $0x6380, s10  }
0x4ee: {  	[tilespmem:s12], [sflag:$0x4] =	stream.linear.gather [spmem:s11], $0x80, $0x38;
	[tilespmem:$0x15900] =	vst v63  }
0x4ef: {  	s13 =	sadd.s32 $0x280, s9;
	s22 =	sadd.s32 $0x6780, s10;
	s10 =	simm.s32 $0x1  }
0x4f0: {  	[tilespmem:s22], [sflag:$0x4] =	stream.linear.gather [spmem:s13], $0x80, $0x38;
	[tilespmem:$0x15900] =	vst v63  }
.LBB2_15:
0x4f1: {  	s1 =	sadd.s32 s7, s14  }
0x4f2: {  	s1 =	sshrl.u32 s1, $0x3  }
0x4f3: {  	_ =	swait.ge [sflag:s0], $0x6000;
	s1 =	smul.u32 $0x300, s1  }
0x4f4: {  	s11 =	simm.s32 $0x0;
	[sflag:s0] =	ssyncset.done $0x0  }
0x4f5: {  	s22 =	sshll.u32 s2, $0x5;
	[sflag:s0] =	ssyncadd.s32 $0xFFFFA000;
	s1 =	sadd.s32 s3, s1  }
0x4f6: {  	[hbm4b:s1+s11] =	stream.linear.scatter [tilespmem:s24], [sflag:$0x3], $0x6000, $0x38;
	[tilespmem:$0x15900] =	vst v63  }
0x4f7: {  	s1 =	sadd.s32 $0x3600, s22  }
0x4f8: {  	v3 =	vmov s1;
	_ =	sdelay $0x2  }
0x4f9: {  	s9 =	sadd.s32 s7, s22  }
0x4fa: {  	p0 =	por $0x1, $0x1;
	s10 =	sadd.s32 $0x600, s9  }
.LBB2_16:
0x4fb: {  	v4 =	vld.idx.msk [tilespmem:v3+s11+$0x0 ss:$0x1], $0xffff;
	_ =	sdelay $0x4  }
0x4fc: {  	v4 =	vmul.u32 $0xC00, v4;
	_ =	sdelay $0x1  }
0x4fd: {  	v4 =	vshra.s32 v4, $0x2  }
0x4fe: {  	v4 =	vadd.s32 s4, v4  }
0x4ff: {  	v4 =	vshrl.u32 v4, $0x3  }
0x500: {  	(v2sf) =	vpush v4, $0x0;
	_ =	sdelay $0xa  }
0x501: {  	s1 =	sor.u32 s11, s10  }
0x502: {  	s1 =	sshrl.u32 s1, $0x3  }
0x503: {  	s9 =	smul.u32 $0x300, s1  }
0x504: {  	s14 =	sshll.u32 s5, $0x6;
	s11 =	simm.s32 $0x10  }
0x505: {  	s14 =	sor.u32 $0x1C07, s14;
	s12 =	sadd.s32 s3, s9;
	s13 =	spop (v2sf)  }
0x506: {  	[hbm:s12@s8], [sflag:s14] =	dma.strided [spmem:s13@s11], $0x60, s29, $0x10   }
0x507: {  	(v2sf) =	vpush v4, $0x1;
	_ =	sdelay $0xe  }
0x508: {  	s22 =	sadd.s32 s9, s15;
	s13 =	spop (v2sf)  }
0x509: {  	[hbm:s22@s8], [sflag:s14] =	dma.strided [spmem:s13@s11], $0x60, s29, $0x10   }
0x50a: {  	(v2sf) =	vpush v4, $0x2;
	_ =	sdelay $0xe  }
0x50b: {  	s22 =	sadd.s32 s9, s16;
	s13 =	spop (v2sf)  }
0x50c: {  	[hbm:s22@s8], [sflag:s14] =	dma.strided [spmem:s13@s11], $0x60, s29, $0x10   }
0x50d: {  	(v2sf) =	vpush v4, $0x3;
	_ =	sdelay $0xe  }
0x50e: {  	s22 =	sadd.s32 s9, s17;
	s13 =	spop (v2sf)  }
0x50f: {  	[hbm:s22@s8], [sflag:s14] =	dma.strided [spmem:s13@s11], $0x60, s29, $0x10   }
0x510: {  	(v2sf) =	vpush v4, $0x4;
	_ =	sdelay $0xe  }
0x511: {  	s22 =	sadd.s32 s9, s18;
	s13 =	spop (v2sf)  }
0x512: {  	[hbm:s22@s8], [sflag:s14] =	dma.strided [spmem:s13@s11], $0x60, s29, $0x10   }
0x513: {  	(v2sf) =	vpush v4, $0x5;
	_ =	sdelay $0xe  }
0x514: {  	s22 =	sadd.s32 s9, s19;
	s13 =	spop (v2sf)  }
0x515: {  	[hbm:s22@s8], [sflag:s14] =	dma.strided [spmem:s13@s11], $0x60, s29, $0x10   }
0x516: {  	(v2sf) =	vpush v4, $0x6;
	_ =	sdelay $0xe  }
0x517: {  	s22 =	sadd.s32 s9, s20;
	s13 =	spop (v2sf)  }
0x518: {  	[hbm:s22@s8], [sflag:s14] =	dma.strided [spmem:s13@s11], $0x60, s29, $0x10   }
0x519: {  	(v2sf) =	vpush v4, $0x7;
	_ =	sdelay $0xe  }
0x51a: {  	s9 =	sadd.s32 s9, s21;
	s12 =	spop (v2sf)  }
0x51b: {  	[hbm:s9@s8], [sflag:s14] =	dma.strided [spmem:s12@s11], $0x60, s29, $0x10   }
0x51c: {  	(v2sf) =	vpush v4, $0x8;
	_ =	sdelay $0xa  }
0x51d: {  	s1 =	smul.u32 $0x1800, s1;
	_ =	sdelay $0x1  }
0x51e: {  	s1 =	sshrl.u32 s1, $0x3  }
0x51f: {  	s1 =	sadd.s32 s3, s1  }
0x520: {  	s22 =	sadd.s32 $0x300, s1;
	s12 =	spop (v2sf)  }
0x521: {  	[hbm:s22@s8], [sflag:s14] =	dma.strided [spmem:s12@s11], $0x60, s29, $0x10   }
0x522: {  	(v2sf) =	vpush v4, $0x9;
	_ =	sdelay $0xe  }
0x523: {  	s13 =	sadd.s32 $0x310, s1;
	s12 =	spop (v2sf)  }
0x524: {  	[hbm:s13@s8], [sflag:s14] =	dma.strided [spmem:s12@s11], $0x60, s29, $0x10   }
0x525: {  	(v2sf) =	vpush v4, $0xA;
	_ =	sdelay $0xe  }
0x526: {  	s22 =	sadd.s32 $0x320, s1;
	s12 =	spop (v2sf)  }
0x527: {  	[hbm:s22@s8], [sflag:s14] =	dma.strided [spmem:s12@s11], $0x60, s29, $0x10   }
0x528: {  	(v2sf) =	vpush v4, $0xB;
	_ =	sdelay $0xe  }
0x529: {  	s13 =	sadd.s32 $0x330, s1;
	s12 =	spop (v2sf)  }
0x52a: {  	[hbm:s13@s8], [sflag:s14] =	dma.strided [spmem:s12@s11], $0x60, s29, $0x10   }
0x52b: {  	(v2sf) =	vpush v4, $0xC;
	_ =	sdelay $0xe  }
0x52c: {  	s22 =	sadd.s32 $0x340, s1;
	s12 =	spop (v2sf)  }
0x52d: {  	[hbm:s22@s8], [sflag:s14] =	dma.strided [spmem:s12@s11], $0x60, s29, $0x10   }
0x52e: {  	(v2sf) =	vpush v4, $0xD;
	_ =	sdelay $0xe  }
0x52f: {  	s13 =	sadd.s32 $0x350, s1;
	s12 =	spop (v2sf)  }
0x530: {  	[hbm:s13@s8], [sflag:s14] =	dma.strided [spmem:s12@s11], $0x60, s29, $0x10   }
0x531: {  	(v2sf) =	vpush v4, $0xE;
	_ =	sdelay $0xe  }
0x532: {  	s22 =	sadd.s32 $0x360, s1;
	s12 =	spop (v2sf)  }
0x533: {  	[hbm:s22@s8], [sflag:s14] =	dma.strided [spmem:s12@s11], $0x60, s29, $0x10   }
0x534: {  	(v2sf) =	vpush v4, $0xF;
	_ =	sdelay $0xa  }
0x535: {  	p1 =	por p0, p0  }
.Ltmp7:
0x536: {  	_ = 	snop;
	(pc) =	sbr.rel @p1 .LBB2_16-.Ltmp7, $3  }
0x537: {  	_ =	sdelay $0x1  }
0x538: {  	p0 =	por $0x0, $0x0;
	s1 =	sadd.s32 $0x370, s1;
	s9 =	spop (v2sf)  }
0x539: {  	[hbm:s1@s8], [sflag:s14] =	dma.strided [spmem:s9@s11], $0x60, s29, $0x10   }
0x53a: {  	p0 =	slt.u32 s2, $0x4;
	s2 =	sadd.s32 $0x1, s2  }
0x53b: {  	p1 =	sne.s32 s2, $0x10  }
.Ltmp8:
0x53c: {  	_ = 	snop;
	(pc) =	sbr.rel @p1 .LBB2_8-.Ltmp8, $4  }
0x53d: {  	s1 =	simm.s32 @!p0 $0x7  }
0x53e: {  	_ =	swait.ge @!p0 [sflag:s1], $0xC00  }
0x53f: {  	[sflag:s1] =	ssyncset.done @!p0 $0x0  }
0x540: {  	[sflag:s1] =	ssyncadd.s32 @!p0 $0xFFFFF400  }
0x541: {  	s1 =	simm.s32 $0x7  }
0x542: {  	_ =	swait.ge [sflag:s1], $0xC00  }
0x543: {  	[sflag:s1] =	ssyncset.done $0x0  }
0x544: {  	[sflag:s1] =	ssyncadd.s32 $0xFFFFF400  }
0x545: {  	_ =	swait.ge [sflag:s1], $0xC00  }
0x546: {  	[sflag:s1] =	ssyncset.done $0x0  }
0x547: {  	[sflag:s1] =	ssyncadd.s32 $0xFFFFF400  }
0x548: {  	_ =	swait.ge [sflag:s1], $0xC00  }
0x549: {  	[sflag:s1] =	ssyncset.done $0x0  }
0x54a: {  	[sflag:s1] =	ssyncadd.s32 $0xFFFFF400  }
0x54b: {  	_ =	swait.ge [sflag:s1], $0xC00  }
0x54c: {  	[sflag:s1] =	ssyncset.done $0x0  }
0x54d: {  	[sflag:s1] =	ssyncadd.s32 $0xFFFFF400  }
0x54e: {  	_ =	swait.ge [sflag:s29], $0x6000  }
0x54f: {  	[sflag:s29] =	ssyncset.done $0x0  }
0x550: {  	s22 =	simm.s32 $0x2;
	[sflag:s29] =	ssyncadd.s32 $0xFFFFA000  }
0x551: {  	_ =	swait.ge [sflag:s22], $0x6000  }
0x552: {  	[sflag:s22] =	ssyncset.done $0x0  }
0x553: {  	s2 =	simm.s32 $0x3;
	[sflag:s22] =	ssyncadd.s32 $0xFFFFA000  }
0x554: {  	_ =	swait.ge [sflag:s2], $0x6000  }
0x555: {  	s9 =	rddreg [dreg:$0xf]  }
0x556: {  	s24 =	rddreg [dreg:$0xe];
	s9 =	sadd.s32 $0x1, s9  }
0x557: {  	p0 =	sne.s32 s9, s24  }
.Ltmp9:
0x558: {  	_ = 	snop;
	(pc) =	sbr.rel @p0 .LBB2_1-.Ltmp9, $3  }
0x559: {  	_ =	sdelay $0x1  }
0x55a: {  	[sflag:s2] =	ssyncset.done $0x0  }
0x55b: {  	[sflag:s2] =	ssyncadd.s32 $0xFFFFA000  }
0x55c: {  	_ =	sfence.sel $0x180000  }
0x55d: {  	[bflag:$0x0] =	sbarrier.arrive $0xFFFF  }
0x55e: {  	_ =	strace $0x90000047  }
0x55f: {  	[bflag:$0x2] =	sbarrier.arrive $0xFFFF  }
0x560: {  	p0 =	sne.s32 s5, $0x0;
	s0 =	rddreg [dreg:$0x6]  }
0x561: {  	s0 =	sadd.s32 @!p0 $0x100000, s0  }
0x562: {  	[sflag:s0] =	ssyncadd.tile.s32 @!p0 $0x1;
	_ =	shalt  }
.Lfunc_end2:
_tile_overlayer_lowered:
.L_overlay_start_2:
0x563: {  	(tag) =	ssettag $0x2  }
0x564: {  	s0 =	rddreg [dreg:$0x0];
	s2 =	stileid.u32  }
0x565: {  	s1 =	rddreg [dreg:$0x1];
	p0 =	sne.s32 s2, $0x0  }
0x566: {  	s3 =	rddreg [dreg:$0x2];
	[bflag:$0x3] =	sbarrier.arrive $0xFFFF;
	s2 =	simm.s32 @!p0 $0x1C08  }
0x567: {  	[timem:s3], [sflag:s2] =	dma.local @!p0 [hbm:s0], s1  }
0x568: {  	s0 =	simm.s32 @!p0 $0x8  }
0x569: {  	_ =	swait.ge @!p0 [sflag:s0], s1  }
0x56a: {  	s1 =	ssub.s32 @!p0 $0x0, s1;
	[sflag:s0] =	ssyncset.done @!p0 $0x0  }
0x56b: {  	[sflag:s0] =	ssyncadd.s32 @!p0 s1  }
0x56c: {  	[bflag:$0x3] =	sbarrier.arrive $0xFFFF  }
0x56d: {  	_ =	shalt  }

</sc_bundles>
